<compile_context>
chip_gen: v7x
topology: tpu7x:2x2x1
jax: 0.10.2.dev20260603
libtpu: 0.0.44.dev20260713+nightly
codegen_flags: <defaults>
</compile_context>

<pallas_src>
import functools
import math

import jax
import jax.numpy as jnp
from jax import lax
from jax.experimental import pallas as pl
from jax.experimental.pallas import tpu as pltpu
from jax.experimental.pallas import tpu_sc as plsc

D_MODEL = 768
N_FEATURES = 49152
K = 32
CLIP_DATA = 10.0
TGT = math.sqrt(D_MODEL)

BT = 256
BTA = 512
FT = 2048
NG = 6
GW = N_FEATURES // NG
NT = GW // FT
L_BINS = NG * 128

NW = 32
CCH = D_MODEL // 16



def _enc_body(x_ref, bsum_ref, w_ref, xn_ref, bmax_ref, fidx_ref,
              wbf_scr, macc_scr, facc_scr):
    g = pl.program_id(0)
    tt = pl.program_id(1)
    b = pl.program_id(2)

    @pl.when(b == 0)
    def _cast_w():
        wbf_scr[...] = w_ref[...].astype(jnp.bfloat16)

    xn = jnp.clip(x_ref[pl.ds(b * BTA, BTA), :] * TGT, -CLIP_DATA, CLIP_DATA)
    xn_ref[...] = xn
    xm = (xn - bsum_ref[...]).astype(jnp.bfloat16)
    enc = jnp.dot(xm, wbf_scr[...], preferred_element_type=jnp.float32)
    m = enc[:, 0:128]
    a = jnp.zeros((BTA, 128), jnp.int32)
    for s in range(1, 16):
        sl = enc[:, s * 128:(s + 1) * 128]
        upd = sl > m
        m = jnp.where(upd, sl, m)
        a = jnp.where(upd, s, a)
    c = lax.broadcasted_iota(jnp.int32, (BTA, 128), 1)
    fidx = g * GW + (tt * 16 + a) * 128 + c

    @pl.when(tt == 0)
    def _init():
        macc_scr[b] = m
        facc_scr[b] = fidx

    @pl.when(tt != 0)
    def _acc():
        prev = macc_scr[b]
        upd2 = m > prev
        macc_scr[b] = jnp.where(upd2, m, prev)
        facc_scr[b] = jnp.where(upd2, fidx, facc_scr[b])

    @pl.when(tt == NT - 1)
    def _emit():
        bmax_ref[...] = macc_scr[b]
        fidx_ref[...] = facc_scr[b]


def _encode_binmax(x, bsum, W_enc):
    B = x.shape[0]
    NB = B // BTA
    grid = (NG, NT, NB)
    return pl.pallas_call(
        _enc_body,
        grid=grid,
        in_specs=[
            pl.BlockSpec((B, D_MODEL), lambda g, t, b: (0, 0)),
            pl.BlockSpec((1, D_MODEL), lambda g, t, b: (0, 0)),
            pl.BlockSpec((D_MODEL, FT), lambda g, t, b: (0, g * NT + t)),
        ],
        out_specs=[
            pl.BlockSpec((BTA, D_MODEL), lambda g, t, b: (b, 0)),
            pl.BlockSpec((BTA, 128), lambda g, t, b: (b, g)),
            pl.BlockSpec((BTA, 128), lambda g, t, b: (b, g)),
        ],
        out_shape=[
            jax.ShapeDtypeStruct((B, D_MODEL), jnp.float32),
            jax.ShapeDtypeStruct((B, L_BINS), jnp.float32),
            jax.ShapeDtypeStruct((B, L_BINS), jnp.int32),
        ],
        scratch_shapes=[
            pltpu.VMEM((D_MODEL, FT), jnp.bfloat16),
            pltpu.VMEM((B // BTA, BTA, 128), jnp.float32),
            pltpu.VMEM((B // BTA, BTA, 128), jnp.int32),
        ],
    )(x, bsum, W_enc)



BTB = 256


def _topk_body(bmax_ref, fidx_ref, w_ref, i_ref):
    vals = bmax_ref[...]
    fidxb = fidx_ref[...]
    jiota = lax.broadcasted_iota(jnp.int32, (BTB, L_BINS), 1)
    for k in range(K):
        m = jnp.max(vals, axis=1, keepdims=True)
        eq = vals == m
        cand = jnp.where(eq, jiota, L_BINS)
        jmin = jnp.min(cand, axis=1, keepdims=True)
        sel = jiota == jmin
        w_ref[:, k:k + 1] = m
        i_ref[:, k:k + 1] = jnp.sum(jnp.where(sel, fidxb, 0), axis=1, keepdims=True)
        vals = jnp.where(sel, -jnp.inf, vals)


def _topk(bmax, fidx):
    B = bmax.shape[0]
    return pl.pallas_call(
        _topk_body,
        grid=(B // BTB,),
        in_specs=[
            pl.BlockSpec((BTB, L_BINS), lambda b: (b, 0)),
            pl.BlockSpec((BTB, L_BINS), lambda b: (b, 0)),
        ],
        out_specs=[
            pl.BlockSpec((BTB, K), lambda b: (b, 0)),
            pl.BlockSpec((BTB, K), lambda b: (b, 0)),
        ],
        out_shape=[
            jax.ShapeDtypeStruct((B, K), jnp.float32),
            jax.ShapeDtypeStruct((B, K), jnp.int32),
        ],
    )(bmax, fidx)



def _make_decode(B):
    TPW = B // NW
    mesh = plsc.VectorSubcoreMesh(core_axis_name="c", subcore_axis_name="s")

    @functools.partial(
        pl.kernel, mesh=mesh,
        out_type=jax.ShapeDtypeStruct((B, D_MODEL), jnp.float32),
        scratch_types=[
            pltpu.VMEM((TPW, K), jnp.int32),
            pltpu.VMEM((TPW * K * 16,), jnp.float32),
            pltpu.VMEM((2, K, D_MODEL), jnp.float32),
            pltpu.VMEM((D_MODEL,), jnp.float32),
            pltpu.SemaphoreType.DMA,
            pltpu.SemaphoreType.DMA,
        ],
    )
    def _decode(idx_hbm, w_hbm, wdec_hbm, out_hbm, idx_v, w_v, rows_v, acc_v,
                sem0, sem1):
        wid = lax.axis_index("s") * 2 + lax.axis_index("c")
        base = wid * TPW
        pltpu.sync_copy(idx_hbm.at[pl.ds(base, TPW)], idx_v)
        pltpu.sync_copy(w_hbm.at[pl.ds(base * K * 16, TPW * K * 16)], w_v)
        pltpu.async_copy(wdec_hbm.at[idx_v.at[0]], rows_v.at[0], sem0)
        pltpu.async_copy(wdec_hbm.at[idx_v.at[1]], rows_v.at[1], sem1)

        def compute_token(i, slot, sem):
            pltpu.make_async_copy(wdec_hbm.at[idx_v.at[i]], rows_v.at[slot], sem).wait()

            def kstep(k, acc):
                wk = w_v[pl.ds(i * (K * 16) + k * 16, 16)]
                return tuple(
                    acc[cc] + wk * rows_v[slot, k, pl.ds(cc * 16, 16)]
                    for cc in range(CCH))

            acc0 = tuple(jnp.zeros((16,), jnp.float32) for _ in range(CCH))
            acc = lax.fori_loop(0, K, kstep, acc0)
            for cc in range(CCH):
                acc_v[pl.ds(cc * 16, 16)] = acc[cc]
            pltpu.sync_copy(acc_v, out_hbm.at[base + i])

        def pair(p, carry):
            i0 = 2 * p
            compute_token(i0, 0, sem0)

            @pl.when(i0 + 2 < TPW)
            def _():
                pltpu.async_copy(wdec_hbm.at[idx_v.at[i0 + 2]], rows_v.at[0], sem0)

            compute_token(i0 + 1, 1, sem1)

            @pl.when(i0 + 3 < TPW)
            def _():
                pltpu.async_copy(wdec_hbm.at[idx_v.at[i0 + 3]], rows_v.at[1], sem1)

            return carry

        lax.fori_loop(0, TPW // 2, pair, 0)

    return _decode



def _stats_body(xn_ref, dec_ref, bpost_ref, y_ref, loss_ref, fvu_ref, ve_ref, acc_scr):
    b = pl.program_id(0)
    nb = pl.num_programs(0)
    xn = xn_ref[...]
    yn = dec_ref[...] + bpost_ref[...]
    y_ref[...] = yn / TGT
    sq = jnp.square(xn - yn)
    loss_ref[...] = jnp.mean(sq, axis=1)

    sums = jnp.concatenate([
        jnp.sum(xn, axis=0, keepdims=True),
        jnp.sum(yn, axis=0, keepdims=True),
        jnp.sum(xn * yn, axis=0, keepdims=True),
        jnp.sum(jnp.square(xn), axis=0, keepdims=True),
        jnp.sum(jnp.square(yn), axis=0, keepdims=True),
        jnp.sum(sq, axis=0, keepdims=True),
    ], axis=0)

    @pl.when(b == 0)
    def _():
        acc_scr[...] = sums

    @pl.when(b != 0)
    def _():
        acc_scr[...] = acc_scr[...] + sums

    @pl.when(b == nb - 1)
    def _():
        tot = acc_scr[...]
        B = nb * BT * 1.0
        sx = tot[0:1]
        sy = tot[1:2]
        sxy = tot[2:3]
        sx2 = tot[3:4]
        sy2 = tot[4:5]
        serr = tot[5:6]
        corr = sxy / B - (sx / B) * (sy / B)
        varx = sx2 / B - jnp.square(sx / B)
        vary = sy2 / B - jnp.square(sy / B)
        ve = jnp.square(corr) / (varx * vary)
        fvu_ref[...] = (jnp.sum(serr, axis=1, keepdims=True)
                        / jnp.sum(sx2, axis=1, keepdims=True))
        ve_ref[...] = jnp.sum(ve, axis=1, keepdims=True) / D_MODEL


def _stats(xn, dec, b_post):
    B = xn.shape[0]
    NB = B // BT
    return pl.pallas_call(
        _stats_body,
        grid=(NB,),
        in_specs=[
            pl.BlockSpec((BT, D_MODEL), lambda b: (b, 0)),
            pl.BlockSpec((BT, D_MODEL), lambda b: (b, 0)),
            pl.BlockSpec((1, D_MODEL), lambda b: (0, 0)),
        ],
        out_specs=[
            pl.BlockSpec((BT, D_MODEL), lambda b: (b, 0)),
            pl.BlockSpec((BT,), lambda b: (b,)),
            pl.BlockSpec((1, 1), lambda b: (0, 0)),
            pl.BlockSpec((1, 1), lambda b: (0, 0)),
        ],
        out_shape=[
            jax.ShapeDtypeStruct((B, D_MODEL), jnp.float32),
            jax.ShapeDtypeStruct((B,), jnp.float32),
            jax.ShapeDtypeStruct((1, 1), jnp.float32),
            jax.ShapeDtypeStruct((1, 1), jnp.float32),
        ],
        scratch_shapes=[
            pltpu.VMEM((6, D_MODEL), jnp.float32),
        ],
    )(xn, dec, b_post)



def kernel(x, W_enc, W_dec, b_pre, b_post, activated_in):
    B = x.shape[0]
    bsum = (b_post + b_pre)[None, :]
    x_normed, bmax, fidx = _encode_binmax(x, bsum, W_enc)

    weights, indices = _topk(bmax, fidx)

    w_rep = jnp.broadcast_to(weights[..., None], (B, K, 16)).reshape(-1)
    decoded = _make_decode(B)(indices, w_rep, W_dec)
    y, loss, fvu, var_explained = _stats(x_normed, decoded, b_post[None, :])
    return (y, weights, indices, loss, fvu.reshape(()), var_explained.reshape(()))

# --- scband reference (transcript-rebuilt; emitter-appended) ---
"""Pipeline reference for scband-sae-70523363000341 (READ-ONLY COPY).

The authoritative reference and input builder live on the scoring server;
editing this copy changes nothing except your own understanding.
"""

import jax, jax.numpy as jnp
import numpy as np
import math

BATCH = 2048
D_MODEL = 768
N_FEATURES = 49152
K = 32
AUX_K = 256
CLIP_DATA = 10.0
DEAD_AFTER = 200
AUX_K_COEFF = 0.03125


def setup_inputs(seed: int = 0) -> dict:
    key = jax.random.key(seed)
    k1, k2, k3 = jax.random.split(key, 3)
    x = jax.random.normal(k1, (BATCH, D_MODEL), dtype=jnp.float32)
    # W_enc ~ orthogonal-ish init (columns roughly unit norm)
    W_enc = jax.random.normal(k2, (D_MODEL, N_FEATURES), dtype=jnp.float32) / math.sqrt(D_MODEL)
    # W_dec = W_enc.T, row-normalized (as in SAE.create)
    W_dec = W_enc.T
    W_dec = W_dec / jnp.linalg.norm(W_dec, axis=-1, keepdims=True)
    b_pre = jnp.zeros((D_MODEL,), dtype=jnp.float32)
    b_post = jnp.zeros((D_MODEL,), dtype=jnp.float32)
    activated_in = jnp.zeros((N_FEATURES,), dtype=jnp.uint32)
    return {"x": x, "W_enc": W_enc, "W_dec": W_dec, "b_pre": b_pre, "b_post": b_post, "activated_in": activated_in}


def sparse_matmul(weights, indices, W):
    # (weights[:, :, None] * W[indices]).sum over k  == gather + weighted reduce
    return (weights[..., None] * jnp.take(W, indices, axis=0)).sum(-2)


def reference(x, W_enc, W_dec, b_pre, b_post, activated_in):
    tgt_norm = math.sqrt(D_MODEL)
    avg_norm = 1.0  # SAEInfo.create initializes avg_norm = 1
    n_steps = 0

    x_normed = x / avg_norm * tgt_norm
    x_normed = jnp.clip(x_normed, -CLIP_DATA, CLIP_DATA)
    encodings = (x_normed - b_post - b_pre) @ W_enc
    weights, indices = jax.lax.approx_max_k(encodings, K)
    decoded = sparse_matmul(weights, indices, W_dec)
    y_normed = decoded + b_post
    recon_loss = jnp.mean(jnp.square(x_normed - y_normed), axis=-1)
    y = y_normed / tgt_norm * avg_norm

    dead_activated_in, dead_indices = jax.lax.top_k(activated_in, AUX_K)
    dead_weights = encodings[..., dead_indices]
    dead_weights = jnp.where(dead_activated_in > DEAD_AFTER, dead_weights, 0)
    dead_indices_b = jnp.broadcast_to(dead_indices, dead_weights.shape)
    aux_y_normed = sparse_matmul(dead_weights, dead_indices_b, W_dec) + b_post
    aux_k_loss = jnp.mean(jnp.square(x_normed - aux_y_normed), axis=-1)
    aux_k_loss = jnp.where(n_steps >= DEAD_AFTER, aux_k_loss, 0.0)

    loss = recon_loss + AUX_K_COEFF * aux_k_loss
    fvu = jnp.mean(jnp.square(x_normed - y_normed)) / jnp.mean(jnp.square(x_normed))
    correlation = ((x_normed - x_normed.mean(axis=0)) * (y_normed - y_normed.mean(axis=0))).mean(axis=0)
    var_explained = (jnp.square(correlation) / (jnp.var(x_normed, axis=0) * jnp.var(y_normed, axis=0))).mean()
    return (y, weights, indices, loss, fvu, var_explained)


if False:  # reference __main__ guard neutralized (emitter)
    out = reference(**setup_inputs())
    print([getattr(o, "shape", None) for o in out])

if __name__ == "__main__":
    import jax
    _d = setup_inputs()
    print(jax.jit(kernel)(*tuple(_d.values())))

</pallas_src>

<mosaic_0001>
#map = affine_map<(d0, d1) -> (0, 0)>
#map1 = affine_map<(d0, d1) -> (0)>
module attributes {stable_mosaic.version = 14 : i64} {
  func.func @_decode(%arg0: i32, %arg1: i32, %arg2: memref<2048x32xi32, #tpu.memory_space<hbm>>, %arg3: memref<1048576xf32, #tpu.memory_space<hbm>>, %arg4: memref<49152x768xf32, #tpu.memory_space<hbm>>, %arg5: memref<2048x768xf32, #tpu.memory_space<hbm>>, %arg6: memref<64x32xi32, #tpu.memory_space<vmem>>, %arg7: memref<32768xf32, #tpu.memory_space<vmem>>, %arg8: memref<2x32x768xf32, #tpu.memory_space<vmem>>, %arg9: memref<768xf32, #tpu.memory_space<vmem>>, %arg10: memref<!tpu.dma_semaphore, #tpu.memory_space<semaphore_mem>>, %arg11: memref<!tpu.dma_semaphore, #tpu.memory_space<semaphore_mem>>) attributes {dimension_semantics = [#tpu.dimension_semantics<core_parallel>, #tpu.dimension_semantics<subcore_parallel>], iteration_bounds = array<i64: 2, 16>, scalar_prefetch = 0 : i64, scratch_operands = 6 : i64, tpu.core_type = #tpu.core_type<sc_vector_subcore>, window_params = [{transform_indices = #map}, {transform_indices = #map1}, {transform_indices = #map}, {transform_indices = #map}]} {
    %mul3A = arith.constant 2 : i32
    %mul3A_0 = arith.muli %arg1, %mul3A : i32
    %add3A = arith.addi %mul3A_0, %arg0 : i32
    %mul3A_1 = arith.constant 64 : i32
    %mul3A_2 = arith.muli %add3A, %mul3A_1 : i32
    "tpu.region"() ({
      %run_scoped3A = tpu.sem_alloc : memref<!tpu.dma_semaphore, #tpu.memory_space<semaphore_mem>>
      %dma_start3A_35 = arith.constant 0 : i32
      %dma_start3A_36 = tpu.memref_slice %arg2[%mul3A_2, %dma_start3A_35] : memref<2048x32xi32, #tpu.memory_space<hbm>> -> memref<64x32xi32, #tpu.memory_space<hbm>>
      %dma_start3A_37 = arith.constant 0 : i32
      %dma_start3A_38 = tpu.memref_slice %arg2[%mul3A_2, %dma_start3A_37] : memref<2048x32xi32, #tpu.memory_space<hbm>> -> memref<64x32xi32, #tpu.memory_space<hbm>>
      tpu.enqueue_dma source(%dma_start3A_38 : memref<64x32xi32, #tpu.memory_space<hbm>>) target(%arg6 : memref<64x32xi32, #tpu.memory_space<vmem>>) target_semaphore(%run_scoped3A : memref<!tpu.dma_semaphore, #tpu.memory_space<semaphore_mem>>)
      %dma_wait3A = arith.constant 0 : i32
      %dma_wait3A_39 = tpu.memref_slice %arg2[%mul3A_2, %dma_wait3A] : memref<2048x32xi32, #tpu.memory_space<hbm>> -> memref<64x32xi32, #tpu.memory_space<hbm>>
      %dma_wait3A_40 = arith.constant 0 : i32
      %dma_wait3A_41 = tpu.memref_slice %arg2[%mul3A_2, %dma_wait3A_40] : memref<2048x32xi32, #tpu.memory_space<hbm>> -> memref<64x32xi32, #tpu.memory_space<hbm>>
      tpu.wait_dma2 semaphore(%run_scoped3A : memref<!tpu.dma_semaphore, #tpu.memory_space<semaphore_mem>>) src(%dma_wait3A_41 : memref<64x32xi32, #tpu.memory_space<hbm>>) dst(%arg6 : memref<64x32xi32, #tpu.memory_space<vmem>>)
      tpu.yield
    }) : () -> ()
    %mul3A_3 = arith.constant 32 : i32
    %mul3A_4 = arith.muli %mul3A_2, %mul3A_3 : i32
    %mul3A_5 = arith.constant 16 : i32
    %mul3A_6 = arith.muli %mul3A_4, %mul3A_5 : i32
    "tpu.region"() ({
      %run_scoped3A = tpu.sem_alloc : memref<!tpu.dma_semaphore, #tpu.memory_space<semaphore_mem>>
      %dma_start3A_35 = tpu.memref_slice %arg3[%mul3A_6] : memref<1048576xf32, #tpu.memory_space<hbm>> -> memref<32768xf32, #tpu.memory_space<hbm>>
      %dma_start3A_36 = tpu.memref_slice %arg3[%mul3A_6] : memref<1048576xf32, #tpu.memory_space<hbm>> -> memref<32768xf32, #tpu.memory_space<hbm>>
      tpu.enqueue_dma source(%dma_start3A_36 : memref<32768xf32, #tpu.memory_space<hbm>>) target(%arg7 : memref<32768xf32, #tpu.memory_space<vmem>>) target_semaphore(%run_scoped3A : memref<!tpu.dma_semaphore, #tpu.memory_space<semaphore_mem>>)
      %dma_wait3A = tpu.memref_slice %arg3[%mul3A_6] : memref<1048576xf32, #tpu.memory_space<hbm>> -> memref<32768xf32, #tpu.memory_space<hbm>>
      %dma_wait3A_37 = tpu.memref_slice %arg3[%mul3A_6] : memref<1048576xf32, #tpu.memory_space<hbm>> -> memref<32768xf32, #tpu.memory_space<hbm>>
      tpu.wait_dma2 semaphore(%run_scoped3A : memref<!tpu.dma_semaphore, #tpu.memory_space<semaphore_mem>>) src(%dma_wait3A_37 : memref<32768xf32, #tpu.memory_space<hbm>>) dst(%arg7 : memref<32768xf32, #tpu.memory_space<vmem>>)
      tpu.yield
    }) : () -> ()
    %dma_start3A = arith.constant 0 : i32
    %dma_start3A_7 = arith.constant 0 : i32
    %dma_start3A_8 = arith.constant 0 : i32
    %dma_start3A_9 = arith.constant 0 : i32
    %dma_start3A_10 = tpu.memref_slice %arg8[%dma_start3A_7, %dma_start3A_8, %dma_start3A_9] : memref<2x32x768xf32, #tpu.memory_space<vmem>> -> memref<1x32x768xf32, #tpu.memory_space<vmem>>
    %dma_start3A_11 = tpu.memref_squeeze %dma_start3A_10 : memref<1x32x768xf32, #tpu.memory_space<vmem>> -> memref<32x768xf32, #tpu.memory_space<vmem>>
    %dma_start3A_12 = arith.constant 0 : i32
    %dma_start3A_13 = tpu.memref_slice %arg6[%dma_start3A, %dma_start3A_12] : memref<64x32xi32, #tpu.memory_space<vmem>> -> memref<1x32xi32, #tpu.memory_space<vmem>>
    %dma_start3A_14 = tpu.memref_squeeze %dma_start3A_13 : memref<1x32xi32, #tpu.memory_space<vmem>> -> memref<32xi32, #tpu.memory_space<vmem>>
    %dma_start3A_15 = arith.constant 0 : i32
    %dma_start3A_16 = arith.constant 0 : i32
    %dma_start3A_17 = tpu.memref_slice %arg4[%dma_start3A_15, %dma_start3A_16] : memref<49152x768xf32, #tpu.memory_space<hbm>> -> memref<49152x768xf32, #tpu.memory_space<hbm>>
    tpu.enqueue_indirect_dma source(%dma_start3A_17 : memref<49152x768xf32, #tpu.memory_space<hbm>>) target(%dma_start3A_11 : memref<32x768xf32, #tpu.memory_space<vmem>>) offsets(%dma_start3A_14 : memref<32xi32, #tpu.memory_space<vmem>>) semaphore(%arg10 : memref<!tpu.dma_semaphore, #tpu.memory_space<semaphore_mem>>)
    %dma_start3A_18 = arith.constant 1 : i32
    %dma_start3A_19 = arith.constant 1 : i32
    %dma_start3A_20 = arith.constant 0 : i32
    %dma_start3A_21 = arith.constant 0 : i32
    %dma_start3A_22 = tpu.memref_slice %arg8[%dma_start3A_19, %dma_start3A_20, %dma_start3A_21] : memref<2x32x768xf32, #tpu.memory_space<vmem>> -> memref<1x32x768xf32, #tpu.memory_space<vmem>>
    %dma_start3A_23 = tpu.memref_squeeze %dma_start3A_22 : memref<1x32x768xf32, #tpu.memory_space<vmem>> -> memref<32x768xf32, #tpu.memory_space<vmem>>
    %dma_start3A_24 = arith.constant 0 : i32
    %dma_start3A_25 = tpu.memref_slice %arg6[%dma_start3A_18, %dma_start3A_24] : memref<64x32xi32, #tpu.memory_space<vmem>> -> memref<1x32xi32, #tpu.memory_space<vmem>>
    %dma_start3A_26 = tpu.memref_squeeze %dma_start3A_25 : memref<1x32xi32, #tpu.memory_space<vmem>> -> memref<32xi32, #tpu.memory_space<vmem>>
    %dma_start3A_27 = arith.constant 0 : i32
    %dma_start3A_28 = arith.constant 0 : i32
    %dma_start3A_29 = tpu.memref_slice %arg4[%dma_start3A_27, %dma_start3A_28] : memref<49152x768xf32, #tpu.memory_space<hbm>> -> memref<49152x768xf32, #tpu.memory_space<hbm>>
    tpu.enqueue_indirect_dma source(%dma_start3A_29 : memref<49152x768xf32, #tpu.memory_space<hbm>>) target(%dma_start3A_23 : memref<32x768xf32, #tpu.memory_space<vmem>>) offsets(%dma_start3A_26 : memref<32xi32, #tpu.memory_space<vmem>>) semaphore(%arg11 : memref<!tpu.dma_semaphore, #tpu.memory_space<semaphore_mem>>)
    %scan3A = arith.constant 0 : i32
    %scan3A_30 = arith.constant 0 : i32
    %scan3A_31 = arith.constant 32 : i32
    %scan3A_32 = arith.addi %scan3A_30, %scan3A_31 : i32
    %scan3A_33 = arith.constant 1 : i32
    scf.for %scan3A_35 = %scan3A_30 to %scan3A_32 step %scan3A_33  : i32 {
      %mul3A_36 = arith.constant 2 : i32
      %mul3A_37 = arith.muli %mul3A_36, %scan3A_35 : i32
      %dma_wait3A = arith.constant 0 : i32
      %dma_wait3A_38 = arith.constant 0 : i32
      %dma_wait3A_39 = arith.constant 0 : i32
      %dma_wait3A_40 = tpu.memref_slice %arg8[%dma_wait3A, %dma_wait3A_38, %dma_wait3A_39] : memref<2x32x768xf32, #tpu.memory_space<vmem>> -> memref<1x32x768xf32, #tpu.memory_space<vmem>>
      %dma_wait3A_41 = tpu.memref_squeeze %dma_wait3A_40 : memref<1x32x768xf32, #tpu.memory_space<vmem>> -> memref<32x768xf32, #tpu.memory_space<vmem>>
      %dma_wait3A_42 = arith.constant 0 : i32
      %dma_wait3A_43 = tpu.memref_slice %arg6[%mul3A_37, %dma_wait3A_42] : memref<64x32xi32, #tpu.memory_space<vmem>> -> memref<1x32xi32, #tpu.memory_space<vmem>>
      %dma_wait3A_44 = tpu.memref_squeeze %dma_wait3A_43 : memref<1x32xi32, #tpu.memory_space<vmem>> -> memref<32xi32, #tpu.memory_space<vmem>>
      %dma_wait3A_45 = arith.constant 0 : i32
      %dma_wait3A_46 = arith.constant 0 : i32
      %dma_wait3A_47 = tpu.memref_slice %arg4[%dma_wait3A_45, %dma_wait3A_46] : memref<49152x768xf32, #tpu.memory_space<hbm>> -> memref<49152x768xf32, #tpu.memory_space<hbm>>
      tpu.wait_indirect_dma semaphore(%arg10 : memref<!tpu.dma_semaphore, #tpu.memory_space<semaphore_mem>>) src(%dma_wait3A_47 : memref<49152x768xf32, #tpu.memory_space<hbm>>) dst(%dma_wait3A_41 : memref<32x768xf32, #tpu.memory_space<vmem>>)
      %broadcast_in_dim3A = arith.constant 0.000000e+00 : f32
      %broadcast_in_dim3A_48 = vector.broadcast %broadcast_in_dim3A : f32 to vector<16xf32>
      %broadcast_in_dim3A_49 = arith.constant 0.000000e+00 : f32
      %broadcast_in_dim3A_50 = vector.broadcast %broadcast_in_dim3A_49 : f32 to vector<16xf32>
      %broadcast_in_dim3A_51 = arith.constant 0.000000e+00 : f32
      %broadcast_in_dim3A_52 = vector.broadcast %broadcast_in_dim3A_51 : f32 to vector<16xf32>
      %broadcast_in_dim3A_53 = arith.constant 0.000000e+00 : f32
      %broadcast_in_dim3A_54 = vector.broadcast %broadcast_in_dim3A_53 : f32 to vector<16xf32>
      %broadcast_in_dim3A_55 = arith.constant 0.000000e+00 : f32
      %broadcast_in_dim3A_56 = vector.broadcast %broadcast_in_dim3A_55 : f32 to vector<16xf32>
      %broadcast_in_dim3A_57 = arith.constant 0.000000e+00 : f32
      %broadcast_in_dim3A_58 = vector.broadcast %broadcast_in_dim3A_57 : f32 to vector<16xf32>
      %broadcast_in_dim3A_59 = arith.constant 0.000000e+00 : f32
      %broadcast_in_dim3A_60 = vector.broadcast %broadcast_in_dim3A_59 : f32 to vector<16xf32>
      %broadcast_in_dim3A_61 = arith.constant 0.000000e+00 : f32
      %broadcast_in_dim3A_62 = vector.broadcast %broadcast_in_dim3A_61 : f32 to vector<16xf32>
      %broadcast_in_dim3A_63 = arith.constant 0.000000e+00 : f32
      %broadcast_in_dim3A_64 = vector.broadcast %broadcast_in_dim3A_63 : f32 to vector<16xf32>
      %broadcast_in_dim3A_65 = arith.constant 0.000000e+00 : f32
      %broadcast_in_dim3A_66 = vector.broadcast %broadcast_in_dim3A_65 : f32 to vector<16xf32>
      %broadcast_in_dim3A_67 = arith.constant 0.000000e+00 : f32
      %broadcast_in_dim3A_68 = vector.broadcast %broadcast_in_dim3A_67 : f32 to vector<16xf32>
      %broadcast_in_dim3A_69 = arith.constant 0.000000e+00 : f32
      %broadcast_in_dim3A_70 = vector.broadcast %broadcast_in_dim3A_69 : f32 to vector<16xf32>
      %broadcast_in_dim3A_71 = arith.constant 0.000000e+00 : f32
      %broadcast_in_dim3A_72 = vector.broadcast %broadcast_in_dim3A_71 : f32 to vector<16xf32>
      %broadcast_in_dim3A_73 = arith.constant 0.000000e+00 : f32
      %broadcast_in_dim3A_74 = vector.broadcast %broadcast_in_dim3A_73 : f32 to vector<16xf32>
      %broadcast_in_dim3A_75 = arith.constant 0.000000e+00 : f32
      %broadcast_in_dim3A_76 = vector.broadcast %broadcast_in_dim3A_75 : f32 to vector<16xf32>
      %broadcast_in_dim3A_77 = arith.constant 0.000000e+00 : f32
      %broadcast_in_dim3A_78 = vector.broadcast %broadcast_in_dim3A_77 : f32 to vector<16xf32>
      %broadcast_in_dim3A_79 = arith.constant 0.000000e+00 : f32
      %broadcast_in_dim3A_80 = vector.broadcast %broadcast_in_dim3A_79 : f32 to vector<16xf32>
      %broadcast_in_dim3A_81 = arith.constant 0.000000e+00 : f32
      %broadcast_in_dim3A_82 = vector.broadcast %broadcast_in_dim3A_81 : f32 to vector<16xf32>
      %broadcast_in_dim3A_83 = arith.constant 0.000000e+00 : f32
      %broadcast_in_dim3A_84 = vector.broadcast %broadcast_in_dim3A_83 : f32 to vector<16xf32>
      %broadcast_in_dim3A_85 = arith.constant 0.000000e+00 : f32
      %broadcast_in_dim3A_86 = vector.broadcast %broadcast_in_dim3A_85 : f32 to vector<16xf32>
      %broadcast_in_dim3A_87 = arith.constant 0.000000e+00 : f32
      %broadcast_in_dim3A_88 = vector.broadcast %broadcast_in_dim3A_87 : f32 to vector<16xf32>
      %broadcast_in_dim3A_89 = arith.constant 0.000000e+00 : f32
      %broadcast_in_dim3A_90 = vector.broadcast %broadcast_in_dim3A_89 : f32 to vector<16xf32>
      %broadcast_in_dim3A_91 = arith.constant 0.000000e+00 : f32
      %broadcast_in_dim3A_92 = vector.broadcast %broadcast_in_dim3A_91 : f32 to vector<16xf32>
      %broadcast_in_dim3A_93 = arith.constant 0.000000e+00 : f32
      %broadcast_in_dim3A_94 = vector.broadcast %broadcast_in_dim3A_93 : f32 to vector<16xf32>
      %broadcast_in_dim3A_95 = arith.constant 0.000000e+00 : f32
      %broadcast_in_dim3A_96 = vector.broadcast %broadcast_in_dim3A_95 : f32 to vector<16xf32>
      %broadcast_in_dim3A_97 = arith.constant 0.000000e+00 : f32
      %broadcast_in_dim3A_98 = vector.broadcast %broadcast_in_dim3A_97 : f32 to vector<16xf32>
      %broadcast_in_dim3A_99 = arith.constant 0.000000e+00 : f32
      %broadcast_in_dim3A_100 = vector.broadcast %broadcast_in_dim3A_99 : f32 to vector<16xf32>
      %broadcast_in_dim3A_101 = arith.constant 0.000000e+00 : f32
      %broadcast_in_dim3A_102 = vector.broadcast %broadcast_in_dim3A_101 : f32 to vector<16xf32>
      %broadcast_in_dim3A_103 = arith.constant 0.000000e+00 : f32
      %broadcast_in_dim3A_104 = vector.broadcast %broadcast_in_dim3A_103 : f32 to vector<16xf32>
      %broadcast_in_dim3A_105 = arith.constant 0.000000e+00 : f32
      %broadcast_in_dim3A_106 = vector.broadcast %broadcast_in_dim3A_105 : f32 to vector<16xf32>
      %broadcast_in_dim3A_107 = arith.constant 0.000000e+00 : f32
      %broadcast_in_dim3A_108 = vector.broadcast %broadcast_in_dim3A_107 : f32 to vector<16xf32>
      %broadcast_in_dim3A_109 = arith.constant 0.000000e+00 : f32
      %broadcast_in_dim3A_110 = vector.broadcast %broadcast_in_dim3A_109 : f32 to vector<16xf32>
      %broadcast_in_dim3A_111 = arith.constant 0.000000e+00 : f32
      %broadcast_in_dim3A_112 = vector.broadcast %broadcast_in_dim3A_111 : f32 to vector<16xf32>
      %broadcast_in_dim3A_113 = arith.constant 0.000000e+00 : f32
      %broadcast_in_dim3A_114 = vector.broadcast %broadcast_in_dim3A_113 : f32 to vector<16xf32>
      %broadcast_in_dim3A_115 = arith.constant 0.000000e+00 : f32
      %broadcast_in_dim3A_116 = vector.broadcast %broadcast_in_dim3A_115 : f32 to vector<16xf32>
      %broadcast_in_dim3A_117 = arith.constant 0.000000e+00 : f32
      %broadcast_in_dim3A_118 = vector.broadcast %broadcast_in_dim3A_117 : f32 to vector<16xf32>
      %broadcast_in_dim3A_119 = arith.constant 0.000000e+00 : f32
      %broadcast_in_dim3A_120 = vector.broadcast %broadcast_in_dim3A_119 : f32 to vector<16xf32>
      %broadcast_in_dim3A_121 = arith.constant 0.000000e+00 : f32
      %broadcast_in_dim3A_122 = vector.broadcast %broadcast_in_dim3A_121 : f32 to vector<16xf32>
      %broadcast_in_dim3A_123 = arith.constant 0.000000e+00 : f32
      %broadcast_in_dim3A_124 = vector.broadcast %broadcast_in_dim3A_123 : f32 to vector<16xf32>
      %broadcast_in_dim3A_125 = arith.constant 0.000000e+00 : f32
      %broadcast_in_dim3A_126 = vector.broadcast %broadcast_in_dim3A_125 : f32 to vector<16xf32>
      %broadcast_in_dim3A_127 = arith.constant 0.000000e+00 : f32
      %broadcast_in_dim3A_128 = vector.broadcast %broadcast_in_dim3A_127 : f32 to vector<16xf32>
      %broadcast_in_dim3A_129 = arith.constant 0.000000e+00 : f32
      %broadcast_in_dim3A_130 = vector.broadcast %broadcast_in_dim3A_129 : f32 to vector<16xf32>
      %broadcast_in_dim3A_131 = arith.constant 0.000000e+00 : f32
      %broadcast_in_dim3A_132 = vector.broadcast %broadcast_in_dim3A_131 : f32 to vector<16xf32>
      %broadcast_in_dim3A_133 = arith.constant 0.000000e+00 : f32
      %broadcast_in_dim3A_134 = vector.broadcast %broadcast_in_dim3A_133 : f32 to vector<16xf32>
      %broadcast_in_dim3A_135 = arith.constant 0.000000e+00 : f32
      %broadcast_in_dim3A_136 = vector.broadcast %broadcast_in_dim3A_135 : f32 to vector<16xf32>
      %broadcast_in_dim3A_137 = arith.constant 0.000000e+00 : f32
      %broadcast_in_dim3A_138 = vector.broadcast %broadcast_in_dim3A_137 : f32 to vector<16xf32>
      %broadcast_in_dim3A_139 = arith.constant 0.000000e+00 : f32
      %broadcast_in_dim3A_140 = vector.broadcast %broadcast_in_dim3A_139 : f32 to vector<16xf32>
      %broadcast_in_dim3A_141 = arith.constant 0.000000e+00 : f32
      %broadcast_in_dim3A_142 = vector.broadcast %broadcast_in_dim3A_141 : f32 to vector<16xf32>
      %scan3A_143 = arith.constant 0 : i32
      %scan3A_144 = arith.constant 32 : i32
      %scan3A_145 = arith.addi %scan3A_143, %scan3A_144 : i32
      %scan3A_146 = arith.constant 1 : i32
      %scan3A_147:48 = scf.for %scan3A_660 = %scan3A_143 to %scan3A_145 step %scan3A_146 iter_args(%scan3A_661 = %broadcast_in_dim3A_48, %scan3A_662 = %broadcast_in_dim3A_50, %scan3A_663 = %broadcast_in_dim3A_52, %scan3A_664 = %broadcast_in_dim3A_54, %scan3A_665 = %broadcast_in_dim3A_56, %scan3A_666 = %broadcast_in_dim3A_58, %scan3A_667 = %broadcast_in_dim3A_60, %scan3A_668 = %broadcast_in_dim3A_62, %scan3A_669 = %broadcast_in_dim3A_64, %scan3A_670 = %broadcast_in_dim3A_66, %scan3A_671 = %broadcast_in_dim3A_68, %scan3A_672 = %broadcast_in_dim3A_70, %scan3A_673 = %broadcast_in_dim3A_72, %scan3A_674 = %broadcast_in_dim3A_74, %scan3A_675 = %broadcast_in_dim3A_76, %scan3A_676 = %broadcast_in_dim3A_78, %scan3A_677 = %broadcast_in_dim3A_80, %scan3A_678 = %broadcast_in_dim3A_82, %scan3A_679 = %broadcast_in_dim3A_84, %scan3A_680 = %broadcast_in_dim3A_86, %scan3A_681 = %broadcast_in_dim3A_88, %scan3A_682 = %broadcast_in_dim3A_90, %scan3A_683 = %broadcast_in_dim3A_92, %scan3A_684 = %broadcast_in_dim3A_94, %scan3A_685 = %broadcast_in_dim3A_96, %scan3A_686 = %broadcast_in_dim3A_98, %scan3A_687 = %broadcast_in_dim3A_100, %scan3A_688 = %broadcast_in_dim3A_102, %scan3A_689 = %broadcast_in_dim3A_104, %scan3A_690 = %broadcast_in_dim3A_106, %scan3A_691 = %broadcast_in_dim3A_108, %scan3A_692 = %broadcast_in_dim3A_110, %scan3A_693 = %broadcast_in_dim3A_112, %scan3A_694 = %broadcast_in_dim3A_114, %scan3A_695 = %broadcast_in_dim3A_116, %scan3A_696 = %broadcast_in_dim3A_118, %scan3A_697 = %broadcast_in_dim3A_120, %scan3A_698 = %broadcast_in_dim3A_122, %scan3A_699 = %broadcast_in_dim3A_124, %scan3A_700 = %broadcast_in_dim3A_126, %scan3A_701 = %broadcast_in_dim3A_128, %scan3A_702 = %broadcast_in_dim3A_130, %scan3A_703 = %broadcast_in_dim3A_132, %scan3A_704 = %broadcast_in_dim3A_134, %scan3A_705 = %broadcast_in_dim3A_136, %scan3A_706 = %broadcast_in_dim3A_138, %scan3A_707 = %broadcast_in_dim3A_140, %scan3A_708 = %broadcast_in_dim3A_142) -> (vector<16xf32>, vector<16xf32>, vector<16xf32>, vector<16xf32>, vector<16xf32>, vector<16xf32>, vector<16xf32>, vector<16xf32>, vector<16xf32>, vector<16xf32>, vector<16xf32>, vector<16xf32>, vector<16xf32>, vector<16xf32>, vector<16xf32>, vector<16xf32>, vector<16xf32>, vector<16xf32>, vector<16xf32>, vector<16xf32>, vector<16xf32>, vector<16xf32>, vector<16xf32>, vector<16xf32>, vector<16xf32>, vector<16xf32>, vector<16xf32>, vector<16xf32>, vector<16xf32>, vector<16xf32>, vector<16xf32>, vector<16xf32>, vector<16xf32>, vector<16xf32>, vector<16xf32>, vector<16xf32>, vector<16xf32>, vector<16xf32>, vector<16xf32>, vector<16xf32>, vector<16xf32>, vector<16xf32>, vector<16xf32>, vector<16xf32>, vector<16xf32>, vector<16xf32>, vector<16xf32>, vector<16xf32>)  : i32 {
        %mul3A_709 = arith.constant 512 : i32
        %mul3A_710 = arith.muli %mul3A_37, %mul3A_709 : i32
        %mul3A_711 = arith.constant 16 : i32
        %mul3A_712 = arith.muli %scan3A_660, %mul3A_711 : i32
        %add3A_713 = arith.addi %mul3A_710, %mul3A_712 : i32
        %get3A = arith.index_cast %add3A_713 : i32 to index
        %get3A_714 = tpu.vector_load %arg7[%get3A] {strides = array<i32>} : memref<32768xf32, #tpu.memory_space<vmem>>, vector<16xf32>,
        %get3A_715 = vector.shape_cast %get3A_714 : vector<16xf32> to vector<16xf32>
        %get3A_716 = arith.constant 0 : i32
        %get3A_717 = arith.index_cast %get3A_716 : i32 to index
        %get3A_718 = arith.index_cast %scan3A_660 : i32 to index
        %get3A_719 = arith.constant 0 : index
        %get3A_720 = tpu.vector_load %arg8[%get3A_717, %get3A_718, %get3A_719] {strides = array<i32>} : memref<2x32x768xf32, #tpu.memory_space<vmem>>, vector<1x1x16xf32>,
        %get3A_721 = vector.shape_cast %get3A_720 : vector<1x1x16xf32> to vector<16xf32>
        %mul3A_722 = arith.mulf %get3A_715, %get3A_721 : vector<16xf32>
        %add3A_723 = arith.addf %scan3A_661, %mul3A_722 : vector<16xf32>
        %get3A_724 = arith.constant 0 : i32
        %get3A_725 = arith.index_cast %get3A_724 : i32 to index
        %get3A_726 = arith.index_cast %scan3A_660 : i32 to index
        %get3A_727 = arith.constant 16 : index
        %get3A_728 = tpu.vector_load %arg8[%get3A_725, %get3A_726, %get3A_727] {strides = array<i32>} : memref<2x32x768xf32, #tpu.memory_space<vmem>>, vector<1x1x16xf32>,
        %get3A_729 = vector.shape_cast %get3A_728 : vector<1x1x16xf32> to vector<16xf32>
        %mul3A_730 = arith.mulf %get3A_715, %get3A_729 : vector<16xf32>
        %add3A_731 = arith.addf %scan3A_662, %mul3A_730 : vector<16xf32>
        %get3A_732 = arith.constant 0 : i32
        %get3A_733 = arith.index_cast %get3A_732 : i32 to index
        %get3A_734 = arith.index_cast %scan3A_660 : i32 to index
        %get3A_735 = arith.constant 32 : index
        %get3A_736 = tpu.vector_load %arg8[%get3A_733, %get3A_734, %get3A_735] {strides = array<i32>} : memref<2x32x768xf32, #tpu.memory_space<vmem>>, vector<1x1x16xf32>,
        %get3A_737 = vector.shape_cast %get3A_736 : vector<1x1x16xf32> to vector<16xf32>
        %mul3A_738 = arith.mulf %get3A_715, %get3A_737 : vector<16xf32>
        %add3A_739 = arith.addf %scan3A_663, %mul3A_738 : vector<16xf32>
        %get3A_740 = arith.constant 0 : i32
        %get3A_741 = arith.index_cast %get3A_740 : i32 to index
        %get3A_742 = arith.index_cast %scan3A_660 : i32 to index
        %get3A_743 = arith.constant 48 : index
        %get3A_744 = tpu.vector_load %arg8[%get3A_741, %get3A_742, %get3A_743] {strides = array<i32>} : memref<2x32x768xf32, #tpu.memory_space<vmem>>, vector<1x1x16xf32>,
        %get3A_745 = vector.shape_cast %get3A_744 : vector<1x1x16xf32> to vector<16xf32>
        %mul3A_746 = arith.mulf %get3A_715, %get3A_745 : vector<16xf32>
        %add3A_747 = arith.addf %scan3A_664, %mul3A_746 : vector<16xf32>
        %get3A_748 = arith.constant 0 : i32
        %get3A_749 = arith.index_cast %get3A_748 : i32 to index
        %get3A_750 = arith.index_cast %scan3A_660 : i32 to index
        %get3A_751 = arith.constant 64 : index
        %get3A_752 = tpu.vector_load %arg8[%get3A_749, %get3A_750, %get3A_751] {strides = array<i32>} : memref<2x32x768xf32, #tpu.memory_space<vmem>>, vector<1x1x16xf32>,
        %get3A_753 = vector.shape_cast %get3A_752 : vector<1x1x16xf32> to vector<16xf32>
        %mul3A_754 = arith.mulf %get3A_715, %get3A_753 : vector<16xf32>
        %add3A_755 = arith.addf %scan3A_665, %mul3A_754 : vector<16xf32>
        %get3A_756 = arith.constant 0 : i32
        %get3A_757 = arith.index_cast %get3A_756 : i32 to index
        %get3A_758 = arith.index_cast %scan3A_660 : i32 to index
        %get3A_759 = arith.constant 80 : index
        %get3A_760 = tpu.vector_load %arg8[%get3A_757, %get3A_758, %get3A_759] {strides = array<i32>} : memref<2x32x768xf32, #tpu.memory_space<vmem>>, vector<1x1x16xf32>,
        %get3A_761 = vector.shape_cast %get3A_760 : vector<1x1x16xf32> to vector<16xf32>
        %mul3A_762 = arith.mulf %get3A_715, %get3A_761 : vector<16xf32>
        %add3A_763 = arith.addf %scan3A_666, %mul3A_762 : vector<16xf32>
        %get3A_764 = arith.constant 0 : i32
        %get3A_765 = arith.index_cast %get3A_764 : i32 to index
        %get3A_766 = arith.index_cast %scan3A_660 : i32 to index
        %get3A_767 = arith.constant 96 : index
        %get3A_768 = tpu.vector_load %arg8[%get3A_765, %get3A_766, %get3A_767] {strides = array<i32>} : memref<2x32x768xf32, #tpu.memory_space<vmem>>, vector<1x1x16xf32>,
        %get3A_769 = vector.shape_cast %get3A_768 : vector<1x1x16xf32> to vector<16xf32>
        %mul3A_770 = arith.mulf %get3A_715, %get3A_769 : vector<16xf32>
        %add3A_771 = arith.addf %scan3A_667, %mul3A_770 : vector<16xf32>
        %get3A_772 = arith.constant 0 : i32
        %get3A_773 = arith.index_cast %get3A_772 : i32 to index
        %get3A_774 = arith.index_cast %scan3A_660 : i32 to index
        %get3A_775 = arith.constant 112 : index
        %get3A_776 = tpu.vector_load %arg8[%get3A_773, %get3A_774, %get3A_775] {strides = array<i32>} : memref<2x32x768xf32, #tpu.memory_space<vmem>>, vector<1x1x16xf32>,
        %get3A_777 = vector.shape_cast %get3A_776 : vector<1x1x16xf32> to vector<16xf32>
        %mul3A_778 = arith.mulf %get3A_715, %get3A_777 : vector<16xf32>
        %add3A_779 = arith.addf %scan3A_668, %mul3A_778 : vector<16xf32>
        %get3A_780 = arith.constant 0 : i32
        %get3A_781 = arith.index_cast %get3A_780 : i32 to index
        %get3A_782 = arith.index_cast %scan3A_660 : i32 to index
        %get3A_783 = arith.constant 128 : index
        %get3A_784 = tpu.vector_load %arg8[%get3A_781, %get3A_782, %get3A_783] {strides = array<i32>} : memref<2x32x768xf32, #tpu.memory_space<vmem>>, vector<1x1x16xf32>,
        %get3A_785 = vector.shape_cast %get3A_784 : vector<1x1x16xf32> to vector<16xf32>
        %mul3A_786 = arith.mulf %get3A_715, %get3A_785 : vector<16xf32>
        %add3A_787 = arith.addf %scan3A_669, %mul3A_786 : vector<16xf32>
        %get3A_788 = arith.constant 0 : i32
        %get3A_789 = arith.index_cast %get3A_788 : i32 to index
        %get3A_790 = arith.index_cast %scan3A_660 : i32 to index
        %get3A_791 = arith.constant 144 : index
        %get3A_792 = tpu.vector_load %arg8[%get3A_789, %get3A_790, %get3A_791] {strides = array<i32>} : memref<2x32x768xf32, #tpu.memory_space<vmem>>, vector<1x1x16xf32>,
        %get3A_793 = vector.shape_cast %get3A_792 : vector<1x1x16xf32> to vector<16xf32>
        %mul3A_794 = arith.mulf %get3A_715, %get3A_793 : vector<16xf32>
        %add3A_795 = arith.addf %scan3A_670, %mul3A_794 : vector<16xf32>
        %get3A_796 = arith.constant 0 : i32
        %get3A_797 = arith.index_cast %get3A_796 : i32 to index
        %get3A_798 = arith.index_cast %scan3A_660 : i32 to index
        %get3A_799 = arith.constant 160 : index
        %get3A_800 = tpu.vector_load %arg8[%get3A_797, %get3A_798, %get3A_799] {strides = array<i32>} : memref<2x32x768xf32, #tpu.memory_space<vmem>>, vector<1x1x16xf32>,
        %get3A_801 = vector.shape_cast %get3A_800 : vector<1x1x16xf32> to vector<16xf32>
        %mul3A_802 = arith.mulf %get3A_715, %get3A_801 : vector<16xf32>
        %add3A_803 = arith.addf %scan3A_671, %mul3A_802 : vector<16xf32>
        %get3A_804 = arith.constant 0 : i32
        %get3A_805 = arith.index_cast %get3A_804 : i32 to index
        %get3A_806 = arith.index_cast %scan3A_660 : i32 to index
        %get3A_807 = arith.constant 176 : index
        %get3A_808 = tpu.vector_load %arg8[%get3A_805, %get3A_806, %get3A_807] {strides = array<i32>} : memref<2x32x768xf32, #tpu.memory_space<vmem>>, vector<1x1x16xf32>,
        %get3A_809 = vector.shape_cast %get3A_808 : vector<1x1x16xf32> to vector<16xf32>
        %mul3A_810 = arith.mulf %get3A_715, %get3A_809 : vector<16xf32>
        %add3A_811 = arith.addf %scan3A_672, %mul3A_810 : vector<16xf32>
        %get3A_812 = arith.constant 0 : i32
        %get3A_813 = arith.index_cast %get3A_812 : i32 to index
        %get3A_814 = arith.index_cast %scan3A_660 : i32 to index
        %get3A_815 = arith.constant 192 : index
        %get3A_816 = tpu.vector_load %arg8[%get3A_813, %get3A_814, %get3A_815] {strides = array<i32>} : memref<2x32x768xf32, #tpu.memory_space<vmem>>, vector<1x1x16xf32>,
        %get3A_817 = vector.shape_cast %get3A_816 : vector<1x1x16xf32> to vector<16xf32>
        %mul3A_818 = arith.mulf %get3A_715, %get3A_817 : vector<16xf32>
        %add3A_819 = arith.addf %scan3A_673, %mul3A_818 : vector<16xf32>
        %get3A_820 = arith.constant 0 : i32
        %get3A_821 = arith.index_cast %get3A_820 : i32 to index
        %get3A_822 = arith.index_cast %scan3A_660 : i32 to index
        %get3A_823 = arith.constant 208 : index
        %get3A_824 = tpu.vector_load %arg8[%get3A_821, %get3A_822, %get3A_823] {strides = array<i32>} : memref<2x32x768xf32, #tpu.memory_space<vmem>>, vector<1x1x16xf32>,
        %get3A_825 = vector.shape_cast %get3A_824 : vector<1x1x16xf32> to vector<16xf32>
        %mul3A_826 = arith.mulf %get3A_715, %get3A_825 : vector<16xf32>
        %add3A_827 = arith.addf %scan3A_674, %mul3A_826 : vector<16xf32>
        %get3A_828 = arith.constant 0 : i32
        %get3A_829 = arith.index_cast %get3A_828 : i32 to index
        %get3A_830 = arith.index_cast %scan3A_660 : i32 to index
        %get3A_831 = arith.constant 224 : index
        %get3A_832 = tpu.vector_load %arg8[%get3A_829, %get3A_830, %get3A_831] {strides = array<i32>} : memref<2x32x768xf32, #tpu.memory_space<vmem>>, vector<1x1x16xf32>,
        %get3A_833 = vector.shape_cast %get3A_832 : vector<1x1x16xf32> to vector<16xf32>
        %mul3A_834 = arith.mulf %get3A_715, %get3A_833 : vector<16xf32>
        %add3A_835 = arith.addf %scan3A_675, %mul3A_834 : vector<16xf32>
        %get3A_836 = arith.constant 0 : i32
        %get3A_837 = arith.index_cast %get3A_836 : i32 to index
        %get3A_838 = arith.index_cast %scan3A_660 : i32 to index
        %get3A_839 = arith.constant 240 : index
        %get3A_840 = tpu.vector_load %arg8[%get3A_837, %get3A_838, %get3A_839] {strides = array<i32>} : memref<2x32x768xf32, #tpu.memory_space<vmem>>, vector<1x1x16xf32>,
        %get3A_841 = vector.shape_cast %get3A_840 : vector<1x1x16xf32> to vector<16xf32>
        %mul3A_842 = arith.mulf %get3A_715, %get3A_841 : vector<16xf32>
        %add3A_843 = arith.addf %scan3A_676, %mul3A_842 : vector<16xf32>
        %get3A_844 = arith.constant 0 : i32
        %get3A_845 = arith.index_cast %get3A_844 : i32 to index
        %get3A_846 = arith.index_cast %scan3A_660 : i32 to index
        %get3A_847 = arith.constant 256 : index
        %get3A_848 = tpu.vector_load %arg8[%get3A_845, %get3A_846, %get3A_847] {strides = array<i32>} : memref<2x32x768xf32, #tpu.memory_space<vmem>>, vector<1x1x16xf32>,
        %get3A_849 = vector.shape_cast %get3A_848 : vector<1x1x16xf32> to vector<16xf32>
        %mul3A_850 = arith.mulf %get3A_715, %get3A_849 : vector<16xf32>
        %add3A_851 = arith.addf %scan3A_677, %mul3A_850 : vector<16xf32>
        %get3A_852 = arith.constant 0 : i32
        %get3A_853 = arith.index_cast %get3A_852 : i32 to index
        %get3A_854 = arith.index_cast %scan3A_660 : i32 to index
        %get3A_855 = arith.constant 272 : index
        %get3A_856 = tpu.vector_load %arg8[%get3A_853, %get3A_854, %get3A_855] {strides = array<i32>} : memref<2x32x768xf32, #tpu.memory_space<vmem>>, vector<1x1x16xf32>,
        %get3A_857 = vector.shape_cast %get3A_856 : vector<1x1x16xf32> to vector<16xf32>
        %mul3A_858 = arith.mulf %get3A_715, %get3A_857 : vector<16xf32>
        %add3A_859 = arith.addf %scan3A_678, %mul3A_858 : vector<16xf32>
        %get3A_860 = arith.constant 0 : i32
        %get3A_861 = arith.index_cast %get3A_860 : i32 to index
        %get3A_862 = arith.index_cast %scan3A_660 : i32 to index
        %get3A_863 = arith.constant 288 : index
        %get3A_864 = tpu.vector_load %arg8[%get3A_861, %get3A_862, %get3A_863] {strides = array<i32>} : memref<2x32x768xf32, #tpu.memory_space<vmem>>, vector<1x1x16xf32>,
        %get3A_865 = vector.shape_cast %get3A_864 : vector<1x1x16xf32> to vector<16xf32>
        %mul3A_866 = arith.mulf %get3A_715, %get3A_865 : vector<16xf32>
        %add3A_867 = arith.addf %scan3A_679, %mul3A_866 : vector<16xf32>
        %get3A_868 = arith.constant 0 : i32
        %get3A_869 = arith.index_cast %get3A_868 : i32 to index
        %get3A_870 = arith.index_cast %scan3A_660 : i32 to index
        %get3A_871 = arith.constant 304 : index
        %get3A_872 = tpu.vector_load %arg8[%get3A_869, %get3A_870, %get3A_871] {strides = array<i32>} : memref<2x32x768xf32, #tpu.memory_space<vmem>>, vector<1x1x16xf32>,
        %get3A_873 = vector.shape_cast %get3A_872 : vector<1x1x16xf32> to vector<16xf32>
        %mul3A_874 = arith.mulf %get3A_715, %get3A_873 : vector<16xf32>
        %add3A_875 = arith.addf %scan3A_680, %mul3A_874 : vector<16xf32>
        %get3A_876 = arith.constant 0 : i32
        %get3A_877 = arith.index_cast %get3A_876 : i32 to index
        %get3A_878 = arith.index_cast %scan3A_660 : i32 to index
        %get3A_879 = arith.constant 320 : index
        %get3A_880 = tpu.vector_load %arg8[%get3A_877, %get3A_878, %get3A_879] {strides = array<i32>} : memref<2x32x768xf32, #tpu.memory_space<vmem>>, vector<1x1x16xf32>,
        %get3A_881 = vector.shape_cast %get3A_880 : vector<1x1x16xf32> to vector<16xf32>
        %mul3A_882 = arith.mulf %get3A_715, %get3A_881 : vector<16xf32>
        %add3A_883 = arith.addf %scan3A_681, %mul3A_882 : vector<16xf32>
        %get3A_884 = arith.constant 0 : i32
        %get3A_885 = arith.index_cast %get3A_884 : i32 to index
        %get3A_886 = arith.index_cast %scan3A_660 : i32 to index
        %get3A_887 = arith.constant 336 : index
        %get3A_888 = tpu.vector_load %arg8[%get3A_885, %get3A_886, %get3A_887] {strides = array<i32>} : memref<2x32x768xf32, #tpu.memory_space<vmem>>, vector<1x1x16xf32>,
        %get3A_889 = vector.shape_cast %get3A_888 : vector<1x1x16xf32> to vector<16xf32>
        %mul3A_890 = arith.mulf %get3A_715, %get3A_889 : vector<16xf32>
        %add3A_891 = arith.addf %scan3A_682, %mul3A_890 : vector<16xf32>
        %get3A_892 = arith.constant 0 : i32
        %get3A_893 = arith.index_cast %get3A_892 : i32 to index
        %get3A_894 = arith.index_cast %scan3A_660 : i32 to index
        %get3A_895 = arith.constant 352 : index
        %get3A_896 = tpu.vector_load %arg8[%get3A_893, %get3A_894, %get3A_895] {strides = array<i32>} : memref<2x32x768xf32, #tpu.memory_space<vmem>>, vector<1x1x16xf32>,
        %get3A_897 = vector.shape_cast %get3A_896 : vector<1x1x16xf32> to vector<16xf32>
        %mul3A_898 = arith.mulf %get3A_715, %get3A_897 : vector<16xf32>
        %add3A_899 = arith.addf %scan3A_683, %mul3A_898 : vector<16xf32>
        %get3A_900 = arith.constant 0 : i32
        %get3A_901 = arith.index_cast %get3A_900 : i32 to index
        %get3A_902 = arith.index_cast %scan3A_660 : i32 to index
        %get3A_903 = arith.constant 368 : index
        %get3A_904 = tpu.vector_load %arg8[%get3A_901, %get3A_902, %get3A_903] {strides = array<i32>} : memref<2x32x768xf32, #tpu.memory_space<vmem>>, vector<1x1x16xf32>,
        %get3A_905 = vector.shape_cast %get3A_904 : vector<1x1x16xf32> to vector<16xf32>
        %mul3A_906 = arith.mulf %get3A_715, %get3A_905 : vector<16xf32>
        %add3A_907 = arith.addf %scan3A_684, %mul3A_906 : vector<16xf32>
        %get3A_908 = arith.constant 0 : i32
        %get3A_909 = arith.index_cast %get3A_908 : i32 to index
        %get3A_910 = arith.index_cast %scan3A_660 : i32 to index
        %get3A_911 = arith.constant 384 : index
        %get3A_912 = tpu.vector_load %arg8[%get3A_909, %get3A_910, %get3A_911] {strides = array<i32>} : memref<2x32x768xf32, #tpu.memory_space<vmem>>, vector<1x1x16xf32>,
        %get3A_913 = vector.shape_cast %get3A_912 : vector<1x1x16xf32> to vector<16xf32>
        %mul3A_914 = arith.mulf %get3A_715, %get3A_913 : vector<16xf32>
        %add3A_915 = arith.addf %scan3A_685, %mul3A_914 : vector<16xf32>
        %get3A_916 = arith.constant 0 : i32
        %get3A_917 = arith.index_cast %get3A_916 : i32 to index
        %get3A_918 = arith.index_cast %scan3A_660 : i32 to index
        %get3A_919 = arith.constant 400 : index
        %get3A_920 = tpu.vector_load %arg8[%get3A_917, %get3A_918, %get3A_919] {strides = array<i32>} : memref<2x32x768xf32, #tpu.memory_space<vmem>>, vector<1x1x16xf32>,
        %get3A_921 = vector.shape_cast %get3A_920 : vector<1x1x16xf32> to vector<16xf32>
        %mul3A_922 = arith.mulf %get3A_715, %get3A_921 : vector<16xf32>
        %add3A_923 = arith.addf %scan3A_686, %mul3A_922 : vector<16xf32>
        %get3A_924 = arith.constant 0 : i32
        %get3A_925 = arith.index_cast %get3A_924 : i32 to index
        %get3A_926 = arith.index_cast %scan3A_660 : i32 to index
        %get3A_927 = arith.constant 416 : index
        %get3A_928 = tpu.vector_load %arg8[%get3A_925, %get3A_926, %get3A_927] {strides = array<i32>} : memref<2x32x768xf32, #tpu.memory_space<vmem>>, vector<1x1x16xf32>,
        %get3A_929 = vector.shape_cast %get3A_928 : vector<1x1x16xf32> to vector<16xf32>
        %mul3A_930 = arith.mulf %get3A_715, %get3A_929 : vector<16xf32>
        %add3A_931 = arith.addf %scan3A_687, %mul3A_930 : vector<16xf32>
        %get3A_932 = arith.constant 0 : i32
        %get3A_933 = arith.index_cast %get3A_932 : i32 to index
        %get3A_934 = arith.index_cast %scan3A_660 : i32 to index
        %get3A_935 = arith.constant 432 : index
        %get3A_936 = tpu.vector_load %arg8[%get3A_933, %get3A_934, %get3A_935] {strides = array<i32>} : memref<2x32x768xf32, #tpu.memory_space<vmem>>, vector<1x1x16xf32>,
        %get3A_937 = vector.shape_cast %get3A_936 : vector<1x1x16xf32> to vector<16xf32>
        %mul3A_938 = arith.mulf %get3A_715, %get3A_937 : vector<16xf32>
        %add3A_939 = arith.addf %scan3A_688, %mul3A_938 : vector<16xf32>
        %get3A_940 = arith.constant 0 : i32
        %get3A_941 = arith.index_cast %get3A_940 : i32 to index
        %get3A_942 = arith.index_cast %scan3A_660 : i32 to index
        %get3A_943 = arith.constant 448 : index
        %get3A_944 = tpu.vector_load %arg8[%get3A_941, %get3A_942, %get3A_943] {strides = array<i32>} : memref<2x32x768xf32, #tpu.memory_space<vmem>>, vector<1x1x16xf32>,
        %get3A_945 = vector.shape_cast %get3A_944 : vector<1x1x16xf32> to vector<16xf32>
        %mul3A_946 = arith.mulf %get3A_715, %get3A_945 : vector<16xf32>
        %add3A_947 = arith.addf %scan3A_689, %mul3A_946 : vector<16xf32>
        %get3A_948 = arith.constant 0 : i32
        %get3A_949 = arith.index_cast %get3A_948 : i32 to index
        %get3A_950 = arith.index_cast %scan3A_660 : i32 to index
        %get3A_951 = arith.constant 464 : index
        %get3A_952 = tpu.vector_load %arg8[%get3A_949, %get3A_950, %get3A_951] {strides = array<i32>} : memref<2x32x768xf32, #tpu.memory_space<vmem>>, vector<1x1x16xf32>,
        %get3A_953 = vector.shape_cast %get3A_952 : vector<1x1x16xf32> to vector<16xf32>
        %mul3A_954 = arith.mulf %get3A_715, %get3A_953 : vector<16xf32>
        %add3A_955 = arith.addf %scan3A_690, %mul3A_954 : vector<16xf32>
        %get3A_956 = arith.constant 0 : i32
        %get3A_957 = arith.index_cast %get3A_956 : i32 to index
        %get3A_958 = arith.index_cast %scan3A_660 : i32 to index
        %get3A_959 = arith.constant 480 : index
        %get3A_960 = tpu.vector_load %arg8[%get3A_957, %get3A_958, %get3A_959] {strides = array<i32>} : memref<2x32x768xf32, #tpu.memory_space<vmem>>, vector<1x1x16xf32>,
        %get3A_961 = vector.shape_cast %get3A_960 : vector<1x1x16xf32> to vector<16xf32>
        %mul3A_962 = arith.mulf %get3A_715, %get3A_961 : vector<16xf32>
        %add3A_963 = arith.addf %scan3A_691, %mul3A_962 : vector<16xf32>
        %get3A_964 = arith.constant 0 : i32
        %get3A_965 = arith.index_cast %get3A_964 : i32 to index
        %get3A_966 = arith.index_cast %scan3A_660 : i32 to index
        %get3A_967 = arith.constant 496 : index
        %get3A_968 = tpu.vector_load %arg8[%get3A_965, %get3A_966, %get3A_967] {strides = array<i32>} : memref<2x32x768xf32, #tpu.memory_space<vmem>>, vector<1x1x16xf32>,
        %get3A_969 = vector.shape_cast %get3A_968 : vector<1x1x16xf32> to vector<16xf32>
        %mul3A_970 = arith.mulf %get3A_715, %get3A_969 : vector<16xf32>
        %add3A_971 = arith.addf %scan3A_692, %mul3A_970 : vector<16xf32>
        %get3A_972 = arith.constant 0 : i32
        %get3A_973 = arith.index_cast %get3A_972 : i32 to index
        %get3A_974 = arith.index_cast %scan3A_660 : i32 to index
        %get3A_975 = arith.constant 512 : index
        %get3A_976 = tpu.vector_load %arg8[%get3A_973, %get3A_974, %get3A_975] {strides = array<i32>} : memref<2x32x768xf32, #tpu.memory_space<vmem>>, vector<1x1x16xf32>,
        %get3A_977 = vector.shape_cast %get3A_976 : vector<1x1x16xf32> to vector<16xf32>
        %mul3A_978 = arith.mulf %get3A_715, %get3A_977 : vector<16xf32>
        %add3A_979 = arith.addf %scan3A_693, %mul3A_978 : vector<16xf32>
        %get3A_980 = arith.constant 0 : i32
        %get3A_981 = arith.index_cast %get3A_980 : i32 to index
        %get3A_982 = arith.index_cast %scan3A_660 : i32 to index
        %get3A_983 = arith.constant 528 : index
        %get3A_984 = tpu.vector_load %arg8[%get3A_981, %get3A_982, %get3A_983] {strides = array<i32>} : memref<2x32x768xf32, #tpu.memory_space<vmem>>, vector<1x1x16xf32>,
        %get3A_985 = vector.shape_cast %get3A_984 : vector<1x1x16xf32> to vector<16xf32>
        %mul3A_986 = arith.mulf %get3A_715, %get3A_985 : vector<16xf32>
        %add3A_987 = arith.addf %scan3A_694, %mul3A_986 : vector<16xf32>
        %get3A_988 = arith.constant 0 : i32
        %get3A_989 = arith.index_cast %get3A_988 : i32 to index
        %get3A_990 = arith.index_cast %scan3A_660 : i32 to index
        %get3A_991 = arith.constant 544 : index
        %get3A_992 = tpu.vector_load %arg8[%get3A_989, %get3A_990, %get3A_991] {strides = array<i32>} : memref<2x32x768xf32, #tpu.memory_space<vmem>>, vector<1x1x16xf32>,
        %get3A_993 = vector.shape_cast %get3A_992 : vector<1x1x16xf32> to vector<16xf32>
        %mul3A_994 = arith.mulf %get3A_715, %get3A_993 : vector<16xf32>
        %add3A_995 = arith.addf %scan3A_695, %mul3A_994 : vector<16xf32>
        %get3A_996 = arith.constant 0 : i32
        %get3A_997 = arith.index_cast %get3A_996 : i32 to index
        %get3A_998 = arith.index_cast %scan3A_660 : i32 to index
        %get3A_999 = arith.constant 560 : index
        %get3A_1000 = tpu.vector_load %arg8[%get3A_997, %get3A_998, %get3A_999] {strides = array<i32>} : memref<2x32x768xf32, #tpu.memory_space<vmem>>, vector<1x1x16xf32>,
        %get3A_1001 = vector.shape_cast %get3A_1000 : vector<1x1x16xf32> to vector<16xf32>
        %mul3A_1002 = arith.mulf %get3A_715, %get3A_1001 : vector<16xf32>
        %add3A_1003 = arith.addf %scan3A_696, %mul3A_1002 : vector<16xf32>
        %get3A_1004 = arith.constant 0 : i32
        %get3A_1005 = arith.index_cast %get3A_1004 : i32 to index
        %get3A_1006 = arith.index_cast %scan3A_660 : i32 to index
        %get3A_1007 = arith.constant 576 : index
        %get3A_1008 = tpu.vector_load %arg8[%get3A_1005, %get3A_1006, %get3A_1007] {strides = array<i32>} : memref<2x32x768xf32, #tpu.memory_space<vmem>>, vector<1x1x16xf32>,
        %get3A_1009 = vector.shape_cast %get3A_1008 : vector<1x1x16xf32> to vector<16xf32>
        %mul3A_1010 = arith.mulf %get3A_715, %get3A_1009 : vector<16xf32>
        %add3A_1011 = arith.addf %scan3A_697, %mul3A_1010 : vector<16xf32>
        %get3A_1012 = arith.constant 0 : i32
        %get3A_1013 = arith.index_cast %get3A_1012 : i32 to index
        %get3A_1014 = arith.index_cast %scan3A_660 : i32 to index
        %get3A_1015 = arith.constant 592 : index
        %get3A_1016 = tpu.vector_load %arg8[%get3A_1013, %get3A_1014, %get3A_1015] {strides = array<i32>} : memref<2x32x768xf32, #tpu.memory_space<vmem>>, vector<1x1x16xf32>,
        %get3A_1017 = vector.shape_cast %get3A_1016 : vector<1x1x16xf32> to vector<16xf32>
        %mul3A_1018 = arith.mulf %get3A_715, %get3A_1017 : vector<16xf32>
        %add3A_1019 = arith.addf %scan3A_698, %mul3A_1018 : vector<16xf32>
        %get3A_1020 = arith.constant 0 : i32
        %get3A_1021 = arith.index_cast %get3A_1020 : i32 to index
        %get3A_1022 = arith.index_cast %scan3A_660 : i32 to index
        %get3A_1023 = arith.constant 608 : index
        %get3A_1024 = tpu.vector_load %arg8[%get3A_1021, %get3A_1022, %get3A_1023] {strides = array<i32>} : memref<2x32x768xf32, #tpu.memory_space<vmem>>, vector<1x1x16xf32>,
        %get3A_1025 = vector.shape_cast %get3A_1024 : vector<1x1x16xf32> to vector<16xf32>
        %mul3A_1026 = arith.mulf %get3A_715, %get3A_1025 : vector<16xf32>
        %add3A_1027 = arith.addf %scan3A_699, %mul3A_1026 : vector<16xf32>
        %get3A_1028 = arith.constant 0 : i32
        %get3A_1029 = arith.index_cast %get3A_1028 : i32 to index
        %get3A_1030 = arith.index_cast %scan3A_660 : i32 to index
        %get3A_1031 = arith.constant 624 : index
        %get3A_1032 = tpu.vector_load %arg8[%get3A_1029, %get3A_1030, %get3A_1031] {strides = array<i32>} : memref<2x32x768xf32, #tpu.memory_space<vmem>>, vector<1x1x16xf32>,
        %get3A_1033 = vector.shape_cast %get3A_1032 : vector<1x1x16xf32> to vector<16xf32>
        %mul3A_1034 = arith.mulf %get3A_715, %get3A_1033 : vector<16xf32>
        %add3A_1035 = arith.addf %scan3A_700, %mul3A_1034 : vector<16xf32>
        %get3A_1036 = arith.constant 0 : i32
        %get3A_1037 = arith.index_cast %get3A_1036 : i32 to index
        %get3A_1038 = arith.index_cast %scan3A_660 : i32 to index
        %get3A_1039 = arith.constant 640 : index
        %get3A_1040 = tpu.vector_load %arg8[%get3A_1037, %get3A_1038, %get3A_1039] {strides = array<i32>} : memref<2x32x768xf32, #tpu.memory_space<vmem>>, vector<1x1x16xf32>,
        %get3A_1041 = vector.shape_cast %get3A_1040 : vector<1x1x16xf32> to vector<16xf32>
        %mul3A_1042 = arith.mulf %get3A_715, %get3A_1041 : vector<16xf32>
        %add3A_1043 = arith.addf %scan3A_701, %mul3A_1042 : vector<16xf32>
        %get3A_1044 = arith.constant 0 : i32
        %get3A_1045 = arith.index_cast %get3A_1044 : i32 to index
        %get3A_1046 = arith.index_cast %scan3A_660 : i32 to index
        %get3A_1047 = arith.constant 656 : index
        %get3A_1048 = tpu.vector_load %arg8[%get3A_1045, %get3A_1046, %get3A_1047] {strides = array<i32>} : memref<2x32x768xf32, #tpu.memory_space<vmem>>, vector<1x1x16xf32>,
        %get3A_1049 = vector.shape_cast %get3A_1048 : vector<1x1x16xf32> to vector<16xf32>
        %mul3A_1050 = arith.mulf %get3A_715, %get3A_1049 : vector<16xf32>
        %add3A_1051 = arith.addf %scan3A_702, %mul3A_1050 : vector<16xf32>
        %get3A_1052 = arith.constant 0 : i32
        %get3A_1053 = arith.index_cast %get3A_1052 : i32 to index
        %get3A_1054 = arith.index_cast %scan3A_660 : i32 to index
        %get3A_1055 = arith.constant 672 : index
        %get3A_1056 = tpu.vector_load %arg8[%get3A_1053, %get3A_1054, %get3A_1055] {strides = array<i32>} : memref<2x32x768xf32, #tpu.memory_space<vmem>>, vector<1x1x16xf32>,
        %get3A_1057 = vector.shape_cast %get3A_1056 : vector<1x1x16xf32> to vector<16xf32>
        %mul3A_1058 = arith.mulf %get3A_715, %get3A_1057 : vector<16xf32>
        %add3A_1059 = arith.addf %scan3A_703, %mul3A_1058 : vector<16xf32>
        %get3A_1060 = arith.constant 0 : i32
        %get3A_1061 = arith.index_cast %get3A_1060 : i32 to index
        %get3A_1062 = arith.index_cast %scan3A_660 : i32 to index
        %get3A_1063 = arith.constant 688 : index
        %get3A_1064 = tpu.vector_load %arg8[%get3A_1061, %get3A_1062, %get3A_1063] {strides = array<i32>} : memref<2x32x768xf32, #tpu.memory_space<vmem>>, vector<1x1x16xf32>,
        %get3A_1065 = vector.shape_cast %get3A_1064 : vector<1x1x16xf32> to vector<16xf32>
        %mul3A_1066 = arith.mulf %get3A_715, %get3A_1065 : vector<16xf32>
        %add3A_1067 = arith.addf %scan3A_704, %mul3A_1066 : vector<16xf32>
        %get3A_1068 = arith.constant 0 : i32
        %get3A_1069 = arith.index_cast %get3A_1068 : i32 to index
        %get3A_1070 = arith.index_cast %scan3A_660 : i32 to index
        %get3A_1071 = arith.constant 704 : index
        %get3A_1072 = tpu.vector_load %arg8[%get3A_1069, %get3A_1070, %get3A_1071] {strides = array<i32>} : memref<2x32x768xf32, #tpu.memory_space<vmem>>, vector<1x1x16xf32>,
        %get3A_1073 = vector.shape_cast %get3A_1072 : vector<1x1x16xf32> to vector<16xf32>
        %mul3A_1074 = arith.mulf %get3A_715, %get3A_1073 : vector<16xf32>
        %add3A_1075 = arith.addf %scan3A_705, %mul3A_1074 : vector<16xf32>
        %get3A_1076 = arith.constant 0 : i32
        %get3A_1077 = arith.index_cast %get3A_1076 : i32 to index
        %get3A_1078 = arith.index_cast %scan3A_660 : i32 to index
        %get3A_1079 = arith.constant 720 : index
        %get3A_1080 = tpu.vector_load %arg8[%get3A_1077, %get3A_1078, %get3A_1079] {strides = array<i32>} : memref<2x32x768xf32, #tpu.memory_space<vmem>>, vector<1x1x16xf32>,
        %get3A_1081 = vector.shape_cast %get3A_1080 : vector<1x1x16xf32> to vector<16xf32>
        %mul3A_1082 = arith.mulf %get3A_715, %get3A_1081 : vector<16xf32>
        %add3A_1083 = arith.addf %scan3A_706, %mul3A_1082 : vector<16xf32>
        %get3A_1084 = arith.constant 0 : i32
        %get3A_1085 = arith.index_cast %get3A_1084 : i32 to index
        %get3A_1086 = arith.index_cast %scan3A_660 : i32 to index
        %get3A_1087 = arith.constant 736 : index
        %get3A_1088 = tpu.vector_load %arg8[%get3A_1085, %get3A_1086, %get3A_1087] {strides = array<i32>} : memref<2x32x768xf32, #tpu.memory_space<vmem>>, vector<1x1x16xf32>,
        %get3A_1089 = vector.shape_cast %get3A_1088 : vector<1x1x16xf32> to vector<16xf32>
        %mul3A_1090 = arith.mulf %get3A_715, %get3A_1089 : vector<16xf32>
        %add3A_1091 = arith.addf %scan3A_707, %mul3A_1090 : vector<16xf32>
        %get3A_1092 = arith.constant 0 : i32
        %get3A_1093 = arith.index_cast %get3A_1092 : i32 to index
        %get3A_1094 = arith.index_cast %scan3A_660 : i32 to index
        %get3A_1095 = arith.constant 752 : index
        %get3A_1096 = tpu.vector_load %arg8[%get3A_1093, %get3A_1094, %get3A_1095] {strides = array<i32>} : memref<2x32x768xf32, #tpu.memory_space<vmem>>, vector<1x1x16xf32>,
        %get3A_1097 = vector.shape_cast %get3A_1096 : vector<1x1x16xf32> to vector<16xf32>
        %mul3A_1098 = arith.mulf %get3A_715, %get3A_1097 : vector<16xf32>
        %add3A_1099 = arith.addf %scan3A_708, %mul3A_1098 : vector<16xf32>
        scf.yield %add3A_723, %add3A_731, %add3A_739, %add3A_747, %add3A_755, %add3A_763, %add3A_771, %add3A_779, %add3A_787, %add3A_795, %add3A_803, %add3A_811, %add3A_819, %add3A_827, %add3A_835, %add3A_843, %add3A_851, %add3A_859, %add3A_867, %add3A_875, %add3A_883, %add3A_891, %add3A_899, %add3A_907, %add3A_915, %add3A_923, %add3A_931, %add3A_939, %add3A_947, %add3A_955, %add3A_963, %add3A_971, %add3A_979, %add3A_987, %add3A_995, %add3A_1003, %add3A_1011, %add3A_1019, %add3A_1027, %add3A_1035, %add3A_1043, %add3A_1051, %add3A_1059, %add3A_1067, %add3A_1075, %add3A_1083, %add3A_1091, %add3A_1099 : vector<16xf32>, vector<16xf32>, vector<16xf32>, vector<16xf32>, vector<16xf32>, vector<16xf32>, vector<16xf32>, vector<16xf32>, vector<16xf32>, vector<16xf32>, vector<16xf32>, vector<16xf32>, vector<16xf32>, vector<16xf32>, vector<16xf32>, vector<16xf32>, vector<16xf32>, vector<16xf32>, vector<16xf32>, vector<16xf32>, vector<16xf32>, vector<16xf32>, vector<16xf32>, vector<16xf32>, vector<16xf32>, vector<16xf32>, vector<16xf32>, vector<16xf32>, vector<16xf32>, vector<16xf32>, vector<16xf32>, vector<16xf32>, vector<16xf32>, vector<16xf32>, vector<16xf32>, vector<16xf32>, vector<16xf32>, vector<16xf32>, vector<16xf32>, vector<16xf32>, vector<16xf32>, vector<16xf32>, vector<16xf32>, vector<16xf32>, vector<16xf32>, vector<16xf32>, vector<16xf32>, vector<16xf32>
      }
      %scan3A_148 = arith.constant 32 : i32
      %swap3A = arith.constant 0 : index
      %swap3A_149 = tpu.vector_load %arg9[%swap3A] {strides = array<i32>} : memref<768xf32, #tpu.memory_space<vmem>>, vector<16xf32>,
      %swap3A_150 = vector.shape_cast %swap3A_149 : vector<16xf32> to vector<16xf32>
      %swap3A_151 = vector.shape_cast %scan3A_147#0 : vector<16xf32> to vector<16xf32>
      tpu.vector_store %arg9[%swap3A], %swap3A_151 {strides = array<i32>} : memref<768xf32, #tpu.memory_space<vmem>>, vector<16xf32>,
      %swap3A_152 = arith.constant 16 : index
      %swap3A_153 = tpu.vector_load %arg9[%swap3A_152] {strides = array<i32>} : memref<768xf32, #tpu.memory_space<vmem>>, vector<16xf32>,
      %swap3A_154 = vector.shape_cast %swap3A_153 : vector<16xf32> to vector<16xf32>
      %swap3A_155 = vector.shape_cast %scan3A_147#1 : vector<16xf32> to vector<16xf32>
      tpu.vector_store %arg9[%swap3A_152], %swap3A_155 {strides = array<i32>} : memref<768xf32, #tpu.memory_space<vmem>>, vector<16xf32>,
      %swap3A_156 = arith.constant 32 : index
      %swap3A_157 = tpu.vector_load %arg9[%swap3A_156] {strides = array<i32>} : memref<768xf32, #tpu.memory_space<vmem>>, vector<16xf32>,
      %swap3A_158 = vector.shape_cast %swap3A_157 : vector<16xf32> to vector<16xf32>
      %swap3A_159 = vector.shape_cast %scan3A_147#2 : vector<16xf32> to vector<16xf32>
      tpu.vector_store %arg9[%swap3A_156], %swap3A_159 {strides = array<i32>} : memref<768xf32, #tpu.memory_space<vmem>>, vector<16xf32>,
      %swap3A_160 = arith.constant 48 : index
      %swap3A_161 = tpu.vector_load %arg9[%swap3A_160] {strides = array<i32>} : memref<768xf32, #tpu.memory_space<vmem>>, vector<16xf32>,
      %swap3A_162 = vector.shape_cast %swap3A_161 : vector<16xf32> to vector<16xf32>
      %swap3A_163 = vector.shape_cast %scan3A_147#3 : vector<16xf32> to vector<16xf32>
      tpu.vector_store %arg9[%swap3A_160], %swap3A_163 {strides = array<i32>} : memref<768xf32, #tpu.memory_space<vmem>>, vector<16xf32>,
      %swap3A_164 = arith.constant 64 : index
      %swap3A_165 = tpu.vector_load %arg9[%swap3A_164] {strides = array<i32>} : memref<768xf32, #tpu.memory_space<vmem>>, vector<16xf32>,
      %swap3A_166 = vector.shape_cast %swap3A_165 : vector<16xf32> to vector<16xf32>
      %swap3A_167 = vector.shape_cast %scan3A_147#4 : vector<16xf32> to vector<16xf32>
      tpu.vector_store %arg9[%swap3A_164], %swap3A_167 {strides = array<i32>} : memref<768xf32, #tpu.memory_space<vmem>>, vector<16xf32>,
      %swap3A_168 = arith.constant 80 : index
      %swap3A_169 = tpu.vector_load %arg9[%swap3A_168] {strides = array<i32>} : memref<768xf32, #tpu.memory_space<vmem>>, vector<16xf32>,
      %swap3A_170 = vector.shape_cast %swap3A_169 : vector<16xf32> to vector<16xf32>
      %swap3A_171 = vector.shape_cast %scan3A_147#5 : vector<16xf32> to vector<16xf32>
      tpu.vector_store %arg9[%swap3A_168], %swap3A_171 {strides = array<i32>} : memref<768xf32, #tpu.memory_space<vmem>>, vector<16xf32>,
      %swap3A_172 = arith.constant 96 : index
      %swap3A_173 = tpu.vector_load %arg9[%swap3A_172] {strides = array<i32>} : memref<768xf32, #tpu.memory_space<vmem>>, vector<16xf32>,
      %swap3A_174 = vector.shape_cast %swap3A_173 : vector<16xf32> to vector<16xf32>
      %swap3A_175 = vector.shape_cast %scan3A_147#6 : vector<16xf32> to vector<16xf32>
      tpu.vector_store %arg9[%swap3A_172], %swap3A_175 {strides = array<i32>} : memref<768xf32, #tpu.memory_space<vmem>>, vector<16xf32>,
      %swap3A_176 = arith.constant 112 : index
      %swap3A_177 = tpu.vector_load %arg9[%swap3A_176] {strides = array<i32>} : memref<768xf32, #tpu.memory_space<vmem>>, vector<16xf32>,
      %swap3A_178 = vector.shape_cast %swap3A_177 : vector<16xf32> to vector<16xf32>
      %swap3A_179 = vector.shape_cast %scan3A_147#7 : vector<16xf32> to vector<16xf32>
      tpu.vector_store %arg9[%swap3A_176], %swap3A_179 {strides = array<i32>} : memref<768xf32, #tpu.memory_space<vmem>>, vector<16xf32>,
      %swap3A_180 = arith.constant 128 : index
      %swap3A_181 = tpu.vector_load %arg9[%swap3A_180] {strides = array<i32>} : memref<768xf32, #tpu.memory_space<vmem>>, vector<16xf32>,
      %swap3A_182 = vector.shape_cast %swap3A_181 : vector<16xf32> to vector<16xf32>
      %swap3A_183 = vector.shape_cast %scan3A_147#8 : vector<16xf32> to vector<16xf32>
      tpu.vector_store %arg9[%swap3A_180], %swap3A_183 {strides = array<i32>} : memref<768xf32, #tpu.memory_space<vmem>>, vector<16xf32>,
      %swap3A_184 = arith.constant 144 : index
      %swap3A_185 = tpu.vector_load %arg9[%swap3A_184] {strides = array<i32>} : memref<768xf32, #tpu.memory_space<vmem>>, vector<16xf32>,
      %swap3A_186 = vector.shape_cast %swap3A_185 : vector<16xf32> to vector<16xf32>
      %swap3A_187 = vector.shape_cast %scan3A_147#9 : vector<16xf32> to vector<16xf32>
      tpu.vector_store %arg9[%swap3A_184], %swap3A_187 {strides = array<i32>} : memref<768xf32, #tpu.memory_space<vmem>>, vector<16xf32>,
      %swap3A_188 = arith.constant 160 : index
      %swap3A_189 = tpu.vector_load %arg9[%swap3A_188] {strides = array<i32>} : memref<768xf32, #tpu.memory_space<vmem>>, vector<16xf32>,
      %swap3A_190 = vector.shape_cast %swap3A_189 : vector<16xf32> to vector<16xf32>
      %swap3A_191 = vector.shape_cast %scan3A_147#10 : vector<16xf32> to vector<16xf32>
      tpu.vector_store %arg9[%swap3A_188], %swap3A_191 {strides = array<i32>} : memref<768xf32, #tpu.memory_space<vmem>>, vector<16xf32>,
      %swap3A_192 = arith.constant 176 : index
      %swap3A_193 = tpu.vector_load %arg9[%swap3A_192] {strides = array<i32>} : memref<768xf32, #tpu.memory_space<vmem>>, vector<16xf32>,
      %swap3A_194 = vector.shape_cast %swap3A_193 : vector<16xf32> to vector<16xf32>
      %swap3A_195 = vector.shape_cast %scan3A_147#11 : vector<16xf32> to vector<16xf32>
      tpu.vector_store %arg9[%swap3A_192], %swap3A_195 {strides = array<i32>} : memref<768xf32, #tpu.memory_space<vmem>>, vector<16xf32>,
      %swap3A_196 = arith.constant 192 : index
      %swap3A_197 = tpu.vector_load %arg9[%swap3A_196] {strides = array<i32>} : memref<768xf32, #tpu.memory_space<vmem>>, vector<16xf32>,
      %swap3A_198 = vector.shape_cast %swap3A_197 : vector<16xf32> to vector<16xf32>
      %swap3A_199 = vector.shape_cast %scan3A_147#12 : vector<16xf32> to vector<16xf32>
      tpu.vector_store %arg9[%swap3A_196], %swap3A_199 {strides = array<i32>} : memref<768xf32, #tpu.memory_space<vmem>>, vector<16xf32>,
      %swap3A_200 = arith.constant 208 : index
      %swap3A_201 = tpu.vector_load %arg9[%swap3A_200] {strides = array<i32>} : memref<768xf32, #tpu.memory_space<vmem>>, vector<16xf32>,
      %swap3A_202 = vector.shape_cast %swap3A_201 : vector<16xf32> to vector<16xf32>
      %swap3A_203 = vector.shape_cast %scan3A_147#13 : vector<16xf32> to vector<16xf32>
      tpu.vector_store %arg9[%swap3A_200], %swap3A_203 {strides = array<i32>} : memref<768xf32, #tpu.memory_space<vmem>>, vector<16xf32>,
      %swap3A_204 = arith.constant 224 : index
      %swap3A_205 = tpu.vector_load %arg9[%swap3A_204] {strides = array<i32>} : memref<768xf32, #tpu.memory_space<vmem>>, vector<16xf32>,
      %swap3A_206 = vector.shape_cast %swap3A_205 : vector<16xf32> to vector<16xf32>
      %swap3A_207 = vector.shape_cast %scan3A_147#14 : vector<16xf32> to vector<16xf32>
      tpu.vector_store %arg9[%swap3A_204], %swap3A_207 {strides = array<i32>} : memref<768xf32, #tpu.memory_space<vmem>>, vector<16xf32>,
      %swap3A_208 = arith.constant 240 : index
      %swap3A_209 = tpu.vector_load %arg9[%swap3A_208] {strides = array<i32>} : memref<768xf32, #tpu.memory_space<vmem>>, vector<16xf32>,
      %swap3A_210 = vector.shape_cast %swap3A_209 : vector<16xf32> to vector<16xf32>
      %swap3A_211 = vector.shape_cast %scan3A_147#15 : vector<16xf32> to vector<16xf32>
      tpu.vector_store %arg9[%swap3A_208], %swap3A_211 {strides = array<i32>} : memref<768xf32, #tpu.memory_space<vmem>>, vector<16xf32>,
      %swap3A_212 = arith.constant 256 : index
      %swap3A_213 = tpu.vector_load %arg9[%swap3A_212] {strides = array<i32>} : memref<768xf32, #tpu.memory_space<vmem>>, vector<16xf32>,
      %swap3A_214 = vector.shape_cast %swap3A_213 : vector<16xf32> to vector<16xf32>
      %swap3A_215 = vector.shape_cast %scan3A_147#16 : vector<16xf32> to vector<16xf32>
      tpu.vector_store %arg9[%swap3A_212], %swap3A_215 {strides = array<i32>} : memref<768xf32, #tpu.memory_space<vmem>>, vector<16xf32>,
      %swap3A_216 = arith.constant 272 : index
      %swap3A_217 = tpu.vector_load %arg9[%swap3A_216] {strides = array<i32>} : memref<768xf32, #tpu.memory_space<vmem>>, vector<16xf32>,
      %swap3A_218 = vector.shape_cast %swap3A_217 : vector<16xf32> to vector<16xf32>
      %swap3A_219 = vector.shape_cast %scan3A_147#17 : vector<16xf32> to vector<16xf32>
      tpu.vector_store %arg9[%swap3A_216], %swap3A_219 {strides = array<i32>} : memref<768xf32, #tpu.memory_space<vmem>>, vector<16xf32>,
      %swap3A_220 = arith.constant 288 : index
      %swap3A_221 = tpu.vector_load %arg9[%swap3A_220] {strides = array<i32>} : memref<768xf32, #tpu.memory_space<vmem>>, vector<16xf32>,
      %swap3A_222 = vector.shape_cast %swap3A_221 : vector<16xf32> to vector<16xf32>
      %swap3A_223 = vector.shape_cast %scan3A_147#18 : vector<16xf32> to vector<16xf32>
      tpu.vector_store %arg9[%swap3A_220], %swap3A_223 {strides = array<i32>} : memref<768xf32, #tpu.memory_space<vmem>>, vector<16xf32>,
      %swap3A_224 = arith.constant 304 : index
      %swap3A_225 = tpu.vector_load %arg9[%swap3A_224] {strides = array<i32>} : memref<768xf32, #tpu.memory_space<vmem>>, vector<16xf32>,
      %swap3A_226 = vector.shape_cast %swap3A_225 : vector<16xf32> to vector<16xf32>
      %swap3A_227 = vector.shape_cast %scan3A_147#19 : vector<16xf32> to vector<16xf32>
      tpu.vector_store %arg9[%swap3A_224], %swap3A_227 {strides = array<i32>} : memref<768xf32, #tpu.memory_space<vmem>>, vector<16xf32>,
      %swap3A_228 = arith.constant 320 : index
      %swap3A_229 = tpu.vector_load %arg9[%swap3A_228] {strides = array<i32>} : memref<768xf32, #tpu.memory_space<vmem>>, vector<16xf32>,
      %swap3A_230 = vector.shape_cast %swap3A_229 : vector<16xf32> to vector<16xf32>
      %swap3A_231 = vector.shape_cast %scan3A_147#20 : vector<16xf32> to vector<16xf32>
      tpu.vector_store %arg9[%swap3A_228], %swap3A_231 {strides = array<i32>} : memref<768xf32, #tpu.memory_space<vmem>>, vector<16xf32>,
      %swap3A_232 = arith.constant 336 : index
      %swap3A_233 = tpu.vector_load %arg9[%swap3A_232] {strides = array<i32>} : memref<768xf32, #tpu.memory_space<vmem>>, vector<16xf32>,
      %swap3A_234 = vector.shape_cast %swap3A_233 : vector<16xf32> to vector<16xf32>
      %swap3A_235 = vector.shape_cast %scan3A_147#21 : vector<16xf32> to vector<16xf32>
      tpu.vector_store %arg9[%swap3A_232], %swap3A_235 {strides = array<i32>} : memref<768xf32, #tpu.memory_space<vmem>>, vector<16xf32>,
      %swap3A_236 = arith.constant 352 : index
      %swap3A_237 = tpu.vector_load %arg9[%swap3A_236] {strides = array<i32>} : memref<768xf32, #tpu.memory_space<vmem>>, vector<16xf32>,
      %swap3A_238 = vector.shape_cast %swap3A_237 : vector<16xf32> to vector<16xf32>
      %swap3A_239 = vector.shape_cast %scan3A_147#22 : vector<16xf32> to vector<16xf32>
      tpu.vector_store %arg9[%swap3A_236], %swap3A_239 {strides = array<i32>} : memref<768xf32, #tpu.memory_space<vmem>>, vector<16xf32>,
      %swap3A_240 = arith.constant 368 : index
      %swap3A_241 = tpu.vector_load %arg9[%swap3A_240] {strides = array<i32>} : memref<768xf32, #tpu.memory_space<vmem>>, vector<16xf32>,
      %swap3A_242 = vector.shape_cast %swap3A_241 : vector<16xf32> to vector<16xf32>
      %swap3A_243 = vector.shape_cast %scan3A_147#23 : vector<16xf32> to vector<16xf32>
      tpu.vector_store %arg9[%swap3A_240], %swap3A_243 {strides = array<i32>} : memref<768xf32, #tpu.memory_space<vmem>>, vector<16xf32>,
      %swap3A_244 = arith.constant 384 : index
      %swap3A_245 = tpu.vector_load %arg9[%swap3A_244] {strides = array<i32>} : memref<768xf32, #tpu.memory_space<vmem>>, vector<16xf32>,
      %swap3A_246 = vector.shape_cast %swap3A_245 : vector<16xf32> to vector<16xf32>
      %swap3A_247 = vector.shape_cast %scan3A_147#24 : vector<16xf32> to vector<16xf32>
      tpu.vector_store %arg9[%swap3A_244], %swap3A_247 {strides = array<i32>} : memref<768xf32, #tpu.memory_space<vmem>>, vector<16xf32>,
      %swap3A_248 = arith.constant 400 : index
      %swap3A_249 = tpu.vector_load %arg9[%swap3A_248] {strides = array<i32>} : memref<768xf32, #tpu.memory_space<vmem>>, vector<16xf32>,
      %swap3A_250 = vector.shape_cast %swap3A_249 : vector<16xf32> to vector<16xf32>
      %swap3A_251 = vector.shape_cast %scan3A_147#25 : vector<16xf32> to vector<16xf32>
      tpu.vector_store %arg9[%swap3A_248], %swap3A_251 {strides = array<i32>} : memref<768xf32, #tpu.memory_space<vmem>>, vector<16xf32>,
      %swap3A_252 = arith.constant 416 : index
      %swap3A_253 = tpu.vector_load %arg9[%swap3A_252] {strides = array<i32>} : memref<768xf32, #tpu.memory_space<vmem>>, vector<16xf32>,
      %swap3A_254 = vector.shape_cast %swap3A_253 : vector<16xf32> to vector<16xf32>
      %swap3A_255 = vector.shape_cast %scan3A_147#26 : vector<16xf32> to vector<16xf32>
      tpu.vector_store %arg9[%swap3A_252], %swap3A_255 {strides = array<i32>} : memref<768xf32, #tpu.memory_space<vmem>>, vector<16xf32>,
      %swap3A_256 = arith.constant 432 : index
      %swap3A_257 = tpu.vector_load %arg9[%swap3A_256] {strides = array<i32>} : memref<768xf32, #tpu.memory_space<vmem>>, vector<16xf32>,
      %swap3A_258 = vector.shape_cast %swap3A_257 : vector<16xf32> to vector<16xf32>
      %swap3A_259 = vector.shape_cast %scan3A_147#27 : vector<16xf32> to vector<16xf32>
      tpu.vector_store %arg9[%swap3A_256], %swap3A_259 {strides = array<i32>} : memref<768xf32, #tpu.memory_space<vmem>>, vector<16xf32>,
      %swap3A_260 = arith.constant 448 : index
      %swap3A_261 = tpu.vector_load %arg9[%swap3A_260] {strides = array<i32>} : memref<768xf32, #tpu.memory_space<vmem>>, vector<16xf32>,
      %swap3A_262 = vector.shape_cast %swap3A_261 : vector<16xf32> to vector<16xf32>
      %swap3A_263 = vector.shape_cast %scan3A_147#28 : vector<16xf32> to vector<16xf32>
      tpu.vector_store %arg9[%swap3A_260], %swap3A_263 {strides = array<i32>} : memref<768xf32, #tpu.memory_space<vmem>>, vector<16xf32>,
      %swap3A_264 = arith.constant 464 : index
      %swap3A_265 = tpu.vector_load %arg9[%swap3A_264] {strides = array<i32>} : memref<768xf32, #tpu.memory_space<vmem>>, vector<16xf32>,
      %swap3A_266 = vector.shape_cast %swap3A_265 : vector<16xf32> to vector<16xf32>
      %swap3A_267 = vector.shape_cast %scan3A_147#29 : vector<16xf32> to vector<16xf32>
      tpu.vector_store %arg9[%swap3A_264], %swap3A_267 {strides = array<i32>} : memref<768xf32, #tpu.memory_space<vmem>>, vector<16xf32>,
      %swap3A_268 = arith.constant 480 : index
      %swap3A_269 = tpu.vector_load %arg9[%swap3A_268] {strides = array<i32>} : memref<768xf32, #tpu.memory_space<vmem>>, vector<16xf32>,
      %swap3A_270 = vector.shape_cast %swap3A_269 : vector<16xf32> to vector<16xf32>
      %swap3A_271 = vector.shape_cast %scan3A_147#30 : vector<16xf32> to vector<16xf32>
      tpu.vector_store %arg9[%swap3A_268], %swap3A_271 {strides = array<i32>} : memref<768xf32, #tpu.memory_space<vmem>>, vector<16xf32>,
      %swap3A_272 = arith.constant 496 : index
      %swap3A_273 = tpu.vector_load %arg9[%swap3A_272] {strides = array<i32>} : memref<768xf32, #tpu.memory_space<vmem>>, vector<16xf32>,
      %swap3A_274 = vector.shape_cast %swap3A_273 : vector<16xf32> to vector<16xf32>
      %swap3A_275 = vector.shape_cast %scan3A_147#31 : vector<16xf32> to vector<16xf32>
      tpu.vector_store %arg9[%swap3A_272], %swap3A_275 {strides = array<i32>} : memref<768xf32, #tpu.memory_space<vmem>>, vector<16xf32>,
      %swap3A_276 = arith.constant 512 : index
      %swap3A_277 = tpu.vector_load %arg9[%swap3A_276] {strides = array<i32>} : memref<768xf32, #tpu.memory_space<vmem>>, vector<16xf32>,
      %swap3A_278 = vector.shape_cast %swap3A_277 : vector<16xf32> to vector<16xf32>
      %swap3A_279 = vector.shape_cast %scan3A_147#32 : vector<16xf32> to vector<16xf32>
      tpu.vector_store %arg9[%swap3A_276], %swap3A_279 {strides = array<i32>} : memref<768xf32, #tpu.memory_space<vmem>>, vector<16xf32>,
      %swap3A_280 = arith.constant 528 : index
      %swap3A_281 = tpu.vector_load %arg9[%swap3A_280] {strides = array<i32>} : memref<768xf32, #tpu.memory_space<vmem>>, vector<16xf32>,
      %swap3A_282 = vector.shape_cast %swap3A_281 : vector<16xf32> to vector<16xf32>
      %swap3A_283 = vector.shape_cast %scan3A_147#33 : vector<16xf32> to vector<16xf32>
      tpu.vector_store %arg9[%swap3A_280], %swap3A_283 {strides = array<i32>} : memref<768xf32, #tpu.memory_space<vmem>>, vector<16xf32>,
      %swap3A_284 = arith.constant 544 : index
      %swap3A_285 = tpu.vector_load %arg9[%swap3A_284] {strides = array<i32>} : memref<768xf32, #tpu.memory_space<vmem>>, vector<16xf32>,
      %swap3A_286 = vector.shape_cast %swap3A_285 : vector<16xf32> to vector<16xf32>
      %swap3A_287 = vector.shape_cast %scan3A_147#34 : vector<16xf32> to vector<16xf32>
      tpu.vector_store %arg9[%swap3A_284], %swap3A_287 {strides = array<i32>} : memref<768xf32, #tpu.memory_space<vmem>>, vector<16xf32>,
      %swap3A_288 = arith.constant 560 : index
      %swap3A_289 = tpu.vector_load %arg9[%swap3A_288] {strides = array<i32>} : memref<768xf32, #tpu.memory_space<vmem>>, vector<16xf32>,
      %swap3A_290 = vector.shape_cast %swap3A_289 : vector<16xf32> to vector<16xf32>
      %swap3A_291 = vector.shape_cast %scan3A_147#35 : vector<16xf32> to vector<16xf32>
      tpu.vector_store %arg9[%swap3A_288], %swap3A_291 {strides = array<i32>} : memref<768xf32, #tpu.memory_space<vmem>>, vector<16xf32>,
      %swap3A_292 = arith.constant 576 : index
      %swap3A_293 = tpu.vector_load %arg9[%swap3A_292] {strides = array<i32>} : memref<768xf32, #tpu.memory_space<vmem>>, vector<16xf32>,
      %swap3A_294 = vector.shape_cast %swap3A_293 : vector<16xf32> to vector<16xf32>
      %swap3A_295 = vector.shape_cast %scan3A_147#36 : vector<16xf32> to vector<16xf32>
      tpu.vector_store %arg9[%swap3A_292], %swap3A_295 {strides = array<i32>} : memref<768xf32, #tpu.memory_space<vmem>>, vector<16xf32>,
      %swap3A_296 = arith.constant 592 : index
      %swap3A_297 = tpu.vector_load %arg9[%swap3A_296] {strides = array<i32>} : memref<768xf32, #tpu.memory_space<vmem>>, vector<16xf32>,
      %swap3A_298 = vector.shape_cast %swap3A_297 : vector<16xf32> to vector<16xf32>
      %swap3A_299 = vector.shape_cast %scan3A_147#37 : vector<16xf32> to vector<16xf32>
      tpu.vector_store %arg9[%swap3A_296], %swap3A_299 {strides = array<i32>} : memref<768xf32, #tpu.memory_space<vmem>>, vector<16xf32>,
      %swap3A_300 = arith.constant 608 : index
      %swap3A_301 = tpu.vector_load %arg9[%swap3A_300] {strides = array<i32>} : memref<768xf32, #tpu.memory_space<vmem>>, vector<16xf32>,
      %swap3A_302 = vector.shape_cast %swap3A_301 : vector<16xf32> to vector<16xf32>
      %swap3A_303 = vector.shape_cast %scan3A_147#38 : vector<16xf32> to vector<16xf32>
      tpu.vector_store %arg9[%swap3A_300], %swap3A_303 {strides = array<i32>} : memref<768xf32, #tpu.memory_space<vmem>>, vector<16xf32>,
      %swap3A_304 = arith.constant 624 : index
      %swap3A_305 = tpu.vector_load %arg9[%swap3A_304] {strides = array<i32>} : memref<768xf32, #tpu.memory_space<vmem>>, vector<16xf32>,
      %swap3A_306 = vector.shape_cast %swap3A_305 : vector<16xf32> to vector<16xf32>
      %swap3A_307 = vector.shape_cast %scan3A_147#39 : vector<16xf32> to vector<16xf32>
      tpu.vector_store %arg9[%swap3A_304], %swap3A_307 {strides = array<i32>} : memref<768xf32, #tpu.memory_space<vmem>>, vector<16xf32>,
      %swap3A_308 = arith.constant 640 : index
      %swap3A_309 = tpu.vector_load %arg9[%swap3A_308] {strides = array<i32>} : memref<768xf32, #tpu.memory_space<vmem>>, vector<16xf32>,
      %swap3A_310 = vector.shape_cast %swap3A_309 : vector<16xf32> to vector<16xf32>
      %swap3A_311 = vector.shape_cast %scan3A_147#40 : vector<16xf32> to vector<16xf32>
      tpu.vector_store %arg9[%swap3A_308], %swap3A_311 {strides = array<i32>} : memref<768xf32, #tpu.memory_space<vmem>>, vector<16xf32>,
      %swap3A_312 = arith.constant 656 : index
      %swap3A_313 = tpu.vector_load %arg9[%swap3A_312] {strides = array<i32>} : memref<768xf32, #tpu.memory_space<vmem>>, vector<16xf32>,
      %swap3A_314 = vector.shape_cast %swap3A_313 : vector<16xf32> to vector<16xf32>
      %swap3A_315 = vector.shape_cast %scan3A_147#41 : vector<16xf32> to vector<16xf32>
      tpu.vector_store %arg9[%swap3A_312], %swap3A_315 {strides = array<i32>} : memref<768xf32, #tpu.memory_space<vmem>>, vector<16xf32>,
      %swap3A_316 = arith.constant 672 : index
      %swap3A_317 = tpu.vector_load %arg9[%swap3A_316] {strides = array<i32>} : memref<768xf32, #tpu.memory_space<vmem>>, vector<16xf32>,
      %swap3A_318 = vector.shape_cast %swap3A_317 : vector<16xf32> to vector<16xf32>
      %swap3A_319 = vector.shape_cast %scan3A_147#42 : vector<16xf32> to vector<16xf32>
      tpu.vector_store %arg9[%swap3A_316], %swap3A_319 {strides = array<i32>} : memref<768xf32, #tpu.memory_space<vmem>>, vector<16xf32>,
      %swap3A_320 = arith.constant 688 : index
      %swap3A_321 = tpu.vector_load %arg9[%swap3A_320] {strides = array<i32>} : memref<768xf32, #tpu.memory_space<vmem>>, vector<16xf32>,
      %swap3A_322 = vector.shape_cast %swap3A_321 : vector<16xf32> to vector<16xf32>
      %swap3A_323 = vector.shape_cast %scan3A_147#43 : vector<16xf32> to vector<16xf32>
      tpu.vector_store %arg9[%swap3A_320], %swap3A_323 {strides = array<i32>} : memref<768xf32, #tpu.memory_space<vmem>>, vector<16xf32>,
      %swap3A_324 = arith.constant 704 : index
      %swap3A_325 = tpu.vector_load %arg9[%swap3A_324] {strides = array<i32>} : memref<768xf32, #tpu.memory_space<vmem>>, vector<16xf32>,
      %swap3A_326 = vector.shape_cast %swap3A_325 : vector<16xf32> to vector<16xf32>
      %swap3A_327 = vector.shape_cast %scan3A_147#44 : vector<16xf32> to vector<16xf32>
      tpu.vector_store %arg9[%swap3A_324], %swap3A_327 {strides = array<i32>} : memref<768xf32, #tpu.memory_space<vmem>>, vector<16xf32>,
      %swap3A_328 = arith.constant 720 : index
      %swap3A_329 = tpu.vector_load %arg9[%swap3A_328] {strides = array<i32>} : memref<768xf32, #tpu.memory_space<vmem>>, vector<16xf32>,
      %swap3A_330 = vector.shape_cast %swap3A_329 : vector<16xf32> to vector<16xf32>
      %swap3A_331 = vector.shape_cast %scan3A_147#45 : vector<16xf32> to vector<16xf32>
      tpu.vector_store %arg9[%swap3A_328], %swap3A_331 {strides = array<i32>} : memref<768xf32, #tpu.memory_space<vmem>>, vector<16xf32>,
      %swap3A_332 = arith.constant 736 : index
      %swap3A_333 = tpu.vector_load %arg9[%swap3A_332] {strides = array<i32>} : memref<768xf32, #tpu.memory_space<vmem>>, vector<16xf32>,
      %swap3A_334 = vector.shape_cast %swap3A_333 : vector<16xf32> to vector<16xf32>
      %swap3A_335 = vector.shape_cast %scan3A_147#46 : vector<16xf32> to vector<16xf32>
      tpu.vector_store %arg9[%swap3A_332], %swap3A_335 {strides = array<i32>} : memref<768xf32, #tpu.memory_space<vmem>>, vector<16xf32>,
      %swap3A_336 = arith.constant 752 : index
      %swap3A_337 = tpu.vector_load %arg9[%swap3A_336] {strides = array<i32>} : memref<768xf32, #tpu.memory_space<vmem>>, vector<16xf32>,
      %swap3A_338 = vector.shape_cast %swap3A_337 : vector<16xf32> to vector<16xf32>
      %swap3A_339 = vector.shape_cast %scan3A_147#47 : vector<16xf32> to vector<16xf32>
      tpu.vector_store %arg9[%swap3A_336], %swap3A_339 {strides = array<i32>} : memref<768xf32, #tpu.memory_space<vmem>>, vector<16xf32>,
      %add3A_340 = arith.addi %mul3A_2, %mul3A_37 : i32
      "tpu.region"() ({
        %run_scoped3A = tpu.sem_alloc : memref<!tpu.dma_semaphore, #tpu.memory_space<semaphore_mem>>
        %dma_start3A_660 = arith.constant 0 : i32
        %dma_start3A_661 = tpu.memref_slice %arg5[%add3A_340, %dma_start3A_660] : memref<2048x768xf32, #tpu.memory_space<hbm>> -> memref<1x768xf32, #tpu.memory_space<hbm>>
        %dma_start3A_662 = tpu.memref_squeeze %dma_start3A_661 : memref<1x768xf32, #tpu.memory_space<hbm>> -> memref<768xf32, #tpu.memory_space<hbm>>
        %dma_start3A_663 = arith.constant 0 : i32
        %dma_start3A_664 = tpu.memref_slice %arg5[%add3A_340, %dma_start3A_663] : memref<2048x768xf32, #tpu.memory_space<hbm>> -> memref<1x768xf32, #tpu.memory_space<hbm>>
        %dma_start3A_665 = tpu.memref_squeeze %dma_start3A_664 : memref<1x768xf32, #tpu.memory_space<hbm>> -> memref<768xf32, #tpu.memory_space<hbm>>
        tpu.enqueue_dma source(%arg9 : memref<768xf32, #tpu.memory_space<vmem>>) target(%dma_start3A_665 : memref<768xf32, #tpu.memory_space<hbm>>) target_semaphore(%run_scoped3A : memref<!tpu.dma_semaphore, #tpu.memory_space<semaphore_mem>>)
        %dma_wait3A_666 = arith.constant 0 : i32
        %dma_wait3A_667 = tpu.memref_slice %arg5[%add3A_340, %dma_wait3A_666] : memref<2048x768xf32, #tpu.memory_space<hbm>> -> memref<1x768xf32, #tpu.memory_space<hbm>>
        %dma_wait3A_668 = tpu.memref_squeeze %dma_wait3A_667 : memref<1x768xf32, #tpu.memory_space<hbm>> -> memref<768xf32, #tpu.memory_space<hbm>>
        %dma_wait3A_669 = arith.constant 0 : i32
        %dma_wait3A_670 = tpu.memref_slice %arg5[%add3A_340, %dma_wait3A_669] : memref<2048x768xf32, #tpu.memory_space<hbm>> -> memref<1x768xf32, #tpu.memory_space<hbm>>
        %dma_wait3A_671 = tpu.memref_squeeze %dma_wait3A_670 : memref<1x768xf32, #tpu.memory_space<hbm>> -> memref<768xf32, #tpu.memory_space<hbm>>
        tpu.wait_dma2 semaphore(%run_scoped3A : memref<!tpu.dma_semaphore, #tpu.memory_space<semaphore_mem>>) src(%arg9 : memref<768xf32, #tpu.memory_space<vmem>>) dst(%dma_wait3A_671 : memref<768xf32, #tpu.memory_space<hbm>>)
        tpu.yield
      }) : () -> ()
      %add3A_341 = arith.constant 2 : i32
      %add3A_342 = arith.addi %mul3A_37, %add3A_341 : i32
      %lt3A = arith.constant 64 : i32
      %lt3A_343 = arith.cmpi slt, %add3A_342, %lt3A : i32
      %convert_element_type3A = arith.extui %lt3A_343 : i1 to i32
      %cond3A = arith.constant 0 : i32
      %cond3A_344 = arith.cmpi ne, %convert_element_type3A, %cond3A : i32
      scf.if %cond3A_344 {
        %add3A_660 = arith.constant 2 : i32
        %add3A_661 = arith.addi %mul3A_37, %add3A_660 : i32
        %dma_start3A_662 = arith.constant 0 : i32
        %dma_start3A_663 = arith.constant 0 : i32
        %dma_start3A_664 = arith.constant 0 : i32
        %dma_start3A_665 = tpu.memref_slice %arg8[%dma_start3A_662, %dma_start3A_663, %dma_start3A_664] : memref<2x32x768xf32, #tpu.memory_space<vmem>> -> memref<1x32x768xf32, #tpu.memory_space<vmem>>
        %dma_start3A_666 = tpu.memref_squeeze %dma_start3A_665 : memref<1x32x768xf32, #tpu.memory_space<vmem>> -> memref<32x768xf32, #tpu.memory_space<vmem>>
        %dma_start3A_667 = arith.constant 0 : i32
        %dma_start3A_668 = tpu.memref_slice %arg6[%add3A_661, %dma_start3A_667] : memref<64x32xi32, #tpu.memory_space<vmem>> -> memref<1x32xi32, #tpu.memory_space<vmem>>
        %dma_start3A_669 = tpu.memref_squeeze %dma_start3A_668 : memref<1x32xi32, #tpu.memory_space<vmem>> -> memref<32xi32, #tpu.memory_space<vmem>>
        %dma_start3A_670 = arith.constant 0 : i32
        %dma_start3A_671 = arith.constant 0 : i32
        %dma_start3A_672 = tpu.memref_slice %arg4[%dma_start3A_670, %dma_start3A_671] : memref<49152x768xf32, #tpu.memory_space<hbm>> -> memref<49152x768xf32, #tpu.memory_space<hbm>>
        tpu.enqueue_indirect_dma source(%dma_start3A_672 : memref<49152x768xf32, #tpu.memory_space<hbm>>) target(%dma_start3A_666 : memref<32x768xf32, #tpu.memory_space<vmem>>) offsets(%dma_start3A_669 : memref<32xi32, #tpu.memory_space<vmem>>) semaphore(%arg10 : memref<!tpu.dma_semaphore, #tpu.memory_space<semaphore_mem>>)
      } else {
      }
      %add3A_345 = arith.constant 1 : i32
      %add3A_346 = arith.addi %mul3A_37, %add3A_345 : i32
      %dma_wait3A_347 = arith.constant 1 : i32
      %dma_wait3A_348 = arith.constant 0 : i32
      %dma_wait3A_349 = arith.constant 0 : i32
      %dma_wait3A_350 = tpu.memref_slice %arg8[%dma_wait3A_347, %dma_wait3A_348, %dma_wait3A_349] : memref<2x32x768xf32, #tpu.memory_space<vmem>> -> memref<1x32x768xf32, #tpu.memory_space<vmem>>
      %dma_wait3A_351 = tpu.memref_squeeze %dma_wait3A_350 : memref<1x32x768xf32, #tpu.memory_space<vmem>> -> memref<32x768xf32, #tpu.memory_space<vmem>>
      %dma_wait3A_352 = arith.constant 0 : i32
      %dma_wait3A_353 = tpu.memref_slice %arg6[%add3A_346, %dma_wait3A_352] : memref<64x32xi32, #tpu.memory_space<vmem>> -> memref<1x32xi32, #tpu.memory_space<vmem>>
      %dma_wait3A_354 = tpu.memref_squeeze %dma_wait3A_353 : memref<1x32xi32, #tpu.memory_space<vmem>> -> memref<32xi32, #tpu.memory_space<vmem>>
      %dma_wait3A_355 = arith.constant 0 : i32
      %dma_wait3A_356 = arith.constant 0 : i32
      %dma_wait3A_357 = tpu.memref_slice %arg4[%dma_wait3A_355, %dma_wait3A_356] : memref<49152x768xf32, #tpu.memory_space<hbm>> -> memref<49152x768xf32, #tpu.memory_space<hbm>>
      tpu.wait_indirect_dma semaphore(%arg11 : memref<!tpu.dma_semaphore, #tpu.memory_space<semaphore_mem>>) src(%dma_wait3A_357 : memref<49152x768xf32, #tpu.memory_space<hbm>>) dst(%dma_wait3A_351 : memref<32x768xf32, #tpu.memory_space<vmem>>)
      %broadcast_in_dim3A_358 = arith.constant 0.000000e+00 : f32
      %broadcast_in_dim3A_359 = vector.broadcast %broadcast_in_dim3A_358 : f32 to vector<16xf32>
      %broadcast_in_dim3A_360 = arith.constant 0.000000e+00 : f32
      %broadcast_in_dim3A_361 = vector.broadcast %broadcast_in_dim3A_360 : f32 to vector<16xf32>
      %broadcast_in_dim3A_362 = arith.constant 0.000000e+00 : f32
      %broadcast_in_dim3A_363 = vector.broadcast %broadcast_in_dim3A_362 : f32 to vector<16xf32>
      %broadcast_in_dim3A_364 = arith.constant 0.000000e+00 : f32
      %broadcast_in_dim3A_365 = vector.broadcast %broadcast_in_dim3A_364 : f32 to vector<16xf32>
      %broadcast_in_dim3A_366 = arith.constant 0.000000e+00 : f32
      %broadcast_in_dim3A_367 = vector.broadcast %broadcast_in_dim3A_366 : f32 to vector<16xf32>
      %broadcast_in_dim3A_368 = arith.constant 0.000000e+00 : f32
      %broadcast_in_dim3A_369 = vector.broadcast %broadcast_in_dim3A_368 : f32 to vector<16xf32>
      %broadcast_in_dim3A_370 = arith.constant 0.000000e+00 : f32
      %broadcast_in_dim3A_371 = vector.broadcast %broadcast_in_dim3A_370 : f32 to vector<16xf32>
      %broadcast_in_dim3A_372 = arith.constant 0.000000e+00 : f32
      %broadcast_in_dim3A_373 = vector.broadcast %broadcast_in_dim3A_372 : f32 to vector<16xf32>
      %broadcast_in_dim3A_374 = arith.constant 0.000000e+00 : f32
      %broadcast_in_dim3A_375 = vector.broadcast %broadcast_in_dim3A_374 : f32 to vector<16xf32>
      %broadcast_in_dim3A_376 = arith.constant 0.000000e+00 : f32
      %broadcast_in_dim3A_377 = vector.broadcast %broadcast_in_dim3A_376 : f32 to vector<16xf32>
      %broadcast_in_dim3A_378 = arith.constant 0.000000e+00 : f32
      %broadcast_in_dim3A_379 = vector.broadcast %broadcast_in_dim3A_378 : f32 to vector<16xf32>
      %broadcast_in_dim3A_380 = arith.constant 0.000000e+00 : f32
      %broadcast_in_dim3A_381 = vector.broadcast %broadcast_in_dim3A_380 : f32 to vector<16xf32>
      %broadcast_in_dim3A_382 = arith.constant 0.000000e+00 : f32
      %broadcast_in_dim3A_383 = vector.broadcast %broadcast_in_dim3A_382 : f32 to vector<16xf32>
      %broadcast_in_dim3A_384 = arith.constant 0.000000e+00 : f32
      %broadcast_in_dim3A_385 = vector.broadcast %broadcast_in_dim3A_384 : f32 to vector<16xf32>
      %broadcast_in_dim3A_386 = arith.constant 0.000000e+00 : f32
      %broadcast_in_dim3A_387 = vector.broadcast %broadcast_in_dim3A_386 : f32 to vector<16xf32>
      %broadcast_in_dim3A_388 = arith.constant 0.000000e+00 : f32
      %broadcast_in_dim3A_389 = vector.broadcast %broadcast_in_dim3A_388 : f32 to vector<16xf32>
      %broadcast_in_dim3A_390 = arith.constant 0.000000e+00 : f32
      %broadcast_in_dim3A_391 = vector.broadcast %broadcast_in_dim3A_390 : f32 to vector<16xf32>
      %broadcast_in_dim3A_392 = arith.constant 0.000000e+00 : f32
      %broadcast_in_dim3A_393 = vector.broadcast %broadcast_in_dim3A_392 : f32 to vector<16xf32>
      %broadcast_in_dim3A_394 = arith.constant 0.000000e+00 : f32
      %broadcast_in_dim3A_395 = vector.broadcast %broadcast_in_dim3A_394 : f32 to vector<16xf32>
      %broadcast_in_dim3A_396 = arith.constant 0.000000e+00 : f32
      %broadcast_in_dim3A_397 = vector.broadcast %broadcast_in_dim3A_396 : f32 to vector<16xf32>
      %broadcast_in_dim3A_398 = arith.constant 0.000000e+00 : f32
      %broadcast_in_dim3A_399 = vector.broadcast %broadcast_in_dim3A_398 : f32 to vector<16xf32>
      %broadcast_in_dim3A_400 = arith.constant 0.000000e+00 : f32
      %broadcast_in_dim3A_401 = vector.broadcast %broadcast_in_dim3A_400 : f32 to vector<16xf32>
      %broadcast_in_dim3A_402 = arith.constant 0.000000e+00 : f32
      %broadcast_in_dim3A_403 = vector.broadcast %broadcast_in_dim3A_402 : f32 to vector<16xf32>
      %broadcast_in_dim3A_404 = arith.constant 0.000000e+00 : f32
      %broadcast_in_dim3A_405 = vector.broadcast %broadcast_in_dim3A_404 : f32 to vector<16xf32>
      %broadcast_in_dim3A_406 = arith.constant 0.000000e+00 : f32
      %broadcast_in_dim3A_407 = vector.broadcast %broadcast_in_dim3A_406 : f32 to vector<16xf32>
      %broadcast_in_dim3A_408 = arith.constant 0.000000e+00 : f32
      %broadcast_in_dim3A_409 = vector.broadcast %broadcast_in_dim3A_408 : f32 to vector<16xf32>
      %broadcast_in_dim3A_410 = arith.constant 0.000000e+00 : f32
      %broadcast_in_dim3A_411 = vector.broadcast %broadcast_in_dim3A_410 : f32 to vector<16xf32>
      %broadcast_in_dim3A_412 = arith.constant 0.000000e+00 : f32
      %broadcast_in_dim3A_413 = vector.broadcast %broadcast_in_dim3A_412 : f32 to vector<16xf32>
      %broadcast_in_dim3A_414 = arith.constant 0.000000e+00 : f32
      %broadcast_in_dim3A_415 = vector.broadcast %broadcast_in_dim3A_414 : f32 to vector<16xf32>
      %broadcast_in_dim3A_416 = arith.constant 0.000000e+00 : f32
      %broadcast_in_dim3A_417 = vector.broadcast %broadcast_in_dim3A_416 : f32 to vector<16xf32>
      %broadcast_in_dim3A_418 = arith.constant 0.000000e+00 : f32
      %broadcast_in_dim3A_419 = vector.broadcast %broadcast_in_dim3A_418 : f32 to vector<16xf32>
      %broadcast_in_dim3A_420 = arith.constant 0.000000e+00 : f32
      %broadcast_in_dim3A_421 = vector.broadcast %broadcast_in_dim3A_420 : f32 to vector<16xf32>
      %broadcast_in_dim3A_422 = arith.constant 0.000000e+00 : f32
      %broadcast_in_dim3A_423 = vector.broadcast %broadcast_in_dim3A_422 : f32 to vector<16xf32>
      %broadcast_in_dim3A_424 = arith.constant 0.000000e+00 : f32
      %broadcast_in_dim3A_425 = vector.broadcast %broadcast_in_dim3A_424 : f32 to vector<16xf32>
      %broadcast_in_dim3A_426 = arith.constant 0.000000e+00 : f32
      %broadcast_in_dim3A_427 = vector.broadcast %broadcast_in_dim3A_426 : f32 to vector<16xf32>
      %broadcast_in_dim3A_428 = arith.constant 0.000000e+00 : f32
      %broadcast_in_dim3A_429 = vector.broadcast %broadcast_in_dim3A_428 : f32 to vector<16xf32>
      %broadcast_in_dim3A_430 = arith.constant 0.000000e+00 : f32
      %broadcast_in_dim3A_431 = vector.broadcast %broadcast_in_dim3A_430 : f32 to vector<16xf32>
      %broadcast_in_dim3A_432 = arith.constant 0.000000e+00 : f32
      %broadcast_in_dim3A_433 = vector.broadcast %broadcast_in_dim3A_432 : f32 to vector<16xf32>
      %broadcast_in_dim3A_434 = arith.constant 0.000000e+00 : f32
      %broadcast_in_dim3A_435 = vector.broadcast %broadcast_in_dim3A_434 : f32 to vector<16xf32>
      %broadcast_in_dim3A_436 = arith.constant 0.000000e+00 : f32
      %broadcast_in_dim3A_437 = vector.broadcast %broadcast_in_dim3A_436 : f32 to vector<16xf32>
      %broadcast_in_dim3A_438 = arith.constant 0.000000e+00 : f32
      %broadcast_in_dim3A_439 = vector.broadcast %broadcast_in_dim3A_438 : f32 to vector<16xf32>
      %broadcast_in_dim3A_440 = arith.constant 0.000000e+00 : f32
      %broadcast_in_dim3A_441 = vector.broadcast %broadcast_in_dim3A_440 : f32 to vector<16xf32>
      %broadcast_in_dim3A_442 = arith.constant 0.000000e+00 : f32
      %broadcast_in_dim3A_443 = vector.broadcast %broadcast_in_dim3A_442 : f32 to vector<16xf32>
      %broadcast_in_dim3A_444 = arith.constant 0.000000e+00 : f32
      %broadcast_in_dim3A_445 = vector.broadcast %broadcast_in_dim3A_444 : f32 to vector<16xf32>
      %broadcast_in_dim3A_446 = arith.constant 0.000000e+00 : f32
      %broadcast_in_dim3A_447 = vector.broadcast %broadcast_in_dim3A_446 : f32 to vector<16xf32>
      %broadcast_in_dim3A_448 = arith.constant 0.000000e+00 : f32
      %broadcast_in_dim3A_449 = vector.broadcast %broadcast_in_dim3A_448 : f32 to vector<16xf32>
      %broadcast_in_dim3A_450 = arith.constant 0.000000e+00 : f32
      %broadcast_in_dim3A_451 = vector.broadcast %broadcast_in_dim3A_450 : f32 to vector<16xf32>
      %broadcast_in_dim3A_452 = arith.constant 0.000000e+00 : f32
      %broadcast_in_dim3A_453 = vector.broadcast %broadcast_in_dim3A_452 : f32 to vector<16xf32>
      %scan3A_454 = arith.constant 0 : i32
      %scan3A_455 = arith.constant 32 : i32
      %scan3A_456 = arith.addi %scan3A_454, %scan3A_455 : i32
      %scan3A_457 = arith.constant 1 : i32
      %scan3A_458:48 = scf.for %scan3A_660 = %scan3A_454 to %scan3A_456 step %scan3A_457 iter_args(%scan3A_661 = %broadcast_in_dim3A_359, %scan3A_662 = %broadcast_in_dim3A_361, %scan3A_663 = %broadcast_in_dim3A_363, %scan3A_664 = %broadcast_in_dim3A_365, %scan3A_665 = %broadcast_in_dim3A_367, %scan3A_666 = %broadcast_in_dim3A_369, %scan3A_667 = %broadcast_in_dim3A_371, %scan3A_668 = %broadcast_in_dim3A_373, %scan3A_669 = %broadcast_in_dim3A_375, %scan3A_670 = %broadcast_in_dim3A_377, %scan3A_671 = %broadcast_in_dim3A_379, %scan3A_672 = %broadcast_in_dim3A_381, %scan3A_673 = %broadcast_in_dim3A_383, %scan3A_674 = %broadcast_in_dim3A_385, %scan3A_675 = %broadcast_in_dim3A_387, %scan3A_676 = %broadcast_in_dim3A_389, %scan3A_677 = %broadcast_in_dim3A_391, %scan3A_678 = %broadcast_in_dim3A_393, %scan3A_679 = %broadcast_in_dim3A_395, %scan3A_680 = %broadcast_in_dim3A_397, %scan3A_681 = %broadcast_in_dim3A_399, %scan3A_682 = %broadcast_in_dim3A_401, %scan3A_683 = %broadcast_in_dim3A_403, %scan3A_684 = %broadcast_in_dim3A_405, %scan3A_685 = %broadcast_in_dim3A_407, %scan3A_686 = %broadcast_in_dim3A_409, %scan3A_687 = %broadcast_in_dim3A_411, %scan3A_688 = %broadcast_in_dim3A_413, %scan3A_689 = %broadcast_in_dim3A_415, %scan3A_690 = %broadcast_in_dim3A_417, %scan3A_691 = %broadcast_in_dim3A_419, %scan3A_692 = %broadcast_in_dim3A_421, %scan3A_693 = %broadcast_in_dim3A_423, %scan3A_694 = %broadcast_in_dim3A_425, %scan3A_695 = %broadcast_in_dim3A_427, %scan3A_696 = %broadcast_in_dim3A_429, %scan3A_697 = %broadcast_in_dim3A_431, %scan3A_698 = %broadcast_in_dim3A_433, %scan3A_699 = %broadcast_in_dim3A_435, %scan3A_700 = %broadcast_in_dim3A_437, %scan3A_701 = %broadcast_in_dim3A_439, %scan3A_702 = %broadcast_in_dim3A_441, %scan3A_703 = %broadcast_in_dim3A_443, %scan3A_704 = %broadcast_in_dim3A_445, %scan3A_705 = %broadcast_in_dim3A_447, %scan3A_706 = %broadcast_in_dim3A_449, %scan3A_707 = %broadcast_in_dim3A_451, %scan3A_708 = %broadcast_in_dim3A_453) -> (vector<16xf32>, vector<16xf32>, vector<16xf32>, vector<16xf32>, vector<16xf32>, vector<16xf32>, vector<16xf32>, vector<16xf32>, vector<16xf32>, vector<16xf32>, vector<16xf32>, vector<16xf32>, vector<16xf32>, vector<16xf32>, vector<16xf32>, vector<16xf32>, vector<16xf32>, vector<16xf32>, vector<16xf32>, vector<16xf32>, vector<16xf32>, vector<16xf32>, vector<16xf32>, vector<16xf32>, vector<16xf32>, vector<16xf32>, vector<16xf32>, vector<16xf32>, vector<16xf32>, vector<16xf32>, vector<16xf32>, vector<16xf32>, vector<16xf32>, vector<16xf32>, vector<16xf32>, vector<16xf32>, vector<16xf32>, vector<16xf32>, vector<16xf32>, vector<16xf32>, vector<16xf32>, vector<16xf32>, vector<16xf32>, vector<16xf32>, vector<16xf32>, vector<16xf32>, vector<16xf32>, vector<16xf32>)  : i32 {
        %mul3A_709 = arith.constant 512 : i32
        %mul3A_710 = arith.muli %add3A_346, %mul3A_709 : i32
        %mul3A_711 = arith.constant 16 : i32
        %mul3A_712 = arith.muli %scan3A_660, %mul3A_711 : i32
        %add3A_713 = arith.addi %mul3A_710, %mul3A_712 : i32
        %get3A = arith.index_cast %add3A_713 : i32 to index
        %get3A_714 = tpu.vector_load %arg7[%get3A] {strides = array<i32>} : memref<32768xf32, #tpu.memory_space<vmem>>, vector<16xf32>,
        %get3A_715 = vector.shape_cast %get3A_714 : vector<16xf32> to vector<16xf32>
        %get3A_716 = arith.constant 1 : i32
        %get3A_717 = arith.index_cast %get3A_716 : i32 to index
        %get3A_718 = arith.index_cast %scan3A_660 : i32 to index
        %get3A_719 = arith.constant 0 : index
        %get3A_720 = tpu.vector_load %arg8[%get3A_717, %get3A_718, %get3A_719] {strides = array<i32>} : memref<2x32x768xf32, #tpu.memory_space<vmem>>, vector<1x1x16xf32>,
        %get3A_721 = vector.shape_cast %get3A_720 : vector<1x1x16xf32> to vector<16xf32>
        %mul3A_722 = arith.mulf %get3A_715, %get3A_721 : vector<16xf32>
        %add3A_723 = arith.addf %scan3A_661, %mul3A_722 : vector<16xf32>
        %get3A_724 = arith.constant 1 : i32
        %get3A_725 = arith.index_cast %get3A_724 : i32 to index
        %get3A_726 = arith.index_cast %scan3A_660 : i32 to index
        %get3A_727 = arith.constant 16 : index
        %get3A_728 = tpu.vector_load %arg8[%get3A_725, %get3A_726, %get3A_727] {strides = array<i32>} : memref<2x32x768xf32, #tpu.memory_space<vmem>>, vector<1x1x16xf32>,
        %get3A_729 = vector.shape_cast %get3A_728 : vector<1x1x16xf32> to vector<16xf32>
        %mul3A_730 = arith.mulf %get3A_715, %get3A_729 : vector<16xf32>
        %add3A_731 = arith.addf %scan3A_662, %mul3A_730 : vector<16xf32>
        %get3A_732 = arith.constant 1 : i32
        %get3A_733 = arith.index_cast %get3A_732 : i32 to index
        %get3A_734 = arith.index_cast %scan3A_660 : i32 to index
        %get3A_735 = arith.constant 32 : index
        %get3A_736 = tpu.vector_load %arg8[%get3A_733, %get3A_734, %get3A_735] {strides = array<i32>} : memref<2x32x768xf32, #tpu.memory_space<vmem>>, vector<1x1x16xf32>,
        %get3A_737 = vector.shape_cast %get3A_736 : vector<1x1x16xf32> to vector<16xf32>
        %mul3A_738 = arith.mulf %get3A_715, %get3A_737 : vector<16xf32>
        %add3A_739 = arith.addf %scan3A_663, %mul3A_738 : vector<16xf32>
        %get3A_740 = arith.constant 1 : i32
        %get3A_741 = arith.index_cast %get3A_740 : i32 to index
        %get3A_742 = arith.index_cast %scan3A_660 : i32 to index
        %get3A_743 = arith.constant 48 : index
        %get3A_744 = tpu.vector_load %arg8[%get3A_741, %get3A_742, %get3A_743] {strides = array<i32>} : memref<2x32x768xf32, #tpu.memory_space<vmem>>, vector<1x1x16xf32>,
        %get3A_745 = vector.shape_cast %get3A_744 : vector<1x1x16xf32> to vector<16xf32>
        %mul3A_746 = arith.mulf %get3A_715, %get3A_745 : vector<16xf32>
        %add3A_747 = arith.addf %scan3A_664, %mul3A_746 : vector<16xf32>
        %get3A_748 = arith.constant 1 : i32
        %get3A_749 = arith.index_cast %get3A_748 : i32 to index
        %get3A_750 = arith.index_cast %scan3A_660 : i32 to index
        %get3A_751 = arith.constant 64 : index
        %get3A_752 = tpu.vector_load %arg8[%get3A_749, %get3A_750, %get3A_751] {strides = array<i32>} : memref<2x32x768xf32, #tpu.memory_space<vmem>>, vector<1x1x16xf32>,
        %get3A_753 = vector.shape_cast %get3A_752 : vector<1x1x16xf32> to vector<16xf32>
        %mul3A_754 = arith.mulf %get3A_715, %get3A_753 : vector<16xf32>
        %add3A_755 = arith.addf %scan3A_665, %mul3A_754 : vector<16xf32>
        %get3A_756 = arith.constant 1 : i32
        %get3A_757 = arith.index_cast %get3A_756 : i32 to index
        %get3A_758 = arith.index_cast %scan3A_660 : i32 to index
        %get3A_759 = arith.constant 80 : index
        %get3A_760 = tpu.vector_load %arg8[%get3A_757, %get3A_758, %get3A_759] {strides = array<i32>} : memref<2x32x768xf32, #tpu.memory_space<vmem>>, vector<1x1x16xf32>,
        %get3A_761 = vector.shape_cast %get3A_760 : vector<1x1x16xf32> to vector<16xf32>
        %mul3A_762 = arith.mulf %get3A_715, %get3A_761 : vector<16xf32>
        %add3A_763 = arith.addf %scan3A_666, %mul3A_762 : vector<16xf32>
        %get3A_764 = arith.constant 1 : i32
        %get3A_765 = arith.index_cast %get3A_764 : i32 to index
        %get3A_766 = arith.index_cast %scan3A_660 : i32 to index
        %get3A_767 = arith.constant 96 : index
        %get3A_768 = tpu.vector_load %arg8[%get3A_765, %get3A_766, %get3A_767] {strides = array<i32>} : memref<2x32x768xf32, #tpu.memory_space<vmem>>, vector<1x1x16xf32>,
        %get3A_769 = vector.shape_cast %get3A_768 : vector<1x1x16xf32> to vector<16xf32>
        %mul3A_770 = arith.mulf %get3A_715, %get3A_769 : vector<16xf32>
        %add3A_771 = arith.addf %scan3A_667, %mul3A_770 : vector<16xf32>
        %get3A_772 = arith.constant 1 : i32
        %get3A_773 = arith.index_cast %get3A_772 : i32 to index
        %get3A_774 = arith.index_cast %scan3A_660 : i32 to index
        %get3A_775 = arith.constant 112 : index
        %get3A_776 = tpu.vector_load %arg8[%get3A_773, %get3A_774, %get3A_775] {strides = array<i32>} : memref<2x32x768xf32, #tpu.memory_space<vmem>>, vector<1x1x16xf32>,
        %get3A_777 = vector.shape_cast %get3A_776 : vector<1x1x16xf32> to vector<16xf32>
        %mul3A_778 = arith.mulf %get3A_715, %get3A_777 : vector<16xf32>
        %add3A_779 = arith.addf %scan3A_668, %mul3A_778 : vector<16xf32>
        %get3A_780 = arith.constant 1 : i32
        %get3A_781 = arith.index_cast %get3A_780 : i32 to index
        %get3A_782 = arith.index_cast %scan3A_660 : i32 to index
        %get3A_783 = arith.constant 128 : index
        %get3A_784 = tpu.vector_load %arg8[%get3A_781, %get3A_782, %get3A_783] {strides = array<i32>} : memref<2x32x768xf32, #tpu.memory_space<vmem>>, vector<1x1x16xf32>,
        %get3A_785 = vector.shape_cast %get3A_784 : vector<1x1x16xf32> to vector<16xf32>
        %mul3A_786 = arith.mulf %get3A_715, %get3A_785 : vector<16xf32>
        %add3A_787 = arith.addf %scan3A_669, %mul3A_786 : vector<16xf32>
        %get3A_788 = arith.constant 1 : i32
        %get3A_789 = arith.index_cast %get3A_788 : i32 to index
        %get3A_790 = arith.index_cast %scan3A_660 : i32 to index
        %get3A_791 = arith.constant 144 : index
        %get3A_792 = tpu.vector_load %arg8[%get3A_789, %get3A_790, %get3A_791] {strides = array<i32>} : memref<2x32x768xf32, #tpu.memory_space<vmem>>, vector<1x1x16xf32>,
        %get3A_793 = vector.shape_cast %get3A_792 : vector<1x1x16xf32> to vector<16xf32>
        %mul3A_794 = arith.mulf %get3A_715, %get3A_793 : vector<16xf32>
        %add3A_795 = arith.addf %scan3A_670, %mul3A_794 : vector<16xf32>
        %get3A_796 = arith.constant 1 : i32
        %get3A_797 = arith.index_cast %get3A_796 : i32 to index
        %get3A_798 = arith.index_cast %scan3A_660 : i32 to index
        %get3A_799 = arith.constant 160 : index
        %get3A_800 = tpu.vector_load %arg8[%get3A_797, %get3A_798, %get3A_799] {strides = array<i32>} : memref<2x32x768xf32, #tpu.memory_space<vmem>>, vector<1x1x16xf32>,
        %get3A_801 = vector.shape_cast %get3A_800 : vector<1x1x16xf32> to vector<16xf32>
        %mul3A_802 = arith.mulf %get3A_715, %get3A_801 : vector<16xf32>
        %add3A_803 = arith.addf %scan3A_671, %mul3A_802 : vector<16xf32>
        %get3A_804 = arith.constant 1 : i32
        %get3A_805 = arith.index_cast %get3A_804 : i32 to index
        %get3A_806 = arith.index_cast %scan3A_660 : i32 to index
        %get3A_807 = arith.constant 176 : index
        %get3A_808 = tpu.vector_load %arg8[%get3A_805, %get3A_806, %get3A_807] {strides = array<i32>} : memref<2x32x768xf32, #tpu.memory_space<vmem>>, vector<1x1x16xf32>,
        %get3A_809 = vector.shape_cast %get3A_808 : vector<1x1x16xf32> to vector<16xf32>
        %mul3A_810 = arith.mulf %get3A_715, %get3A_809 : vector<16xf32>
        %add3A_811 = arith.addf %scan3A_672, %mul3A_810 : vector<16xf32>
        %get3A_812 = arith.constant 1 : i32
        %get3A_813 = arith.index_cast %get3A_812 : i32 to index
        %get3A_814 = arith.index_cast %scan3A_660 : i32 to index
        %get3A_815 = arith.constant 192 : index
        %get3A_816 = tpu.vector_load %arg8[%get3A_813, %get3A_814, %get3A_815] {strides = array<i32>} : memref<2x32x768xf32, #tpu.memory_space<vmem>>, vector<1x1x16xf32>,
        %get3A_817 = vector.shape_cast %get3A_816 : vector<1x1x16xf32> to vector<16xf32>
        %mul3A_818 = arith.mulf %get3A_715, %get3A_817 : vector<16xf32>
        %add3A_819 = arith.addf %scan3A_673, %mul3A_818 : vector<16xf32>
        %get3A_820 = arith.constant 1 : i32
        %get3A_821 = arith.index_cast %get3A_820 : i32 to index
        %get3A_822 = arith.index_cast %scan3A_660 : i32 to index
        %get3A_823 = arith.constant 208 : index
        %get3A_824 = tpu.vector_load %arg8[%get3A_821, %get3A_822, %get3A_823] {strides = array<i32>} : memref<2x32x768xf32, #tpu.memory_space<vmem>>, vector<1x1x16xf32>,
        %get3A_825 = vector.shape_cast %get3A_824 : vector<1x1x16xf32> to vector<16xf32>
        %mul3A_826 = arith.mulf %get3A_715, %get3A_825 : vector<16xf32>
        %add3A_827 = arith.addf %scan3A_674, %mul3A_826 : vector<16xf32>
        %get3A_828 = arith.constant 1 : i32
        %get3A_829 = arith.index_cast %get3A_828 : i32 to index
        %get3A_830 = arith.index_cast %scan3A_660 : i32 to index
        %get3A_831 = arith.constant 224 : index
        %get3A_832 = tpu.vector_load %arg8[%get3A_829, %get3A_830, %get3A_831] {strides = array<i32>} : memref<2x32x768xf32, #tpu.memory_space<vmem>>, vector<1x1x16xf32>,
        %get3A_833 = vector.shape_cast %get3A_832 : vector<1x1x16xf32> to vector<16xf32>
        %mul3A_834 = arith.mulf %get3A_715, %get3A_833 : vector<16xf32>
        %add3A_835 = arith.addf %scan3A_675, %mul3A_834 : vector<16xf32>
        %get3A_836 = arith.constant 1 : i32
        %get3A_837 = arith.index_cast %get3A_836 : i32 to index
        %get3A_838 = arith.index_cast %scan3A_660 : i32 to index
        %get3A_839 = arith.constant 240 : index
        %get3A_840 = tpu.vector_load %arg8[%get3A_837, %get3A_838, %get3A_839] {strides = array<i32>} : memref<2x32x768xf32, #tpu.memory_space<vmem>>, vector<1x1x16xf32>,
        %get3A_841 = vector.shape_cast %get3A_840 : vector<1x1x16xf32> to vector<16xf32>
        %mul3A_842 = arith.mulf %get3A_715, %get3A_841 : vector<16xf32>
        %add3A_843 = arith.addf %scan3A_676, %mul3A_842 : vector<16xf32>
        %get3A_844 = arith.constant 1 : i32
        %get3A_845 = arith.index_cast %get3A_844 : i32 to index
        %get3A_846 = arith.index_cast %scan3A_660 : i32 to index
        %get3A_847 = arith.constant 256 : index
        %get3A_848 = tpu.vector_load %arg8[%get3A_845, %get3A_846, %get3A_847] {strides = array<i32>} : memref<2x32x768xf32, #tpu.memory_space<vmem>>, vector<1x1x16xf32>,
        %get3A_849 = vector.shape_cast %get3A_848 : vector<1x1x16xf32> to vector<16xf32>
        %mul3A_850 = arith.mulf %get3A_715, %get3A_849 : vector<16xf32>
        %add3A_851 = arith.addf %scan3A_677, %mul3A_850 : vector<16xf32>
        %get3A_852 = arith.constant 1 : i32
        %get3A_853 = arith.index_cast %get3A_852 : i32 to index
        %get3A_854 = arith.index_cast %scan3A_660 : i32 to index
        %get3A_855 = arith.constant 272 : index
        %get3A_856 = tpu.vector_load %arg8[%get3A_853, %get3A_854, %get3A_855] {strides = array<i32>} : memref<2x32x768xf32, #tpu.memory_space<vmem>>, vector<1x1x16xf32>,
        %get3A_857 = vector.shape_cast %get3A_856 : vector<1x1x16xf32> to vector<16xf32>
        %mul3A_858 = arith.mulf %get3A_715, %get3A_857 : vector<16xf32>
        %add3A_859 = arith.addf %scan3A_678, %mul3A_858 : vector<16xf32>
        %get3A_860 = arith.constant 1 : i32
        %get3A_861 = arith.index_cast %get3A_860 : i32 to index
        %get3A_862 = arith.index_cast %scan3A_660 : i32 to index
        %get3A_863 = arith.constant 288 : index
        %get3A_864 = tpu.vector_load %arg8[%get3A_861, %get3A_862, %get3A_863] {strides = array<i32>} : memref<2x32x768xf32, #tpu.memory_space<vmem>>, vector<1x1x16xf32>,
        %get3A_865 = vector.shape_cast %get3A_864 : vector<1x1x16xf32> to vector<16xf32>
        %mul3A_866 = arith.mulf %get3A_715, %get3A_865 : vector<16xf32>
        %add3A_867 = arith.addf %scan3A_679, %mul3A_866 : vector<16xf32>
        %get3A_868 = arith.constant 1 : i32
        %get3A_869 = arith.index_cast %get3A_868 : i32 to index
        %get3A_870 = arith.index_cast %scan3A_660 : i32 to index
        %get3A_871 = arith.constant 304 : index
        %get3A_872 = tpu.vector_load %arg8[%get3A_869, %get3A_870, %get3A_871] {strides = array<i32>} : memref<2x32x768xf32, #tpu.memory_space<vmem>>, vector<1x1x16xf32>,
        %get3A_873 = vector.shape_cast %get3A_872 : vector<1x1x16xf32> to vector<16xf32>
        %mul3A_874 = arith.mulf %get3A_715, %get3A_873 : vector<16xf32>
        %add3A_875 = arith.addf %scan3A_680, %mul3A_874 : vector<16xf32>
        %get3A_876 = arith.constant 1 : i32
        %get3A_877 = arith.index_cast %get3A_876 : i32 to index
        %get3A_878 = arith.index_cast %scan3A_660 : i32 to index
        %get3A_879 = arith.constant 320 : index
        %get3A_880 = tpu.vector_load %arg8[%get3A_877, %get3A_878, %get3A_879] {strides = array<i32>} : memref<2x32x768xf32, #tpu.memory_space<vmem>>, vector<1x1x16xf32>,
        %get3A_881 = vector.shape_cast %get3A_880 : vector<1x1x16xf32> to vector<16xf32>
        %mul3A_882 = arith.mulf %get3A_715, %get3A_881 : vector<16xf32>
        %add3A_883 = arith.addf %scan3A_681, %mul3A_882 : vector<16xf32>
        %get3A_884 = arith.constant 1 : i32
        %get3A_885 = arith.index_cast %get3A_884 : i32 to index
        %get3A_886 = arith.index_cast %scan3A_660 : i32 to index
        %get3A_887 = arith.constant 336 : index
        %get3A_888 = tpu.vector_load %arg8[%get3A_885, %get3A_886, %get3A_887] {strides = array<i32>} : memref<2x32x768xf32, #tpu.memory_space<vmem>>, vector<1x1x16xf32>,
        %get3A_889 = vector.shape_cast %get3A_888 : vector<1x1x16xf32> to vector<16xf32>
        %mul3A_890 = arith.mulf %get3A_715, %get3A_889 : vector<16xf32>
        %add3A_891 = arith.addf %scan3A_682, %mul3A_890 : vector<16xf32>
        %get3A_892 = arith.constant 1 : i32
        %get3A_893 = arith.index_cast %get3A_892 : i32 to index
        %get3A_894 = arith.index_cast %scan3A_660 : i32 to index
        %get3A_895 = arith.constant 352 : index
        %get3A_896 = tpu.vector_load %arg8[%get3A_893, %get3A_894, %get3A_895] {strides = array<i32>} : memref<2x32x768xf32, #tpu.memory_space<vmem>>, vector<1x1x16xf32>,
        %get3A_897 = vector.shape_cast %get3A_896 : vector<1x1x16xf32> to vector<16xf32>
        %mul3A_898 = arith.mulf %get3A_715, %get3A_897 : vector<16xf32>
        %add3A_899 = arith.addf %scan3A_683, %mul3A_898 : vector<16xf32>
        %get3A_900 = arith.constant 1 : i32
        %get3A_901 = arith.index_cast %get3A_900 : i32 to index
        %get3A_902 = arith.index_cast %scan3A_660 : i32 to index
        %get3A_903 = arith.constant 368 : index
        %get3A_904 = tpu.vector_load %arg8[%get3A_901, %get3A_902, %get3A_903] {strides = array<i32>} : memref<2x32x768xf32, #tpu.memory_space<vmem>>, vector<1x1x16xf32>,
        %get3A_905 = vector.shape_cast %get3A_904 : vector<1x1x16xf32> to vector<16xf32>
        %mul3A_906 = arith.mulf %get3A_715, %get3A_905 : vector<16xf32>
        %add3A_907 = arith.addf %scan3A_684, %mul3A_906 : vector<16xf32>
        %get3A_908 = arith.constant 1 : i32
        %get3A_909 = arith.index_cast %get3A_908 : i32 to index
        %get3A_910 = arith.index_cast %scan3A_660 : i32 to index
        %get3A_911 = arith.constant 384 : index
        %get3A_912 = tpu.vector_load %arg8[%get3A_909, %get3A_910, %get3A_911] {strides = array<i32>} : memref<2x32x768xf32, #tpu.memory_space<vmem>>, vector<1x1x16xf32>,
        %get3A_913 = vector.shape_cast %get3A_912 : vector<1x1x16xf32> to vector<16xf32>
        %mul3A_914 = arith.mulf %get3A_715, %get3A_913 : vector<16xf32>
        %add3A_915 = arith.addf %scan3A_685, %mul3A_914 : vector<16xf32>
        %get3A_916 = arith.constant 1 : i32
        %get3A_917 = arith.index_cast %get3A_916 : i32 to index
        %get3A_918 = arith.index_cast %scan3A_660 : i32 to index
        %get3A_919 = arith.constant 400 : index
        %get3A_920 = tpu.vector_load %arg8[%get3A_917, %get3A_918, %get3A_919] {strides = array<i32>} : memref<2x32x768xf32, #tpu.memory_space<vmem>>, vector<1x1x16xf32>,
        %get3A_921 = vector.shape_cast %get3A_920 : vector<1x1x16xf32> to vector<16xf32>
        %mul3A_922 = arith.mulf %get3A_715, %get3A_921 : vector<16xf32>
        %add3A_923 = arith.addf %scan3A_686, %mul3A_922 : vector<16xf32>
        %get3A_924 = arith.constant 1 : i32
        %get3A_925 = arith.index_cast %get3A_924 : i32 to index
        %get3A_926 = arith.index_cast %scan3A_660 : i32 to index
        %get3A_927 = arith.constant 416 : index
        %get3A_928 = tpu.vector_load %arg8[%get3A_925, %get3A_926, %get3A_927] {strides = array<i32>} : memref<2x32x768xf32, #tpu.memory_space<vmem>>, vector<1x1x16xf32>,
        %get3A_929 = vector.shape_cast %get3A_928 : vector<1x1x16xf32> to vector<16xf32>
        %mul3A_930 = arith.mulf %get3A_715, %get3A_929 : vector<16xf32>
        %add3A_931 = arith.addf %scan3A_687, %mul3A_930 : vector<16xf32>
        %get3A_932 = arith.constant 1 : i32
        %get3A_933 = arith.index_cast %get3A_932 : i32 to index
        %get3A_934 = arith.index_cast %scan3A_660 : i32 to index
        %get3A_935 = arith.constant 432 : index
        %get3A_936 = tpu.vector_load %arg8[%get3A_933, %get3A_934, %get3A_935] {strides = array<i32>} : memref<2x32x768xf32, #tpu.memory_space<vmem>>, vector<1x1x16xf32>,
        %get3A_937 = vector.shape_cast %get3A_936 : vector<1x1x16xf32> to vector<16xf32>
        %mul3A_938 = arith.mulf %get3A_715, %get3A_937 : vector<16xf32>
        %add3A_939 = arith.addf %scan3A_688, %mul3A_938 : vector<16xf32>
        %get3A_940 = arith.constant 1 : i32
        %get3A_941 = arith.index_cast %get3A_940 : i32 to index
        %get3A_942 = arith.index_cast %scan3A_660 : i32 to index
        %get3A_943 = arith.constant 448 : index
        %get3A_944 = tpu.vector_load %arg8[%get3A_941, %get3A_942, %get3A_943] {strides = array<i32>} : memref<2x32x768xf32, #tpu.memory_space<vmem>>, vector<1x1x16xf32>,
        %get3A_945 = vector.shape_cast %get3A_944 : vector<1x1x16xf32> to vector<16xf32>
        %mul3A_946 = arith.mulf %get3A_715, %get3A_945 : vector<16xf32>
        %add3A_947 = arith.addf %scan3A_689, %mul3A_946 : vector<16xf32>
        %get3A_948 = arith.constant 1 : i32
        %get3A_949 = arith.index_cast %get3A_948 : i32 to index
        %get3A_950 = arith.index_cast %scan3A_660 : i32 to index
        %get3A_951 = arith.constant 464 : index
        %get3A_952 = tpu.vector_load %arg8[%get3A_949, %get3A_950, %get3A_951] {strides = array<i32>} : memref<2x32x768xf32, #tpu.memory_space<vmem>>, vector<1x1x16xf32>,
        %get3A_953 = vector.shape_cast %get3A_952 : vector<1x1x16xf32> to vector<16xf32>
        %mul3A_954 = arith.mulf %get3A_715, %get3A_953 : vector<16xf32>
        %add3A_955 = arith.addf %scan3A_690, %mul3A_954 : vector<16xf32>
        %get3A_956 = arith.constant 1 : i32
        %get3A_957 = arith.index_cast %get3A_956 : i32 to index
        %get3A_958 = arith.index_cast %scan3A_660 : i32 to index
        %get3A_959 = arith.constant 480 : index
        %get3A_960 = tpu.vector_load %arg8[%get3A_957, %get3A_958, %get3A_959] {strides = array<i32>} : memref<2x32x768xf32, #tpu.memory_space<vmem>>, vector<1x1x16xf32>,
        %get3A_961 = vector.shape_cast %get3A_960 : vector<1x1x16xf32> to vector<16xf32>
        %mul3A_962 = arith.mulf %get3A_715, %get3A_961 : vector<16xf32>
        %add3A_963 = arith.addf %scan3A_691, %mul3A_962 : vector<16xf32>
        %get3A_964 = arith.constant 1 : i32
        %get3A_965 = arith.index_cast %get3A_964 : i32 to index
        %get3A_966 = arith.index_cast %scan3A_660 : i32 to index
        %get3A_967 = arith.constant 496 : index
        %get3A_968 = tpu.vector_load %arg8[%get3A_965, %get3A_966, %get3A_967] {strides = array<i32>} : memref<2x32x768xf32, #tpu.memory_space<vmem>>, vector<1x1x16xf32>,
        %get3A_969 = vector.shape_cast %get3A_968 : vector<1x1x16xf32> to vector<16xf32>
        %mul3A_970 = arith.mulf %get3A_715, %get3A_969 : vector<16xf32>
        %add3A_971 = arith.addf %scan3A_692, %mul3A_970 : vector<16xf32>
        %get3A_972 = arith.constant 1 : i32
        %get3A_973 = arith.index_cast %get3A_972 : i32 to index
        %get3A_974 = arith.index_cast %scan3A_660 : i32 to index
        %get3A_975 = arith.constant 512 : index
        %get3A_976 = tpu.vector_load %arg8[%get3A_973, %get3A_974, %get3A_975] {strides = array<i32>} : memref<2x32x768xf32, #tpu.memory_space<vmem>>, vector<1x1x16xf32>,
        %get3A_977 = vector.shape_cast %get3A_976 : vector<1x1x16xf32> to vector<16xf32>
        %mul3A_978 = arith.mulf %get3A_715, %get3A_977 : vector<16xf32>
        %add3A_979 = arith.addf %scan3A_693, %mul3A_978 : vector<16xf32>
        %get3A_980 = arith.constant 1 : i32
        %get3A_981 = arith.index_cast %get3A_980 : i32 to index
        %get3A_982 = arith.index_cast %scan3A_660 : i32 to index
        %get3A_983 = arith.constant 528 : index
        %get3A_984 = tpu.vector_load %arg8[%get3A_981, %get3A_982, %get3A_983] {strides = array<i32>} : memref<2x32x768xf32, #tpu.memory_space<vmem>>, vector<1x1x16xf32>,
        %get3A_985 = vector.shape_cast %get3A_984 : vector<1x1x16xf32> to vector<16xf32>
        %mul3A_986 = arith.mulf %get3A_715, %get3A_985 : vector<16xf32>
        %add3A_987 = arith.addf %scan3A_694, %mul3A_986 : vector<16xf32>
        %get3A_988 = arith.constant 1 : i32
        %get3A_989 = arith.index_cast %get3A_988 : i32 to index
        %get3A_990 = arith.index_cast %scan3A_660 : i32 to index
        %get3A_991 = arith.constant 544 : index
        %get3A_992 = tpu.vector_load %arg8[%get3A_989, %get3A_990, %get3A_991] {strides = array<i32>} : memref<2x32x768xf32, #tpu.memory_space<vmem>>, vector<1x1x16xf32>,
        %get3A_993 = vector.shape_cast %get3A_992 : vector<1x1x16xf32> to vector<16xf32>
        %mul3A_994 = arith.mulf %get3A_715, %get3A_993 : vector<16xf32>
        %add3A_995 = arith.addf %scan3A_695, %mul3A_994 : vector<16xf32>
        %get3A_996 = arith.constant 1 : i32
        %get3A_997 = arith.index_cast %get3A_996 : i32 to index
        %get3A_998 = arith.index_cast %scan3A_660 : i32 to index
        %get3A_999 = arith.constant 560 : index
        %get3A_1000 = tpu.vector_load %arg8[%get3A_997, %get3A_998, %get3A_999] {strides = array<i32>} : memref<2x32x768xf32, #tpu.memory_space<vmem>>, vector<1x1x16xf32>,
        %get3A_1001 = vector.shape_cast %get3A_1000 : vector<1x1x16xf32> to vector<16xf32>
        %mul3A_1002 = arith.mulf %get3A_715, %get3A_1001 : vector<16xf32>
        %add3A_1003 = arith.addf %scan3A_696, %mul3A_1002 : vector<16xf32>
        %get3A_1004 = arith.constant 1 : i32
        %get3A_1005 = arith.index_cast %get3A_1004 : i32 to index
        %get3A_1006 = arith.index_cast %scan3A_660 : i32 to index
        %get3A_1007 = arith.constant 576 : index
        %get3A_1008 = tpu.vector_load %arg8[%get3A_1005, %get3A_1006, %get3A_1007] {strides = array<i32>} : memref<2x32x768xf32, #tpu.memory_space<vmem>>, vector<1x1x16xf32>,
        %get3A_1009 = vector.shape_cast %get3A_1008 : vector<1x1x16xf32> to vector<16xf32>
        %mul3A_1010 = arith.mulf %get3A_715, %get3A_1009 : vector<16xf32>
        %add3A_1011 = arith.addf %scan3A_697, %mul3A_1010 : vector<16xf32>
        %get3A_1012 = arith.constant 1 : i32
        %get3A_1013 = arith.index_cast %get3A_1012 : i32 to index
        %get3A_1014 = arith.index_cast %scan3A_660 : i32 to index
        %get3A_1015 = arith.constant 592 : index
        %get3A_1016 = tpu.vector_load %arg8[%get3A_1013, %get3A_1014, %get3A_1015] {strides = array<i32>} : memref<2x32x768xf32, #tpu.memory_space<vmem>>, vector<1x1x16xf32>,
        %get3A_1017 = vector.shape_cast %get3A_1016 : vector<1x1x16xf32> to vector<16xf32>
        %mul3A_1018 = arith.mulf %get3A_715, %get3A_1017 : vector<16xf32>
        %add3A_1019 = arith.addf %scan3A_698, %mul3A_1018 : vector<16xf32>
        %get3A_1020 = arith.constant 1 : i32
        %get3A_1021 = arith.index_cast %get3A_1020 : i32 to index
        %get3A_1022 = arith.index_cast %scan3A_660 : i32 to index
        %get3A_1023 = arith.constant 608 : index
        %get3A_1024 = tpu.vector_load %arg8[%get3A_1021, %get3A_1022, %get3A_1023] {strides = array<i32>} : memref<2x32x768xf32, #tpu.memory_space<vmem>>, vector<1x1x16xf32>,
        %get3A_1025 = vector.shape_cast %get3A_1024 : vector<1x1x16xf32> to vector<16xf32>
        %mul3A_1026 = arith.mulf %get3A_715, %get3A_1025 : vector<16xf32>
        %add3A_1027 = arith.addf %scan3A_699, %mul3A_1026 : vector<16xf32>
        %get3A_1028 = arith.constant 1 : i32
        %get3A_1029 = arith.index_cast %get3A_1028 : i32 to index
        %get3A_1030 = arith.index_cast %scan3A_660 : i32 to index
        %get3A_1031 = arith.constant 624 : index
        %get3A_1032 = tpu.vector_load %arg8[%get3A_1029, %get3A_1030, %get3A_1031] {strides = array<i32>} : memref<2x32x768xf32, #tpu.memory_space<vmem>>, vector<1x1x16xf32>,
        %get3A_1033 = vector.shape_cast %get3A_1032 : vector<1x1x16xf32> to vector<16xf32>
        %mul3A_1034 = arith.mulf %get3A_715, %get3A_1033 : vector<16xf32>
        %add3A_1035 = arith.addf %scan3A_700, %mul3A_1034 : vector<16xf32>
        %get3A_1036 = arith.constant 1 : i32
        %get3A_1037 = arith.index_cast %get3A_1036 : i32 to index
        %get3A_1038 = arith.index_cast %scan3A_660 : i32 to index
        %get3A_1039 = arith.constant 640 : index
        %get3A_1040 = tpu.vector_load %arg8[%get3A_1037, %get3A_1038, %get3A_1039] {strides = array<i32>} : memref<2x32x768xf32, #tpu.memory_space<vmem>>, vector<1x1x16xf32>,
        %get3A_1041 = vector.shape_cast %get3A_1040 : vector<1x1x16xf32> to vector<16xf32>
        %mul3A_1042 = arith.mulf %get3A_715, %get3A_1041 : vector<16xf32>
        %add3A_1043 = arith.addf %scan3A_701, %mul3A_1042 : vector<16xf32>
        %get3A_1044 = arith.constant 1 : i32
        %get3A_1045 = arith.index_cast %get3A_1044 : i32 to index
        %get3A_1046 = arith.index_cast %scan3A_660 : i32 to index
        %get3A_1047 = arith.constant 656 : index
        %get3A_1048 = tpu.vector_load %arg8[%get3A_1045, %get3A_1046, %get3A_1047] {strides = array<i32>} : memref<2x32x768xf32, #tpu.memory_space<vmem>>, vector<1x1x16xf32>,
        %get3A_1049 = vector.shape_cast %get3A_1048 : vector<1x1x16xf32> to vector<16xf32>
        %mul3A_1050 = arith.mulf %get3A_715, %get3A_1049 : vector<16xf32>
        %add3A_1051 = arith.addf %scan3A_702, %mul3A_1050 : vector<16xf32>
        %get3A_1052 = arith.constant 1 : i32
        %get3A_1053 = arith.index_cast %get3A_1052 : i32 to index
        %get3A_1054 = arith.index_cast %scan3A_660 : i32 to index
        %get3A_1055 = arith.constant 672 : index
        %get3A_1056 = tpu.vector_load %arg8[%get3A_1053, %get3A_1054, %get3A_1055] {strides = array<i32>} : memref<2x32x768xf32, #tpu.memory_space<vmem>>, vector<1x1x16xf32>,
        %get3A_1057 = vector.shape_cast %get3A_1056 : vector<1x1x16xf32> to vector<16xf32>
        %mul3A_1058 = arith.mulf %get3A_715, %get3A_1057 : vector<16xf32>
        %add3A_1059 = arith.addf %scan3A_703, %mul3A_1058 : vector<16xf32>
        %get3A_1060 = arith.constant 1 : i32
        %get3A_1061 = arith.index_cast %get3A_1060 : i32 to index
        %get3A_1062 = arith.index_cast %scan3A_660 : i32 to index
        %get3A_1063 = arith.constant 688 : index
        %get3A_1064 = tpu.vector_load %arg8[%get3A_1061, %get3A_1062, %get3A_1063] {strides = array<i32>} : memref<2x32x768xf32, #tpu.memory_space<vmem>>, vector<1x1x16xf32>,
        %get3A_1065 = vector.shape_cast %get3A_1064 : vector<1x1x16xf32> to vector<16xf32>
        %mul3A_1066 = arith.mulf %get3A_715, %get3A_1065 : vector<16xf32>
        %add3A_1067 = arith.addf %scan3A_704, %mul3A_1066 : vector<16xf32>
        %get3A_1068 = arith.constant 1 : i32
        %get3A_1069 = arith.index_cast %get3A_1068 : i32 to index
        %get3A_1070 = arith.index_cast %scan3A_660 : i32 to index
        %get3A_1071 = arith.constant 704 : index
        %get3A_1072 = tpu.vector_load %arg8[%get3A_1069, %get3A_1070, %get3A_1071] {strides = array<i32>} : memref<2x32x768xf32, #tpu.memory_space<vmem>>, vector<1x1x16xf32>,
        %get3A_1073 = vector.shape_cast %get3A_1072 : vector<1x1x16xf32> to vector<16xf32>
        %mul3A_1074 = arith.mulf %get3A_715, %get3A_1073 : vector<16xf32>
        %add3A_1075 = arith.addf %scan3A_705, %mul3A_1074 : vector<16xf32>
        %get3A_1076 = arith.constant 1 : i32
        %get3A_1077 = arith.index_cast %get3A_1076 : i32 to index
        %get3A_1078 = arith.index_cast %scan3A_660 : i32 to index
        %get3A_1079 = arith.constant 720 : index
        %get3A_1080 = tpu.vector_load %arg8[%get3A_1077, %get3A_1078, %get3A_1079] {strides = array<i32>} : memref<2x32x768xf32, #tpu.memory_space<vmem>>, vector<1x1x16xf32>,
        %get3A_1081 = vector.shape_cast %get3A_1080 : vector<1x1x16xf32> to vector<16xf32>
        %mul3A_1082 = arith.mulf %get3A_715, %get3A_1081 : vector<16xf32>
        %add3A_1083 = arith.addf %scan3A_706, %mul3A_1082 : vector<16xf32>
        %get3A_1084 = arith.constant 1 : i32
        %get3A_1085 = arith.index_cast %get3A_1084 : i32 to index
        %get3A_1086 = arith.index_cast %scan3A_660 : i32 to index
        %get3A_1087 = arith.constant 736 : index
        %get3A_1088 = tpu.vector_load %arg8[%get3A_1085, %get3A_1086, %get3A_1087] {strides = array<i32>} : memref<2x32x768xf32, #tpu.memory_space<vmem>>, vector<1x1x16xf32>,
        %get3A_1089 = vector.shape_cast %get3A_1088 : vector<1x1x16xf32> to vector<16xf32>
        %mul3A_1090 = arith.mulf %get3A_715, %get3A_1089 : vector<16xf32>
        %add3A_1091 = arith.addf %scan3A_707, %mul3A_1090 : vector<16xf32>
        %get3A_1092 = arith.constant 1 : i32
        %get3A_1093 = arith.index_cast %get3A_1092 : i32 to index
        %get3A_1094 = arith.index_cast %scan3A_660 : i32 to index
        %get3A_1095 = arith.constant 752 : index
        %get3A_1096 = tpu.vector_load %arg8[%get3A_1093, %get3A_1094, %get3A_1095] {strides = array<i32>} : memref<2x32x768xf32, #tpu.memory_space<vmem>>, vector<1x1x16xf32>,
        %get3A_1097 = vector.shape_cast %get3A_1096 : vector<1x1x16xf32> to vector<16xf32>
        %mul3A_1098 = arith.mulf %get3A_715, %get3A_1097 : vector<16xf32>
        %add3A_1099 = arith.addf %scan3A_708, %mul3A_1098 : vector<16xf32>
        scf.yield %add3A_723, %add3A_731, %add3A_739, %add3A_747, %add3A_755, %add3A_763, %add3A_771, %add3A_779, %add3A_787, %add3A_795, %add3A_803, %add3A_811, %add3A_819, %add3A_827, %add3A_835, %add3A_843, %add3A_851, %add3A_859, %add3A_867, %add3A_875, %add3A_883, %add3A_891, %add3A_899, %add3A_907, %add3A_915, %add3A_923, %add3A_931, %add3A_939, %add3A_947, %add3A_955, %add3A_963, %add3A_971, %add3A_979, %add3A_987, %add3A_995, %add3A_1003, %add3A_1011, %add3A_1019, %add3A_1027, %add3A_1035, %add3A_1043, %add3A_1051, %add3A_1059, %add3A_1067, %add3A_1075, %add3A_1083, %add3A_1091, %add3A_1099 : vector<16xf32>, vector<16xf32>, vector<16xf32>, vector<16xf32>, vector<16xf32>, vector<16xf32>, vector<16xf32>, vector<16xf32>, vector<16xf32>, vector<16xf32>, vector<16xf32>, vector<16xf32>, vector<16xf32>, vector<16xf32>, vector<16xf32>, vector<16xf32>, vector<16xf32>, vector<16xf32>, vector<16xf32>, vector<16xf32>, vector<16xf32>, vector<16xf32>, vector<16xf32>, vector<16xf32>, vector<16xf32>, vector<16xf32>, vector<16xf32>, vector<16xf32>, vector<16xf32>, vector<16xf32>, vector<16xf32>, vector<16xf32>, vector<16xf32>, vector<16xf32>, vector<16xf32>, vector<16xf32>, vector<16xf32>, vector<16xf32>, vector<16xf32>, vector<16xf32>, vector<16xf32>, vector<16xf32>, vector<16xf32>, vector<16xf32>, vector<16xf32>, vector<16xf32>, vector<16xf32>, vector<16xf32>
      }
      %scan3A_459 = arith.constant 32 : i32
      %swap3A_460 = arith.constant 0 : index
      %swap3A_461 = tpu.vector_load %arg9[%swap3A_460] {strides = array<i32>} : memref<768xf32, #tpu.memory_space<vmem>>, vector<16xf32>,
      %swap3A_462 = vector.shape_cast %swap3A_461 : vector<16xf32> to vector<16xf32>
      %swap3A_463 = vector.shape_cast %scan3A_458#0 : vector<16xf32> to vector<16xf32>
      tpu.vector_store %arg9[%swap3A_460], %swap3A_463 {strides = array<i32>} : memref<768xf32, #tpu.memory_space<vmem>>, vector<16xf32>,
      %swap3A_464 = arith.constant 16 : index
      %swap3A_465 = tpu.vector_load %arg9[%swap3A_464] {strides = array<i32>} : memref<768xf32, #tpu.memory_space<vmem>>, vector<16xf32>,
      %swap3A_466 = vector.shape_cast %swap3A_465 : vector<16xf32> to vector<16xf32>
      %swap3A_467 = vector.shape_cast %scan3A_458#1 : vector<16xf32> to vector<16xf32>
      tpu.vector_store %arg9[%swap3A_464], %swap3A_467 {strides = array<i32>} : memref<768xf32, #tpu.memory_space<vmem>>, vector<16xf32>,
      %swap3A_468 = arith.constant 32 : index
      %swap3A_469 = tpu.vector_load %arg9[%swap3A_468] {strides = array<i32>} : memref<768xf32, #tpu.memory_space<vmem>>, vector<16xf32>,
      %swap3A_470 = vector.shape_cast %swap3A_469 : vector<16xf32> to vector<16xf32>
      %swap3A_471 = vector.shape_cast %scan3A_458#2 : vector<16xf32> to vector<16xf32>
      tpu.vector_store %arg9[%swap3A_468], %swap3A_471 {strides = array<i32>} : memref<768xf32, #tpu.memory_space<vmem>>, vector<16xf32>,
      %swap3A_472 = arith.constant 48 : index
      %swap3A_473 = tpu.vector_load %arg9[%swap3A_472] {strides = array<i32>} : memref<768xf32, #tpu.memory_space<vmem>>, vector<16xf32>,
      %swap3A_474 = vector.shape_cast %swap3A_473 : vector<16xf32> to vector<16xf32>
      %swap3A_475 = vector.shape_cast %scan3A_458#3 : vector<16xf32> to vector<16xf32>
      tpu.vector_store %arg9[%swap3A_472], %swap3A_475 {strides = array<i32>} : memref<768xf32, #tpu.memory_space<vmem>>, vector<16xf32>,
      %swap3A_476 = arith.constant 64 : index
      %swap3A_477 = tpu.vector_load %arg9[%swap3A_476] {strides = array<i32>} : memref<768xf32, #tpu.memory_space<vmem>>, vector<16xf32>,
      %swap3A_478 = vector.shape_cast %swap3A_477 : vector<16xf32> to vector<16xf32>
      %swap3A_479 = vector.shape_cast %scan3A_458#4 : vector<16xf32> to vector<16xf32>
      tpu.vector_store %arg9[%swap3A_476], %swap3A_479 {strides = array<i32>} : memref<768xf32, #tpu.memory_space<vmem>>, vector<16xf32>,
      %swap3A_480 = arith.constant 80 : index
      %swap3A_481 = tpu.vector_load %arg9[%swap3A_480] {strides = array<i32>} : memref<768xf32, #tpu.memory_space<vmem>>, vector<16xf32>,
      %swap3A_482 = vector.shape_cast %swap3A_481 : vector<16xf32> to vector<16xf32>
      %swap3A_483 = vector.shape_cast %scan3A_458#5 : vector<16xf32> to vector<16xf32>
      tpu.vector_store %arg9[%swap3A_480], %swap3A_483 {strides = array<i32>} : memref<768xf32, #tpu.memory_space<vmem>>, vector<16xf32>,
      %swap3A_484 = arith.constant 96 : index
      %swap3A_485 = tpu.vector_load %arg9[%swap3A_484] {strides = array<i32>} : memref<768xf32, #tpu.memory_space<vmem>>, vector<16xf32>,
      %swap3A_486 = vector.shape_cast %swap3A_485 : vector<16xf32> to vector<16xf32>
      %swap3A_487 = vector.shape_cast %scan3A_458#6 : vector<16xf32> to vector<16xf32>
      tpu.vector_store %arg9[%swap3A_484], %swap3A_487 {strides = array<i32>} : memref<768xf32, #tpu.memory_space<vmem>>, vector<16xf32>,
      %swap3A_488 = arith.constant 112 : index
      %swap3A_489 = tpu.vector_load %arg9[%swap3A_488] {strides = array<i32>} : memref<768xf32, #tpu.memory_space<vmem>>, vector<16xf32>,
      %swap3A_490 = vector.shape_cast %swap3A_489 : vector<16xf32> to vector<16xf32>
      %swap3A_491 = vector.shape_cast %scan3A_458#7 : vector<16xf32> to vector<16xf32>
      tpu.vector_store %arg9[%swap3A_488], %swap3A_491 {strides = array<i32>} : memref<768xf32, #tpu.memory_space<vmem>>, vector<16xf32>,
      %swap3A_492 = arith.constant 128 : index
      %swap3A_493 = tpu.vector_load %arg9[%swap3A_492] {strides = array<i32>} : memref<768xf32, #tpu.memory_space<vmem>>, vector<16xf32>,
      %swap3A_494 = vector.shape_cast %swap3A_493 : vector<16xf32> to vector<16xf32>
      %swap3A_495 = vector.shape_cast %scan3A_458#8 : vector<16xf32> to vector<16xf32>
      tpu.vector_store %arg9[%swap3A_492], %swap3A_495 {strides = array<i32>} : memref<768xf32, #tpu.memory_space<vmem>>, vector<16xf32>,
      %swap3A_496 = arith.constant 144 : index
      %swap3A_497 = tpu.vector_load %arg9[%swap3A_496] {strides = array<i32>} : memref<768xf32, #tpu.memory_space<vmem>>, vector<16xf32>,
      %swap3A_498 = vector.shape_cast %swap3A_497 : vector<16xf32> to vector<16xf32>
      %swap3A_499 = vector.shape_cast %scan3A_458#9 : vector<16xf32> to vector<16xf32>
      tpu.vector_store %arg9[%swap3A_496], %swap3A_499 {strides = array<i32>} : memref<768xf32, #tpu.memory_space<vmem>>, vector<16xf32>,
      %swap3A_500 = arith.constant 160 : index
      %swap3A_501 = tpu.vector_load %arg9[%swap3A_500] {strides = array<i32>} : memref<768xf32, #tpu.memory_space<vmem>>, vector<16xf32>,
      %swap3A_502 = vector.shape_cast %swap3A_501 : vector<16xf32> to vector<16xf32>
      %swap3A_503 = vector.shape_cast %scan3A_458#10 : vector<16xf32> to vector<16xf32>
      tpu.vector_store %arg9[%swap3A_500], %swap3A_503 {strides = array<i32>} : memref<768xf32, #tpu.memory_space<vmem>>, vector<16xf32>,
      %swap3A_504 = arith.constant 176 : index
      %swap3A_505 = tpu.vector_load %arg9[%swap3A_504] {strides = array<i32>} : memref<768xf32, #tpu.memory_space<vmem>>, vector<16xf32>,
      %swap3A_506 = vector.shape_cast %swap3A_505 : vector<16xf32> to vector<16xf32>
      %swap3A_507 = vector.shape_cast %scan3A_458#11 : vector<16xf32> to vector<16xf32>
      tpu.vector_store %arg9[%swap3A_504], %swap3A_507 {strides = array<i32>} : memref<768xf32, #tpu.memory_space<vmem>>, vector<16xf32>,
      %swap3A_508 = arith.constant 192 : index
      %swap3A_509 = tpu.vector_load %arg9[%swap3A_508] {strides = array<i32>} : memref<768xf32, #tpu.memory_space<vmem>>, vector<16xf32>,
      %swap3A_510 = vector.shape_cast %swap3A_509 : vector<16xf32> to vector<16xf32>
      %swap3A_511 = vector.shape_cast %scan3A_458#12 : vector<16xf32> to vector<16xf32>
      tpu.vector_store %arg9[%swap3A_508], %swap3A_511 {strides = array<i32>} : memref<768xf32, #tpu.memory_space<vmem>>, vector<16xf32>,
      %swap3A_512 = arith.constant 208 : index
      %swap3A_513 = tpu.vector_load %arg9[%swap3A_512] {strides = array<i32>} : memref<768xf32, #tpu.memory_space<vmem>>, vector<16xf32>,
      %swap3A_514 = vector.shape_cast %swap3A_513 : vector<16xf32> to vector<16xf32>
      %swap3A_515 = vector.shape_cast %scan3A_458#13 : vector<16xf32> to vector<16xf32>
      tpu.vector_store %arg9[%swap3A_512], %swap3A_515 {strides = array<i32>} : memref<768xf32, #tpu.memory_space<vmem>>, vector<16xf32>,
      %swap3A_516 = arith.constant 224 : index
      %swap3A_517 = tpu.vector_load %arg9[%swap3A_516] {strides = array<i32>} : memref<768xf32, #tpu.memory_space<vmem>>, vector<16xf32>,
      %swap3A_518 = vector.shape_cast %swap3A_517 : vector<16xf32> to vector<16xf32>
      %swap3A_519 = vector.shape_cast %scan3A_458#14 : vector<16xf32> to vector<16xf32>
      tpu.vector_store %arg9[%swap3A_516], %swap3A_519 {strides = array<i32>} : memref<768xf32, #tpu.memory_space<vmem>>, vector<16xf32>,
      %swap3A_520 = arith.constant 240 : index
      %swap3A_521 = tpu.vector_load %arg9[%swap3A_520] {strides = array<i32>} : memref<768xf32, #tpu.memory_space<vmem>>, vector<16xf32>,
      %swap3A_522 = vector.shape_cast %swap3A_521 : vector<16xf32> to vector<16xf32>
      %swap3A_523 = vector.shape_cast %scan3A_458#15 : vector<16xf32> to vector<16xf32>
      tpu.vector_store %arg9[%swap3A_520], %swap3A_523 {strides = array<i32>} : memref<768xf32, #tpu.memory_space<vmem>>, vector<16xf32>,
      %swap3A_524 = arith.constant 256 : index
      %swap3A_525 = tpu.vector_load %arg9[%swap3A_524] {strides = array<i32>} : memref<768xf32, #tpu.memory_space<vmem>>, vector<16xf32>,
      %swap3A_526 = vector.shape_cast %swap3A_525 : vector<16xf32> to vector<16xf32>
      %swap3A_527 = vector.shape_cast %scan3A_458#16 : vector<16xf32> to vector<16xf32>
      tpu.vector_store %arg9[%swap3A_524], %swap3A_527 {strides = array<i32>} : memref<768xf32, #tpu.memory_space<vmem>>, vector<16xf32>,
      %swap3A_528 = arith.constant 272 : index
      %swap3A_529 = tpu.vector_load %arg9[%swap3A_528] {strides = array<i32>} : memref<768xf32, #tpu.memory_space<vmem>>, vector<16xf32>,
      %swap3A_530 = vector.shape_cast %swap3A_529 : vector<16xf32> to vector<16xf32>
      %swap3A_531 = vector.shape_cast %scan3A_458#17 : vector<16xf32> to vector<16xf32>
      tpu.vector_store %arg9[%swap3A_528], %swap3A_531 {strides = array<i32>} : memref<768xf32, #tpu.memory_space<vmem>>, vector<16xf32>,
      %swap3A_532 = arith.constant 288 : index
      %swap3A_533 = tpu.vector_load %arg9[%swap3A_532] {strides = array<i32>} : memref<768xf32, #tpu.memory_space<vmem>>, vector<16xf32>,
      %swap3A_534 = vector.shape_cast %swap3A_533 : vector<16xf32> to vector<16xf32>
      %swap3A_535 = vector.shape_cast %scan3A_458#18 : vector<16xf32> to vector<16xf32>
      tpu.vector_store %arg9[%swap3A_532], %swap3A_535 {strides = array<i32>} : memref<768xf32, #tpu.memory_space<vmem>>, vector<16xf32>,
      %swap3A_536 = arith.constant 304 : index
      %swap3A_537 = tpu.vector_load %arg9[%swap3A_536] {strides = array<i32>} : memref<768xf32, #tpu.memory_space<vmem>>, vector<16xf32>,
      %swap3A_538 = vector.shape_cast %swap3A_537 : vector<16xf32> to vector<16xf32>
      %swap3A_539 = vector.shape_cast %scan3A_458#19 : vector<16xf32> to vector<16xf32>
      tpu.vector_store %arg9[%swap3A_536], %swap3A_539 {strides = array<i32>} : memref<768xf32, #tpu.memory_space<vmem>>, vector<16xf32>,
      %swap3A_540 = arith.constant 320 : index
      %swap3A_541 = tpu.vector_load %arg9[%swap3A_540] {strides = array<i32>} : memref<768xf32, #tpu.memory_space<vmem>>, vector<16xf32>,
      %swap3A_542 = vector.shape_cast %swap3A_541 : vector<16xf32> to vector<16xf32>
      %swap3A_543 = vector.shape_cast %scan3A_458#20 : vector<16xf32> to vector<16xf32>
      tpu.vector_store %arg9[%swap3A_540], %swap3A_543 {strides = array<i32>} : memref<768xf32, #tpu.memory_space<vmem>>, vector<16xf32>,
      %swap3A_544 = arith.constant 336 : index
      %swap3A_545 = tpu.vector_load %arg9[%swap3A_544] {strides = array<i32>} : memref<768xf32, #tpu.memory_space<vmem>>, vector<16xf32>,
      %swap3A_546 = vector.shape_cast %swap3A_545 : vector<16xf32> to vector<16xf32>
      %swap3A_547 = vector.shape_cast %scan3A_458#21 : vector<16xf32> to vector<16xf32>
      tpu.vector_store %arg9[%swap3A_544], %swap3A_547 {strides = array<i32>} : memref<768xf32, #tpu.memory_space<vmem>>, vector<16xf32>,
      %swap3A_548 = arith.constant 352 : index
      %swap3A_549 = tpu.vector_load %arg9[%swap3A_548] {strides = array<i32>} : memref<768xf32, #tpu.memory_space<vmem>>, vector<16xf32>,
      %swap3A_550 = vector.shape_cast %swap3A_549 : vector<16xf32> to vector<16xf32>
      %swap3A_551 = vector.shape_cast %scan3A_458#22 : vector<16xf32> to vector<16xf32>
      tpu.vector_store %arg9[%swap3A_548], %swap3A_551 {strides = array<i32>} : memref<768xf32, #tpu.memory_space<vmem>>, vector<16xf32>,
      %swap3A_552 = arith.constant 368 : index
      %swap3A_553 = tpu.vector_load %arg9[%swap3A_552] {strides = array<i32>} : memref<768xf32, #tpu.memory_space<vmem>>, vector<16xf32>,
      %swap3A_554 = vector.shape_cast %swap3A_553 : vector<16xf32> to vector<16xf32>
      %swap3A_555 = vector.shape_cast %scan3A_458#23 : vector<16xf32> to vector<16xf32>
      tpu.vector_store %arg9[%swap3A_552], %swap3A_555 {strides = array<i32>} : memref<768xf32, #tpu.memory_space<vmem>>, vector<16xf32>,
      %swap3A_556 = arith.constant 384 : index
      %swap3A_557 = tpu.vector_load %arg9[%swap3A_556] {strides = array<i32>} : memref<768xf32, #tpu.memory_space<vmem>>, vector<16xf32>,
      %swap3A_558 = vector.shape_cast %swap3A_557 : vector<16xf32> to vector<16xf32>
      %swap3A_559 = vector.shape_cast %scan3A_458#24 : vector<16xf32> to vector<16xf32>
      tpu.vector_store %arg9[%swap3A_556], %swap3A_559 {strides = array<i32>} : memref<768xf32, #tpu.memory_space<vmem>>, vector<16xf32>,
      %swap3A_560 = arith.constant 400 : index
      %swap3A_561 = tpu.vector_load %arg9[%swap3A_560] {strides = array<i32>} : memref<768xf32, #tpu.memory_space<vmem>>, vector<16xf32>,
      %swap3A_562 = vector.shape_cast %swap3A_561 : vector<16xf32> to vector<16xf32>
      %swap3A_563 = vector.shape_cast %scan3A_458#25 : vector<16xf32> to vector<16xf32>
      tpu.vector_store %arg9[%swap3A_560], %swap3A_563 {strides = array<i32>} : memref<768xf32, #tpu.memory_space<vmem>>, vector<16xf32>,
      %swap3A_564 = arith.constant 416 : index
      %swap3A_565 = tpu.vector_load %arg9[%swap3A_564] {strides = array<i32>} : memref<768xf32, #tpu.memory_space<vmem>>, vector<16xf32>,
      %swap3A_566 = vector.shape_cast %swap3A_565 : vector<16xf32> to vector<16xf32>
      %swap3A_567 = vector.shape_cast %scan3A_458#26 : vector<16xf32> to vector<16xf32>
      tpu.vector_store %arg9[%swap3A_564], %swap3A_567 {strides = array<i32>} : memref<768xf32, #tpu.memory_space<vmem>>, vector<16xf32>,
      %swap3A_568 = arith.constant 432 : index
      %swap3A_569 = tpu.vector_load %arg9[%swap3A_568] {strides = array<i32>} : memref<768xf32, #tpu.memory_space<vmem>>, vector<16xf32>,
      %swap3A_570 = vector.shape_cast %swap3A_569 : vector<16xf32> to vector<16xf32>
      %swap3A_571 = vector.shape_cast %scan3A_458#27 : vector<16xf32> to vector<16xf32>
      tpu.vector_store %arg9[%swap3A_568], %swap3A_571 {strides = array<i32>} : memref<768xf32, #tpu.memory_space<vmem>>, vector<16xf32>,
      %swap3A_572 = arith.constant 448 : index
      %swap3A_573 = tpu.vector_load %arg9[%swap3A_572] {strides = array<i32>} : memref<768xf32, #tpu.memory_space<vmem>>, vector<16xf32>,
      %swap3A_574 = vector.shape_cast %swap3A_573 : vector<16xf32> to vector<16xf32>
      %swap3A_575 = vector.shape_cast %scan3A_458#28 : vector<16xf32> to vector<16xf32>
      tpu.vector_store %arg9[%swap3A_572], %swap3A_575 {strides = array<i32>} : memref<768xf32, #tpu.memory_space<vmem>>, vector<16xf32>,
      %swap3A_576 = arith.constant 464 : index
      %swap3A_577 = tpu.vector_load %arg9[%swap3A_576] {strides = array<i32>} : memref<768xf32, #tpu.memory_space<vmem>>, vector<16xf32>,
      %swap3A_578 = vector.shape_cast %swap3A_577 : vector<16xf32> to vector<16xf32>
      %swap3A_579 = vector.shape_cast %scan3A_458#29 : vector<16xf32> to vector<16xf32>
      tpu.vector_store %arg9[%swap3A_576], %swap3A_579 {strides = array<i32>} : memref<768xf32, #tpu.memory_space<vmem>>, vector<16xf32>,
      %swap3A_580 = arith.constant 480 : index
      %swap3A_581 = tpu.vector_load %arg9[%swap3A_580] {strides = array<i32>} : memref<768xf32, #tpu.memory_space<vmem>>, vector<16xf32>,
      %swap3A_582 = vector.shape_cast %swap3A_581 : vector<16xf32> to vector<16xf32>
      %swap3A_583 = vector.shape_cast %scan3A_458#30 : vector<16xf32> to vector<16xf32>
      tpu.vector_store %arg9[%swap3A_580], %swap3A_583 {strides = array<i32>} : memref<768xf32, #tpu.memory_space<vmem>>, vector<16xf32>,
      %swap3A_584 = arith.constant 496 : index
      %swap3A_585 = tpu.vector_load %arg9[%swap3A_584] {strides = array<i32>} : memref<768xf32, #tpu.memory_space<vmem>>, vector<16xf32>,
      %swap3A_586 = vector.shape_cast %swap3A_585 : vector<16xf32> to vector<16xf32>
      %swap3A_587 = vector.shape_cast %scan3A_458#31 : vector<16xf32> to vector<16xf32>
      tpu.vector_store %arg9[%swap3A_584], %swap3A_587 {strides = array<i32>} : memref<768xf32, #tpu.memory_space<vmem>>, vector<16xf32>,
      %swap3A_588 = arith.constant 512 : index
      %swap3A_589 = tpu.vector_load %arg9[%swap3A_588] {strides = array<i32>} : memref<768xf32, #tpu.memory_space<vmem>>, vector<16xf32>,
      %swap3A_590 = vector.shape_cast %swap3A_589 : vector<16xf32> to vector<16xf32>
      %swap3A_591 = vector.shape_cast %scan3A_458#32 : vector<16xf32> to vector<16xf32>
      tpu.vector_store %arg9[%swap3A_588], %swap3A_591 {strides = array<i32>} : memref<768xf32, #tpu.memory_space<vmem>>, vector<16xf32>,
      %swap3A_592 = arith.constant 528 : index
      %swap3A_593 = tpu.vector_load %arg9[%swap3A_592] {strides = array<i32>} : memref<768xf32, #tpu.memory_space<vmem>>, vector<16xf32>,
      %swap3A_594 = vector.shape_cast %swap3A_593 : vector<16xf32> to vector<16xf32>
      %swap3A_595 = vector.shape_cast %scan3A_458#33 : vector<16xf32> to vector<16xf32>
      tpu.vector_store %arg9[%swap3A_592], %swap3A_595 {strides = array<i32>} : memref<768xf32, #tpu.memory_space<vmem>>, vector<16xf32>,
      %swap3A_596 = arith.constant 544 : index
      %swap3A_597 = tpu.vector_load %arg9[%swap3A_596] {strides = array<i32>} : memref<768xf32, #tpu.memory_space<vmem>>, vector<16xf32>,
      %swap3A_598 = vector.shape_cast %swap3A_597 : vector<16xf32> to vector<16xf32>
      %swap3A_599 = vector.shape_cast %scan3A_458#34 : vector<16xf32> to vector<16xf32>
      tpu.vector_store %arg9[%swap3A_596], %swap3A_599 {strides = array<i32>} : memref<768xf32, #tpu.memory_space<vmem>>, vector<16xf32>,
      %swap3A_600 = arith.constant 560 : index
      %swap3A_601 = tpu.vector_load %arg9[%swap3A_600] {strides = array<i32>} : memref<768xf32, #tpu.memory_space<vmem>>, vector<16xf32>,
      %swap3A_602 = vector.shape_cast %swap3A_601 : vector<16xf32> to vector<16xf32>
      %swap3A_603 = vector.shape_cast %scan3A_458#35 : vector<16xf32> to vector<16xf32>
      tpu.vector_store %arg9[%swap3A_600], %swap3A_603 {strides = array<i32>} : memref<768xf32, #tpu.memory_space<vmem>>, vector<16xf32>,
      %swap3A_604 = arith.constant 576 : index
      %swap3A_605 = tpu.vector_load %arg9[%swap3A_604] {strides = array<i32>} : memref<768xf32, #tpu.memory_space<vmem>>, vector<16xf32>,
      %swap3A_606 = vector.shape_cast %swap3A_605 : vector<16xf32> to vector<16xf32>
      %swap3A_607 = vector.shape_cast %scan3A_458#36 : vector<16xf32> to vector<16xf32>
      tpu.vector_store %arg9[%swap3A_604], %swap3A_607 {strides = array<i32>} : memref<768xf32, #tpu.memory_space<vmem>>, vector<16xf32>,
      %swap3A_608 = arith.constant 592 : index
      %swap3A_609 = tpu.vector_load %arg9[%swap3A_608] {strides = array<i32>} : memref<768xf32, #tpu.memory_space<vmem>>, vector<16xf32>,
      %swap3A_610 = vector.shape_cast %swap3A_609 : vector<16xf32> to vector<16xf32>
      %swap3A_611 = vector.shape_cast %scan3A_458#37 : vector<16xf32> to vector<16xf32>
      tpu.vector_store %arg9[%swap3A_608], %swap3A_611 {strides = array<i32>} : memref<768xf32, #tpu.memory_space<vmem>>, vector<16xf32>,
      %swap3A_612 = arith.constant 608 : index
      %swap3A_613 = tpu.vector_load %arg9[%swap3A_612] {strides = array<i32>} : memref<768xf32, #tpu.memory_space<vmem>>, vector<16xf32>,
      %swap3A_614 = vector.shape_cast %swap3A_613 : vector<16xf32> to vector<16xf32>
      %swap3A_615 = vector.shape_cast %scan3A_458#38 : vector<16xf32> to vector<16xf32>
      tpu.vector_store %arg9[%swap3A_612], %swap3A_615 {strides = array<i32>} : memref<768xf32, #tpu.memory_space<vmem>>, vector<16xf32>,
      %swap3A_616 = arith.constant 624 : index
      %swap3A_617 = tpu.vector_load %arg9[%swap3A_616] {strides = array<i32>} : memref<768xf32, #tpu.memory_space<vmem>>, vector<16xf32>,
      %swap3A_618 = vector.shape_cast %swap3A_617 : vector<16xf32> to vector<16xf32>
      %swap3A_619 = vector.shape_cast %scan3A_458#39 : vector<16xf32> to vector<16xf32>
      tpu.vector_store %arg9[%swap3A_616], %swap3A_619 {strides = array<i32>} : memref<768xf32, #tpu.memory_space<vmem>>, vector<16xf32>,
      %swap3A_620 = arith.constant 640 : index
      %swap3A_621 = tpu.vector_load %arg9[%swap3A_620] {strides = array<i32>} : memref<768xf32, #tpu.memory_space<vmem>>, vector<16xf32>,
      %swap3A_622 = vector.shape_cast %swap3A_621 : vector<16xf32> to vector<16xf32>
      %swap3A_623 = vector.shape_cast %scan3A_458#40 : vector<16xf32> to vector<16xf32>
      tpu.vector_store %arg9[%swap3A_620], %swap3A_623 {strides = array<i32>} : memref<768xf32, #tpu.memory_space<vmem>>, vector<16xf32>,
      %swap3A_624 = arith.constant 656 : index
      %swap3A_625 = tpu.vector_load %arg9[%swap3A_624] {strides = array<i32>} : memref<768xf32, #tpu.memory_space<vmem>>, vector<16xf32>,
      %swap3A_626 = vector.shape_cast %swap3A_625 : vector<16xf32> to vector<16xf32>
      %swap3A_627 = vector.shape_cast %scan3A_458#41 : vector<16xf32> to vector<16xf32>
      tpu.vector_store %arg9[%swap3A_624], %swap3A_627 {strides = array<i32>} : memref<768xf32, #tpu.memory_space<vmem>>, vector<16xf32>,
      %swap3A_628 = arith.constant 672 : index
      %swap3A_629 = tpu.vector_load %arg9[%swap3A_628] {strides = array<i32>} : memref<768xf32, #tpu.memory_space<vmem>>, vector<16xf32>,
      %swap3A_630 = vector.shape_cast %swap3A_629 : vector<16xf32> to vector<16xf32>
      %swap3A_631 = vector.shape_cast %scan3A_458#42 : vector<16xf32> to vector<16xf32>
      tpu.vector_store %arg9[%swap3A_628], %swap3A_631 {strides = array<i32>} : memref<768xf32, #tpu.memory_space<vmem>>, vector<16xf32>,
      %swap3A_632 = arith.constant 688 : index
      %swap3A_633 = tpu.vector_load %arg9[%swap3A_632] {strides = array<i32>} : memref<768xf32, #tpu.memory_space<vmem>>, vector<16xf32>,
      %swap3A_634 = vector.shape_cast %swap3A_633 : vector<16xf32> to vector<16xf32>
      %swap3A_635 = vector.shape_cast %scan3A_458#43 : vector<16xf32> to vector<16xf32>
      tpu.vector_store %arg9[%swap3A_632], %swap3A_635 {strides = array<i32>} : memref<768xf32, #tpu.memory_space<vmem>>, vector<16xf32>,
      %swap3A_636 = arith.constant 704 : index
      %swap3A_637 = tpu.vector_load %arg9[%swap3A_636] {strides = array<i32>} : memref<768xf32, #tpu.memory_space<vmem>>, vector<16xf32>,
      %swap3A_638 = vector.shape_cast %swap3A_637 : vector<16xf32> to vector<16xf32>
      %swap3A_639 = vector.shape_cast %scan3A_458#44 : vector<16xf32> to vector<16xf32>
      tpu.vector_store %arg9[%swap3A_636], %swap3A_639 {strides = array<i32>} : memref<768xf32, #tpu.memory_space<vmem>>, vector<16xf32>,
      %swap3A_640 = arith.constant 720 : index
      %swap3A_641 = tpu.vector_load %arg9[%swap3A_640] {strides = array<i32>} : memref<768xf32, #tpu.memory_space<vmem>>, vector<16xf32>,
      %swap3A_642 = vector.shape_cast %swap3A_641 : vector<16xf32> to vector<16xf32>
      %swap3A_643 = vector.shape_cast %scan3A_458#45 : vector<16xf32> to vector<16xf32>
      tpu.vector_store %arg9[%swap3A_640], %swap3A_643 {strides = array<i32>} : memref<768xf32, #tpu.memory_space<vmem>>, vector<16xf32>,
      %swap3A_644 = arith.constant 736 : index
      %swap3A_645 = tpu.vector_load %arg9[%swap3A_644] {strides = array<i32>} : memref<768xf32, #tpu.memory_space<vmem>>, vector<16xf32>,
      %swap3A_646 = vector.shape_cast %swap3A_645 : vector<16xf32> to vector<16xf32>
      %swap3A_647 = vector.shape_cast %scan3A_458#46 : vector<16xf32> to vector<16xf32>
      tpu.vector_store %arg9[%swap3A_644], %swap3A_647 {strides = array<i32>} : memref<768xf32, #tpu.memory_space<vmem>>, vector<16xf32>,
      %swap3A_648 = arith.constant 752 : index
      %swap3A_649 = tpu.vector_load %arg9[%swap3A_648] {strides = array<i32>} : memref<768xf32, #tpu.memory_space<vmem>>, vector<16xf32>,
      %swap3A_650 = vector.shape_cast %swap3A_649 : vector<16xf32> to vector<16xf32>
      %swap3A_651 = vector.shape_cast %scan3A_458#47 : vector<16xf32> to vector<16xf32>
      tpu.vector_store %arg9[%swap3A_648], %swap3A_651 {strides = array<i32>} : memref<768xf32, #tpu.memory_space<vmem>>, vector<16xf32>,
      %add3A_652 = arith.addi %mul3A_2, %add3A_346 : i32
      "tpu.region"() ({
        %run_scoped3A = tpu.sem_alloc : memref<!tpu.dma_semaphore, #tpu.memory_space<semaphore_mem>>
        %dma_start3A_660 = arith.constant 0 : i32
        %dma_start3A_661 = tpu.memref_slice %arg5[%add3A_652, %dma_start3A_660] : memref<2048x768xf32, #tpu.memory_space<hbm>> -> memref<1x768xf32, #tpu.memory_space<hbm>>
        %dma_start3A_662 = tpu.memref_squeeze %dma_start3A_661 : memref<1x768xf32, #tpu.memory_space<hbm>> -> memref<768xf32, #tpu.memory_space<hbm>>
        %dma_start3A_663 = arith.constant 0 : i32
        %dma_start3A_664 = tpu.memref_slice %arg5[%add3A_652, %dma_start3A_663] : memref<2048x768xf32, #tpu.memory_space<hbm>> -> memref<1x768xf32, #tpu.memory_space<hbm>>
        %dma_start3A_665 = tpu.memref_squeeze %dma_start3A_664 : memref<1x768xf32, #tpu.memory_space<hbm>> -> memref<768xf32, #tpu.memory_space<hbm>>
        tpu.enqueue_dma source(%arg9 : memref<768xf32, #tpu.memory_space<vmem>>) target(%dma_start3A_665 : memref<768xf32, #tpu.memory_space<hbm>>) target_semaphore(%run_scoped3A : memref<!tpu.dma_semaphore, #tpu.memory_space<semaphore_mem>>)
        %dma_wait3A_666 = arith.constant 0 : i32
        %dma_wait3A_667 = tpu.memref_slice %arg5[%add3A_652, %dma_wait3A_666] : memref<2048x768xf32, #tpu.memory_space<hbm>> -> memref<1x768xf32, #tpu.memory_space<hbm>>
        %dma_wait3A_668 = tpu.memref_squeeze %dma_wait3A_667 : memref<1x768xf32, #tpu.memory_space<hbm>> -> memref<768xf32, #tpu.memory_space<hbm>>
        %dma_wait3A_669 = arith.constant 0 : i32
        %dma_wait3A_670 = tpu.memref_slice %arg5[%add3A_652, %dma_wait3A_669] : memref<2048x768xf32, #tpu.memory_space<hbm>> -> memref<1x768xf32, #tpu.memory_space<hbm>>
        %dma_wait3A_671 = tpu.memref_squeeze %dma_wait3A_670 : memref<1x768xf32, #tpu.memory_space<hbm>> -> memref<768xf32, #tpu.memory_space<hbm>>
        tpu.wait_dma2 semaphore(%run_scoped3A : memref<!tpu.dma_semaphore, #tpu.memory_space<semaphore_mem>>) src(%arg9 : memref<768xf32, #tpu.memory_space<vmem>>) dst(%dma_wait3A_671 : memref<768xf32, #tpu.memory_space<hbm>>)
        tpu.yield
      }) : () -> ()
      %add3A_653 = arith.constant 3 : i32
      %add3A_654 = arith.addi %mul3A_37, %add3A_653 : i32
      %lt3A_655 = arith.constant 64 : i32
      %lt3A_656 = arith.cmpi slt, %add3A_654, %lt3A_655 : i32
      %convert_element_type3A_657 = arith.extui %lt3A_656 : i1 to i32
      %cond3A_658 = arith.constant 0 : i32
      %cond3A_659 = arith.cmpi ne, %convert_element_type3A_657, %cond3A_658 : i32
      scf.if %cond3A_659 {
        %add3A_660 = arith.constant 3 : i32
        %add3A_661 = arith.addi %mul3A_37, %add3A_660 : i32
        %dma_start3A_662 = arith.constant 1 : i32
        %dma_start3A_663 = arith.constant 0 : i32
        %dma_start3A_664 = arith.constant 0 : i32
        %dma_start3A_665 = tpu.memref_slice %arg8[%dma_start3A_662, %dma_start3A_663, %dma_start3A_664] : memref<2x32x768xf32, #tpu.memory_space<vmem>> -> memref<1x32x768xf32, #tpu.memory_space<vmem>>
        %dma_start3A_666 = tpu.memref_squeeze %dma_start3A_665 : memref<1x32x768xf32, #tpu.memory_space<vmem>> -> memref<32x768xf32, #tpu.memory_space<vmem>>
        %dma_start3A_667 = arith.constant 0 : i32
        %dma_start3A_668 = tpu.memref_slice %arg6[%add3A_661, %dma_start3A_667] : memref<64x32xi32, #tpu.memory_space<vmem>> -> memref<1x32xi32, #tpu.memory_space<vmem>>
        %dma_start3A_669 = tpu.memref_squeeze %dma_start3A_668 : memref<1x32xi32, #tpu.memory_space<vmem>> -> memref<32xi32, #tpu.memory_space<vmem>>
        %dma_start3A_670 = arith.constant 0 : i32
        %dma_start3A_671 = arith.constant 0 : i32
        %dma_start3A_672 = tpu.memref_slice %arg4[%dma_start3A_670, %dma_start3A_671] : memref<49152x768xf32, #tpu.memory_space<hbm>> -> memref<49152x768xf32, #tpu.memory_space<hbm>>
        tpu.enqueue_indirect_dma source(%dma_start3A_672 : memref<49152x768xf32, #tpu.memory_space<hbm>>) target(%dma_start3A_666 : memref<32x768xf32, #tpu.memory_space<vmem>>) offsets(%dma_start3A_669 : memref<32xi32, #tpu.memory_space<vmem>>) semaphore(%arg11 : memref<!tpu.dma_semaphore, #tpu.memory_space<semaphore_mem>>)
      } else {
      }
    }
    %scan3A_34 = arith.constant 32 : i32
    return
  }
}

module attributes {stable_mosaic.version = 14 : i64} {
  func.func @_enc_body(%arg0: i32, %arg1: i32, %arg2: i32, %arg3: memref<2048x768xf32, #tpu.memory_space<vmem>>, %arg4: memref<1x768xf32, #tpu.memory_space<vmem>>, %arg5: memref<768x2048xf32, #tpu.memory_space<vmem>>, %arg6: memref<512x768xf32, #tpu.memory_space<vmem>>, %arg7: memref<512x128xf32, #tpu.memory_space<vmem>>, %arg8: memref<512x128xi32, #tpu.memory_space<vmem>>, %arg9: memref<768x2048xbf16, #tpu.memory_space<vmem>>, %arg10: memref<4x512x128xf32, #tpu.memory_space<vmem>>, %arg11: memref<4x512x128xi32, #tpu.memory_space<vmem>>) attributes {dimension_semantics = [#tpu.dimension_semantics<arbitrary>, #tpu.dimension_semantics<arbitrary>, #tpu.dimension_semantics<arbitrary>], iteration_bounds = array<i64: 6, 4, 4>, scalar_prefetch = 0 : i64, scratch_operands = 3 : i64, tpu.core_type = #tpu.core_type<tc>, window_params = [{pipeline_mode = #tpu.pipeline_mode<synchronous>, transform_indices = @transform_0, window_bounds = array<i64: 2048, 768>}, {pipeline_mode = #tpu.pipeline_mode<synchronous>, transform_indices = @transform_1, window_bounds = array<i64: 1, 768>}, {transform_indices = @transform_2, window_bounds = array<i64: 768, 2048>}, {transform_indices = @transform_3, window_bounds = array<i64: 512, 768>}, {transform_indices = @transform_4, window_bounds = array<i64: 512, 128>}, {transform_indices = @transform_5, window_bounds = array<i64: 512, 128>}]} {
    %eq3A = arith.constant 0 : i32
    %eq3A_0 = arith.cmpi eq, %arg2, %eq3A : i32
    %convert_element_type3A = arith.extui %eq3A_0 : i1 to i32
    %cond3A = arith.constant 0 : i32
    %cond3A_1 = arith.cmpi ne, %convert_element_type3A, %cond3A : i32
    scf.if %cond3A_1 {
      %get3A_136 = arith.constant 0 : index
      %get3A_137 = arith.constant 0 : index
      %get3A_138 = vector.load %arg5[%get3A_136, %get3A_137] : memref<768x2048xf32, #tpu.memory_space<vmem>>, vector<768x2048xf32>
      %convert_element_type3A_139 = arith.truncf %get3A_138 : vector<768x2048xf32> to vector<768x2048xbf16>
      %swap3A_140 = arith.constant 0 : index
      %swap3A_141 = arith.constant 0 : index
      %swap3A_142 = vector.load %arg9[%swap3A_140, %swap3A_141] : memref<768x2048xbf16, #tpu.memory_space<vmem>>, vector<768x2048xbf16>
      tpu.vector_store %arg9[%swap3A_140, %swap3A_141], %convert_element_type3A_139 {strides = array<i32>} : memref<768x2048xbf16, #tpu.memory_space<vmem>>, vector<768x2048xbf16>,
    } else {
    }
    %mul3A = arith.constant 512 : i32
    %mul3A_2 = arith.muli %arg2, %mul3A : i32
    %get3A = arith.index_cast %mul3A_2 : i32 to index
    %get3A_3 = arith.constant 0 : index
    %get3A_4 = vector.load %arg3[%get3A, %get3A_3] : memref<2048x768xf32, #tpu.memory_space<vmem>>, vector<512x768xf32>
    %mul3A_5 = arith.constant 27.7128124 : f32
    %mul3A_6 = vector.broadcast %mul3A_5 : f32 to vector<512x768xf32>
    %mul3A_7 = arith.mulf %get3A_4, %mul3A_6 : vector<512x768xf32>
    %jit3A = arith.constant -1.000000e+01 : f32
    %jit3A_8 = arith.constant 1.000000e+01 : f32
    %max3A = vector.broadcast %jit3A : f32 to vector<512x768xf32>
    %max3A_9 = arith.maximumf %max3A, %mul3A_7 : vector<512x768xf32>
    %min3A = vector.broadcast %jit3A_8 : f32 to vector<512x768xf32>
    %min3A_10 = arith.minimumf %min3A, %max3A_9 : vector<512x768xf32>
    %swap3A = arith.constant 0 : index
    %swap3A_11 = arith.constant 0 : index
    %swap3A_12 = vector.load %arg6[%swap3A, %swap3A_11] : memref<512x768xf32, #tpu.memory_space<vmem>>, vector<512x768xf32>
    tpu.vector_store %arg6[%swap3A, %swap3A_11], %min3A_10 {strides = array<i32>} : memref<512x768xf32, #tpu.memory_space<vmem>>, vector<512x768xf32>,
    %get3A_13 = arith.constant 0 : index
    %get3A_14 = arith.constant 0 : index
    %get3A_15 = vector.load %arg4[%get3A_13, %get3A_14] : memref<1x768xf32, #tpu.memory_space<vmem>>, vector<1x768xf32>
    %sub3A = vector.broadcast %get3A_15 : vector<1x768xf32> to vector<512x768xf32>
    %sub3A_16 = arith.subf %min3A_10, %sub3A : vector<512x768xf32>
    %convert_element_type3A_17 = arith.truncf %sub3A_16 : vector<512x768xf32> to vector<512x768xbf16>
    %get3A_18 = arith.constant 0 : index
    %get3A_19 = arith.constant 0 : index
    %get3A_20 = vector.load %arg9[%get3A_18, %get3A_19] : memref<768x2048xbf16, #tpu.memory_space<vmem>>, vector<768x2048xbf16>
    %dot_general3A = arith.constant dense<0.000000e+00> : vector<512x2048xf32>
    %dot_general3A_21 = tpu.matmul %convert_element_type3A_17, %get3A_20, %dot_general3A {dimension_numbers = #tpu.dot_dimension_numbers<[1], [0], [0], [1], [0, 0, 1, 1], [], []>, transpose_lhs_hint = false} : vector<512x768xbf16>, vector<768x2048xbf16>, vector<512x2048xf32> -> vector<512x2048xf32>
    %slice3A = vector.extract_strided_slice %dot_general3A_21 {offsets = [0, 0], sizes = [512, 128], strides = [1, 1]} : vector<512x2048xf32> to vector<512x128xf32>
    %broadcast_in_dim3A = arith.constant 0 : i32
    %broadcast_in_dim3A_22 = vector.broadcast %broadcast_in_dim3A : i32 to vector<512x128xi32>
    %slice3A_23 = vector.extract_strided_slice %dot_general3A_21 {offsets = [0, 128], sizes = [512, 128], strides = [1, 1]} : vector<512x2048xf32> to vector<512x128xf32>
    %gt3A = arith.cmpf ogt, %slice3A_23, %slice3A : vector<512x128xf32>
    %select_n3A = arith.select %gt3A, %slice3A_23, %slice3A : vector<512x128xi1>, vector<512x128xf32>
    %jit3A_24 = arith.constant 1 : i32
    %broadcast_in_dim3A_25 = vector.broadcast %jit3A_24 : i32 to vector<512x128xi32>
    %select_n3A_26 = arith.select %gt3A, %broadcast_in_dim3A_25, %broadcast_in_dim3A_22 : vector<512x128xi1>, vector<512x128xi32>
    %slice3A_27 = vector.extract_strided_slice %dot_general3A_21 {offsets = [0, 256], sizes = [512, 128], strides = [1, 1]} : vector<512x2048xf32> to vector<512x128xf32>
    %gt3A_28 = arith.cmpf ogt, %slice3A_27, %select_n3A : vector<512x128xf32>
    %select_n3A_29 = arith.select %gt3A_28, %slice3A_27, %select_n3A : vector<512x128xi1>, vector<512x128xf32>
    %jit3A_30 = arith.constant 2 : i32
    %broadcast_in_dim3A_31 = vector.broadcast %jit3A_30 : i32 to vector<512x128xi32>
    %select_n3A_32 = arith.select %gt3A_28, %broadcast_in_dim3A_31, %select_n3A_26 : vector<512x128xi1>, vector<512x128xi32>
    %slice3A_33 = vector.extract_strided_slice %dot_general3A_21 {offsets = [0, 384], sizes = [512, 128], strides = [1, 1]} : vector<512x2048xf32> to vector<512x128xf32>
    %gt3A_34 = arith.cmpf ogt, %slice3A_33, %select_n3A_29 : vector<512x128xf32>
    %select_n3A_35 = arith.select %gt3A_34, %slice3A_33, %select_n3A_29 : vector<512x128xi1>, vector<512x128xf32>
    %jit3A_36 = arith.constant 3 : i32
    %broadcast_in_dim3A_37 = vector.broadcast %jit3A_36 : i32 to vector<512x128xi32>
    %select_n3A_38 = arith.select %gt3A_34, %broadcast_in_dim3A_37, %select_n3A_32 : vector<512x128xi1>, vector<512x128xi32>
    %slice3A_39 = vector.extract_strided_slice %dot_general3A_21 {offsets = [0, 512], sizes = [512, 128], strides = [1, 1]} : vector<512x2048xf32> to vector<512x128xf32>
    %gt3A_40 = arith.cmpf ogt, %slice3A_39, %select_n3A_35 : vector<512x128xf32>
    %select_n3A_41 = arith.select %gt3A_40, %slice3A_39, %select_n3A_35 : vector<512x128xi1>, vector<512x128xf32>
    %jit3A_42 = arith.constant 4 : i32
    %broadcast_in_dim3A_43 = vector.broadcast %jit3A_42 : i32 to vector<512x128xi32>
    %select_n3A_44 = arith.select %gt3A_40, %broadcast_in_dim3A_43, %select_n3A_38 : vector<512x128xi1>, vector<512x128xi32>
    %slice3A_45 = vector.extract_strided_slice %dot_general3A_21 {offsets = [0, 640], sizes = [512, 128], strides = [1, 1]} : vector<512x2048xf32> to vector<512x128xf32>
    %gt3A_46 = arith.cmpf ogt, %slice3A_45, %select_n3A_41 : vector<512x128xf32>
    %select_n3A_47 = arith.select %gt3A_46, %slice3A_45, %select_n3A_41 : vector<512x128xi1>, vector<512x128xf32>
    %jit3A_48 = arith.constant 5 : i32
    %broadcast_in_dim3A_49 = vector.broadcast %jit3A_48 : i32 to vector<512x128xi32>
    %select_n3A_50 = arith.select %gt3A_46, %broadcast_in_dim3A_49, %select_n3A_44 : vector<512x128xi1>, vector<512x128xi32>
    %slice3A_51 = vector.extract_strided_slice %dot_general3A_21 {offsets = [0, 768], sizes = [512, 128], strides = [1, 1]} : vector<512x2048xf32> to vector<512x128xf32>
    %gt3A_52 = arith.cmpf ogt, %slice3A_51, %select_n3A_47 : vector<512x128xf32>
    %select_n3A_53 = arith.select %gt3A_52, %slice3A_51, %select_n3A_47 : vector<512x128xi1>, vector<512x128xf32>
    %jit3A_54 = arith.constant 6 : i32
    %broadcast_in_dim3A_55 = vector.broadcast %jit3A_54 : i32 to vector<512x128xi32>
    %select_n3A_56 = arith.select %gt3A_52, %broadcast_in_dim3A_55, %select_n3A_50 : vector<512x128xi1>, vector<512x128xi32>
    %slice3A_57 = vector.extract_strided_slice %dot_general3A_21 {offsets = [0, 896], sizes = [512, 128], strides = [1, 1]} : vector<512x2048xf32> to vector<512x128xf32>
    %gt3A_58 = arith.cmpf ogt, %slice3A_57, %select_n3A_53 : vector<512x128xf32>
    %select_n3A_59 = arith.select %gt3A_58, %slice3A_57, %select_n3A_53 : vector<512x128xi1>, vector<512x128xf32>
    %jit3A_60 = arith.constant 7 : i32
    %broadcast_in_dim3A_61 = vector.broadcast %jit3A_60 : i32 to vector<512x128xi32>
    %select_n3A_62 = arith.select %gt3A_58, %broadcast_in_dim3A_61, %select_n3A_56 : vector<512x128xi1>, vector<512x128xi32>
    %slice3A_63 = vector.extract_strided_slice %dot_general3A_21 {offsets = [0, 1024], sizes = [512, 128], strides = [1, 1]} : vector<512x2048xf32> to vector<512x128xf32>
    %gt3A_64 = arith.cmpf ogt, %slice3A_63, %select_n3A_59 : vector<512x128xf32>
    %select_n3A_65 = arith.select %gt3A_64, %slice3A_63, %select_n3A_59 : vector<512x128xi1>, vector<512x128xf32>
    %jit3A_66 = arith.constant 8 : i32
    %broadcast_in_dim3A_67 = vector.broadcast %jit3A_66 : i32 to vector<512x128xi32>
    %select_n3A_68 = arith.select %gt3A_64, %broadcast_in_dim3A_67, %select_n3A_62 : vector<512x128xi1>, vector<512x128xi32>
    %slice3A_69 = vector.extract_strided_slice %dot_general3A_21 {offsets = [0, 1152], sizes = [512, 128], strides = [1, 1]} : vector<512x2048xf32> to vector<512x128xf32>
    %gt3A_70 = arith.cmpf ogt, %slice3A_69, %select_n3A_65 : vector<512x128xf32>
    %select_n3A_71 = arith.select %gt3A_70, %slice3A_69, %select_n3A_65 : vector<512x128xi1>, vector<512x128xf32>
    %jit3A_72 = arith.constant 9 : i32
    %broadcast_in_dim3A_73 = vector.broadcast %jit3A_72 : i32 to vector<512x128xi32>
    %select_n3A_74 = arith.select %gt3A_70, %broadcast_in_dim3A_73, %select_n3A_68 : vector<512x128xi1>, vector<512x128xi32>
    %slice3A_75 = vector.extract_strided_slice %dot_general3A_21 {offsets = [0, 1280], sizes = [512, 128], strides = [1, 1]} : vector<512x2048xf32> to vector<512x128xf32>
    %gt3A_76 = arith.cmpf ogt, %slice3A_75, %select_n3A_71 : vector<512x128xf32>
    %select_n3A_77 = arith.select %gt3A_76, %slice3A_75, %select_n3A_71 : vector<512x128xi1>, vector<512x128xf32>
    %jit3A_78 = arith.constant 10 : i32
    %broadcast_in_dim3A_79 = vector.broadcast %jit3A_78 : i32 to vector<512x128xi32>
    %select_n3A_80 = arith.select %gt3A_76, %broadcast_in_dim3A_79, %select_n3A_74 : vector<512x128xi1>, vector<512x128xi32>
    %slice3A_81 = vector.extract_strided_slice %dot_general3A_21 {offsets = [0, 1408], sizes = [512, 128], strides = [1, 1]} : vector<512x2048xf32> to vector<512x128xf32>
    %gt3A_82 = arith.cmpf ogt, %slice3A_81, %select_n3A_77 : vector<512x128xf32>
    %select_n3A_83 = arith.select %gt3A_82, %slice3A_81, %select_n3A_77 : vector<512x128xi1>, vector<512x128xf32>
    %jit3A_84 = arith.constant 11 : i32
    %broadcast_in_dim3A_85 = vector.broadcast %jit3A_84 : i32 to vector<512x128xi32>
    %select_n3A_86 = arith.select %gt3A_82, %broadcast_in_dim3A_85, %select_n3A_80 : vector<512x128xi1>, vector<512x128xi32>
    %slice3A_87 = vector.extract_strided_slice %dot_general3A_21 {offsets = [0, 1536], sizes = [512, 128], strides = [1, 1]} : vector<512x2048xf32> to vector<512x128xf32>
    %gt3A_88 = arith.cmpf ogt, %slice3A_87, %select_n3A_83 : vector<512x128xf32>
    %select_n3A_89 = arith.select %gt3A_88, %slice3A_87, %select_n3A_83 : vector<512x128xi1>, vector<512x128xf32>
    %jit3A_90 = arith.constant 12 : i32
    %broadcast_in_dim3A_91 = vector.broadcast %jit3A_90 : i32 to vector<512x128xi32>
    %select_n3A_92 = arith.select %gt3A_88, %broadcast_in_dim3A_91, %select_n3A_86 : vector<512x128xi1>, vector<512x128xi32>
    %slice3A_93 = vector.extract_strided_slice %dot_general3A_21 {offsets = [0, 1664], sizes = [512, 128], strides = [1, 1]} : vector<512x2048xf32> to vector<512x128xf32>
    %gt3A_94 = arith.cmpf ogt, %slice3A_93, %select_n3A_89 : vector<512x128xf32>
    %select_n3A_95 = arith.select %gt3A_94, %slice3A_93, %select_n3A_89 : vector<512x128xi1>, vector<512x128xf32>
    %jit3A_96 = arith.constant 13 : i32
    %broadcast_in_dim3A_97 = vector.broadcast %jit3A_96 : i32 to vector<512x128xi32>
    %select_n3A_98 = arith.select %gt3A_94, %broadcast_in_dim3A_97, %select_n3A_92 : vector<512x128xi1>, vector<512x128xi32>
    %slice3A_99 = vector.extract_strided_slice %dot_general3A_21 {offsets = [0, 1792], sizes = [512, 128], strides = [1, 1]} : vector<512x2048xf32> to vector<512x128xf32>
    %gt3A_100 = arith.cmpf ogt, %slice3A_99, %select_n3A_95 : vector<512x128xf32>
    %select_n3A_101 = arith.select %gt3A_100, %slice3A_99, %select_n3A_95 : vector<512x128xi1>, vector<512x128xf32>
    %jit3A_102 = arith.constant 14 : i32
    %broadcast_in_dim3A_103 = vector.broadcast %jit3A_102 : i32 to vector<512x128xi32>
    %select_n3A_104 = arith.select %gt3A_100, %broadcast_in_dim3A_103, %select_n3A_98 : vector<512x128xi1>, vector<512x128xi32>
    %slice3A_105 = vector.extract_strided_slice %dot_general3A_21 {offsets = [0, 1920], sizes = [512, 128], strides = [1, 1]} : vector<512x2048xf32> to vector<512x128xf32>
    %gt3A_106 = arith.cmpf ogt, %slice3A_105, %select_n3A_101 : vector<512x128xf32>
    %select_n3A_107 = arith.select %gt3A_106, %slice3A_105, %select_n3A_101 : vector<512x128xi1>, vector<512x128xf32>
    %jit3A_108 = arith.constant 15 : i32
    %broadcast_in_dim3A_109 = vector.broadcast %jit3A_108 : i32 to vector<512x128xi32>
    %select_n3A_110 = arith.select %gt3A_106, %broadcast_in_dim3A_109, %select_n3A_104 : vector<512x128xi1>, vector<512x128xi32>
    %iota3A = tpu.iota {dimensions = array<i32: 1>} : vector<512x128xi32>
    %mul3A_111 = arith.constant 8192 : i32
    %mul3A_112 = arith.muli %arg0, %mul3A_111 : i32
    %mul3A_113 = arith.constant 16 : i32
    %mul3A_114 = arith.muli %arg1, %mul3A_113 : i32
    %add3A = vector.broadcast %mul3A_114 : i32 to vector<512x128xi32>
    %add3A_115 = arith.addi %add3A, %select_n3A_110 : vector<512x128xi32>
    %mul3A_116 = arith.constant 128 : i32
    %mul3A_117 = vector.broadcast %mul3A_116 : i32 to vector<512x128xi32>
    %mul3A_118 = arith.muli %add3A_115, %mul3A_117 : vector<512x128xi32>
    %add3A_119 = vector.broadcast %mul3A_112 : i32 to vector<512x128xi32>
    %add3A_120 = arith.addi %add3A_119, %mul3A_118 : vector<512x128xi32>
    %add3A_121 = arith.addi %add3A_120, %iota3A : vector<512x128xi32>
    %eq3A_122 = arith.constant 0 : i32
    %eq3A_123 = arith.cmpi eq, %arg1, %eq3A_122 : i32
    %convert_element_type3A_124 = arith.extui %eq3A_123 : i1 to i32
    %cond3A_125 = arith.constant 0 : i32
    %cond3A_126 = arith.cmpi ne, %convert_element_type3A_124, %cond3A_125 : i32
    scf.if %cond3A_126 {
      %swap3A_136 = arith.index_cast %arg2 : i32 to index
      %swap3A_137 = arith.constant 0 : index
      %swap3A_138 = arith.constant 0 : index
      %swap3A_139 = vector.load %arg10[%swap3A_136, %swap3A_137, %swap3A_138] : memref<4x512x128xf32, #tpu.memory_space<vmem>>, vector<1x512x128xf32>
      %swap3A_140 = vector.shape_cast %swap3A_139 : vector<1x512x128xf32> to vector<512x128xf32>
      %swap3A_141 = vector.shape_cast %select_n3A_107 : vector<512x128xf32> to vector<1x512x128xf32>
      tpu.vector_store %arg10[%swap3A_136, %swap3A_137, %swap3A_138], %swap3A_141 {strides = array<i32>} : memref<4x512x128xf32, #tpu.memory_space<vmem>>, vector<1x512x128xf32>,
      %swap3A_142 = arith.index_cast %arg2 : i32 to index
      %swap3A_143 = arith.constant 0 : index
      %swap3A_144 = arith.constant 0 : index
      %swap3A_145 = vector.load %arg11[%swap3A_142, %swap3A_143, %swap3A_144] : memref<4x512x128xi32, #tpu.memory_space<vmem>>, vector<1x512x128xi32>
      %swap3A_146 = vector.shape_cast %swap3A_145 : vector<1x512x128xi32> to vector<512x128xi32>
      %swap3A_147 = vector.shape_cast %add3A_121 : vector<512x128xi32> to vector<1x512x128xi32>
      tpu.vector_store %arg11[%swap3A_142, %swap3A_143, %swap3A_144], %swap3A_147 {strides = array<i32>} : memref<4x512x128xi32, #tpu.memory_space<vmem>>, vector<1x512x128xi32>,
    } else {
    }
    %ne3A = arith.constant 0 : i32
    %ne3A_127 = arith.cmpi ne, %arg1, %ne3A : i32
    %convert_element_type3A_128 = arith.extui %ne3A_127 : i1 to i32
    %cond3A_129 = arith.constant 0 : i32
    %cond3A_130 = arith.cmpi ne, %convert_element_type3A_128, %cond3A_129 : i32
    scf.if %cond3A_130 {
      %get3A_136 = arith.index_cast %arg2 : i32 to index
      %get3A_137 = arith.constant 0 : index
      %get3A_138 = arith.constant 0 : index
      %get3A_139 = vector.load %arg10[%get3A_136, %get3A_137, %get3A_138] : memref<4x512x128xf32, #tpu.memory_space<vmem>>, vector<1x512x128xf32>
      %get3A_140 = vector.shape_cast %get3A_139 : vector<1x512x128xf32> to vector<512x128xf32>
      %gt3A_141 = arith.cmpf ogt, %select_n3A_107, %get3A_140 : vector<512x128xf32>
      %select_n3A_142 = arith.select %gt3A_141, %select_n3A_107, %get3A_140 : vector<512x128xi1>, vector<512x128xf32>
      %swap3A_143 = arith.index_cast %arg2 : i32 to index
      %swap3A_144 = arith.constant 0 : index
      %swap3A_145 = arith.constant 0 : index
      %swap3A_146 = vector.load %arg10[%swap3A_143, %swap3A_144, %swap3A_145] : memref<4x512x128xf32, #tpu.memory_space<vmem>>, vector<1x512x128xf32>
      %swap3A_147 = vector.shape_cast %swap3A_146 : vector<1x512x128xf32> to vector<512x128xf32>
      %swap3A_148 = vector.shape_cast %select_n3A_142 : vector<512x128xf32> to vector<1x512x128xf32>
      tpu.vector_store %arg10[%swap3A_143, %swap3A_144, %swap3A_145], %swap3A_148 {strides = array<i32>} : memref<4x512x128xf32, #tpu.memory_space<vmem>>, vector<1x512x128xf32>,
      %get3A_149 = arith.index_cast %arg2 : i32 to index
      %get3A_150 = arith.constant 0 : index
      %get3A_151 = arith.constant 0 : index
      %get3A_152 = vector.load %arg11[%get3A_149, %get3A_150, %get3A_151] : memref<4x512x128xi32, #tpu.memory_space<vmem>>, vector<1x512x128xi32>
      %get3A_153 = vector.shape_cast %get3A_152 : vector<1x512x128xi32> to vector<512x128xi32>
      %select_n3A_154 = arith.select %gt3A_141, %add3A_121, %get3A_153 : vector<512x128xi1>, vector<512x128xi32>
      %swap3A_155 = arith.index_cast %arg2 : i32 to index
      %swap3A_156 = arith.constant 0 : index
      %swap3A_157 = arith.constant 0 : index
      %swap3A_158 = vector.load %arg11[%swap3A_155, %swap3A_156, %swap3A_157] : memref<4x512x128xi32, #tpu.memory_space<vmem>>, vector<1x512x128xi32>
      %swap3A_159 = vector.shape_cast %swap3A_158 : vector<1x512x128xi32> to vector<512x128xi32>
      %swap3A_160 = vector.shape_cast %select_n3A_154 : vector<512x128xi32> to vector<1x512x128xi32>
      tpu.vector_store %arg11[%swap3A_155, %swap3A_156, %swap3A_157], %swap3A_160 {strides = array<i32>} : memref<4x512x128xi32, #tpu.memory_space<vmem>>, vector<1x512x128xi32>,
    } else {
    }
    %eq3A_131 = arith.constant 3 : i32
    %eq3A_132 = arith.cmpi eq, %arg1, %eq3A_131 : i32
    %convert_element_type3A_133 = arith.extui %eq3A_132 : i1 to i32
    %cond3A_134 = arith.constant 0 : i32
    %cond3A_135 = arith.cmpi ne, %convert_element_type3A_133, %cond3A_134 : i32
    scf.if %cond3A_135 {
      %get3A_136 = arith.index_cast %arg2 : i32 to index
      %get3A_137 = arith.constant 0 : index
      %get3A_138 = arith.constant 0 : index
      %get3A_139 = vector.load %arg10[%get3A_136, %get3A_137, %get3A_138] : memref<4x512x128xf32, #tpu.memory_space<vmem>>, vector<1x512x128xf32>
      %get3A_140 = vector.shape_cast %get3A_139 : vector<1x512x128xf32> to vector<512x128xf32>
      %swap3A_141 = arith.constant 0 : index
      %swap3A_142 = arith.constant 0 : index
      %swap3A_143 = vector.load %arg7[%swap3A_141, %swap3A_142] : memref<512x128xf32, #tpu.memory_space<vmem>>, vector<512x128xf32>
      tpu.vector_store %arg7[%swap3A_141, %swap3A_142], %get3A_140 {strides = array<i32>} : memref<512x128xf32, #tpu.memory_space<vmem>>, vector<512x128xf32>,
      %get3A_144 = arith.index_cast %arg2 : i32 to index
      %get3A_145 = arith.constant 0 : index
      %get3A_146 = arith.constant 0 : index
      %get3A_147 = vector.load %arg11[%get3A_144, %get3A_145, %get3A_146] : memref<4x512x128xi32, #tpu.memory_space<vmem>>, vector<1x512x128xi32>
      %get3A_148 = vector.shape_cast %get3A_147 : vector<1x512x128xi32> to vector<512x128xi32>
      %swap3A_149 = arith.constant 0 : index
      %swap3A_150 = arith.constant 0 : index
      %swap3A_151 = vector.load %arg8[%swap3A_149, %swap3A_150] : memref<512x128xi32, #tpu.memory_space<vmem>>, vector<512x128xi32>
      tpu.vector_store %arg8[%swap3A_149, %swap3A_150], %get3A_148 {strides = array<i32>} : memref<512x128xi32, #tpu.memory_space<vmem>>, vector<512x128xi32>,
    } else {
    }
    return
  }
  func.func @transform_0(%arg0: i32, %arg1: i32, %arg2: i32) -> (i32, i32) {
    %c0_i32 = arith.constant 0 : i32
    %c0_i32_0 = arith.constant 0 : i32
    %c0_i32_1 = arith.constant 0 : i32
    return %c0_i32, %c0_i32_0 : i32, i32
  }
  func.func @transform_1(%arg0: i32, %arg1: i32, %arg2: i32) -> (i32, i32) {
    %c0_i32 = arith.constant 0 : i32
    %c0_i32_0 = arith.constant 0 : i32
    %c0_i32_1 = arith.constant 0 : i32
    return %c0_i32, %c0_i32_0 : i32, i32
  }
  func.func @transform_2(%arg0: i32, %arg1: i32, %arg2: i32) -> (i32, i32) {
    %mul3A = arith.constant 4 : i32
    %mul3A_0 = arith.muli %arg0, %mul3A : i32
    %add3A = arith.addi %mul3A_0, %arg1 : i32
    %c0_i32 = arith.constant 0 : i32
    %c0_i32_1 = arith.constant 0 : i32
    return %c0_i32, %add3A : i32, i32
  }
  func.func @transform_3(%arg0: i32, %arg1: i32, %arg2: i32) -> (i32, i32) {
    %c0_i32 = arith.constant 0 : i32
    %c0_i32_0 = arith.constant 0 : i32
    return %arg2, %c0_i32 : i32, i32
  }
  func.func @transform_4(%arg0: i32, %arg1: i32, %arg2: i32) -> (i32, i32) {
    %c0_i32 = arith.constant 0 : i32
    return %arg2, %arg0 : i32, i32
  }
  func.func @transform_5(%arg0: i32, %arg1: i32, %arg2: i32) -> (i32, i32) {
    %c0_i32 = arith.constant 0 : i32
    return %arg2, %arg0 : i32, i32
  }
}

module attributes {stable_mosaic.version = 14 : i64} {
  func.func @_topk_body(%arg0: i32, %arg1: memref<256x768xf32, #tpu.memory_space<vmem>>, %arg2: memref<256x768xi32, #tpu.memory_space<vmem>>, %arg3: memref<256x32xf32, #tpu.memory_space<vmem>>, %arg4: memref<256x32xi32, #tpu.memory_space<vmem>>) attributes {dimension_semantics = [#tpu.dimension_semantics<arbitrary>], iteration_bounds = array<i64: 8>, scalar_prefetch = 0 : i64, scratch_operands = 0 : i64, tpu.core_type = #tpu.core_type<tc>, window_params = [{transform_indices = @transform_0, window_bounds = array<i64: 256, 768>}, {transform_indices = @transform_1, window_bounds = array<i64: 256, 768>}, {transform_indices = @transform_2, window_bounds = array<i64: 256, 32>}, {transform_indices = @transform_3, window_bounds = array<i64: 256, 32>}]} {
    %get3A = arith.constant 0 : index
    %get3A_0 = arith.constant 0 : index
    %get3A_1 = vector.load %arg1[%get3A, %get3A_0] : memref<256x768xf32, #tpu.memory_space<vmem>>, vector<256x768xf32>
    %get3A_2 = arith.constant 0 : index
    %get3A_3 = arith.constant 0 : index
    %get3A_4 = vector.load %arg2[%get3A_2, %get3A_3] : memref<256x768xi32, #tpu.memory_space<vmem>>, vector<256x768xi32>
    %iota3A = tpu.iota {dimensions = array<i32: 1>} : vector<256x768xi32>
    %reduce_max3A = arith.constant dense<0xFF800000> : vector<256xf32>
    %reduce_max3A_5 = vector.multi_reduction <maximumf>, %get3A_1, %reduce_max3A [1] : vector<256x768xf32> to vector<256xf32>
    %broadcast_in_dim3A = vector.shape_cast %reduce_max3A_5 : vector<256xf32> to vector<256x1xf32>
    %eq3A = vector.broadcast %broadcast_in_dim3A : vector<256x1xf32> to vector<256x768xf32>
    %eq3A_6 = arith.cmpf oeq, %get3A_1, %eq3A : vector<256x768xf32>
    %jit3A = arith.constant 768 : i32
    %broadcast_in_dim3A_7 = vector.broadcast %jit3A : i32 to vector<256x768xi32>
    %select_n3A = arith.select %eq3A_6, %iota3A, %broadcast_in_dim3A_7 : vector<256x768xi1>, vector<256x768xi32>
    %reduce_min3A = arith.constant dense<2147483647> : vector<256xi32>
    %reduce_min3A_8 = vector.multi_reduction <minsi>, %select_n3A, %reduce_min3A [1] : vector<256x768xi32> to vector<256xi32>
    %broadcast_in_dim3A_9 = vector.shape_cast %reduce_min3A_8 : vector<256xi32> to vector<256x1xi32>
    %eq3A_10 = vector.broadcast %broadcast_in_dim3A_9 : vector<256x1xi32> to vector<256x768xi32>
    %eq3A_11 = arith.cmpi eq, %iota3A, %eq3A_10 : vector<256x768xi32>
    %swap3A = arith.constant 0 : index
    %swap3A_12 = arith.constant 0 : index
    %swap3A_13 = vector.load %arg3[%swap3A, %swap3A_12] : memref<256x32xf32, #tpu.memory_space<vmem>>, vector<256x1xf32>
    tpu.vector_store %arg3[%swap3A, %swap3A_12], %broadcast_in_dim3A {strides = array<i32>} : memref<256x32xf32, #tpu.memory_space<vmem>>, vector<256x1xf32>,
    %jit3A_14 = arith.constant 0 : i32
    %broadcast_in_dim3A_15 = vector.broadcast %jit3A_14 : i32 to vector<256x768xi32>
    %select_n3A_16 = arith.select %eq3A_11, %get3A_4, %broadcast_in_dim3A_15 : vector<256x768xi1>, vector<256x768xi32>
    %reduce_sum3A = arith.constant dense<0> : vector<256xi32>
    %reduce_sum3A_17 = vector.multi_reduction <add>, %select_n3A_16, %reduce_sum3A [1] : vector<256x768xi32> to vector<256xi32>
    %broadcast_in_dim3A_18 = vector.shape_cast %reduce_sum3A_17 : vector<256xi32> to vector<256x1xi32>
    %swap3A_19 = arith.constant 0 : index
    %swap3A_20 = arith.constant 0 : index
    %swap3A_21 = vector.load %arg4[%swap3A_19, %swap3A_20] : memref<256x32xi32, #tpu.memory_space<vmem>>, vector<256x1xi32>
    tpu.vector_store %arg4[%swap3A_19, %swap3A_20], %broadcast_in_dim3A_18 {strides = array<i32>} : memref<256x32xi32, #tpu.memory_space<vmem>>, vector<256x1xi32>,
    %jit3A_22 = arith.constant 0xFF800000 : f32
    %broadcast_in_dim3A_23 = vector.broadcast %jit3A_22 : f32 to vector<256x768xf32>
    %select_n3A_24 = arith.select %eq3A_11, %broadcast_in_dim3A_23, %get3A_1 : vector<256x768xi1>, vector<256x768xf32>
    %reduce_max3A_25 = arith.constant dense<0xFF800000> : vector<256xf32>
    %reduce_max3A_26 = vector.multi_reduction <maximumf>, %select_n3A_24, %reduce_max3A_25 [1] : vector<256x768xf32> to vector<256xf32>
    %broadcast_in_dim3A_27 = vector.shape_cast %reduce_max3A_26 : vector<256xf32> to vector<256x1xf32>
    %eq3A_28 = vector.broadcast %broadcast_in_dim3A_27 : vector<256x1xf32> to vector<256x768xf32>
    %eq3A_29 = arith.cmpf oeq, %select_n3A_24, %eq3A_28 : vector<256x768xf32>
    %jit3A_30 = arith.constant 768 : i32
    %broadcast_in_dim3A_31 = vector.broadcast %jit3A_30 : i32 to vector<256x768xi32>
    %select_n3A_32 = arith.select %eq3A_29, %iota3A, %broadcast_in_dim3A_31 : vector<256x768xi1>, vector<256x768xi32>
    %reduce_min3A_33 = arith.constant dense<2147483647> : vector<256xi32>
    %reduce_min3A_34 = vector.multi_reduction <minsi>, %select_n3A_32, %reduce_min3A_33 [1] : vector<256x768xi32> to vector<256xi32>
    %broadcast_in_dim3A_35 = vector.shape_cast %reduce_min3A_34 : vector<256xi32> to vector<256x1xi32>
    %eq3A_36 = vector.broadcast %broadcast_in_dim3A_35 : vector<256x1xi32> to vector<256x768xi32>
    %eq3A_37 = arith.cmpi eq, %iota3A, %eq3A_36 : vector<256x768xi32>
    %swap3A_38 = arith.constant 0 : index
    %swap3A_39 = arith.constant 1 : index
    %swap3A_40 = vector.load %arg3[%swap3A_38, %swap3A_39] : memref<256x32xf32, #tpu.memory_space<vmem>>, vector<256x1xf32>
    tpu.vector_store %arg3[%swap3A_38, %swap3A_39], %broadcast_in_dim3A_27 {strides = array<i32>} : memref<256x32xf32, #tpu.memory_space<vmem>>, vector<256x1xf32>,
    %jit3A_41 = arith.constant 0 : i32
    %broadcast_in_dim3A_42 = vector.broadcast %jit3A_41 : i32 to vector<256x768xi32>
    %select_n3A_43 = arith.select %eq3A_37, %get3A_4, %broadcast_in_dim3A_42 : vector<256x768xi1>, vector<256x768xi32>
    %reduce_sum3A_44 = arith.constant dense<0> : vector<256xi32>
    %reduce_sum3A_45 = vector.multi_reduction <add>, %select_n3A_43, %reduce_sum3A_44 [1] : vector<256x768xi32> to vector<256xi32>
    %broadcast_in_dim3A_46 = vector.shape_cast %reduce_sum3A_45 : vector<256xi32> to vector<256x1xi32>
    %swap3A_47 = arith.constant 0 : index
    %swap3A_48 = arith.constant 1 : index
    %swap3A_49 = vector.load %arg4[%swap3A_47, %swap3A_48] : memref<256x32xi32, #tpu.memory_space<vmem>>, vector<256x1xi32>
    tpu.vector_store %arg4[%swap3A_47, %swap3A_48], %broadcast_in_dim3A_46 {strides = array<i32>} : memref<256x32xi32, #tpu.memory_space<vmem>>, vector<256x1xi32>,
    %jit3A_50 = arith.constant 0xFF800000 : f32
    %broadcast_in_dim3A_51 = vector.broadcast %jit3A_50 : f32 to vector<256x768xf32>
    %select_n3A_52 = arith.select %eq3A_37, %broadcast_in_dim3A_51, %select_n3A_24 : vector<256x768xi1>, vector<256x768xf32>
    %reduce_max3A_53 = arith.constant dense<0xFF800000> : vector<256xf32>
    %reduce_max3A_54 = vector.multi_reduction <maximumf>, %select_n3A_52, %reduce_max3A_53 [1] : vector<256x768xf32> to vector<256xf32>
    %broadcast_in_dim3A_55 = vector.shape_cast %reduce_max3A_54 : vector<256xf32> to vector<256x1xf32>
    %eq3A_56 = vector.broadcast %broadcast_in_dim3A_55 : vector<256x1xf32> to vector<256x768xf32>
    %eq3A_57 = arith.cmpf oeq, %select_n3A_52, %eq3A_56 : vector<256x768xf32>
    %jit3A_58 = arith.constant 768 : i32
    %broadcast_in_dim3A_59 = vector.broadcast %jit3A_58 : i32 to vector<256x768xi32>
    %select_n3A_60 = arith.select %eq3A_57, %iota3A, %broadcast_in_dim3A_59 : vector<256x768xi1>, vector<256x768xi32>
    %reduce_min3A_61 = arith.constant dense<2147483647> : vector<256xi32>
    %reduce_min3A_62 = vector.multi_reduction <minsi>, %select_n3A_60, %reduce_min3A_61 [1] : vector<256x768xi32> to vector<256xi32>
    %broadcast_in_dim3A_63 = vector.shape_cast %reduce_min3A_62 : vector<256xi32> to vector<256x1xi32>
    %eq3A_64 = vector.broadcast %broadcast_in_dim3A_63 : vector<256x1xi32> to vector<256x768xi32>
    %eq3A_65 = arith.cmpi eq, %iota3A, %eq3A_64 : vector<256x768xi32>
    %swap3A_66 = arith.constant 0 : index
    %swap3A_67 = arith.constant 2 : index
    %swap3A_68 = vector.load %arg3[%swap3A_66, %swap3A_67] : memref<256x32xf32, #tpu.memory_space<vmem>>, vector<256x1xf32>
    tpu.vector_store %arg3[%swap3A_66, %swap3A_67], %broadcast_in_dim3A_55 {strides = array<i32>} : memref<256x32xf32, #tpu.memory_space<vmem>>, vector<256x1xf32>,
    %jit3A_69 = arith.constant 0 : i32
    %broadcast_in_dim3A_70 = vector.broadcast %jit3A_69 : i32 to vector<256x768xi32>
    %select_n3A_71 = arith.select %eq3A_65, %get3A_4, %broadcast_in_dim3A_70 : vector<256x768xi1>, vector<256x768xi32>
    %reduce_sum3A_72 = arith.constant dense<0> : vector<256xi32>
    %reduce_sum3A_73 = vector.multi_reduction <add>, %select_n3A_71, %reduce_sum3A_72 [1] : vector<256x768xi32> to vector<256xi32>
    %broadcast_in_dim3A_74 = vector.shape_cast %reduce_sum3A_73 : vector<256xi32> to vector<256x1xi32>
    %swap3A_75 = arith.constant 0 : index
    %swap3A_76 = arith.constant 2 : index
    %swap3A_77 = vector.load %arg4[%swap3A_75, %swap3A_76] : memref<256x32xi32, #tpu.memory_space<vmem>>, vector<256x1xi32>
    tpu.vector_store %arg4[%swap3A_75, %swap3A_76], %broadcast_in_dim3A_74 {strides = array<i32>} : memref<256x32xi32, #tpu.memory_space<vmem>>, vector<256x1xi32>,
    %jit3A_78 = arith.constant 0xFF800000 : f32
    %broadcast_in_dim3A_79 = vector.broadcast %jit3A_78 : f32 to vector<256x768xf32>
    %select_n3A_80 = arith.select %eq3A_65, %broadcast_in_dim3A_79, %select_n3A_52 : vector<256x768xi1>, vector<256x768xf32>
    %reduce_max3A_81 = arith.constant dense<0xFF800000> : vector<256xf32>
    %reduce_max3A_82 = vector.multi_reduction <maximumf>, %select_n3A_80, %reduce_max3A_81 [1] : vector<256x768xf32> to vector<256xf32>
    %broadcast_in_dim3A_83 = vector.shape_cast %reduce_max3A_82 : vector<256xf32> to vector<256x1xf32>
    %eq3A_84 = vector.broadcast %broadcast_in_dim3A_83 : vector<256x1xf32> to vector<256x768xf32>
    %eq3A_85 = arith.cmpf oeq, %select_n3A_80, %eq3A_84 : vector<256x768xf32>
    %jit3A_86 = arith.constant 768 : i32
    %broadcast_in_dim3A_87 = vector.broadcast %jit3A_86 : i32 to vector<256x768xi32>
    %select_n3A_88 = arith.select %eq3A_85, %iota3A, %broadcast_in_dim3A_87 : vector<256x768xi1>, vector<256x768xi32>
    %reduce_min3A_89 = arith.constant dense<2147483647> : vector<256xi32>
    %reduce_min3A_90 = vector.multi_reduction <minsi>, %select_n3A_88, %reduce_min3A_89 [1] : vector<256x768xi32> to vector<256xi32>
    %broadcast_in_dim3A_91 = vector.shape_cast %reduce_min3A_90 : vector<256xi32> to vector<256x1xi32>
    %eq3A_92 = vector.broadcast %broadcast_in_dim3A_91 : vector<256x1xi32> to vector<256x768xi32>
    %eq3A_93 = arith.cmpi eq, %iota3A, %eq3A_92 : vector<256x768xi32>
    %swap3A_94 = arith.constant 0 : index
    %swap3A_95 = arith.constant 3 : index
    %swap3A_96 = vector.load %arg3[%swap3A_94, %swap3A_95] : memref<256x32xf32, #tpu.memory_space<vmem>>, vector<256x1xf32>
    tpu.vector_store %arg3[%swap3A_94, %swap3A_95], %broadcast_in_dim3A_83 {strides = array<i32>} : memref<256x32xf32, #tpu.memory_space<vmem>>, vector<256x1xf32>,
    %jit3A_97 = arith.constant 0 : i32
    %broadcast_in_dim3A_98 = vector.broadcast %jit3A_97 : i32 to vector<256x768xi32>
    %select_n3A_99 = arith.select %eq3A_93, %get3A_4, %broadcast_in_dim3A_98 : vector<256x768xi1>, vector<256x768xi32>
    %reduce_sum3A_100 = arith.constant dense<0> : vector<256xi32>
    %reduce_sum3A_101 = vector.multi_reduction <add>, %select_n3A_99, %reduce_sum3A_100 [1] : vector<256x768xi32> to vector<256xi32>
    %broadcast_in_dim3A_102 = vector.shape_cast %reduce_sum3A_101 : vector<256xi32> to vector<256x1xi32>
    %swap3A_103 = arith.constant 0 : index
    %swap3A_104 = arith.constant 3 : index
    %swap3A_105 = vector.load %arg4[%swap3A_103, %swap3A_104] : memref<256x32xi32, #tpu.memory_space<vmem>>, vector<256x1xi32>
    tpu.vector_store %arg4[%swap3A_103, %swap3A_104], %broadcast_in_dim3A_102 {strides = array<i32>} : memref<256x32xi32, #tpu.memory_space<vmem>>, vector<256x1xi32>,
    %jit3A_106 = arith.constant 0xFF800000 : f32
    %broadcast_in_dim3A_107 = vector.broadcast %jit3A_106 : f32 to vector<256x768xf32>
    %select_n3A_108 = arith.select %eq3A_93, %broadcast_in_dim3A_107, %select_n3A_80 : vector<256x768xi1>, vector<256x768xf32>
    %reduce_max3A_109 = arith.constant dense<0xFF800000> : vector<256xf32>
    %reduce_max3A_110 = vector.multi_reduction <maximumf>, %select_n3A_108, %reduce_max3A_109 [1] : vector<256x768xf32> to vector<256xf32>
    %broadcast_in_dim3A_111 = vector.shape_cast %reduce_max3A_110 : vector<256xf32> to vector<256x1xf32>
    %eq3A_112 = vector.broadcast %broadcast_in_dim3A_111 : vector<256x1xf32> to vector<256x768xf32>
    %eq3A_113 = arith.cmpf oeq, %select_n3A_108, %eq3A_112 : vector<256x768xf32>
    %jit3A_114 = arith.constant 768 : i32
    %broadcast_in_dim3A_115 = vector.broadcast %jit3A_114 : i32 to vector<256x768xi32>
    %select_n3A_116 = arith.select %eq3A_113, %iota3A, %broadcast_in_dim3A_115 : vector<256x768xi1>, vector<256x768xi32>
    %reduce_min3A_117 = arith.constant dense<2147483647> : vector<256xi32>
    %reduce_min3A_118 = vector.multi_reduction <minsi>, %select_n3A_116, %reduce_min3A_117 [1] : vector<256x768xi32> to vector<256xi32>
    %broadcast_in_dim3A_119 = vector.shape_cast %reduce_min3A_118 : vector<256xi32> to vector<256x1xi32>
    %eq3A_120 = vector.broadcast %broadcast_in_dim3A_119 : vector<256x1xi32> to vector<256x768xi32>
    %eq3A_121 = arith.cmpi eq, %iota3A, %eq3A_120 : vector<256x768xi32>
    %swap3A_122 = arith.constant 0 : index
    %swap3A_123 = arith.constant 4 : index
    %swap3A_124 = vector.load %arg3[%swap3A_122, %swap3A_123] : memref<256x32xf32, #tpu.memory_space<vmem>>, vector<256x1xf32>
    tpu.vector_store %arg3[%swap3A_122, %swap3A_123], %broadcast_in_dim3A_111 {strides = array<i32>} : memref<256x32xf32, #tpu.memory_space<vmem>>, vector<256x1xf32>,
    %jit3A_125 = arith.constant 0 : i32
    %broadcast_in_dim3A_126 = vector.broadcast %jit3A_125 : i32 to vector<256x768xi32>
    %select_n3A_127 = arith.select %eq3A_121, %get3A_4, %broadcast_in_dim3A_126 : vector<256x768xi1>, vector<256x768xi32>
    %reduce_sum3A_128 = arith.constant dense<0> : vector<256xi32>
    %reduce_sum3A_129 = vector.multi_reduction <add>, %select_n3A_127, %reduce_sum3A_128 [1] : vector<256x768xi32> to vector<256xi32>
    %broadcast_in_dim3A_130 = vector.shape_cast %reduce_sum3A_129 : vector<256xi32> to vector<256x1xi32>
    %swap3A_131 = arith.constant 0 : index
    %swap3A_132 = arith.constant 4 : index
    %swap3A_133 = vector.load %arg4[%swap3A_131, %swap3A_132] : memref<256x32xi32, #tpu.memory_space<vmem>>, vector<256x1xi32>
    tpu.vector_store %arg4[%swap3A_131, %swap3A_132], %broadcast_in_dim3A_130 {strides = array<i32>} : memref<256x32xi32, #tpu.memory_space<vmem>>, vector<256x1xi32>,
    %jit3A_134 = arith.constant 0xFF800000 : f32
    %broadcast_in_dim3A_135 = vector.broadcast %jit3A_134 : f32 to vector<256x768xf32>
    %select_n3A_136 = arith.select %eq3A_121, %broadcast_in_dim3A_135, %select_n3A_108 : vector<256x768xi1>, vector<256x768xf32>
    %reduce_max3A_137 = arith.constant dense<0xFF800000> : vector<256xf32>
    %reduce_max3A_138 = vector.multi_reduction <maximumf>, %select_n3A_136, %reduce_max3A_137 [1] : vector<256x768xf32> to vector<256xf32>
    %broadcast_in_dim3A_139 = vector.shape_cast %reduce_max3A_138 : vector<256xf32> to vector<256x1xf32>
    %eq3A_140 = vector.broadcast %broadcast_in_dim3A_139 : vector<256x1xf32> to vector<256x768xf32>
    %eq3A_141 = arith.cmpf oeq, %select_n3A_136, %eq3A_140 : vector<256x768xf32>
    %jit3A_142 = arith.constant 768 : i32
    %broadcast_in_dim3A_143 = vector.broadcast %jit3A_142 : i32 to vector<256x768xi32>
    %select_n3A_144 = arith.select %eq3A_141, %iota3A, %broadcast_in_dim3A_143 : vector<256x768xi1>, vector<256x768xi32>
    %reduce_min3A_145 = arith.constant dense<2147483647> : vector<256xi32>
    %reduce_min3A_146 = vector.multi_reduction <minsi>, %select_n3A_144, %reduce_min3A_145 [1] : vector<256x768xi32> to vector<256xi32>
    %broadcast_in_dim3A_147 = vector.shape_cast %reduce_min3A_146 : vector<256xi32> to vector<256x1xi32>
    %eq3A_148 = vector.broadcast %broadcast_in_dim3A_147 : vector<256x1xi32> to vector<256x768xi32>
    %eq3A_149 = arith.cmpi eq, %iota3A, %eq3A_148 : vector<256x768xi32>
    %swap3A_150 = arith.constant 0 : index
    %swap3A_151 = arith.constant 5 : index
    %swap3A_152 = vector.load %arg3[%swap3A_150, %swap3A_151] : memref<256x32xf32, #tpu.memory_space<vmem>>, vector<256x1xf32>
    tpu.vector_store %arg3[%swap3A_150, %swap3A_151], %broadcast_in_dim3A_139 {strides = array<i32>} : memref<256x32xf32, #tpu.memory_space<vmem>>, vector<256x1xf32>,
    %jit3A_153 = arith.constant 0 : i32
    %broadcast_in_dim3A_154 = vector.broadcast %jit3A_153 : i32 to vector<256x768xi32>
    %select_n3A_155 = arith.select %eq3A_149, %get3A_4, %broadcast_in_dim3A_154 : vector<256x768xi1>, vector<256x768xi32>
    %reduce_sum3A_156 = arith.constant dense<0> : vector<256xi32>
    %reduce_sum3A_157 = vector.multi_reduction <add>, %select_n3A_155, %reduce_sum3A_156 [1] : vector<256x768xi32> to vector<256xi32>
    %broadcast_in_dim3A_158 = vector.shape_cast %reduce_sum3A_157 : vector<256xi32> to vector<256x1xi32>
    %swap3A_159 = arith.constant 0 : index
    %swap3A_160 = arith.constant 5 : index
    %swap3A_161 = vector.load %arg4[%swap3A_159, %swap3A_160] : memref<256x32xi32, #tpu.memory_space<vmem>>, vector<256x1xi32>
    tpu.vector_store %arg4[%swap3A_159, %swap3A_160], %broadcast_in_dim3A_158 {strides = array<i32>} : memref<256x32xi32, #tpu.memory_space<vmem>>, vector<256x1xi32>,
    %jit3A_162 = arith.constant 0xFF800000 : f32
    %broadcast_in_dim3A_163 = vector.broadcast %jit3A_162 : f32 to vector<256x768xf32>
    %select_n3A_164 = arith.select %eq3A_149, %broadcast_in_dim3A_163, %select_n3A_136 : vector<256x768xi1>, vector<256x768xf32>
    %reduce_max3A_165 = arith.constant dense<0xFF800000> : vector<256xf32>
    %reduce_max3A_166 = vector.multi_reduction <maximumf>, %select_n3A_164, %reduce_max3A_165 [1] : vector<256x768xf32> to vector<256xf32>
    %broadcast_in_dim3A_167 = vector.shape_cast %reduce_max3A_166 : vector<256xf32> to vector<256x1xf32>
    %eq3A_168 = vector.broadcast %broadcast_in_dim3A_167 : vector<256x1xf32> to vector<256x768xf32>
    %eq3A_169 = arith.cmpf oeq, %select_n3A_164, %eq3A_168 : vector<256x768xf32>
    %jit3A_170 = arith.constant 768 : i32
    %broadcast_in_dim3A_171 = vector.broadcast %jit3A_170 : i32 to vector<256x768xi32>
    %select_n3A_172 = arith.select %eq3A_169, %iota3A, %broadcast_in_dim3A_171 : vector<256x768xi1>, vector<256x768xi32>
    %reduce_min3A_173 = arith.constant dense<2147483647> : vector<256xi32>
    %reduce_min3A_174 = vector.multi_reduction <minsi>, %select_n3A_172, %reduce_min3A_173 [1] : vector<256x768xi32> to vector<256xi32>
    %broadcast_in_dim3A_175 = vector.shape_cast %reduce_min3A_174 : vector<256xi32> to vector<256x1xi32>
    %eq3A_176 = vector.broadcast %broadcast_in_dim3A_175 : vector<256x1xi32> to vector<256x768xi32>
    %eq3A_177 = arith.cmpi eq, %iota3A, %eq3A_176 : vector<256x768xi32>
    %swap3A_178 = arith.constant 0 : index
    %swap3A_179 = arith.constant 6 : index
    %swap3A_180 = vector.load %arg3[%swap3A_178, %swap3A_179] : memref<256x32xf32, #tpu.memory_space<vmem>>, vector<256x1xf32>
    tpu.vector_store %arg3[%swap3A_178, %swap3A_179], %broadcast_in_dim3A_167 {strides = array<i32>} : memref<256x32xf32, #tpu.memory_space<vmem>>, vector<256x1xf32>,
    %jit3A_181 = arith.constant 0 : i32
    %broadcast_in_dim3A_182 = vector.broadcast %jit3A_181 : i32 to vector<256x768xi32>
    %select_n3A_183 = arith.select %eq3A_177, %get3A_4, %broadcast_in_dim3A_182 : vector<256x768xi1>, vector<256x768xi32>
    %reduce_sum3A_184 = arith.constant dense<0> : vector<256xi32>
    %reduce_sum3A_185 = vector.multi_reduction <add>, %select_n3A_183, %reduce_sum3A_184 [1] : vector<256x768xi32> to vector<256xi32>
    %broadcast_in_dim3A_186 = vector.shape_cast %reduce_sum3A_185 : vector<256xi32> to vector<256x1xi32>
    %swap3A_187 = arith.constant 0 : index
    %swap3A_188 = arith.constant 6 : index
    %swap3A_189 = vector.load %arg4[%swap3A_187, %swap3A_188] : memref<256x32xi32, #tpu.memory_space<vmem>>, vector<256x1xi32>
    tpu.vector_store %arg4[%swap3A_187, %swap3A_188], %broadcast_in_dim3A_186 {strides = array<i32>} : memref<256x32xi32, #tpu.memory_space<vmem>>, vector<256x1xi32>,
    %jit3A_190 = arith.constant 0xFF800000 : f32
    %broadcast_in_dim3A_191 = vector.broadcast %jit3A_190 : f32 to vector<256x768xf32>
    %select_n3A_192 = arith.select %eq3A_177, %broadcast_in_dim3A_191, %select_n3A_164 : vector<256x768xi1>, vector<256x768xf32>
    %reduce_max3A_193 = arith.constant dense<0xFF800000> : vector<256xf32>
    %reduce_max3A_194 = vector.multi_reduction <maximumf>, %select_n3A_192, %reduce_max3A_193 [1] : vector<256x768xf32> to vector<256xf32>
    %broadcast_in_dim3A_195 = vector.shape_cast %reduce_max3A_194 : vector<256xf32> to vector<256x1xf32>
    %eq3A_196 = vector.broadcast %broadcast_in_dim3A_195 : vector<256x1xf32> to vector<256x768xf32>
    %eq3A_197 = arith.cmpf oeq, %select_n3A_192, %eq3A_196 : vector<256x768xf32>
    %jit3A_198 = arith.constant 768 : i32
    %broadcast_in_dim3A_199 = vector.broadcast %jit3A_198 : i32 to vector<256x768xi32>
    %select_n3A_200 = arith.select %eq3A_197, %iota3A, %broadcast_in_dim3A_199 : vector<256x768xi1>, vector<256x768xi32>
    %reduce_min3A_201 = arith.constant dense<2147483647> : vector<256xi32>
    %reduce_min3A_202 = vector.multi_reduction <minsi>, %select_n3A_200, %reduce_min3A_201 [1] : vector<256x768xi32> to vector<256xi32>
    %broadcast_in_dim3A_203 = vector.shape_cast %reduce_min3A_202 : vector<256xi32> to vector<256x1xi32>
    %eq3A_204 = vector.broadcast %broadcast_in_dim3A_203 : vector<256x1xi32> to vector<256x768xi32>
    %eq3A_205 = arith.cmpi eq, %iota3A, %eq3A_204 : vector<256x768xi32>
    %swap3A_206 = arith.constant 0 : index
    %swap3A_207 = arith.constant 7 : index
    %swap3A_208 = vector.load %arg3[%swap3A_206, %swap3A_207] : memref<256x32xf32, #tpu.memory_space<vmem>>, vector<256x1xf32>
    tpu.vector_store %arg3[%swap3A_206, %swap3A_207], %broadcast_in_dim3A_195 {strides = array<i32>} : memref<256x32xf32, #tpu.memory_space<vmem>>, vector<256x1xf32>,
    %jit3A_209 = arith.constant 0 : i32
    %broadcast_in_dim3A_210 = vector.broadcast %jit3A_209 : i32 to vector<256x768xi32>
    %select_n3A_211 = arith.select %eq3A_205, %get3A_4, %broadcast_in_dim3A_210 : vector<256x768xi1>, vector<256x768xi32>
    %reduce_sum3A_212 = arith.constant dense<0> : vector<256xi32>
    %reduce_sum3A_213 = vector.multi_reduction <add>, %select_n3A_211, %reduce_sum3A_212 [1] : vector<256x768xi32> to vector<256xi32>
    %broadcast_in_dim3A_214 = vector.shape_cast %reduce_sum3A_213 : vector<256xi32> to vector<256x1xi32>
    %swap3A_215 = arith.constant 0 : index
    %swap3A_216 = arith.constant 7 : index
    %swap3A_217 = vector.load %arg4[%swap3A_215, %swap3A_216] : memref<256x32xi32, #tpu.memory_space<vmem>>, vector<256x1xi32>
    tpu.vector_store %arg4[%swap3A_215, %swap3A_216], %broadcast_in_dim3A_214 {strides = array<i32>} : memref<256x32xi32, #tpu.memory_space<vmem>>, vector<256x1xi32>,
    %jit3A_218 = arith.constant 0xFF800000 : f32
    %broadcast_in_dim3A_219 = vector.broadcast %jit3A_218 : f32 to vector<256x768xf32>
    %select_n3A_220 = arith.select %eq3A_205, %broadcast_in_dim3A_219, %select_n3A_192 : vector<256x768xi1>, vector<256x768xf32>
    %reduce_max3A_221 = arith.constant dense<0xFF800000> : vector<256xf32>
    %reduce_max3A_222 = vector.multi_reduction <maximumf>, %select_n3A_220, %reduce_max3A_221 [1] : vector<256x768xf32> to vector<256xf32>
    %broadcast_in_dim3A_223 = vector.shape_cast %reduce_max3A_222 : vector<256xf32> to vector<256x1xf32>
    %eq3A_224 = vector.broadcast %broadcast_in_dim3A_223 : vector<256x1xf32> to vector<256x768xf32>
    %eq3A_225 = arith.cmpf oeq, %select_n3A_220, %eq3A_224 : vector<256x768xf32>
    %jit3A_226 = arith.constant 768 : i32
    %broadcast_in_dim3A_227 = vector.broadcast %jit3A_226 : i32 to vector<256x768xi32>
    %select_n3A_228 = arith.select %eq3A_225, %iota3A, %broadcast_in_dim3A_227 : vector<256x768xi1>, vector<256x768xi32>
    %reduce_min3A_229 = arith.constant dense<2147483647> : vector<256xi32>
    %reduce_min3A_230 = vector.multi_reduction <minsi>, %select_n3A_228, %reduce_min3A_229 [1] : vector<256x768xi32> to vector<256xi32>
    %broadcast_in_dim3A_231 = vector.shape_cast %reduce_min3A_230 : vector<256xi32> to vector<256x1xi32>
    %eq3A_232 = vector.broadcast %broadcast_in_dim3A_231 : vector<256x1xi32> to vector<256x768xi32>
    %eq3A_233 = arith.cmpi eq, %iota3A, %eq3A_232 : vector<256x768xi32>
    %swap3A_234 = arith.constant 0 : index
    %swap3A_235 = arith.constant 8 : index
    %swap3A_236 = vector.load %arg3[%swap3A_234, %swap3A_235] : memref<256x32xf32, #tpu.memory_space<vmem>>, vector<256x1xf32>
    tpu.vector_store %arg3[%swap3A_234, %swap3A_235], %broadcast_in_dim3A_223 {strides = array<i32>} : memref<256x32xf32, #tpu.memory_space<vmem>>, vector<256x1xf32>,
    %jit3A_237 = arith.constant 0 : i32
    %broadcast_in_dim3A_238 = vector.broadcast %jit3A_237 : i32 to vector<256x768xi32>
    %select_n3A_239 = arith.select %eq3A_233, %get3A_4, %broadcast_in_dim3A_238 : vector<256x768xi1>, vector<256x768xi32>
    %reduce_sum3A_240 = arith.constant dense<0> : vector<256xi32>
    %reduce_sum3A_241 = vector.multi_reduction <add>, %select_n3A_239, %reduce_sum3A_240 [1] : vector<256x768xi32> to vector<256xi32>
    %broadcast_in_dim3A_242 = vector.shape_cast %reduce_sum3A_241 : vector<256xi32> to vector<256x1xi32>
    %swap3A_243 = arith.constant 0 : index
    %swap3A_244 = arith.constant 8 : index
    %swap3A_245 = vector.load %arg4[%swap3A_243, %swap3A_244] : memref<256x32xi32, #tpu.memory_space<vmem>>, vector<256x1xi32>
    tpu.vector_store %arg4[%swap3A_243, %swap3A_244], %broadcast_in_dim3A_242 {strides = array<i32>} : memref<256x32xi32, #tpu.memory_space<vmem>>, vector<256x1xi32>,
    %jit3A_246 = arith.constant 0xFF800000 : f32
    %broadcast_in_dim3A_247 = vector.broadcast %jit3A_246 : f32 to vector<256x768xf32>
    %select_n3A_248 = arith.select %eq3A_233, %broadcast_in_dim3A_247, %select_n3A_220 : vector<256x768xi1>, vector<256x768xf32>
    %reduce_max3A_249 = arith.constant dense<0xFF800000> : vector<256xf32>
    %reduce_max3A_250 = vector.multi_reduction <maximumf>, %select_n3A_248, %reduce_max3A_249 [1] : vector<256x768xf32> to vector<256xf32>
    %broadcast_in_dim3A_251 = vector.shape_cast %reduce_max3A_250 : vector<256xf32> to vector<256x1xf32>
    %eq3A_252 = vector.broadcast %broadcast_in_dim3A_251 : vector<256x1xf32> to vector<256x768xf32>
    %eq3A_253 = arith.cmpf oeq, %select_n3A_248, %eq3A_252 : vector<256x768xf32>
    %jit3A_254 = arith.constant 768 : i32
    %broadcast_in_dim3A_255 = vector.broadcast %jit3A_254 : i32 to vector<256x768xi32>
    %select_n3A_256 = arith.select %eq3A_253, %iota3A, %broadcast_in_dim3A_255 : vector<256x768xi1>, vector<256x768xi32>
    %reduce_min3A_257 = arith.constant dense<2147483647> : vector<256xi32>
    %reduce_min3A_258 = vector.multi_reduction <minsi>, %select_n3A_256, %reduce_min3A_257 [1] : vector<256x768xi32> to vector<256xi32>
    %broadcast_in_dim3A_259 = vector.shape_cast %reduce_min3A_258 : vector<256xi32> to vector<256x1xi32>
    %eq3A_260 = vector.broadcast %broadcast_in_dim3A_259 : vector<256x1xi32> to vector<256x768xi32>
    %eq3A_261 = arith.cmpi eq, %iota3A, %eq3A_260 : vector<256x768xi32>
    %swap3A_262 = arith.constant 0 : index
    %swap3A_263 = arith.constant 9 : index
    %swap3A_264 = vector.load %arg3[%swap3A_262, %swap3A_263] : memref<256x32xf32, #tpu.memory_space<vmem>>, vector<256x1xf32>
    tpu.vector_store %arg3[%swap3A_262, %swap3A_263], %broadcast_in_dim3A_251 {strides = array<i32>} : memref<256x32xf32, #tpu.memory_space<vmem>>, vector<256x1xf32>,
    %jit3A_265 = arith.constant 0 : i32
    %broadcast_in_dim3A_266 = vector.broadcast %jit3A_265 : i32 to vector<256x768xi32>
    %select_n3A_267 = arith.select %eq3A_261, %get3A_4, %broadcast_in_dim3A_266 : vector<256x768xi1>, vector<256x768xi32>
    %reduce_sum3A_268 = arith.constant dense<0> : vector<256xi32>
    %reduce_sum3A_269 = vector.multi_reduction <add>, %select_n3A_267, %reduce_sum3A_268 [1] : vector<256x768xi32> to vector<256xi32>
    %broadcast_in_dim3A_270 = vector.shape_cast %reduce_sum3A_269 : vector<256xi32> to vector<256x1xi32>
    %swap3A_271 = arith.constant 0 : index
    %swap3A_272 = arith.constant 9 : index
    %swap3A_273 = vector.load %arg4[%swap3A_271, %swap3A_272] : memref<256x32xi32, #tpu.memory_space<vmem>>, vector<256x1xi32>
    tpu.vector_store %arg4[%swap3A_271, %swap3A_272], %broadcast_in_dim3A_270 {strides = array<i32>} : memref<256x32xi32, #tpu.memory_space<vmem>>, vector<256x1xi32>,
    %jit3A_274 = arith.constant 0xFF800000 : f32
    %broadcast_in_dim3A_275 = vector.broadcast %jit3A_274 : f32 to vector<256x768xf32>
    %select_n3A_276 = arith.select %eq3A_261, %broadcast_in_dim3A_275, %select_n3A_248 : vector<256x768xi1>, vector<256x768xf32>
    %reduce_max3A_277 = arith.constant dense<0xFF800000> : vector<256xf32>
    %reduce_max3A_278 = vector.multi_reduction <maximumf>, %select_n3A_276, %reduce_max3A_277 [1] : vector<256x768xf32> to vector<256xf32>
    %broadcast_in_dim3A_279 = vector.shape_cast %reduce_max3A_278 : vector<256xf32> to vector<256x1xf32>
    %eq3A_280 = vector.broadcast %broadcast_in_dim3A_279 : vector<256x1xf32> to vector<256x768xf32>
    %eq3A_281 = arith.cmpf oeq, %select_n3A_276, %eq3A_280 : vector<256x768xf32>
    %jit3A_282 = arith.constant 768 : i32
    %broadcast_in_dim3A_283 = vector.broadcast %jit3A_282 : i32 to vector<256x768xi32>
    %select_n3A_284 = arith.select %eq3A_281, %iota3A, %broadcast_in_dim3A_283 : vector<256x768xi1>, vector<256x768xi32>
    %reduce_min3A_285 = arith.constant dense<2147483647> : vector<256xi32>
    %reduce_min3A_286 = vector.multi_reduction <minsi>, %select_n3A_284, %reduce_min3A_285 [1] : vector<256x768xi32> to vector<256xi32>
    %broadcast_in_dim3A_287 = vector.shape_cast %reduce_min3A_286 : vector<256xi32> to vector<256x1xi32>
    %eq3A_288 = vector.broadcast %broadcast_in_dim3A_287 : vector<256x1xi32> to vector<256x768xi32>
    %eq3A_289 = arith.cmpi eq, %iota3A, %eq3A_288 : vector<256x768xi32>
    %swap3A_290 = arith.constant 0 : index
    %swap3A_291 = arith.constant 10 : index
    %swap3A_292 = vector.load %arg3[%swap3A_290, %swap3A_291] : memref<256x32xf32, #tpu.memory_space<vmem>>, vector<256x1xf32>
    tpu.vector_store %arg3[%swap3A_290, %swap3A_291], %broadcast_in_dim3A_279 {strides = array<i32>} : memref<256x32xf32, #tpu.memory_space<vmem>>, vector<256x1xf32>,
    %jit3A_293 = arith.constant 0 : i32
    %broadcast_in_dim3A_294 = vector.broadcast %jit3A_293 : i32 to vector<256x768xi32>
    %select_n3A_295 = arith.select %eq3A_289, %get3A_4, %broadcast_in_dim3A_294 : vector<256x768xi1>, vector<256x768xi32>
    %reduce_sum3A_296 = arith.constant dense<0> : vector<256xi32>
    %reduce_sum3A_297 = vector.multi_reduction <add>, %select_n3A_295, %reduce_sum3A_296 [1] : vector<256x768xi32> to vector<256xi32>
    %broadcast_in_dim3A_298 = vector.shape_cast %reduce_sum3A_297 : vector<256xi32> to vector<256x1xi32>
    %swap3A_299 = arith.constant 0 : index
    %swap3A_300 = arith.constant 10 : index
    %swap3A_301 = vector.load %arg4[%swap3A_299, %swap3A_300] : memref<256x32xi32, #tpu.memory_space<vmem>>, vector<256x1xi32>
    tpu.vector_store %arg4[%swap3A_299, %swap3A_300], %broadcast_in_dim3A_298 {strides = array<i32>} : memref<256x32xi32, #tpu.memory_space<vmem>>, vector<256x1xi32>,
    %jit3A_302 = arith.constant 0xFF800000 : f32
    %broadcast_in_dim3A_303 = vector.broadcast %jit3A_302 : f32 to vector<256x768xf32>
    %select_n3A_304 = arith.select %eq3A_289, %broadcast_in_dim3A_303, %select_n3A_276 : vector<256x768xi1>, vector<256x768xf32>
    %reduce_max3A_305 = arith.constant dense<0xFF800000> : vector<256xf32>
    %reduce_max3A_306 = vector.multi_reduction <maximumf>, %select_n3A_304, %reduce_max3A_305 [1] : vector<256x768xf32> to vector<256xf32>
    %broadcast_in_dim3A_307 = vector.shape_cast %reduce_max3A_306 : vector<256xf32> to vector<256x1xf32>
    %eq3A_308 = vector.broadcast %broadcast_in_dim3A_307 : vector<256x1xf32> to vector<256x768xf32>
    %eq3A_309 = arith.cmpf oeq, %select_n3A_304, %eq3A_308 : vector<256x768xf32>
    %jit3A_310 = arith.constant 768 : i32
    %broadcast_in_dim3A_311 = vector.broadcast %jit3A_310 : i32 to vector<256x768xi32>
    %select_n3A_312 = arith.select %eq3A_309, %iota3A, %broadcast_in_dim3A_311 : vector<256x768xi1>, vector<256x768xi32>
    %reduce_min3A_313 = arith.constant dense<2147483647> : vector<256xi32>
    %reduce_min3A_314 = vector.multi_reduction <minsi>, %select_n3A_312, %reduce_min3A_313 [1] : vector<256x768xi32> to vector<256xi32>
    %broadcast_in_dim3A_315 = vector.shape_cast %reduce_min3A_314 : vector<256xi32> to vector<256x1xi32>
    %eq3A_316 = vector.broadcast %broadcast_in_dim3A_315 : vector<256x1xi32> to vector<256x768xi32>
    %eq3A_317 = arith.cmpi eq, %iota3A, %eq3A_316 : vector<256x768xi32>
    %swap3A_318 = arith.constant 0 : index
    %swap3A_319 = arith.constant 11 : index
    %swap3A_320 = vector.load %arg3[%swap3A_318, %swap3A_319] : memref<256x32xf32, #tpu.memory_space<vmem>>, vector<256x1xf32>
    tpu.vector_store %arg3[%swap3A_318, %swap3A_319], %broadcast_in_dim3A_307 {strides = array<i32>} : memref<256x32xf32, #tpu.memory_space<vmem>>, vector<256x1xf32>,
    %jit3A_321 = arith.constant 0 : i32
    %broadcast_in_dim3A_322 = vector.broadcast %jit3A_321 : i32 to vector<256x768xi32>
    %select_n3A_323 = arith.select %eq3A_317, %get3A_4, %broadcast_in_dim3A_322 : vector<256x768xi1>, vector<256x768xi32>
    %reduce_sum3A_324 = arith.constant dense<0> : vector<256xi32>
    %reduce_sum3A_325 = vector.multi_reduction <add>, %select_n3A_323, %reduce_sum3A_324 [1] : vector<256x768xi32> to vector<256xi32>
    %broadcast_in_dim3A_326 = vector.shape_cast %reduce_sum3A_325 : vector<256xi32> to vector<256x1xi32>
    %swap3A_327 = arith.constant 0 : index
    %swap3A_328 = arith.constant 11 : index
    %swap3A_329 = vector.load %arg4[%swap3A_327, %swap3A_328] : memref<256x32xi32, #tpu.memory_space<vmem>>, vector<256x1xi32>
    tpu.vector_store %arg4[%swap3A_327, %swap3A_328], %broadcast_in_dim3A_326 {strides = array<i32>} : memref<256x32xi32, #tpu.memory_space<vmem>>, vector<256x1xi32>,
    %jit3A_330 = arith.constant 0xFF800000 : f32
    %broadcast_in_dim3A_331 = vector.broadcast %jit3A_330 : f32 to vector<256x768xf32>
    %select_n3A_332 = arith.select %eq3A_317, %broadcast_in_dim3A_331, %select_n3A_304 : vector<256x768xi1>, vector<256x768xf32>
    %reduce_max3A_333 = arith.constant dense<0xFF800000> : vector<256xf32>
    %reduce_max3A_334 = vector.multi_reduction <maximumf>, %select_n3A_332, %reduce_max3A_333 [1] : vector<256x768xf32> to vector<256xf32>
    %broadcast_in_dim3A_335 = vector.shape_cast %reduce_max3A_334 : vector<256xf32> to vector<256x1xf32>
    %eq3A_336 = vector.broadcast %broadcast_in_dim3A_335 : vector<256x1xf32> to vector<256x768xf32>
    %eq3A_337 = arith.cmpf oeq, %select_n3A_332, %eq3A_336 : vector<256x768xf32>
    %jit3A_338 = arith.constant 768 : i32
    %broadcast_in_dim3A_339 = vector.broadcast %jit3A_338 : i32 to vector<256x768xi32>
    %select_n3A_340 = arith.select %eq3A_337, %iota3A, %broadcast_in_dim3A_339 : vector<256x768xi1>, vector<256x768xi32>
    %reduce_min3A_341 = arith.constant dense<2147483647> : vector<256xi32>
    %reduce_min3A_342 = vector.multi_reduction <minsi>, %select_n3A_340, %reduce_min3A_341 [1] : vector<256x768xi32> to vector<256xi32>
    %broadcast_in_dim3A_343 = vector.shape_cast %reduce_min3A_342 : vector<256xi32> to vector<256x1xi32>
    %eq3A_344 = vector.broadcast %broadcast_in_dim3A_343 : vector<256x1xi32> to vector<256x768xi32>
    %eq3A_345 = arith.cmpi eq, %iota3A, %eq3A_344 : vector<256x768xi32>
    %swap3A_346 = arith.constant 0 : index
    %swap3A_347 = arith.constant 12 : index
    %swap3A_348 = vector.load %arg3[%swap3A_346, %swap3A_347] : memref<256x32xf32, #tpu.memory_space<vmem>>, vector<256x1xf32>
    tpu.vector_store %arg3[%swap3A_346, %swap3A_347], %broadcast_in_dim3A_335 {strides = array<i32>} : memref<256x32xf32, #tpu.memory_space<vmem>>, vector<256x1xf32>,
    %jit3A_349 = arith.constant 0 : i32
    %broadcast_in_dim3A_350 = vector.broadcast %jit3A_349 : i32 to vector<256x768xi32>
    %select_n3A_351 = arith.select %eq3A_345, %get3A_4, %broadcast_in_dim3A_350 : vector<256x768xi1>, vector<256x768xi32>
    %reduce_sum3A_352 = arith.constant dense<0> : vector<256xi32>
    %reduce_sum3A_353 = vector.multi_reduction <add>, %select_n3A_351, %reduce_sum3A_352 [1] : vector<256x768xi32> to vector<256xi32>
    %broadcast_in_dim3A_354 = vector.shape_cast %reduce_sum3A_353 : vector<256xi32> to vector<256x1xi32>
    %swap3A_355 = arith.constant 0 : index
    %swap3A_356 = arith.constant 12 : index
    %swap3A_357 = vector.load %arg4[%swap3A_355, %swap3A_356] : memref<256x32xi32, #tpu.memory_space<vmem>>, vector<256x1xi32>
    tpu.vector_store %arg4[%swap3A_355, %swap3A_356], %broadcast_in_dim3A_354 {strides = array<i32>} : memref<256x32xi32, #tpu.memory_space<vmem>>, vector<256x1xi32>,
    %jit3A_358 = arith.constant 0xFF800000 : f32
    %broadcast_in_dim3A_359 = vector.broadcast %jit3A_358 : f32 to vector<256x768xf32>
    %select_n3A_360 = arith.select %eq3A_345, %broadcast_in_dim3A_359, %select_n3A_332 : vector<256x768xi1>, vector<256x768xf32>
    %reduce_max3A_361 = arith.constant dense<0xFF800000> : vector<256xf32>
    %reduce_max3A_362 = vector.multi_reduction <maximumf>, %select_n3A_360, %reduce_max3A_361 [1] : vector<256x768xf32> to vector<256xf32>
    %broadcast_in_dim3A_363 = vector.shape_cast %reduce_max3A_362 : vector<256xf32> to vector<256x1xf32>
    %eq3A_364 = vector.broadcast %broadcast_in_dim3A_363 : vector<256x1xf32> to vector<256x768xf32>
    %eq3A_365 = arith.cmpf oeq, %select_n3A_360, %eq3A_364 : vector<256x768xf32>
    %jit3A_366 = arith.constant 768 : i32
    %broadcast_in_dim3A_367 = vector.broadcast %jit3A_366 : i32 to vector<256x768xi32>
    %select_n3A_368 = arith.select %eq3A_365, %iota3A, %broadcast_in_dim3A_367 : vector<256x768xi1>, vector<256x768xi32>
    %reduce_min3A_369 = arith.constant dense<2147483647> : vector<256xi32>
    %reduce_min3A_370 = vector.multi_reduction <minsi>, %select_n3A_368, %reduce_min3A_369 [1] : vector<256x768xi32> to vector<256xi32>
    %broadcast_in_dim3A_371 = vector.shape_cast %reduce_min3A_370 : vector<256xi32> to vector<256x1xi32>
    %eq3A_372 = vector.broadcast %broadcast_in_dim3A_371 : vector<256x1xi32> to vector<256x768xi32>
    %eq3A_373 = arith.cmpi eq, %iota3A, %eq3A_372 : vector<256x768xi32>
    %swap3A_374 = arith.constant 0 : index
    %swap3A_375 = arith.constant 13 : index
    %swap3A_376 = vector.load %arg3[%swap3A_374, %swap3A_375] : memref<256x32xf32, #tpu.memory_space<vmem>>, vector<256x1xf32>
    tpu.vector_store %arg3[%swap3A_374, %swap3A_375], %broadcast_in_dim3A_363 {strides = array<i32>} : memref<256x32xf32, #tpu.memory_space<vmem>>, vector<256x1xf32>,
    %jit3A_377 = arith.constant 0 : i32
    %broadcast_in_dim3A_378 = vector.broadcast %jit3A_377 : i32 to vector<256x768xi32>
    %select_n3A_379 = arith.select %eq3A_373, %get3A_4, %broadcast_in_dim3A_378 : vector<256x768xi1>, vector<256x768xi32>
    %reduce_sum3A_380 = arith.constant dense<0> : vector<256xi32>
    %reduce_sum3A_381 = vector.multi_reduction <add>, %select_n3A_379, %reduce_sum3A_380 [1] : vector<256x768xi32> to vector<256xi32>
    %broadcast_in_dim3A_382 = vector.shape_cast %reduce_sum3A_381 : vector<256xi32> to vector<256x1xi32>
    %swap3A_383 = arith.constant 0 : index
    %swap3A_384 = arith.constant 13 : index
    %swap3A_385 = vector.load %arg4[%swap3A_383, %swap3A_384] : memref<256x32xi32, #tpu.memory_space<vmem>>, vector<256x1xi32>
    tpu.vector_store %arg4[%swap3A_383, %swap3A_384], %broadcast_in_dim3A_382 {strides = array<i32>} : memref<256x32xi32, #tpu.memory_space<vmem>>, vector<256x1xi32>,
    %jit3A_386 = arith.constant 0xFF800000 : f32
    %broadcast_in_dim3A_387 = vector.broadcast %jit3A_386 : f32 to vector<256x768xf32>
    %select_n3A_388 = arith.select %eq3A_373, %broadcast_in_dim3A_387, %select_n3A_360 : vector<256x768xi1>, vector<256x768xf32>
    %reduce_max3A_389 = arith.constant dense<0xFF800000> : vector<256xf32>
    %reduce_max3A_390 = vector.multi_reduction <maximumf>, %select_n3A_388, %reduce_max3A_389 [1] : vector<256x768xf32> to vector<256xf32>
    %broadcast_in_dim3A_391 = vector.shape_cast %reduce_max3A_390 : vector<256xf32> to vector<256x1xf32>
    %eq3A_392 = vector.broadcast %broadcast_in_dim3A_391 : vector<256x1xf32> to vector<256x768xf32>
    %eq3A_393 = arith.cmpf oeq, %select_n3A_388, %eq3A_392 : vector<256x768xf32>
    %jit3A_394 = arith.constant 768 : i32
    %broadcast_in_dim3A_395 = vector.broadcast %jit3A_394 : i32 to vector<256x768xi32>
    %select_n3A_396 = arith.select %eq3A_393, %iota3A, %broadcast_in_dim3A_395 : vector<256x768xi1>, vector<256x768xi32>
    %reduce_min3A_397 = arith.constant dense<2147483647> : vector<256xi32>
    %reduce_min3A_398 = vector.multi_reduction <minsi>, %select_n3A_396, %reduce_min3A_397 [1] : vector<256x768xi32> to vector<256xi32>
    %broadcast_in_dim3A_399 = vector.shape_cast %reduce_min3A_398 : vector<256xi32> to vector<256x1xi32>
    %eq3A_400 = vector.broadcast %broadcast_in_dim3A_399 : vector<256x1xi32> to vector<256x768xi32>
    %eq3A_401 = arith.cmpi eq, %iota3A, %eq3A_400 : vector<256x768xi32>
    %swap3A_402 = arith.constant 0 : index
    %swap3A_403 = arith.constant 14 : index
    %swap3A_404 = vector.load %arg3[%swap3A_402, %swap3A_403] : memref<256x32xf32, #tpu.memory_space<vmem>>, vector<256x1xf32>
    tpu.vector_store %arg3[%swap3A_402, %swap3A_403], %broadcast_in_dim3A_391 {strides = array<i32>} : memref<256x32xf32, #tpu.memory_space<vmem>>, vector<256x1xf32>,
    %jit3A_405 = arith.constant 0 : i32
    %broadcast_in_dim3A_406 = vector.broadcast %jit3A_405 : i32 to vector<256x768xi32>
    %select_n3A_407 = arith.select %eq3A_401, %get3A_4, %broadcast_in_dim3A_406 : vector<256x768xi1>, vector<256x768xi32>
    %reduce_sum3A_408 = arith.constant dense<0> : vector<256xi32>
    %reduce_sum3A_409 = vector.multi_reduction <add>, %select_n3A_407, %reduce_sum3A_408 [1] : vector<256x768xi32> to vector<256xi32>
    %broadcast_in_dim3A_410 = vector.shape_cast %reduce_sum3A_409 : vector<256xi32> to vector<256x1xi32>
    %swap3A_411 = arith.constant 0 : index
    %swap3A_412 = arith.constant 14 : index
    %swap3A_413 = vector.load %arg4[%swap3A_411, %swap3A_412] : memref<256x32xi32, #tpu.memory_space<vmem>>, vector<256x1xi32>
    tpu.vector_store %arg4[%swap3A_411, %swap3A_412], %broadcast_in_dim3A_410 {strides = array<i32>} : memref<256x32xi32, #tpu.memory_space<vmem>>, vector<256x1xi32>,
    %jit3A_414 = arith.constant 0xFF800000 : f32
    %broadcast_in_dim3A_415 = vector.broadcast %jit3A_414 : f32 to vector<256x768xf32>
    %select_n3A_416 = arith.select %eq3A_401, %broadcast_in_dim3A_415, %select_n3A_388 : vector<256x768xi1>, vector<256x768xf32>
    %reduce_max3A_417 = arith.constant dense<0xFF800000> : vector<256xf32>
    %reduce_max3A_418 = vector.multi_reduction <maximumf>, %select_n3A_416, %reduce_max3A_417 [1] : vector<256x768xf32> to vector<256xf32>
    %broadcast_in_dim3A_419 = vector.shape_cast %reduce_max3A_418 : vector<256xf32> to vector<256x1xf32>
    %eq3A_420 = vector.broadcast %broadcast_in_dim3A_419 : vector<256x1xf32> to vector<256x768xf32>
    %eq3A_421 = arith.cmpf oeq, %select_n3A_416, %eq3A_420 : vector<256x768xf32>
    %jit3A_422 = arith.constant 768 : i32
    %broadcast_in_dim3A_423 = vector.broadcast %jit3A_422 : i32 to vector<256x768xi32>
    %select_n3A_424 = arith.select %eq3A_421, %iota3A, %broadcast_in_dim3A_423 : vector<256x768xi1>, vector<256x768xi32>
    %reduce_min3A_425 = arith.constant dense<2147483647> : vector<256xi32>
    %reduce_min3A_426 = vector.multi_reduction <minsi>, %select_n3A_424, %reduce_min3A_425 [1] : vector<256x768xi32> to vector<256xi32>
    %broadcast_in_dim3A_427 = vector.shape_cast %reduce_min3A_426 : vector<256xi32> to vector<256x1xi32>
    %eq3A_428 = vector.broadcast %broadcast_in_dim3A_427 : vector<256x1xi32> to vector<256x768xi32>
    %eq3A_429 = arith.cmpi eq, %iota3A, %eq3A_428 : vector<256x768xi32>
    %swap3A_430 = arith.constant 0 : index
    %swap3A_431 = arith.constant 15 : index
    %swap3A_432 = vector.load %arg3[%swap3A_430, %swap3A_431] : memref<256x32xf32, #tpu.memory_space<vmem>>, vector<256x1xf32>
    tpu.vector_store %arg3[%swap3A_430, %swap3A_431], %broadcast_in_dim3A_419 {strides = array<i32>} : memref<256x32xf32, #tpu.memory_space<vmem>>, vector<256x1xf32>,
    %jit3A_433 = arith.constant 0 : i32
    %broadcast_in_dim3A_434 = vector.broadcast %jit3A_433 : i32 to vector<256x768xi32>
    %select_n3A_435 = arith.select %eq3A_429, %get3A_4, %broadcast_in_dim3A_434 : vector<256x768xi1>, vector<256x768xi32>
    %reduce_sum3A_436 = arith.constant dense<0> : vector<256xi32>
    %reduce_sum3A_437 = vector.multi_reduction <add>, %select_n3A_435, %reduce_sum3A_436 [1] : vector<256x768xi32> to vector<256xi32>
    %broadcast_in_dim3A_438 = vector.shape_cast %reduce_sum3A_437 : vector<256xi32> to vector<256x1xi32>
    %swap3A_439 = arith.constant 0 : index
    %swap3A_440 = arith.constant 15 : index
    %swap3A_441 = vector.load %arg4[%swap3A_439, %swap3A_440] : memref<256x32xi32, #tpu.memory_space<vmem>>, vector<256x1xi32>
    tpu.vector_store %arg4[%swap3A_439, %swap3A_440], %broadcast_in_dim3A_438 {strides = array<i32>} : memref<256x32xi32, #tpu.memory_space<vmem>>, vector<256x1xi32>,
    %jit3A_442 = arith.constant 0xFF800000 : f32
    %broadcast_in_dim3A_443 = vector.broadcast %jit3A_442 : f32 to vector<256x768xf32>
    %select_n3A_444 = arith.select %eq3A_429, %broadcast_in_dim3A_443, %select_n3A_416 : vector<256x768xi1>, vector<256x768xf32>
    %reduce_max3A_445 = arith.constant dense<0xFF800000> : vector<256xf32>
    %reduce_max3A_446 = vector.multi_reduction <maximumf>, %select_n3A_444, %reduce_max3A_445 [1] : vector<256x768xf32> to vector<256xf32>
    %broadcast_in_dim3A_447 = vector.shape_cast %reduce_max3A_446 : vector<256xf32> to vector<256x1xf32>
    %eq3A_448 = vector.broadcast %broadcast_in_dim3A_447 : vector<256x1xf32> to vector<256x768xf32>
    %eq3A_449 = arith.cmpf oeq, %select_n3A_444, %eq3A_448 : vector<256x768xf32>
    %jit3A_450 = arith.constant 768 : i32
    %broadcast_in_dim3A_451 = vector.broadcast %jit3A_450 : i32 to vector<256x768xi32>
    %select_n3A_452 = arith.select %eq3A_449, %iota3A, %broadcast_in_dim3A_451 : vector<256x768xi1>, vector<256x768xi32>
    %reduce_min3A_453 = arith.constant dense<2147483647> : vector<256xi32>
    %reduce_min3A_454 = vector.multi_reduction <minsi>, %select_n3A_452, %reduce_min3A_453 [1] : vector<256x768xi32> to vector<256xi32>
    %broadcast_in_dim3A_455 = vector.shape_cast %reduce_min3A_454 : vector<256xi32> to vector<256x1xi32>
    %eq3A_456 = vector.broadcast %broadcast_in_dim3A_455 : vector<256x1xi32> to vector<256x768xi32>
    %eq3A_457 = arith.cmpi eq, %iota3A, %eq3A_456 : vector<256x768xi32>
    %swap3A_458 = arith.constant 0 : index
    %swap3A_459 = arith.constant 16 : index
    %swap3A_460 = vector.load %arg3[%swap3A_458, %swap3A_459] : memref<256x32xf32, #tpu.memory_space<vmem>>, vector<256x1xf32>
    tpu.vector_store %arg3[%swap3A_458, %swap3A_459], %broadcast_in_dim3A_447 {strides = array<i32>} : memref<256x32xf32, #tpu.memory_space<vmem>>, vector<256x1xf32>,
    %jit3A_461 = arith.constant 0 : i32
    %broadcast_in_dim3A_462 = vector.broadcast %jit3A_461 : i32 to vector<256x768xi32>
    %select_n3A_463 = arith.select %eq3A_457, %get3A_4, %broadcast_in_dim3A_462 : vector<256x768xi1>, vector<256x768xi32>
    %reduce_sum3A_464 = arith.constant dense<0> : vector<256xi32>
    %reduce_sum3A_465 = vector.multi_reduction <add>, %select_n3A_463, %reduce_sum3A_464 [1] : vector<256x768xi32> to vector<256xi32>
    %broadcast_in_dim3A_466 = vector.shape_cast %reduce_sum3A_465 : vector<256xi32> to vector<256x1xi32>
    %swap3A_467 = arith.constant 0 : index
    %swap3A_468 = arith.constant 16 : index
    %swap3A_469 = vector.load %arg4[%swap3A_467, %swap3A_468] : memref<256x32xi32, #tpu.memory_space<vmem>>, vector<256x1xi32>
    tpu.vector_store %arg4[%swap3A_467, %swap3A_468], %broadcast_in_dim3A_466 {strides = array<i32>} : memref<256x32xi32, #tpu.memory_space<vmem>>, vector<256x1xi32>,
    %jit3A_470 = arith.constant 0xFF800000 : f32
    %broadcast_in_dim3A_471 = vector.broadcast %jit3A_470 : f32 to vector<256x768xf32>
    %select_n3A_472 = arith.select %eq3A_457, %broadcast_in_dim3A_471, %select_n3A_444 : vector<256x768xi1>, vector<256x768xf32>
    %reduce_max3A_473 = arith.constant dense<0xFF800000> : vector<256xf32>
    %reduce_max3A_474 = vector.multi_reduction <maximumf>, %select_n3A_472, %reduce_max3A_473 [1] : vector<256x768xf32> to vector<256xf32>
    %broadcast_in_dim3A_475 = vector.shape_cast %reduce_max3A_474 : vector<256xf32> to vector<256x1xf32>
    %eq3A_476 = vector.broadcast %broadcast_in_dim3A_475 : vector<256x1xf32> to vector<256x768xf32>
    %eq3A_477 = arith.cmpf oeq, %select_n3A_472, %eq3A_476 : vector<256x768xf32>
    %jit3A_478 = arith.constant 768 : i32
    %broadcast_in_dim3A_479 = vector.broadcast %jit3A_478 : i32 to vector<256x768xi32>
    %select_n3A_480 = arith.select %eq3A_477, %iota3A, %broadcast_in_dim3A_479 : vector<256x768xi1>, vector<256x768xi32>
    %reduce_min3A_481 = arith.constant dense<2147483647> : vector<256xi32>
    %reduce_min3A_482 = vector.multi_reduction <minsi>, %select_n3A_480, %reduce_min3A_481 [1] : vector<256x768xi32> to vector<256xi32>
    %broadcast_in_dim3A_483 = vector.shape_cast %reduce_min3A_482 : vector<256xi32> to vector<256x1xi32>
    %eq3A_484 = vector.broadcast %broadcast_in_dim3A_483 : vector<256x1xi32> to vector<256x768xi32>
    %eq3A_485 = arith.cmpi eq, %iota3A, %eq3A_484 : vector<256x768xi32>
    %swap3A_486 = arith.constant 0 : index
    %swap3A_487 = arith.constant 17 : index
    %swap3A_488 = vector.load %arg3[%swap3A_486, %swap3A_487] : memref<256x32xf32, #tpu.memory_space<vmem>>, vector<256x1xf32>
    tpu.vector_store %arg3[%swap3A_486, %swap3A_487], %broadcast_in_dim3A_475 {strides = array<i32>} : memref<256x32xf32, #tpu.memory_space<vmem>>, vector<256x1xf32>,
    %jit3A_489 = arith.constant 0 : i32
    %broadcast_in_dim3A_490 = vector.broadcast %jit3A_489 : i32 to vector<256x768xi32>
    %select_n3A_491 = arith.select %eq3A_485, %get3A_4, %broadcast_in_dim3A_490 : vector<256x768xi1>, vector<256x768xi32>
    %reduce_sum3A_492 = arith.constant dense<0> : vector<256xi32>
    %reduce_sum3A_493 = vector.multi_reduction <add>, %select_n3A_491, %reduce_sum3A_492 [1] : vector<256x768xi32> to vector<256xi32>
    %broadcast_in_dim3A_494 = vector.shape_cast %reduce_sum3A_493 : vector<256xi32> to vector<256x1xi32>
    %swap3A_495 = arith.constant 0 : index
    %swap3A_496 = arith.constant 17 : index
    %swap3A_497 = vector.load %arg4[%swap3A_495, %swap3A_496] : memref<256x32xi32, #tpu.memory_space<vmem>>, vector<256x1xi32>
    tpu.vector_store %arg4[%swap3A_495, %swap3A_496], %broadcast_in_dim3A_494 {strides = array<i32>} : memref<256x32xi32, #tpu.memory_space<vmem>>, vector<256x1xi32>,
    %jit3A_498 = arith.constant 0xFF800000 : f32
    %broadcast_in_dim3A_499 = vector.broadcast %jit3A_498 : f32 to vector<256x768xf32>
    %select_n3A_500 = arith.select %eq3A_485, %broadcast_in_dim3A_499, %select_n3A_472 : vector<256x768xi1>, vector<256x768xf32>
    %reduce_max3A_501 = arith.constant dense<0xFF800000> : vector<256xf32>
    %reduce_max3A_502 = vector.multi_reduction <maximumf>, %select_n3A_500, %reduce_max3A_501 [1] : vector<256x768xf32> to vector<256xf32>
    %broadcast_in_dim3A_503 = vector.shape_cast %reduce_max3A_502 : vector<256xf32> to vector<256x1xf32>
    %eq3A_504 = vector.broadcast %broadcast_in_dim3A_503 : vector<256x1xf32> to vector<256x768xf32>
    %eq3A_505 = arith.cmpf oeq, %select_n3A_500, %eq3A_504 : vector<256x768xf32>
    %jit3A_506 = arith.constant 768 : i32
    %broadcast_in_dim3A_507 = vector.broadcast %jit3A_506 : i32 to vector<256x768xi32>
    %select_n3A_508 = arith.select %eq3A_505, %iota3A, %broadcast_in_dim3A_507 : vector<256x768xi1>, vector<256x768xi32>
    %reduce_min3A_509 = arith.constant dense<2147483647> : vector<256xi32>
    %reduce_min3A_510 = vector.multi_reduction <minsi>, %select_n3A_508, %reduce_min3A_509 [1] : vector<256x768xi32> to vector<256xi32>
    %broadcast_in_dim3A_511 = vector.shape_cast %reduce_min3A_510 : vector<256xi32> to vector<256x1xi32>
    %eq3A_512 = vector.broadcast %broadcast_in_dim3A_511 : vector<256x1xi32> to vector<256x768xi32>
    %eq3A_513 = arith.cmpi eq, %iota3A, %eq3A_512 : vector<256x768xi32>
    %swap3A_514 = arith.constant 0 : index
    %swap3A_515 = arith.constant 18 : index
    %swap3A_516 = vector.load %arg3[%swap3A_514, %swap3A_515] : memref<256x32xf32, #tpu.memory_space<vmem>>, vector<256x1xf32>
    tpu.vector_store %arg3[%swap3A_514, %swap3A_515], %broadcast_in_dim3A_503 {strides = array<i32>} : memref<256x32xf32, #tpu.memory_space<vmem>>, vector<256x1xf32>,
    %jit3A_517 = arith.constant 0 : i32
    %broadcast_in_dim3A_518 = vector.broadcast %jit3A_517 : i32 to vector<256x768xi32>
    %select_n3A_519 = arith.select %eq3A_513, %get3A_4, %broadcast_in_dim3A_518 : vector<256x768xi1>, vector<256x768xi32>
    %reduce_sum3A_520 = arith.constant dense<0> : vector<256xi32>
    %reduce_sum3A_521 = vector.multi_reduction <add>, %select_n3A_519, %reduce_sum3A_520 [1] : vector<256x768xi32> to vector<256xi32>
    %broadcast_in_dim3A_522 = vector.shape_cast %reduce_sum3A_521 : vector<256xi32> to vector<256x1xi32>
    %swap3A_523 = arith.constant 0 : index
    %swap3A_524 = arith.constant 18 : index
    %swap3A_525 = vector.load %arg4[%swap3A_523, %swap3A_524] : memref<256x32xi32, #tpu.memory_space<vmem>>, vector<256x1xi32>
    tpu.vector_store %arg4[%swap3A_523, %swap3A_524], %broadcast_in_dim3A_522 {strides = array<i32>} : memref<256x32xi32, #tpu.memory_space<vmem>>, vector<256x1xi32>,
    %jit3A_526 = arith.constant 0xFF800000 : f32
    %broadcast_in_dim3A_527 = vector.broadcast %jit3A_526 : f32 to vector<256x768xf32>
    %select_n3A_528 = arith.select %eq3A_513, %broadcast_in_dim3A_527, %select_n3A_500 : vector<256x768xi1>, vector<256x768xf32>
    %reduce_max3A_529 = arith.constant dense<0xFF800000> : vector<256xf32>
    %reduce_max3A_530 = vector.multi_reduction <maximumf>, %select_n3A_528, %reduce_max3A_529 [1] : vector<256x768xf32> to vector<256xf32>
    %broadcast_in_dim3A_531 = vector.shape_cast %reduce_max3A_530 : vector<256xf32> to vector<256x1xf32>
    %eq3A_532 = vector.broadcast %broadcast_in_dim3A_531 : vector<256x1xf32> to vector<256x768xf32>
    %eq3A_533 = arith.cmpf oeq, %select_n3A_528, %eq3A_532 : vector<256x768xf32>
    %jit3A_534 = arith.constant 768 : i32
    %broadcast_in_dim3A_535 = vector.broadcast %jit3A_534 : i32 to vector<256x768xi32>
    %select_n3A_536 = arith.select %eq3A_533, %iota3A, %broadcast_in_dim3A_535 : vector<256x768xi1>, vector<256x768xi32>
    %reduce_min3A_537 = arith.constant dense<2147483647> : vector<256xi32>
    %reduce_min3A_538 = vector.multi_reduction <minsi>, %select_n3A_536, %reduce_min3A_537 [1] : vector<256x768xi32> to vector<256xi32>
    %broadcast_in_dim3A_539 = vector.shape_cast %reduce_min3A_538 : vector<256xi32> to vector<256x1xi32>
    %eq3A_540 = vector.broadcast %broadcast_in_dim3A_539 : vector<256x1xi32> to vector<256x768xi32>
    %eq3A_541 = arith.cmpi eq, %iota3A, %eq3A_540 : vector<256x768xi32>
    %swap3A_542 = arith.constant 0 : index
    %swap3A_543 = arith.constant 19 : index
    %swap3A_544 = vector.load %arg3[%swap3A_542, %swap3A_543] : memref<256x32xf32, #tpu.memory_space<vmem>>, vector<256x1xf32>
    tpu.vector_store %arg3[%swap3A_542, %swap3A_543], %broadcast_in_dim3A_531 {strides = array<i32>} : memref<256x32xf32, #tpu.memory_space<vmem>>, vector<256x1xf32>,
    %jit3A_545 = arith.constant 0 : i32
    %broadcast_in_dim3A_546 = vector.broadcast %jit3A_545 : i32 to vector<256x768xi32>
    %select_n3A_547 = arith.select %eq3A_541, %get3A_4, %broadcast_in_dim3A_546 : vector<256x768xi1>, vector<256x768xi32>
    %reduce_sum3A_548 = arith.constant dense<0> : vector<256xi32>
    %reduce_sum3A_549 = vector.multi_reduction <add>, %select_n3A_547, %reduce_sum3A_548 [1] : vector<256x768xi32> to vector<256xi32>
    %broadcast_in_dim3A_550 = vector.shape_cast %reduce_sum3A_549 : vector<256xi32> to vector<256x1xi32>
    %swap3A_551 = arith.constant 0 : index
    %swap3A_552 = arith.constant 19 : index
    %swap3A_553 = vector.load %arg4[%swap3A_551, %swap3A_552] : memref<256x32xi32, #tpu.memory_space<vmem>>, vector<256x1xi32>
    tpu.vector_store %arg4[%swap3A_551, %swap3A_552], %broadcast_in_dim3A_550 {strides = array<i32>} : memref<256x32xi32, #tpu.memory_space<vmem>>, vector<256x1xi32>,
    %jit3A_554 = arith.constant 0xFF800000 : f32
    %broadcast_in_dim3A_555 = vector.broadcast %jit3A_554 : f32 to vector<256x768xf32>
    %select_n3A_556 = arith.select %eq3A_541, %broadcast_in_dim3A_555, %select_n3A_528 : vector<256x768xi1>, vector<256x768xf32>
    %reduce_max3A_557 = arith.constant dense<0xFF800000> : vector<256xf32>
    %reduce_max3A_558 = vector.multi_reduction <maximumf>, %select_n3A_556, %reduce_max3A_557 [1] : vector<256x768xf32> to vector<256xf32>
    %broadcast_in_dim3A_559 = vector.shape_cast %reduce_max3A_558 : vector<256xf32> to vector<256x1xf32>
    %eq3A_560 = vector.broadcast %broadcast_in_dim3A_559 : vector<256x1xf32> to vector<256x768xf32>
    %eq3A_561 = arith.cmpf oeq, %select_n3A_556, %eq3A_560 : vector<256x768xf32>
    %jit3A_562 = arith.constant 768 : i32
    %broadcast_in_dim3A_563 = vector.broadcast %jit3A_562 : i32 to vector<256x768xi32>
    %select_n3A_564 = arith.select %eq3A_561, %iota3A, %broadcast_in_dim3A_563 : vector<256x768xi1>, vector<256x768xi32>
    %reduce_min3A_565 = arith.constant dense<2147483647> : vector<256xi32>
    %reduce_min3A_566 = vector.multi_reduction <minsi>, %select_n3A_564, %reduce_min3A_565 [1] : vector<256x768xi32> to vector<256xi32>
    %broadcast_in_dim3A_567 = vector.shape_cast %reduce_min3A_566 : vector<256xi32> to vector<256x1xi32>
    %eq3A_568 = vector.broadcast %broadcast_in_dim3A_567 : vector<256x1xi32> to vector<256x768xi32>
    %eq3A_569 = arith.cmpi eq, %iota3A, %eq3A_568 : vector<256x768xi32>
    %swap3A_570 = arith.constant 0 : index
    %swap3A_571 = arith.constant 20 : index
    %swap3A_572 = vector.load %arg3[%swap3A_570, %swap3A_571] : memref<256x32xf32, #tpu.memory_space<vmem>>, vector<256x1xf32>
    tpu.vector_store %arg3[%swap3A_570, %swap3A_571], %broadcast_in_dim3A_559 {strides = array<i32>} : memref<256x32xf32, #tpu.memory_space<vmem>>, vector<256x1xf32>,
    %jit3A_573 = arith.constant 0 : i32
    %broadcast_in_dim3A_574 = vector.broadcast %jit3A_573 : i32 to vector<256x768xi32>
    %select_n3A_575 = arith.select %eq3A_569, %get3A_4, %broadcast_in_dim3A_574 : vector<256x768xi1>, vector<256x768xi32>
    %reduce_sum3A_576 = arith.constant dense<0> : vector<256xi32>
    %reduce_sum3A_577 = vector.multi_reduction <add>, %select_n3A_575, %reduce_sum3A_576 [1] : vector<256x768xi32> to vector<256xi32>
    %broadcast_in_dim3A_578 = vector.shape_cast %reduce_sum3A_577 : vector<256xi32> to vector<256x1xi32>
    %swap3A_579 = arith.constant 0 : index
    %swap3A_580 = arith.constant 20 : index
    %swap3A_581 = vector.load %arg4[%swap3A_579, %swap3A_580] : memref<256x32xi32, #tpu.memory_space<vmem>>, vector<256x1xi32>
    tpu.vector_store %arg4[%swap3A_579, %swap3A_580], %broadcast_in_dim3A_578 {strides = array<i32>} : memref<256x32xi32, #tpu.memory_space<vmem>>, vector<256x1xi32>,
    %jit3A_582 = arith.constant 0xFF800000 : f32
    %broadcast_in_dim3A_583 = vector.broadcast %jit3A_582 : f32 to vector<256x768xf32>
    %select_n3A_584 = arith.select %eq3A_569, %broadcast_in_dim3A_583, %select_n3A_556 : vector<256x768xi1>, vector<256x768xf32>
    %reduce_max3A_585 = arith.constant dense<0xFF800000> : vector<256xf32>
    %reduce_max3A_586 = vector.multi_reduction <maximumf>, %select_n3A_584, %reduce_max3A_585 [1] : vector<256x768xf32> to vector<256xf32>
    %broadcast_in_dim3A_587 = vector.shape_cast %reduce_max3A_586 : vector<256xf32> to vector<256x1xf32>
    %eq3A_588 = vector.broadcast %broadcast_in_dim3A_587 : vector<256x1xf32> to vector<256x768xf32>
    %eq3A_589 = arith.cmpf oeq, %select_n3A_584, %eq3A_588 : vector<256x768xf32>
    %jit3A_590 = arith.constant 768 : i32
    %broadcast_in_dim3A_591 = vector.broadcast %jit3A_590 : i32 to vector<256x768xi32>
    %select_n3A_592 = arith.select %eq3A_589, %iota3A, %broadcast_in_dim3A_591 : vector<256x768xi1>, vector<256x768xi32>
    %reduce_min3A_593 = arith.constant dense<2147483647> : vector<256xi32>
    %reduce_min3A_594 = vector.multi_reduction <minsi>, %select_n3A_592, %reduce_min3A_593 [1] : vector<256x768xi32> to vector<256xi32>
    %broadcast_in_dim3A_595 = vector.shape_cast %reduce_min3A_594 : vector<256xi32> to vector<256x1xi32>
    %eq3A_596 = vector.broadcast %broadcast_in_dim3A_595 : vector<256x1xi32> to vector<256x768xi32>
    %eq3A_597 = arith.cmpi eq, %iota3A, %eq3A_596 : vector<256x768xi32>
    %swap3A_598 = arith.constant 0 : index
    %swap3A_599 = arith.constant 21 : index
    %swap3A_600 = vector.load %arg3[%swap3A_598, %swap3A_599] : memref<256x32xf32, #tpu.memory_space<vmem>>, vector<256x1xf32>
    tpu.vector_store %arg3[%swap3A_598, %swap3A_599], %broadcast_in_dim3A_587 {strides = array<i32>} : memref<256x32xf32, #tpu.memory_space<vmem>>, vector<256x1xf32>,
    %jit3A_601 = arith.constant 0 : i32
    %broadcast_in_dim3A_602 = vector.broadcast %jit3A_601 : i32 to vector<256x768xi32>
    %select_n3A_603 = arith.select %eq3A_597, %get3A_4, %broadcast_in_dim3A_602 : vector<256x768xi1>, vector<256x768xi32>
    %reduce_sum3A_604 = arith.constant dense<0> : vector<256xi32>
    %reduce_sum3A_605 = vector.multi_reduction <add>, %select_n3A_603, %reduce_sum3A_604 [1] : vector<256x768xi32> to vector<256xi32>
    %broadcast_in_dim3A_606 = vector.shape_cast %reduce_sum3A_605 : vector<256xi32> to vector<256x1xi32>
    %swap3A_607 = arith.constant 0 : index
    %swap3A_608 = arith.constant 21 : index
    %swap3A_609 = vector.load %arg4[%swap3A_607, %swap3A_608] : memref<256x32xi32, #tpu.memory_space<vmem>>, vector<256x1xi32>
    tpu.vector_store %arg4[%swap3A_607, %swap3A_608], %broadcast_in_dim3A_606 {strides = array<i32>} : memref<256x32xi32, #tpu.memory_space<vmem>>, vector<256x1xi32>,
    %jit3A_610 = arith.constant 0xFF800000 : f32
    %broadcast_in_dim3A_611 = vector.broadcast %jit3A_610 : f32 to vector<256x768xf32>
    %select_n3A_612 = arith.select %eq3A_597, %broadcast_in_dim3A_611, %select_n3A_584 : vector<256x768xi1>, vector<256x768xf32>
    %reduce_max3A_613 = arith.constant dense<0xFF800000> : vector<256xf32>
    %reduce_max3A_614 = vector.multi_reduction <maximumf>, %select_n3A_612, %reduce_max3A_613 [1] : vector<256x768xf32> to vector<256xf32>
    %broadcast_in_dim3A_615 = vector.shape_cast %reduce_max3A_614 : vector<256xf32> to vector<256x1xf32>
    %eq3A_616 = vector.broadcast %broadcast_in_dim3A_615 : vector<256x1xf32> to vector<256x768xf32>
    %eq3A_617 = arith.cmpf oeq, %select_n3A_612, %eq3A_616 : vector<256x768xf32>
    %jit3A_618 = arith.constant 768 : i32
    %broadcast_in_dim3A_619 = vector.broadcast %jit3A_618 : i32 to vector<256x768xi32>
    %select_n3A_620 = arith.select %eq3A_617, %iota3A, %broadcast_in_dim3A_619 : vector<256x768xi1>, vector<256x768xi32>
    %reduce_min3A_621 = arith.constant dense<2147483647> : vector<256xi32>
    %reduce_min3A_622 = vector.multi_reduction <minsi>, %select_n3A_620, %reduce_min3A_621 [1] : vector<256x768xi32> to vector<256xi32>
    %broadcast_in_dim3A_623 = vector.shape_cast %reduce_min3A_622 : vector<256xi32> to vector<256x1xi32>
    %eq3A_624 = vector.broadcast %broadcast_in_dim3A_623 : vector<256x1xi32> to vector<256x768xi32>
    %eq3A_625 = arith.cmpi eq, %iota3A, %eq3A_624 : vector<256x768xi32>
    %swap3A_626 = arith.constant 0 : index
    %swap3A_627 = arith.constant 22 : index
    %swap3A_628 = vector.load %arg3[%swap3A_626, %swap3A_627] : memref<256x32xf32, #tpu.memory_space<vmem>>, vector<256x1xf32>
    tpu.vector_store %arg3[%swap3A_626, %swap3A_627], %broadcast_in_dim3A_615 {strides = array<i32>} : memref<256x32xf32, #tpu.memory_space<vmem>>, vector<256x1xf32>,
    %jit3A_629 = arith.constant 0 : i32
    %broadcast_in_dim3A_630 = vector.broadcast %jit3A_629 : i32 to vector<256x768xi32>
    %select_n3A_631 = arith.select %eq3A_625, %get3A_4, %broadcast_in_dim3A_630 : vector<256x768xi1>, vector<256x768xi32>
    %reduce_sum3A_632 = arith.constant dense<0> : vector<256xi32>
    %reduce_sum3A_633 = vector.multi_reduction <add>, %select_n3A_631, %reduce_sum3A_632 [1] : vector<256x768xi32> to vector<256xi32>
    %broadcast_in_dim3A_634 = vector.shape_cast %reduce_sum3A_633 : vector<256xi32> to vector<256x1xi32>
    %swap3A_635 = arith.constant 0 : index
    %swap3A_636 = arith.constant 22 : index
    %swap3A_637 = vector.load %arg4[%swap3A_635, %swap3A_636] : memref<256x32xi32, #tpu.memory_space<vmem>>, vector<256x1xi32>
    tpu.vector_store %arg4[%swap3A_635, %swap3A_636], %broadcast_in_dim3A_634 {strides = array<i32>} : memref<256x32xi32, #tpu.memory_space<vmem>>, vector<256x1xi32>,
    %jit3A_638 = arith.constant 0xFF800000 : f32
    %broadcast_in_dim3A_639 = vector.broadcast %jit3A_638 : f32 to vector<256x768xf32>
    %select_n3A_640 = arith.select %eq3A_625, %broadcast_in_dim3A_639, %select_n3A_612 : vector<256x768xi1>, vector<256x768xf32>
    %reduce_max3A_641 = arith.constant dense<0xFF800000> : vector<256xf32>
    %reduce_max3A_642 = vector.multi_reduction <maximumf>, %select_n3A_640, %reduce_max3A_641 [1] : vector<256x768xf32> to vector<256xf32>
    %broadcast_in_dim3A_643 = vector.shape_cast %reduce_max3A_642 : vector<256xf32> to vector<256x1xf32>
    %eq3A_644 = vector.broadcast %broadcast_in_dim3A_643 : vector<256x1xf32> to vector<256x768xf32>
    %eq3A_645 = arith.cmpf oeq, %select_n3A_640, %eq3A_644 : vector<256x768xf32>
    %jit3A_646 = arith.constant 768 : i32
    %broadcast_in_dim3A_647 = vector.broadcast %jit3A_646 : i32 to vector<256x768xi32>
    %select_n3A_648 = arith.select %eq3A_645, %iota3A, %broadcast_in_dim3A_647 : vector<256x768xi1>, vector<256x768xi32>
    %reduce_min3A_649 = arith.constant dense<2147483647> : vector<256xi32>
    %reduce_min3A_650 = vector.multi_reduction <minsi>, %select_n3A_648, %reduce_min3A_649 [1] : vector<256x768xi32> to vector<256xi32>
    %broadcast_in_dim3A_651 = vector.shape_cast %reduce_min3A_650 : vector<256xi32> to vector<256x1xi32>
    %eq3A_652 = vector.broadcast %broadcast_in_dim3A_651 : vector<256x1xi32> to vector<256x768xi32>
    %eq3A_653 = arith.cmpi eq, %iota3A, %eq3A_652 : vector<256x768xi32>
    %swap3A_654 = arith.constant 0 : index
    %swap3A_655 = arith.constant 23 : index
    %swap3A_656 = vector.load %arg3[%swap3A_654, %swap3A_655] : memref<256x32xf32, #tpu.memory_space<vmem>>, vector<256x1xf32>
    tpu.vector_store %arg3[%swap3A_654, %swap3A_655], %broadcast_in_dim3A_643 {strides = array<i32>} : memref<256x32xf32, #tpu.memory_space<vmem>>, vector<256x1xf32>,
    %jit3A_657 = arith.constant 0 : i32
    %broadcast_in_dim3A_658 = vector.broadcast %jit3A_657 : i32 to vector<256x768xi32>
    %select_n3A_659 = arith.select %eq3A_653, %get3A_4, %broadcast_in_dim3A_658 : vector<256x768xi1>, vector<256x768xi32>
    %reduce_sum3A_660 = arith.constant dense<0> : vector<256xi32>
    %reduce_sum3A_661 = vector.multi_reduction <add>, %select_n3A_659, %reduce_sum3A_660 [1] : vector<256x768xi32> to vector<256xi32>
    %broadcast_in_dim3A_662 = vector.shape_cast %reduce_sum3A_661 : vector<256xi32> to vector<256x1xi32>
    %swap3A_663 = arith.constant 0 : index
    %swap3A_664 = arith.constant 23 : index
    %swap3A_665 = vector.load %arg4[%swap3A_663, %swap3A_664] : memref<256x32xi32, #tpu.memory_space<vmem>>, vector<256x1xi32>
    tpu.vector_store %arg4[%swap3A_663, %swap3A_664], %broadcast_in_dim3A_662 {strides = array<i32>} : memref<256x32xi32, #tpu.memory_space<vmem>>, vector<256x1xi32>,
    %jit3A_666 = arith.constant 0xFF800000 : f32
    %broadcast_in_dim3A_667 = vector.broadcast %jit3A_666 : f32 to vector<256x768xf32>
    %select_n3A_668 = arith.select %eq3A_653, %broadcast_in_dim3A_667, %select_n3A_640 : vector<256x768xi1>, vector<256x768xf32>
    %reduce_max3A_669 = arith.constant dense<0xFF800000> : vector<256xf32>
    %reduce_max3A_670 = vector.multi_reduction <maximumf>, %select_n3A_668, %reduce_max3A_669 [1] : vector<256x768xf32> to vector<256xf32>
    %broadcast_in_dim3A_671 = vector.shape_cast %reduce_max3A_670 : vector<256xf32> to vector<256x1xf32>
    %eq3A_672 = vector.broadcast %broadcast_in_dim3A_671 : vector<256x1xf32> to vector<256x768xf32>
    %eq3A_673 = arith.cmpf oeq, %select_n3A_668, %eq3A_672 : vector<256x768xf32>
    %jit3A_674 = arith.constant 768 : i32
    %broadcast_in_dim3A_675 = vector.broadcast %jit3A_674 : i32 to vector<256x768xi32>
    %select_n3A_676 = arith.select %eq3A_673, %iota3A, %broadcast_in_dim3A_675 : vector<256x768xi1>, vector<256x768xi32>
    %reduce_min3A_677 = arith.constant dense<2147483647> : vector<256xi32>
    %reduce_min3A_678 = vector.multi_reduction <minsi>, %select_n3A_676, %reduce_min3A_677 [1] : vector<256x768xi32> to vector<256xi32>
    %broadcast_in_dim3A_679 = vector.shape_cast %reduce_min3A_678 : vector<256xi32> to vector<256x1xi32>
    %eq3A_680 = vector.broadcast %broadcast_in_dim3A_679 : vector<256x1xi32> to vector<256x768xi32>
    %eq3A_681 = arith.cmpi eq, %iota3A, %eq3A_680 : vector<256x768xi32>
    %swap3A_682 = arith.constant 0 : index
    %swap3A_683 = arith.constant 24 : index
    %swap3A_684 = vector.load %arg3[%swap3A_682, %swap3A_683] : memref<256x32xf32, #tpu.memory_space<vmem>>, vector<256x1xf32>
    tpu.vector_store %arg3[%swap3A_682, %swap3A_683], %broadcast_in_dim3A_671 {strides = array<i32>} : memref<256x32xf32, #tpu.memory_space<vmem>>, vector<256x1xf32>,
    %jit3A_685 = arith.constant 0 : i32
    %broadcast_in_dim3A_686 = vector.broadcast %jit3A_685 : i32 to vector<256x768xi32>
    %select_n3A_687 = arith.select %eq3A_681, %get3A_4, %broadcast_in_dim3A_686 : vector<256x768xi1>, vector<256x768xi32>
    %reduce_sum3A_688 = arith.constant dense<0> : vector<256xi32>
    %reduce_sum3A_689 = vector.multi_reduction <add>, %select_n3A_687, %reduce_sum3A_688 [1] : vector<256x768xi32> to vector<256xi32>
    %broadcast_in_dim3A_690 = vector.shape_cast %reduce_sum3A_689 : vector<256xi32> to vector<256x1xi32>
    %swap3A_691 = arith.constant 0 : index
    %swap3A_692 = arith.constant 24 : index
    %swap3A_693 = vector.load %arg4[%swap3A_691, %swap3A_692] : memref<256x32xi32, #tpu.memory_space<vmem>>, vector<256x1xi32>
    tpu.vector_store %arg4[%swap3A_691, %swap3A_692], %broadcast_in_dim3A_690 {strides = array<i32>} : memref<256x32xi32, #tpu.memory_space<vmem>>, vector<256x1xi32>,
    %jit3A_694 = arith.constant 0xFF800000 : f32
    %broadcast_in_dim3A_695 = vector.broadcast %jit3A_694 : f32 to vector<256x768xf32>
    %select_n3A_696 = arith.select %eq3A_681, %broadcast_in_dim3A_695, %select_n3A_668 : vector<256x768xi1>, vector<256x768xf32>
    %reduce_max3A_697 = arith.constant dense<0xFF800000> : vector<256xf32>
    %reduce_max3A_698 = vector.multi_reduction <maximumf>, %select_n3A_696, %reduce_max3A_697 [1] : vector<256x768xf32> to vector<256xf32>
    %broadcast_in_dim3A_699 = vector.shape_cast %reduce_max3A_698 : vector<256xf32> to vector<256x1xf32>
    %eq3A_700 = vector.broadcast %broadcast_in_dim3A_699 : vector<256x1xf32> to vector<256x768xf32>
    %eq3A_701 = arith.cmpf oeq, %select_n3A_696, %eq3A_700 : vector<256x768xf32>
    %jit3A_702 = arith.constant 768 : i32
    %broadcast_in_dim3A_703 = vector.broadcast %jit3A_702 : i32 to vector<256x768xi32>
    %select_n3A_704 = arith.select %eq3A_701, %iota3A, %broadcast_in_dim3A_703 : vector<256x768xi1>, vector<256x768xi32>
    %reduce_min3A_705 = arith.constant dense<2147483647> : vector<256xi32>
    %reduce_min3A_706 = vector.multi_reduction <minsi>, %select_n3A_704, %reduce_min3A_705 [1] : vector<256x768xi32> to vector<256xi32>
    %broadcast_in_dim3A_707 = vector.shape_cast %reduce_min3A_706 : vector<256xi32> to vector<256x1xi32>
    %eq3A_708 = vector.broadcast %broadcast_in_dim3A_707 : vector<256x1xi32> to vector<256x768xi32>
    %eq3A_709 = arith.cmpi eq, %iota3A, %eq3A_708 : vector<256x768xi32>
    %swap3A_710 = arith.constant 0 : index
    %swap3A_711 = arith.constant 25 : index
    %swap3A_712 = vector.load %arg3[%swap3A_710, %swap3A_711] : memref<256x32xf32, #tpu.memory_space<vmem>>, vector<256x1xf32>
    tpu.vector_store %arg3[%swap3A_710, %swap3A_711], %broadcast_in_dim3A_699 {strides = array<i32>} : memref<256x32xf32, #tpu.memory_space<vmem>>, vector<256x1xf32>,
    %jit3A_713 = arith.constant 0 : i32
    %broadcast_in_dim3A_714 = vector.broadcast %jit3A_713 : i32 to vector<256x768xi32>
    %select_n3A_715 = arith.select %eq3A_709, %get3A_4, %broadcast_in_dim3A_714 : vector<256x768xi1>, vector<256x768xi32>
    %reduce_sum3A_716 = arith.constant dense<0> : vector<256xi32>
    %reduce_sum3A_717 = vector.multi_reduction <add>, %select_n3A_715, %reduce_sum3A_716 [1] : vector<256x768xi32> to vector<256xi32>
    %broadcast_in_dim3A_718 = vector.shape_cast %reduce_sum3A_717 : vector<256xi32> to vector<256x1xi32>
    %swap3A_719 = arith.constant 0 : index
    %swap3A_720 = arith.constant 25 : index
    %swap3A_721 = vector.load %arg4[%swap3A_719, %swap3A_720] : memref<256x32xi32, #tpu.memory_space<vmem>>, vector<256x1xi32>
    tpu.vector_store %arg4[%swap3A_719, %swap3A_720], %broadcast_in_dim3A_718 {strides = array<i32>} : memref<256x32xi32, #tpu.memory_space<vmem>>, vector<256x1xi32>,
    %jit3A_722 = arith.constant 0xFF800000 : f32
    %broadcast_in_dim3A_723 = vector.broadcast %jit3A_722 : f32 to vector<256x768xf32>
    %select_n3A_724 = arith.select %eq3A_709, %broadcast_in_dim3A_723, %select_n3A_696 : vector<256x768xi1>, vector<256x768xf32>
    %reduce_max3A_725 = arith.constant dense<0xFF800000> : vector<256xf32>
    %reduce_max3A_726 = vector.multi_reduction <maximumf>, %select_n3A_724, %reduce_max3A_725 [1] : vector<256x768xf32> to vector<256xf32>
    %broadcast_in_dim3A_727 = vector.shape_cast %reduce_max3A_726 : vector<256xf32> to vector<256x1xf32>
    %eq3A_728 = vector.broadcast %broadcast_in_dim3A_727 : vector<256x1xf32> to vector<256x768xf32>
    %eq3A_729 = arith.cmpf oeq, %select_n3A_724, %eq3A_728 : vector<256x768xf32>
    %jit3A_730 = arith.constant 768 : i32
    %broadcast_in_dim3A_731 = vector.broadcast %jit3A_730 : i32 to vector<256x768xi32>
    %select_n3A_732 = arith.select %eq3A_729, %iota3A, %broadcast_in_dim3A_731 : vector<256x768xi1>, vector<256x768xi32>
    %reduce_min3A_733 = arith.constant dense<2147483647> : vector<256xi32>
    %reduce_min3A_734 = vector.multi_reduction <minsi>, %select_n3A_732, %reduce_min3A_733 [1] : vector<256x768xi32> to vector<256xi32>
    %broadcast_in_dim3A_735 = vector.shape_cast %reduce_min3A_734 : vector<256xi32> to vector<256x1xi32>
    %eq3A_736 = vector.broadcast %broadcast_in_dim3A_735 : vector<256x1xi32> to vector<256x768xi32>
    %eq3A_737 = arith.cmpi eq, %iota3A, %eq3A_736 : vector<256x768xi32>
    %swap3A_738 = arith.constant 0 : index
    %swap3A_739 = arith.constant 26 : index
    %swap3A_740 = vector.load %arg3[%swap3A_738, %swap3A_739] : memref<256x32xf32, #tpu.memory_space<vmem>>, vector<256x1xf32>
    tpu.vector_store %arg3[%swap3A_738, %swap3A_739], %broadcast_in_dim3A_727 {strides = array<i32>} : memref<256x32xf32, #tpu.memory_space<vmem>>, vector<256x1xf32>,
    %jit3A_741 = arith.constant 0 : i32
    %broadcast_in_dim3A_742 = vector.broadcast %jit3A_741 : i32 to vector<256x768xi32>
    %select_n3A_743 = arith.select %eq3A_737, %get3A_4, %broadcast_in_dim3A_742 : vector<256x768xi1>, vector<256x768xi32>
    %reduce_sum3A_744 = arith.constant dense<0> : vector<256xi32>
    %reduce_sum3A_745 = vector.multi_reduction <add>, %select_n3A_743, %reduce_sum3A_744 [1] : vector<256x768xi32> to vector<256xi32>
    %broadcast_in_dim3A_746 = vector.shape_cast %reduce_sum3A_745 : vector<256xi32> to vector<256x1xi32>
    %swap3A_747 = arith.constant 0 : index
    %swap3A_748 = arith.constant 26 : index
    %swap3A_749 = vector.load %arg4[%swap3A_747, %swap3A_748] : memref<256x32xi32, #tpu.memory_space<vmem>>, vector<256x1xi32>
    tpu.vector_store %arg4[%swap3A_747, %swap3A_748], %broadcast_in_dim3A_746 {strides = array<i32>} : memref<256x32xi32, #tpu.memory_space<vmem>>, vector<256x1xi32>,
    %jit3A_750 = arith.constant 0xFF800000 : f32
    %broadcast_in_dim3A_751 = vector.broadcast %jit3A_750 : f32 to vector<256x768xf32>
    %select_n3A_752 = arith.select %eq3A_737, %broadcast_in_dim3A_751, %select_n3A_724 : vector<256x768xi1>, vector<256x768xf32>
    %reduce_max3A_753 = arith.constant dense<0xFF800000> : vector<256xf32>
    %reduce_max3A_754 = vector.multi_reduction <maximumf>, %select_n3A_752, %reduce_max3A_753 [1] : vector<256x768xf32> to vector<256xf32>
    %broadcast_in_dim3A_755 = vector.shape_cast %reduce_max3A_754 : vector<256xf32> to vector<256x1xf32>
    %eq3A_756 = vector.broadcast %broadcast_in_dim3A_755 : vector<256x1xf32> to vector<256x768xf32>
    %eq3A_757 = arith.cmpf oeq, %select_n3A_752, %eq3A_756 : vector<256x768xf32>
    %jit3A_758 = arith.constant 768 : i32
    %broadcast_in_dim3A_759 = vector.broadcast %jit3A_758 : i32 to vector<256x768xi32>
    %select_n3A_760 = arith.select %eq3A_757, %iota3A, %broadcast_in_dim3A_759 : vector<256x768xi1>, vector<256x768xi32>
    %reduce_min3A_761 = arith.constant dense<2147483647> : vector<256xi32>
    %reduce_min3A_762 = vector.multi_reduction <minsi>, %select_n3A_760, %reduce_min3A_761 [1] : vector<256x768xi32> to vector<256xi32>
    %broadcast_in_dim3A_763 = vector.shape_cast %reduce_min3A_762 : vector<256xi32> to vector<256x1xi32>
    %eq3A_764 = vector.broadcast %broadcast_in_dim3A_763 : vector<256x1xi32> to vector<256x768xi32>
    %eq3A_765 = arith.cmpi eq, %iota3A, %eq3A_764 : vector<256x768xi32>
    %swap3A_766 = arith.constant 0 : index
    %swap3A_767 = arith.constant 27 : index
    %swap3A_768 = vector.load %arg3[%swap3A_766, %swap3A_767] : memref<256x32xf32, #tpu.memory_space<vmem>>, vector<256x1xf32>
    tpu.vector_store %arg3[%swap3A_766, %swap3A_767], %broadcast_in_dim3A_755 {strides = array<i32>} : memref<256x32xf32, #tpu.memory_space<vmem>>, vector<256x1xf32>,
    %jit3A_769 = arith.constant 0 : i32
    %broadcast_in_dim3A_770 = vector.broadcast %jit3A_769 : i32 to vector<256x768xi32>
    %select_n3A_771 = arith.select %eq3A_765, %get3A_4, %broadcast_in_dim3A_770 : vector<256x768xi1>, vector<256x768xi32>
    %reduce_sum3A_772 = arith.constant dense<0> : vector<256xi32>
    %reduce_sum3A_773 = vector.multi_reduction <add>, %select_n3A_771, %reduce_sum3A_772 [1] : vector<256x768xi32> to vector<256xi32>
    %broadcast_in_dim3A_774 = vector.shape_cast %reduce_sum3A_773 : vector<256xi32> to vector<256x1xi32>
    %swap3A_775 = arith.constant 0 : index
    %swap3A_776 = arith.constant 27 : index
    %swap3A_777 = vector.load %arg4[%swap3A_775, %swap3A_776] : memref<256x32xi32, #tpu.memory_space<vmem>>, vector<256x1xi32>
    tpu.vector_store %arg4[%swap3A_775, %swap3A_776], %broadcast_in_dim3A_774 {strides = array<i32>} : memref<256x32xi32, #tpu.memory_space<vmem>>, vector<256x1xi32>,
    %jit3A_778 = arith.constant 0xFF800000 : f32
    %broadcast_in_dim3A_779 = vector.broadcast %jit3A_778 : f32 to vector<256x768xf32>
    %select_n3A_780 = arith.select %eq3A_765, %broadcast_in_dim3A_779, %select_n3A_752 : vector<256x768xi1>, vector<256x768xf32>
    %reduce_max3A_781 = arith.constant dense<0xFF800000> : vector<256xf32>
    %reduce_max3A_782 = vector.multi_reduction <maximumf>, %select_n3A_780, %reduce_max3A_781 [1] : vector<256x768xf32> to vector<256xf32>
    %broadcast_in_dim3A_783 = vector.shape_cast %reduce_max3A_782 : vector<256xf32> to vector<256x1xf32>
    %eq3A_784 = vector.broadcast %broadcast_in_dim3A_783 : vector<256x1xf32> to vector<256x768xf32>
    %eq3A_785 = arith.cmpf oeq, %select_n3A_780, %eq3A_784 : vector<256x768xf32>
    %jit3A_786 = arith.constant 768 : i32
    %broadcast_in_dim3A_787 = vector.broadcast %jit3A_786 : i32 to vector<256x768xi32>
    %select_n3A_788 = arith.select %eq3A_785, %iota3A, %broadcast_in_dim3A_787 : vector<256x768xi1>, vector<256x768xi32>
    %reduce_min3A_789 = arith.constant dense<2147483647> : vector<256xi32>
    %reduce_min3A_790 = vector.multi_reduction <minsi>, %select_n3A_788, %reduce_min3A_789 [1] : vector<256x768xi32> to vector<256xi32>
    %broadcast_in_dim3A_791 = vector.shape_cast %reduce_min3A_790 : vector<256xi32> to vector<256x1xi32>
    %eq3A_792 = vector.broadcast %broadcast_in_dim3A_791 : vector<256x1xi32> to vector<256x768xi32>
    %eq3A_793 = arith.cmpi eq, %iota3A, %eq3A_792 : vector<256x768xi32>
    %swap3A_794 = arith.constant 0 : index
    %swap3A_795 = arith.constant 28 : index
    %swap3A_796 = vector.load %arg3[%swap3A_794, %swap3A_795] : memref<256x32xf32, #tpu.memory_space<vmem>>, vector<256x1xf32>
    tpu.vector_store %arg3[%swap3A_794, %swap3A_795], %broadcast_in_dim3A_783 {strides = array<i32>} : memref<256x32xf32, #tpu.memory_space<vmem>>, vector<256x1xf32>,
    %jit3A_797 = arith.constant 0 : i32
    %broadcast_in_dim3A_798 = vector.broadcast %jit3A_797 : i32 to vector<256x768xi32>
    %select_n3A_799 = arith.select %eq3A_793, %get3A_4, %broadcast_in_dim3A_798 : vector<256x768xi1>, vector<256x768xi32>
    %reduce_sum3A_800 = arith.constant dense<0> : vector<256xi32>
    %reduce_sum3A_801 = vector.multi_reduction <add>, %select_n3A_799, %reduce_sum3A_800 [1] : vector<256x768xi32> to vector<256xi32>
    %broadcast_in_dim3A_802 = vector.shape_cast %reduce_sum3A_801 : vector<256xi32> to vector<256x1xi32>
    %swap3A_803 = arith.constant 0 : index
    %swap3A_804 = arith.constant 28 : index
    %swap3A_805 = vector.load %arg4[%swap3A_803, %swap3A_804] : memref<256x32xi32, #tpu.memory_space<vmem>>, vector<256x1xi32>
    tpu.vector_store %arg4[%swap3A_803, %swap3A_804], %broadcast_in_dim3A_802 {strides = array<i32>} : memref<256x32xi32, #tpu.memory_space<vmem>>, vector<256x1xi32>,
    %jit3A_806 = arith.constant 0xFF800000 : f32
    %broadcast_in_dim3A_807 = vector.broadcast %jit3A_806 : f32 to vector<256x768xf32>
    %select_n3A_808 = arith.select %eq3A_793, %broadcast_in_dim3A_807, %select_n3A_780 : vector<256x768xi1>, vector<256x768xf32>
    %reduce_max3A_809 = arith.constant dense<0xFF800000> : vector<256xf32>
    %reduce_max3A_810 = vector.multi_reduction <maximumf>, %select_n3A_808, %reduce_max3A_809 [1] : vector<256x768xf32> to vector<256xf32>
    %broadcast_in_dim3A_811 = vector.shape_cast %reduce_max3A_810 : vector<256xf32> to vector<256x1xf32>
    %eq3A_812 = vector.broadcast %broadcast_in_dim3A_811 : vector<256x1xf32> to vector<256x768xf32>
    %eq3A_813 = arith.cmpf oeq, %select_n3A_808, %eq3A_812 : vector<256x768xf32>
    %jit3A_814 = arith.constant 768 : i32
    %broadcast_in_dim3A_815 = vector.broadcast %jit3A_814 : i32 to vector<256x768xi32>
    %select_n3A_816 = arith.select %eq3A_813, %iota3A, %broadcast_in_dim3A_815 : vector<256x768xi1>, vector<256x768xi32>
    %reduce_min3A_817 = arith.constant dense<2147483647> : vector<256xi32>
    %reduce_min3A_818 = vector.multi_reduction <minsi>, %select_n3A_816, %reduce_min3A_817 [1] : vector<256x768xi32> to vector<256xi32>
    %broadcast_in_dim3A_819 = vector.shape_cast %reduce_min3A_818 : vector<256xi32> to vector<256x1xi32>
    %eq3A_820 = vector.broadcast %broadcast_in_dim3A_819 : vector<256x1xi32> to vector<256x768xi32>
    %eq3A_821 = arith.cmpi eq, %iota3A, %eq3A_820 : vector<256x768xi32>
    %swap3A_822 = arith.constant 0 : index
    %swap3A_823 = arith.constant 29 : index
    %swap3A_824 = vector.load %arg3[%swap3A_822, %swap3A_823] : memref<256x32xf32, #tpu.memory_space<vmem>>, vector<256x1xf32>
    tpu.vector_store %arg3[%swap3A_822, %swap3A_823], %broadcast_in_dim3A_811 {strides = array<i32>} : memref<256x32xf32, #tpu.memory_space<vmem>>, vector<256x1xf32>,
    %jit3A_825 = arith.constant 0 : i32
    %broadcast_in_dim3A_826 = vector.broadcast %jit3A_825 : i32 to vector<256x768xi32>
    %select_n3A_827 = arith.select %eq3A_821, %get3A_4, %broadcast_in_dim3A_826 : vector<256x768xi1>, vector<256x768xi32>
    %reduce_sum3A_828 = arith.constant dense<0> : vector<256xi32>
    %reduce_sum3A_829 = vector.multi_reduction <add>, %select_n3A_827, %reduce_sum3A_828 [1] : vector<256x768xi32> to vector<256xi32>
    %broadcast_in_dim3A_830 = vector.shape_cast %reduce_sum3A_829 : vector<256xi32> to vector<256x1xi32>
    %swap3A_831 = arith.constant 0 : index
    %swap3A_832 = arith.constant 29 : index
    %swap3A_833 = vector.load %arg4[%swap3A_831, %swap3A_832] : memref<256x32xi32, #tpu.memory_space<vmem>>, vector<256x1xi32>
    tpu.vector_store %arg4[%swap3A_831, %swap3A_832], %broadcast_in_dim3A_830 {strides = array<i32>} : memref<256x32xi32, #tpu.memory_space<vmem>>, vector<256x1xi32>,
    %jit3A_834 = arith.constant 0xFF800000 : f32
    %broadcast_in_dim3A_835 = vector.broadcast %jit3A_834 : f32 to vector<256x768xf32>
    %select_n3A_836 = arith.select %eq3A_821, %broadcast_in_dim3A_835, %select_n3A_808 : vector<256x768xi1>, vector<256x768xf32>
    %reduce_max3A_837 = arith.constant dense<0xFF800000> : vector<256xf32>
    %reduce_max3A_838 = vector.multi_reduction <maximumf>, %select_n3A_836, %reduce_max3A_837 [1] : vector<256x768xf32> to vector<256xf32>
    %broadcast_in_dim3A_839 = vector.shape_cast %reduce_max3A_838 : vector<256xf32> to vector<256x1xf32>
    %eq3A_840 = vector.broadcast %broadcast_in_dim3A_839 : vector<256x1xf32> to vector<256x768xf32>
    %eq3A_841 = arith.cmpf oeq, %select_n3A_836, %eq3A_840 : vector<256x768xf32>
    %jit3A_842 = arith.constant 768 : i32
    %broadcast_in_dim3A_843 = vector.broadcast %jit3A_842 : i32 to vector<256x768xi32>
    %select_n3A_844 = arith.select %eq3A_841, %iota3A, %broadcast_in_dim3A_843 : vector<256x768xi1>, vector<256x768xi32>
    %reduce_min3A_845 = arith.constant dense<2147483647> : vector<256xi32>
    %reduce_min3A_846 = vector.multi_reduction <minsi>, %select_n3A_844, %reduce_min3A_845 [1] : vector<256x768xi32> to vector<256xi32>
    %broadcast_in_dim3A_847 = vector.shape_cast %reduce_min3A_846 : vector<256xi32> to vector<256x1xi32>
    %eq3A_848 = vector.broadcast %broadcast_in_dim3A_847 : vector<256x1xi32> to vector<256x768xi32>
    %eq3A_849 = arith.cmpi eq, %iota3A, %eq3A_848 : vector<256x768xi32>
    %swap3A_850 = arith.constant 0 : index
    %swap3A_851 = arith.constant 30 : index
    %swap3A_852 = vector.load %arg3[%swap3A_850, %swap3A_851] : memref<256x32xf32, #tpu.memory_space<vmem>>, vector<256x1xf32>
    tpu.vector_store %arg3[%swap3A_850, %swap3A_851], %broadcast_in_dim3A_839 {strides = array<i32>} : memref<256x32xf32, #tpu.memory_space<vmem>>, vector<256x1xf32>,
    %jit3A_853 = arith.constant 0 : i32
    %broadcast_in_dim3A_854 = vector.broadcast %jit3A_853 : i32 to vector<256x768xi32>
    %select_n3A_855 = arith.select %eq3A_849, %get3A_4, %broadcast_in_dim3A_854 : vector<256x768xi1>, vector<256x768xi32>
    %reduce_sum3A_856 = arith.constant dense<0> : vector<256xi32>
    %reduce_sum3A_857 = vector.multi_reduction <add>, %select_n3A_855, %reduce_sum3A_856 [1] : vector<256x768xi32> to vector<256xi32>
    %broadcast_in_dim3A_858 = vector.shape_cast %reduce_sum3A_857 : vector<256xi32> to vector<256x1xi32>
    %swap3A_859 = arith.constant 0 : index
    %swap3A_860 = arith.constant 30 : index
    %swap3A_861 = vector.load %arg4[%swap3A_859, %swap3A_860] : memref<256x32xi32, #tpu.memory_space<vmem>>, vector<256x1xi32>
    tpu.vector_store %arg4[%swap3A_859, %swap3A_860], %broadcast_in_dim3A_858 {strides = array<i32>} : memref<256x32xi32, #tpu.memory_space<vmem>>, vector<256x1xi32>,
    %jit3A_862 = arith.constant 0xFF800000 : f32
    %broadcast_in_dim3A_863 = vector.broadcast %jit3A_862 : f32 to vector<256x768xf32>
    %select_n3A_864 = arith.select %eq3A_849, %broadcast_in_dim3A_863, %select_n3A_836 : vector<256x768xi1>, vector<256x768xf32>
    %reduce_max3A_865 = arith.constant dense<0xFF800000> : vector<256xf32>
    %reduce_max3A_866 = vector.multi_reduction <maximumf>, %select_n3A_864, %reduce_max3A_865 [1] : vector<256x768xf32> to vector<256xf32>
    %broadcast_in_dim3A_867 = vector.shape_cast %reduce_max3A_866 : vector<256xf32> to vector<256x1xf32>
    %eq3A_868 = vector.broadcast %broadcast_in_dim3A_867 : vector<256x1xf32> to vector<256x768xf32>
    %eq3A_869 = arith.cmpf oeq, %select_n3A_864, %eq3A_868 : vector<256x768xf32>
    %jit3A_870 = arith.constant 768 : i32
    %broadcast_in_dim3A_871 = vector.broadcast %jit3A_870 : i32 to vector<256x768xi32>
    %select_n3A_872 = arith.select %eq3A_869, %iota3A, %broadcast_in_dim3A_871 : vector<256x768xi1>, vector<256x768xi32>
    %reduce_min3A_873 = arith.constant dense<2147483647> : vector<256xi32>
    %reduce_min3A_874 = vector.multi_reduction <minsi>, %select_n3A_872, %reduce_min3A_873 [1] : vector<256x768xi32> to vector<256xi32>
    %broadcast_in_dim3A_875 = vector.shape_cast %reduce_min3A_874 : vector<256xi32> to vector<256x1xi32>
    %eq3A_876 = vector.broadcast %broadcast_in_dim3A_875 : vector<256x1xi32> to vector<256x768xi32>
    %eq3A_877 = arith.cmpi eq, %iota3A, %eq3A_876 : vector<256x768xi32>
    %swap3A_878 = arith.constant 0 : index
    %swap3A_879 = arith.constant 31 : index
    %swap3A_880 = vector.load %arg3[%swap3A_878, %swap3A_879] : memref<256x32xf32, #tpu.memory_space<vmem>>, vector<256x1xf32>
    tpu.vector_store %arg3[%swap3A_878, %swap3A_879], %broadcast_in_dim3A_867 {strides = array<i32>} : memref<256x32xf32, #tpu.memory_space<vmem>>, vector<256x1xf32>,
    %jit3A_881 = arith.constant 0 : i32
    %broadcast_in_dim3A_882 = vector.broadcast %jit3A_881 : i32 to vector<256x768xi32>
    %select_n3A_883 = arith.select %eq3A_877, %get3A_4, %broadcast_in_dim3A_882 : vector<256x768xi1>, vector<256x768xi32>
    %reduce_sum3A_884 = arith.constant dense<0> : vector<256xi32>
    %reduce_sum3A_885 = vector.multi_reduction <add>, %select_n3A_883, %reduce_sum3A_884 [1] : vector<256x768xi32> to vector<256xi32>
    %broadcast_in_dim3A_886 = vector.shape_cast %reduce_sum3A_885 : vector<256xi32> to vector<256x1xi32>
    %swap3A_887 = arith.constant 0 : index
    %swap3A_888 = arith.constant 31 : index
    %swap3A_889 = vector.load %arg4[%swap3A_887, %swap3A_888] : memref<256x32xi32, #tpu.memory_space<vmem>>, vector<256x1xi32>
    tpu.vector_store %arg4[%swap3A_887, %swap3A_888], %broadcast_in_dim3A_886 {strides = array<i32>} : memref<256x32xi32, #tpu.memory_space<vmem>>, vector<256x1xi32>,
    return
  }
  func.func @transform_0(%arg0: i32) -> (i32, i32) {
    %c0_i32 = arith.constant 0 : i32
    %c0_i32_0 = arith.constant 0 : i32
    return %arg0, %c0_i32 : i32, i32
  }
  func.func @transform_1(%arg0: i32) -> (i32, i32) {
    %c0_i32 = arith.constant 0 : i32
    %c0_i32_0 = arith.constant 0 : i32
    return %arg0, %c0_i32 : i32, i32
  }
  func.func @transform_2(%arg0: i32) -> (i32, i32) {
    %c0_i32 = arith.constant 0 : i32
    %c0_i32_0 = arith.constant 0 : i32
    return %arg0, %c0_i32 : i32, i32
  }
  func.func @transform_3(%arg0: i32) -> (i32, i32) {
    %c0_i32 = arith.constant 0 : i32
    %c0_i32_0 = arith.constant 0 : i32
    return %arg0, %c0_i32 : i32, i32
  }
}

module attributes {stable_mosaic.version = 14 : i64} {
  func.func @_stats_body(%arg0: i32, %arg1: memref<256x768xf32, #tpu.memory_space<vmem>>, %arg2: memref<256x768xf32, #tpu.memory_space<vmem>>, %arg3: memref<1x768xf32, #tpu.memory_space<vmem>>, %arg4: memref<256x768xf32, #tpu.memory_space<vmem>>, %arg5: memref<256xf32, #tpu.memory_space<vmem>>, %arg6: memref<1x1xf32, #tpu.memory_space<vmem>>, %arg7: memref<1x1xf32, #tpu.memory_space<vmem>>, %arg8: memref<6x768xf32, #tpu.memory_space<vmem>>) attributes {dimension_semantics = [#tpu.dimension_semantics<arbitrary>], iteration_bounds = array<i64: 8>, scalar_prefetch = 0 : i64, scratch_operands = 1 : i64, tpu.core_type = #tpu.core_type<tc>, window_params = [{transform_indices = @transform_0, window_bounds = array<i64: 256, 768>}, {transform_indices = @transform_1, window_bounds = array<i64: 256, 768>}, {pipeline_mode = #tpu.pipeline_mode<synchronous>, transform_indices = @transform_2, window_bounds = array<i64: 1, 768>}, {transform_indices = @transform_3, window_bounds = array<i64: 256, 768>}, {transform_indices = @transform_4, window_bounds = array<i64: 256>}, {pipeline_mode = #tpu.pipeline_mode<synchronous>, transform_indices = @transform_5, window_bounds = array<i64: 1, 1>}, {pipeline_mode = #tpu.pipeline_mode<synchronous>, transform_indices = @transform_6, window_bounds = array<i64: 1, 1>}]} {
    %get3A = arith.constant 0 : index
    %get3A_0 = arith.constant 0 : index
    %get3A_1 = vector.load %arg1[%get3A, %get3A_0] : memref<256x768xf32, #tpu.memory_space<vmem>>, vector<256x768xf32>
    %get3A_2 = arith.constant 0 : index
    %get3A_3 = arith.constant 0 : index
    %get3A_4 = vector.load %arg2[%get3A_2, %get3A_3] : memref<256x768xf32, #tpu.memory_space<vmem>>, vector<256x768xf32>
    %get3A_5 = arith.constant 0 : index
    %get3A_6 = arith.constant 0 : index
    %get3A_7 = vector.load %arg3[%get3A_5, %get3A_6] : memref<1x768xf32, #tpu.memory_space<vmem>>, vector<1x768xf32>
    %add3A = vector.broadcast %get3A_7 : vector<1x768xf32> to vector<256x768xf32>
    %add3A_8 = arith.addf %get3A_4, %add3A : vector<256x768xf32>
    %div3A = arith.constant 27.7128124 : f32
    %div3A_9 = vector.broadcast %div3A : f32 to vector<256x768xf32>
    %div3A_10 = arith.divf %add3A_8, %div3A_9 : vector<256x768xf32>
    %swap3A = arith.constant 0 : index
    %swap3A_11 = arith.constant 0 : index
    %swap3A_12 = vector.load %arg4[%swap3A, %swap3A_11] : memref<256x768xf32, #tpu.memory_space<vmem>>, vector<256x768xf32>
    tpu.vector_store %arg4[%swap3A, %swap3A_11], %div3A_10 {strides = array<i32>} : memref<256x768xf32, #tpu.memory_space<vmem>>, vector<256x768xf32>,
    %sub3A = arith.subf %get3A_1, %add3A_8 : vector<256x768xf32>
    %square3A = arith.mulf %sub3A, %sub3A : vector<256x768xf32>
    %reduce_sum3A = arith.constant dense<0.000000e+00> : vector<256xf32>
    %reduce_sum3A_13 = vector.multi_reduction <add>, %square3A, %reduce_sum3A [1] : vector<256x768xf32> to vector<256xf32>
    %div3A_14 = arith.constant 7.680000e+02 : f32
    %div3A_15 = vector.broadcast %div3A_14 : f32 to vector<256xf32>
    %div3A_16 = arith.divf %reduce_sum3A_13, %div3A_15 : vector<256xf32>
    %swap3A_17 = arith.constant 0 : index
    %swap3A_18 = vector.load %arg5[%swap3A_17] : memref<256xf32, #tpu.memory_space<vmem>>, vector<256xf32>
    tpu.vector_store %arg5[%swap3A_17], %div3A_16 {strides = array<i32>} : memref<256xf32, #tpu.memory_space<vmem>>, vector<256xf32>,
    %reduce_sum3A_19 = arith.constant dense<0.000000e+00> : vector<768xf32>
    %reduce_sum3A_20 = vector.multi_reduction <add>, %get3A_1, %reduce_sum3A_19 [0] : vector<256x768xf32> to vector<768xf32>
    %broadcast_in_dim3A = vector.shape_cast %reduce_sum3A_20 : vector<768xf32> to vector<1x768xf32>
    %reduce_sum3A_21 = arith.constant dense<0.000000e+00> : vector<768xf32>
    %reduce_sum3A_22 = vector.multi_reduction <add>, %add3A_8, %reduce_sum3A_21 [0] : vector<256x768xf32> to vector<768xf32>
    %broadcast_in_dim3A_23 = vector.shape_cast %reduce_sum3A_22 : vector<768xf32> to vector<1x768xf32>
    %mul3A = arith.mulf %get3A_1, %add3A_8 : vector<256x768xf32>
    %reduce_sum3A_24 = arith.constant dense<0.000000e+00> : vector<768xf32>
    %reduce_sum3A_25 = vector.multi_reduction <add>, %mul3A, %reduce_sum3A_24 [0] : vector<256x768xf32> to vector<768xf32>
    %broadcast_in_dim3A_26 = vector.shape_cast %reduce_sum3A_25 : vector<768xf32> to vector<1x768xf32>
    %square3A_27 = arith.mulf %get3A_1, %get3A_1 : vector<256x768xf32>
    %reduce_sum3A_28 = arith.constant dense<0.000000e+00> : vector<768xf32>
    %reduce_sum3A_29 = vector.multi_reduction <add>, %square3A_27, %reduce_sum3A_28 [0] : vector<256x768xf32> to vector<768xf32>
    %broadcast_in_dim3A_30 = vector.shape_cast %reduce_sum3A_29 : vector<768xf32> to vector<1x768xf32>
    %square3A_31 = arith.mulf %add3A_8, %add3A_8 : vector<256x768xf32>
    %reduce_sum3A_32 = arith.constant dense<0.000000e+00> : vector<768xf32>
    %reduce_sum3A_33 = vector.multi_reduction <add>, %square3A_31, %reduce_sum3A_32 [0] : vector<256x768xf32> to vector<768xf32>
    %broadcast_in_dim3A_34 = vector.shape_cast %reduce_sum3A_33 : vector<768xf32> to vector<1x768xf32>
    %reduce_sum3A_35 = arith.constant dense<0.000000e+00> : vector<768xf32>
    %reduce_sum3A_36 = vector.multi_reduction <add>, %square3A, %reduce_sum3A_35 [0] : vector<256x768xf32> to vector<768xf32>
    %broadcast_in_dim3A_37 = vector.shape_cast %reduce_sum3A_36 : vector<768xf32> to vector<1x768xf32>
    %concatenate3A = tpu.concatenate %broadcast_in_dim3A, %broadcast_in_dim3A_23, %broadcast_in_dim3A_26, %broadcast_in_dim3A_30, %broadcast_in_dim3A_34, %broadcast_in_dim3A_37 in 0 : vector<1x768xf32>, vector<1x768xf32>, vector<1x768xf32>, vector<1x768xf32>, vector<1x768xf32>, vector<1x768xf32> -> vector<6x768xf32>
    %eq3A = arith.constant 0 : i32
    %eq3A_38 = arith.cmpi eq, %arg0, %eq3A : i32
    %convert_element_type3A = arith.extui %eq3A_38 : i1 to i32
    %cond3A = arith.constant 0 : i32
    %cond3A_39 = arith.cmpi ne, %convert_element_type3A, %cond3A : i32
    scf.if %cond3A_39 {
      %swap3A_49 = arith.constant 0 : index
      %swap3A_50 = arith.constant 0 : index
      %swap3A_51 = vector.load %arg8[%swap3A_49, %swap3A_50] : memref<6x768xf32, #tpu.memory_space<vmem>>, vector<6x768xf32>
      tpu.vector_store %arg8[%swap3A_49, %swap3A_50], %concatenate3A {strides = array<i32>} : memref<6x768xf32, #tpu.memory_space<vmem>>, vector<6x768xf32>,
    } else {
    }
    %ne3A = arith.constant 0 : i32
    %ne3A_40 = arith.cmpi ne, %arg0, %ne3A : i32
    %convert_element_type3A_41 = arith.extui %ne3A_40 : i1 to i32
    %cond3A_42 = arith.constant 0 : i32
    %cond3A_43 = arith.cmpi ne, %convert_element_type3A_41, %cond3A_42 : i32
    scf.if %cond3A_43 {
      %get3A_49 = arith.constant 0 : index
      %get3A_50 = arith.constant 0 : index
      %get3A_51 = vector.load %arg8[%get3A_49, %get3A_50] : memref<6x768xf32, #tpu.memory_space<vmem>>, vector<6x768xf32>
      %add3A_52 = arith.addf %get3A_51, %concatenate3A : vector<6x768xf32>
      %swap3A_53 = arith.constant 0 : index
      %swap3A_54 = arith.constant 0 : index
      %swap3A_55 = vector.load %arg8[%swap3A_53, %swap3A_54] : memref<6x768xf32, #tpu.memory_space<vmem>>, vector<6x768xf32>
      tpu.vector_store %arg8[%swap3A_53, %swap3A_54], %add3A_52 {strides = array<i32>} : memref<6x768xf32, #tpu.memory_space<vmem>>, vector<6x768xf32>,
    } else {
    }
    %eq3A_44 = arith.constant 7 : i32
    %eq3A_45 = arith.cmpi eq, %arg0, %eq3A_44 : i32
    %convert_element_type3A_46 = arith.extui %eq3A_45 : i1 to i32
    %cond3A_47 = arith.constant 0 : i32
    %cond3A_48 = arith.cmpi ne, %convert_element_type3A_46, %cond3A_47 : i32
    scf.if %cond3A_48 {
      %get3A_49 = arith.constant 0 : index
      %get3A_50 = arith.constant 0 : index
      %get3A_51 = vector.load %arg8[%get3A_49, %get3A_50] : memref<6x768xf32, #tpu.memory_space<vmem>>, vector<6x768xf32>
      %slice3A = vector.extract_strided_slice %get3A_51 {offsets = [0, 0], sizes = [1, 768], strides = [1, 1]} : vector<6x768xf32> to vector<1x768xf32>
      %slice3A_52 = vector.extract_strided_slice %get3A_51 {offsets = [1, 0], sizes = [1, 768], strides = [1, 1]} : vector<6x768xf32> to vector<1x768xf32>
      %slice3A_53 = vector.extract_strided_slice %get3A_51 {offsets = [2, 0], sizes = [1, 768], strides = [1, 1]} : vector<6x768xf32> to vector<1x768xf32>
      %slice3A_54 = vector.extract_strided_slice %get3A_51 {offsets = [3, 0], sizes = [1, 768], strides = [1, 1]} : vector<6x768xf32> to vector<1x768xf32>
      %slice3A_55 = vector.extract_strided_slice %get3A_51 {offsets = [4, 0], sizes = [1, 768], strides = [1, 1]} : vector<6x768xf32> to vector<1x768xf32>
      %slice3A_56 = vector.extract_strided_slice %get3A_51 {offsets = [5, 0], sizes = [1, 768], strides = [1, 1]} : vector<6x768xf32> to vector<1x768xf32>
      %div3A_57 = arith.constant 2.048000e+03 : f32
      %div3A_58 = vector.broadcast %div3A_57 : f32 to vector<1x768xf32>
      %div3A_59 = arith.divf %slice3A_53, %div3A_58 : vector<1x768xf32>
      %div3A_60 = arith.constant 2.048000e+03 : f32
      %div3A_61 = vector.broadcast %div3A_60 : f32 to vector<1x768xf32>
      %div3A_62 = arith.divf %slice3A, %div3A_61 : vector<1x768xf32>
      %div3A_63 = arith.constant 2.048000e+03 : f32
      %div3A_64 = vector.broadcast %div3A_63 : f32 to vector<1x768xf32>
      %div3A_65 = arith.divf %slice3A_52, %div3A_64 : vector<1x768xf32>
      %mul3A_66 = arith.mulf %div3A_62, %div3A_65 : vector<1x768xf32>
      %sub3A_67 = arith.subf %div3A_59, %mul3A_66 : vector<1x768xf32>
      %div3A_68 = arith.constant 2.048000e+03 : f32
      %div3A_69 = vector.broadcast %div3A_68 : f32 to vector<1x768xf32>
      %div3A_70 = arith.divf %slice3A_54, %div3A_69 : vector<1x768xf32>
      %div3A_71 = arith.constant 2.048000e+03 : f32
      %div3A_72 = vector.broadcast %div3A_71 : f32 to vector<1x768xf32>
      %div3A_73 = arith.divf %slice3A, %div3A_72 : vector<1x768xf32>
      %square3A_74 = arith.mulf %div3A_73, %div3A_73 : vector<1x768xf32>
      %sub3A_75 = arith.subf %div3A_70, %square3A_74 : vector<1x768xf32>
      %div3A_76 = arith.constant 2.048000e+03 : f32
      %div3A_77 = vector.broadcast %div3A_76 : f32 to vector<1x768xf32>
      %div3A_78 = arith.divf %slice3A_55, %div3A_77 : vector<1x768xf32>
      %div3A_79 = arith.constant 2.048000e+03 : f32
      %div3A_80 = vector.broadcast %div3A_79 : f32 to vector<1x768xf32>
      %div3A_81 = arith.divf %slice3A_52, %div3A_80 : vector<1x768xf32>
      %square3A_82 = arith.mulf %div3A_81, %div3A_81 : vector<1x768xf32>
      %sub3A_83 = arith.subf %div3A_78, %square3A_82 : vector<1x768xf32>
      %square3A_84 = arith.mulf %sub3A_67, %sub3A_67 : vector<1x768xf32>
      %mul3A_85 = arith.mulf %sub3A_75, %sub3A_83 : vector<1x768xf32>
      %div3A_86 = arith.divf %square3A_84, %mul3A_85 : vector<1x768xf32>
      %reduce_sum3A_87 = arith.constant dense<0.000000e+00> : vector<1xf32>
      %reduce_sum3A_88 = vector.multi_reduction <add>, %slice3A_56, %reduce_sum3A_87 [1] : vector<1x768xf32> to vector<1xf32>
      %broadcast_in_dim3A_89 = vector.shape_cast %reduce_sum3A_88 : vector<1xf32> to vector<1x1xf32>
      %reduce_sum3A_90 = arith.constant dense<0.000000e+00> : vector<1xf32>
      %reduce_sum3A_91 = vector.multi_reduction <add>, %slice3A_54, %reduce_sum3A_90 [1] : vector<1x768xf32> to vector<1xf32>
      %broadcast_in_dim3A_92 = vector.shape_cast %reduce_sum3A_91 : vector<1xf32> to vector<1x1xf32>
      %div3A_93 = arith.divf %broadcast_in_dim3A_89, %broadcast_in_dim3A_92 : vector<1x1xf32>
      %swap3A_94 = arith.constant 0 : index
      %swap3A_95 = arith.constant 0 : index
      %swap3A_96 = vector.load %arg6[%swap3A_94, %swap3A_95] : memref<1x1xf32, #tpu.memory_space<vmem>>, vector<1x1xf32>
      tpu.vector_store %arg6[%swap3A_94, %swap3A_95], %div3A_93 {strides = array<i32>} : memref<1x1xf32, #tpu.memory_space<vmem>>, vector<1x1xf32>,
      %reduce_sum3A_97 = arith.constant dense<0.000000e+00> : vector<1xf32>
      %reduce_sum3A_98 = vector.multi_reduction <add>, %div3A_86, %reduce_sum3A_97 [1] : vector<1x768xf32> to vector<1xf32>
      %broadcast_in_dim3A_99 = vector.shape_cast %reduce_sum3A_98 : vector<1xf32> to vector<1x1xf32>
      %div3A_100 = arith.constant 7.680000e+02 : f32
      %div3A_101 = vector.broadcast %div3A_100 : f32 to vector<1x1xf32>
      %div3A_102 = arith.divf %broadcast_in_dim3A_99, %div3A_101 : vector<1x1xf32>
      %swap3A_103 = arith.constant 0 : index
      %swap3A_104 = arith.constant 0 : index
      %swap3A_105 = vector.load %arg7[%swap3A_103, %swap3A_104] : memref<1x1xf32, #tpu.memory_space<vmem>>, vector<1x1xf32>
      tpu.vector_store %arg7[%swap3A_103, %swap3A_104], %div3A_102 {strides = array<i32>} : memref<1x1xf32, #tpu.memory_space<vmem>>, vector<1x1xf32>,
    } else {
    }
    return
  }
  func.func @transform_0(%arg0: i32) -> (i32, i32) {
    %c0_i32 = arith.constant 0 : i32
    %c0_i32_0 = arith.constant 0 : i32
    return %arg0, %c0_i32 : i32, i32
  }
  func.func @transform_1(%arg0: i32) -> (i32, i32) {
    %c0_i32 = arith.constant 0 : i32
    %c0_i32_0 = arith.constant 0 : i32
    return %arg0, %c0_i32 : i32, i32
  }
  func.func @transform_2(%arg0: i32) -> (i32, i32) {
    %c0_i32 = arith.constant 0 : i32
    %c0_i32_0 = arith.constant 0 : i32
    %c0_i32_1 = arith.constant 0 : i32
    return %c0_i32, %c0_i32_0 : i32, i32
  }
  func.func @transform_3(%arg0: i32) -> (i32, i32) {
    %c0_i32 = arith.constant 0 : i32
    %c0_i32_0 = arith.constant 0 : i32
    return %arg0, %c0_i32 : i32, i32
  }
  func.func @transform_4(%arg0: i32) -> i32 {
    %c0_i32 = arith.constant 0 : i32
    return %arg0 : i32
  }
  func.func @transform_5(%arg0: i32) -> (i32, i32) {
    %c0_i32 = arith.constant 0 : i32
    %c0_i32_0 = arith.constant 0 : i32
    %c0_i32_1 = arith.constant 0 : i32
    return %c0_i32, %c0_i32_0 : i32, i32
  }
  func.func @transform_6(%arg0: i32) -> (i32, i32) {
    %c0_i32 = arith.constant 0 : i32
    %c0_i32_0 = arith.constant 0 : i32
    %c0_i32_1 = arith.constant 0 : i32
    return %c0_i32, %c0_i32_0 : i32, i32
  }
}

</mosaic_0001>

<sc_bundles>
// kernel: kernel.6.cloned.1.call-start
scs
__scs_entry_jumppad:
0x0: {  	(pc) =	sbr.rel $0x88, $3  }
0x1: {  	(tag) =	ssettag $0x0;
	lr =	simm.s32 $0x1  }
0x2: {  	[smem:$0x3F9C] =	sst lr;
	_ =	strace $0xD0000000  }
0x3: {  	_ = 	snop  }
0x4: {  	_ = 	snop  }
0x5: {  	_ = 	snop  }
0x6: {  	_ = 	snop  }
0x7: {  	_ = 	snop  }
__scs_overlays_trampoline_lowered:
0x8: {  	[smem:$0x3FAB] =	sst s0  }
0x9: {  	[smem:$0x3FAC] =	sst s1  }
0xa: {  	[smem:$0x3FAD] =	sst s2  }
0xb: {  	[smem:$0x3FAE] =	sst s3  }
0xc: {  	[smem:$0x3FAF] =	sst s4  }
0xd: {  	[smem:$0x3FB0] =	sst s5  }
0xe: {  	[smem:$0x3FB1] =	sst s6  }
0xf: {  	[smem:$0x3FB2] =	sst s7  }
0x10: {  	[smem:$0x3FB3] =	sst s8  }
0x11: {  	[smem:$0x3FB4] =	sst s9;
	s0 =	simm.s32 @!p0 $0x0  }
0x12: {  	s1 =	sld [smem:$0x3F9A];
	s0 =	simm.s32 @p0 $0x1  }
0x13: {  	[smem:$0x3FB5] =	sst s0;
	s0 =	simm.s32 @!p1 $0x0  }
0x14: {  	s2 =	sld [smem:$0x3F99];
	s0 =	simm.s32 @p1 $0x1  }
0x15: {  	[smem:$0x3FB6] =	sst s0;
	s0 =	simm.s32 @!p2 $0x0  }
0x16: {  	s3 =	sld [smem:$0x3FDB];
	s0 =	simm.s32 @p2 $0x1  }
0x17: {  	s4 =	simm.s32 $0x1BF5;
	[smem:$0x3FB8] =	sst s0  }
0x18: {  	s0 =	sld [smem:$0x3F9B];
	_ =	swait.ge [sflag:s4], $0x0  }
0x19: {  	s7 =	sld [smem:$0x3F9C]  }
0x1a: {  	s8 =	sadd.s32 $0xFFFFE003, lr  }
0x1b: {  	s9 =	sadd.s32 $0xFFFFFEF7, lr;
	s5 =	simm.s32 $0xFFFFFFFF;
	p2 =	slt.u32 s8, $0xFFFFF086  }
0x1c: {  	p1 =	slt.u32 s9, $0xF7A;
	s5 =	simm.s32 @!p2 $0x0  }
0x1d: {  	s5 =	simm.s32 @p1 $0x1;
	p0 =	seq.s32 s7, s2  }
0x1e: {  	s7 =	smul.u32 @!p0 $0xF7A, s2;
	p2 =	seq.s32 @!p0 s5, $0x0  }
0x1f: {  	s9 =	smul.u32 $0xF7A, s1;
	s8 =	simm.s32 @!p0 $0x1BF5;
	p2 =	por !p2, p0  }
0x20: {  	[sflag:s8] =	ssyncset.s32 @!p0 $0xFFFFF086;
	s6 =	sadd.s32 @!p0 s3, s7;
	s7 =	simm.s32 @!p0 $0x108  }
0x21: {  	s3 =	sadd.s32 s3, s9;
	s6 =	sadd.s32 @!p0 $0x88, s6;
	s7 =	simm.s32 @p2 $0x1082  }
0x22: {  	[simem:s7], [sflag:s8] =	dma.local @!p0 [hbm:s6], $0xF7A  }
0x23: {  	s9 =	sor.u32 $0xD0000000, s2;
	s6 =	simm.s32 $0x108;
	_ =	swait.ge @!p0 [sflag:s8], $0x0  }
0x24: {  	s3 =	sadd.s32 $0x88, s3;
	s6 =	simm.s32 @!p1 $0x1082;
	[sflag:s4] =	ssyncset.s32 $0xFFFFF086  }
0x25: {  	[simem:s6], [sflag:s4] =	dma.local [hbm:s3], $0xF7A  }
0x26: {  	[smem:$0x3F9C] =	sst s1;
	(tag) =	ssettag s2;
	_ =	strace s9  }
0x27: {  	s1 =	sld [smem:$0x3FAC]  }
0x28: {  	s2 =	sld [smem:$0x3FAD]  }
0x29: {  	s4 =	sld [smem:$0x3FAF]  }
0x2a: {  	p0 =	seq.s32 s5, $0x0;
	s5 =	sld [smem:$0x3FB0]  }
0x2b: {  	s6 =	sld [smem:$0x3FB1]  }
0x2c: {  	s7 =	sld [smem:$0x3FB2]  }
0x2d: {  	s3 =	simm.s32 $0x108;
	s8 =	sld [smem:$0x3FB3]  }
0x2e: {  	s3 =	simm.s32 @!p0 $0x1082;
	s9 =	sld [smem:$0x3FB4]  }
0x2f: {  	lr =	sadd.s32 s0, s3;
	s0 =	sld [smem:$0x3FAB]  }
0x30: {  	s3 =	sld [smem:$0x3FAE]  }
0x31: {  	[smem:$0x3FB7] =	sst s10  }
0x32: {  	s10 =	sld [smem:$0x3FB5];
	_ =	sdelay $0x3  }
0x33: {  	p0 =	seq.s32 s10, $0x1;
	s10 =	sld [smem:$0x3FB7];
	_ =	sdelay $0x3  }
0x34: {  	[smem:$0x3FB7] =	sst s10  }
0x35: {  	s10 =	sld [smem:$0x3FB6];
	_ =	sdelay $0x3  }
0x36: {  	p1 =	seq.s32 s10, $0x1;
	s10 =	sld [smem:$0x3FB7];
	_ =	sdelay $0x3  }
0x37: {  	[smem:$0x3FB7] =	sst s10  }
0x38: {  	s10 =	sld [smem:$0x3FB8]  }
0x39: {  	_ = 	snop;
	(pc) =	sbr.ind lr, $3  }
0x3a: {  	_ = 	snop  }
0x3b: {  	_ = 	snop  }
0x3c: {  	p2 =	seq.s32 s10, $0x1;
	s10 =	sld [smem:$0x3FB7]  }
0x3d: {  	_ =	shalt  }
0x3e: {  	_ =	shalt  }
0x3f: {  	_ =	shalt  }
0x40: {  	_ =	shalt  }
0x41: {  	_ =	shalt  }
0x42: {  	_ =	shalt  }
0x43: {  	_ =	shalt  }
0x44: {  	_ =	shalt  }
0x45: {  	_ =	shalt  }
0x46: {  	_ =	shalt  }
0x47: {  	_ =	shalt  }
0x48: {  	_ =	shalt  }
0x49: {  	_ =	shalt  }
0x4a: {  	_ =	shalt  }
0x4b: {  	_ =	shalt  }
0x4c: {  	_ =	shalt  }
0x4d: {  	_ =	shalt  }
0x4e: {  	_ =	shalt  }
0x4f: {  	_ =	shalt  }
0x50: {  	_ =	shalt  }
0x51: {  	_ =	shalt  }
0x52: {  	_ =	shalt  }
0x53: {  	_ =	shalt  }
0x54: {  	_ =	shalt  }
0x55: {  	_ =	shalt  }
0x56: {  	_ =	shalt  }
0x57: {  	_ =	shalt  }
0x58: {  	_ =	shalt  }
0x59: {  	_ =	shalt  }
0x5a: {  	_ =	shalt  }
0x5b: {  	_ =	shalt  }
0x5c: {  	_ =	shalt  }
0x5d: {  	_ =	shalt  }
0x5e: {  	_ =	shalt  }
0x5f: {  	_ =	shalt  }
0x60: {  	_ =	shalt  }
0x61: {  	_ =	shalt  }
0x62: {  	_ =	shalt  }
0x63: {  	_ =	shalt  }
0x64: {  	_ =	shalt  }
0x65: {  	_ =	shalt  }
0x66: {  	_ =	shalt  }
0x67: {  	_ =	shalt  }
0x68: {  	_ =	shalt  }
0x69: {  	_ =	shalt  }
0x6a: {  	_ =	shalt  }
0x6b: {  	_ =	shalt  }
0x6c: {  	_ =	shalt  }
0x6d: {  	_ =	shalt  }
0x6e: {  	_ =	shalt  }
0x6f: {  	_ =	shalt  }
0x70: {  	_ =	shalt  }
0x71: {  	_ =	shalt  }
0x72: {  	_ =	shalt  }
0x73: {  	_ =	shalt  }
0x74: {  	_ =	shalt  }
0x75: {  	_ =	shalt  }
0x76: {  	_ =	shalt  }
0x77: {  	_ =	shalt  }
0x78: {  	_ =	shalt  }
0x79: {  	_ =	shalt  }
0x7a: {  	_ =	shalt  }
0x7b: {  	_ =	shalt  }
0x7c: {  	_ =	shalt  }
0x7d: {  	_ =	shalt  }
0x7e: {  	_ =	shalt  }
0x7f: {  	_ =	shalt  }
0x80: {  	_ =	shalt  }
0x81: {  	_ =	shalt  }
0x82: {  	_ =	shalt  }
0x83: {  	_ =	shalt  }
0x84: {  	_ =	shalt  }
0x85: {  	_ =	shalt  }
0x86: {  	_ =	shalt  }
0x87: {  	_ =	shalt  }
.Lfunc_end0:
.L_simem_size_0:
called_computation_lowered:
.L_overlay_start_0:
0x88: {  	s2 =	sld [smem:$0x3FD9]  }
0x89: {  	s3 =	sld [smem:$0x3FFE];
	_ =	sdelay $0x1  }
0x8a: {  	s1 =	srdreg.scid  }
0x8b: {  	s0 =	sand.u32 $0x1, s1  }
0x8c: {  	s17 =	sshll.u32 s0, $0xA;
	s2 =	sadd.s32 s3, s2  }
0x8d: {  	s2 =	sadd.s32 s2, s17  }
0x8e: {  	[smem:$0x3FC3] =	sst s2  }
0x8f: {  	_ = 	snop  }
0x90: {  	s2 =	sld [smem:$0x3FC7];
	(tm) =	ssettm $0x1  }
0x91: {  	s18 =	sld [smem:$0x3FFB];
	_ =	sdelay $0x3  }
0x92: {  	_ =	strace s18  }
0x93: {  	s3 =	sld [smem:$0x3FFC];
	_ =	sdelay $0x3  }
0x94: {  	_ =	strace s3  }
0x95: {  	s3 =	sld [smem:$0x3FFD];
	_ =	sdelay $0x3  }
0x96: {  	_ =	strace s3  }
0x97: {  	_ =	strace $0x8FFFFFFF  }
0x98: {  	s19 =	sld [smem:$0x3FDB];
	_ =	sdelay $0x1  }
0x99: {  	s4 =	simm.s32 $_scs_section_size  }
0x9a: {  	s5 =	simm.s32 $_size__tile_overlayer_lowered;
	s6 =	simm.s32 $_tile_overlayer_lowered  }
0x9b: {  	s22 =	simm.s32 $0x1BFF;
	s21 =	sshll.u32 s6, $0x1;
	s3 =	sadd.s32 s4, s19  }
0x9c: {  	s7 =	simm.s32 $0x0;
	s20 =	sshll.u32 s5, $0x1;
	s5 =	sadd.s32 s21, s3  }
0x9d: {  	[timem:s7], [sflag:s22] =	dma.local [hbm:s5], s20  }
0x9e: {  	_ =	swait.ge [sflag:s22], s20  }
0x9f: {  	s4 =	ssub.s32 $0x0, s20;
	[sflag:s22] =	ssyncset.done $0x0  }
0xa0: {  	[sflag:s22] =	ssyncadd.s32 s4;
	_ =	sdelay $0x1  }
0xa1: {  	s23 =	simm.s32 $0x1B8B  }
0xa2: {  	_ =	swait.ge [sflag:s23], $0x1  }
0xa3: {  	[sflag:s23] =	ssyncset.done $0x0  }
0xa4: {  	s25 =	simm.s32 $0x1B8E;
	s24 =	sld [smem:$0x3FFE];
	[sflag:s23] =	ssyncadd.s32 $0xFFFFFFFF  }
0xa5: {  	s26 =	simm.s32 $execute0_lowered;
	[smem:$0x3FD2] =	sst s25  }
0xa6: {  	s5 =	sshll.u32 s26, $0x1;
	_ =	strace $0x80000046;
	[dreg:$0x1] =	wrdreg $0xFFFFFFFF  }
0xa7: {  	s28 =	simm.s32 $_size_execute0_lowered;
	s3 =	sadd.s32 s3, s5;
	[dreg:$0x0] =	wrdreg $0x0  }
0xa8: {  	s5 =	sshll.u32 s28, $0x1;
	[dreg:$0x2] =	wrdreg s3  }
0xa9: {  	[dreg:$0x3] =	wrdreg s5  }
0xaa: {  	[dreg:$0x4] =	wrdreg $0xC0  }
0xab: {  	_ =	task [dreg:s7], $0x5FFFF  }
0xac: {  	[dreg:$0x1] =	wrdreg $0xFFFFFFFF  }
0xad: {  	[dreg:$0x0] =	wrdreg $0x60  }
0xae: {  	[dreg:$0x2] =	wrdreg s24  }
0xaf: {  	[dreg:$0x3] =	wrdreg s2  }
0xb0: {  	[dreg:$0x4] =	wrdreg $0x9  }
0xb1: {  	_ =	task.clear_ibuf [dreg:s7], $0x5FFFF;
	_ =	strace $0x90000046  }
0xb2: {  	s29 =	simm.s32 $0x9;
	_ =	strace $0x80000048  }
0xb3: {  	_ =	swait.ge [sflag:s29], $0x1  }
0xb4: {  	[sflag:s29] =	ssyncadd.s32 $0xFFFFFFFF  }
0xb5: {  	_ =	strace $0x90000048  }
0xb6: {  	_ =	sfence  }
0xb7: {  	s30 =	sld [smem:$0x0];
	_ =	sdelay $0x2  }
0xb8: {  	s31 =	sshll.u32 s1, $0xD;
	s1 =	sshrl.u32 s1, $0x2  }
0xb9: {  	s3 =	sand.u32 $0x4000, s31;
	s1 =	sadd.s32 s1, s30  }
0xba: {  	s0 =	sor.u32 s3, s0;
	s1 =	sshll.u32 s1, $0x11  }
0xbb: {  	s0 =	sor.u32 s1, s0  }
0xbc: {  	s0 =	sadd.s32 $0x8F2B, s0  }
0xbd: {  	[sflag:s0] =	ssyncadd.remote.s32 $0x1  }
0xbe: {  	_ =	sfence.sel $0xFFFF  }
0xbf: {  	[dreg:$0x0] =	wrdreg $0xFFFFFFFF;
	(pc) =	sbr.abs _section_cstart, $3  }
0xc0: {  	[dreg:$0x1] =	wrdreg $0xFFFFFFFF  }
0xc1: {  	_ =	task.clear_ibuf [dreg:s7], $0x2FFFF;
	_ =	strace $0x9FFFFFFF  }
0xc2: {  	(tm) =	ssettm $0x7FFFFFFF  }
0xc3: {  	_ =	shalt  }
tec
execute0_lowered:
.L_overlay_start_1:
0x0: {  	(tag) =	ssettag $0x1  }
0x1: {  	s0 =	rddreg [dreg:$0x0]  }
0x2: {  	s2 =	rddreg [dreg:$0x1]  }
0x3: {  	s1 =	srdreg.scid;
	s4 =	stileid.u32  }
0x4: {  	s3 =	simm.s32 $0x0;
	s11 =	simm.s32 $0x3;
	s12 =	simm.s32 $0x14000  }
0x5: {  	s13 =	simm.s32 $0x14800;
	s14 =	simm.s32 $0x15000;
	s15 =	simm.s32 $0x15800  }
0x6: {  	s16 =	simm.s32 $0x1;
	s17 =	simm.s32 $0x80;
	s18 =	simm.s32 $0x400  }
0x7: {  	s19 =	simm.s32 $0x16000;
	s20 =	simm.s32 $0x2;
	s1 =	sand.u32 $0x1, s1  }
0x8: {  	s4 =	sshll.u32 s4, $0x1;
	[smem:$0x7FF] =	sst s3;
	s8 =	sadd.s32 $0x100, s2  }
0x9: {  	s9 =	sadd.s32 $0x200, s2;
	s5 =	sor.u32 s1, s4;
	_ =	strace $0x80000047  }
0xa: {  	s1 =	ssub.s32 $0x2, s1;
	s4 =	sshll.u32 s5, $0xA;
	s28 =	sshll.u32 s5, $0xC  }
.Ltmp0:
0xb: {  	v0 =	vlaneseq.u32;
	s29 =	sshrl.u32 s1, $0x1;
	s6 =	sadd.s32 s4, s0;
	(pc) =	sbr.rel .LBB2_1-.Ltmp0, $4  }
0xc: {  	v1 =	vand.u32 $0x7, v0;
	v63 =	vshrl.u32 v0, $0x3;
	s7 =	sadd.s32 s28, s0;
	s4 =	sadd.s32 $0x9C00, s0;
	s30 =	sadd.s32 $0x1C00, s6  }
0xd: {  	v0 =	vor.u32 $0x8, v0;
	[tilespmem:$0x1FFD0] =	vst v1;
	v1 =	vmul.u32 $0x8, v63;
	s0 =	ssub.s32 s1, s29;
	s31 =	sadd.s32 $0x109C00, s7;
	[dreg:$0x5] =	wrdreg s30  }
0xe: {  	[tilespmem:$0x1FFF0] =	vst v0;
	s5 =	sshll.u32 s5, $0x6;
	s0 =	smax.u32 s0, $0x1;
	[dreg:$0x6] =	wrdreg s31  }
0xf: {  	vm0 =	vmmov $0xffff;
	s1 =	simm.s32 $0x13800;
	[tilespmem:$0x1FFE0] =	vst v1;
	s6 =	simm.s32 $0x0;
	[dreg:$0x7] =	wrdreg s0  }
.LBB2_8:
0x10: {  	s6 =	rddreg [dreg:$0x8]  }
0x11: {  	s0 =	rddreg [dreg:$0x7];
	s6 =	sadd.s32 $0x1, s6  }
0x12: {  	p0 =	sne.s32 s6, s0  }
.Ltmp1:
0x13: {  	_ = 	snop;
	(pc) =	sbr.rel @!p0 .LBB2_9-.Ltmp1, $1  }
0x14: {  	_ =	sdelay $0x3  }
.LBB2_1:
0x15: {  	[dreg:$0x8] =	wrdreg s6  }
0x16: {  	s0 =	rddreg [dreg:$0x5]  }
0x17: {  	[tilespmem:s3], [sflag:$0x3] =	stream.linear.gather [hbm4b:s0+s3], $0x2000, $0x38;
	[tilespmem:$0x16300] =	vst v63  }
0x18: {  	_ =	swait.ge [sflag:s11], $0x2000  }
0x19: {  	[sflag:s11] =	ssyncset.done $0x0  }
0x1a: {  	s24 =	simm.s32 $0x2000;
	s23 =	rddreg [dreg:$0x6];
	[sflag:s11] =	ssyncadd.s32 $0xFFFFE000  }
0x1b: {  	[tilespmem:s24], [sflag:$0x3] =	stream.linear.gather [hbm4b:s23+s3], $0x8000, $0x38;
	[tilespmem:$0x16300] =	vst v63  }
0x1c: {  	_ =	swait.ge [sflag:s11], $0x8000  }
0x1d: {  	[sflag:s11] =	ssyncset.done $0x0  }
0x1e: {  	[sflag:s11] =	ssyncadd.s32 $0xFFFF8000  }
0x1f: {  	v0 =	vld [tilespmem:$0x0];
	_ =	sdelay $0x3  }
0x20: {  	v2 =	vld [tilespmem:$0x1FFD0]  }
0x21: {  	v1 =	vshrl.u32 v0, $0x3  }
0x22: {  	v3 =	vld [tilespmem:$0x1FFE0];
	v1 =	vmul.u32 $0x30, v1  }
0x23: {  	v0 =	vand.u32 $0x7, v0  }
0x24: {  	v0 =	vor.u32 v0, v1  }
0x25: {  	v1 =	vperm.xlane v0, v2  }
0x26: {  	v4 =	vld [tilespmem:$0x1FFF0]  }
0x27: {  	v1 =	vadd.s32 v3, v1;
	_ =	sdelay $0x3  }
0x28: {  	s25 =	simm.s32 $0xA000;
	v0 =	vperm.xlane v0, v4  }
0x29: {  	[tilespmem:s25], [sflag:$0x1] =	stream.indirect_vreg.gather [hbm4b:s2+s3], $0x80, v1, vm0, $0xb8;
	[tilespmem:$0x16300] =	vst v63  }
0x2a: {  	s26 =	simm.s32 $0xA800;
	v0 =	vadd.s32 v3, v0  }
0x2b: {  	[tilespmem:s26], [sflag:$0x1] =	stream.indirect_vreg.gather [hbm4b:s8+s3], $0x80, v1, vm0, $0xb8;
	[tilespmem:$0x16300] =	vst v63  }
0x2c: {  	s28 =	simm.s32 $0xB000  }
0x2d: {  	[tilespmem:s28], [sflag:$0x1] =	stream.indirect_vreg.gather [hbm4b:s9+s3], $0x80, v1, vm0, $0xb8;
	[tilespmem:$0x16300] =	vst v63  }
0x2e: {  	s29 =	simm.s32 $0xB800  }
0x2f: {  	[tilespmem:s29], [sflag:$0x1] =	stream.indirect_vreg.gather [hbm4b:s2+s3], $0x80, v0, vm0, $0xb8;
	[tilespmem:$0x16300] =	vst v63  }
0x30: {  	s30 =	simm.s32 $0xC000  }
0x31: {  	[tilespmem:s30], [sflag:$0x1] =	stream.indirect_vreg.gather [hbm4b:s8+s3], $0x80, v0, vm0, $0xb8;
	[tilespmem:$0x16300] =	vst v63  }
0x32: {  	s31 =	simm.s32 $0xC800  }
0x33: {  	[tilespmem:s31], [sflag:$0x1] =	stream.indirect_vreg.gather [hbm4b:s9+s3], $0x80, v0, vm0, $0xb8;
	[tilespmem:$0x16300] =	vst v63  }
0x34: {  	v0 =	vld [tilespmem:$0x10];
	_ =	sdelay $0x4  }
0x35: {  	v61 =	vshrl.u32 v0, $0x3  }
0x36: {  	v1 =	vmul.u32 $0x30, v61  }
0x37: {  	v0 =	vand.u32 $0x7, v0  }
0x38: {  	v0 =	vor.u32 v0, v1  }
0x39: {  	v1 =	vperm.xlane v0, v2;
	_ =	sdelay $0x1  }
0x3a: {  	v1 =	vadd.s32 v3, v1;
	_ =	sdelay $0x3  }
0x3b: {  	s6 =	simm.s32 $0xD000;
	v0 =	vperm.xlane v0, v4  }
0x3c: {  	[tilespmem:s6], [sflag:$0x1] =	stream.indirect_vreg.gather [hbm4b:s2+s3], $0x80, v1, vm0, $0xb8;
	[tilespmem:$0x16300] =	vst v63  }
0x3d: {  	s7 =	simm.s32 $0xD800;
	v0 =	vadd.s32 v3, v0  }
0x3e: {  	[tilespmem:s7], [sflag:$0x1] =	stream.indirect_vreg.gather [hbm4b:s8+s3], $0x80, v1, vm0, $0xb8;
	[tilespmem:$0x16300] =	vst v63  }
0x3f: {  	s10 =	simm.s32 $0xE000  }
0x40: {  	[tilespmem:s10], [sflag:$0x1] =	stream.indirect_vreg.gather [hbm4b:s9+s3], $0x80, v1, vm0, $0xb8;
	[tilespmem:$0x16300] =	vst v63  }
0x41: {  	s21 =	simm.s32 $0xE800  }
0x42: {  	[tilespmem:s21], [sflag:$0x1] =	stream.indirect_vreg.gather [hbm4b:s2+s3], $0x80, v0, vm0, $0xb8;
	[tilespmem:$0x16300] =	vst v63  }
0x43: {  	s22 =	simm.s32 $0xF000  }
0x44: {  	[tilespmem:s22], [sflag:$0x1] =	stream.indirect_vreg.gather [hbm4b:s8+s3], $0x80, v0, vm0, $0xb8;
	[tilespmem:$0x16300] =	vst v63  }
0x45: {  	s23 =	simm.s32 $0xF800  }
0x46: {  	[tilespmem:s23], [sflag:$0x1] =	stream.indirect_vreg.gather [hbm4b:s9+s3], $0x80, v0, vm0, $0xb8;
	[tilespmem:$0x16300] =	vst v63  }
0x47: {  	v0 =	vld [tilespmem:$0x80];
	_ =	sdelay $0x4  }
0x48: {  	v62 =	vshrl.u32 v0, $0x3  }
0x49: {  	v1 =	vmul.u32 $0x30, v62  }
0x4a: {  	v0 =	vand.u32 $0x7, v0  }
0x4b: {  	v0 =	vor.u32 v0, v1  }
0x4c: {  	v1 =	vperm.xlane v0, v2;
	_ =	sdelay $0x1  }
0x4d: {  	v1 =	vadd.s32 v3, v1;
	_ =	sdelay $0x3  }
0x4e: {  	s24 =	simm.s32 $0x10000;
	v0 =	vperm.xlane v0, v4  }
0x4f: {  	[tilespmem:s24], [sflag:$0x2] =	stream.indirect_vreg.gather [hbm4b:s2+s3], $0x80, v1, vm0, $0xb8;
	[tilespmem:$0x16300] =	vst v63  }
0x50: {  	s25 =	simm.s32 $0x10800;
	v0 =	vadd.s32 v3, v0  }
0x51: {  	[tilespmem:s25], [sflag:$0x2] =	stream.indirect_vreg.gather [hbm4b:s8+s3], $0x80, v1, vm0, $0xb8;
	[tilespmem:$0x16300] =	vst v63  }
0x52: {  	s26 =	simm.s32 $0x11000  }
0x53: {  	[tilespmem:s26], [sflag:$0x2] =	stream.indirect_vreg.gather [hbm4b:s9+s3], $0x80, v1, vm0, $0xb8;
	[tilespmem:$0x16300] =	vst v63  }
0x54: {  	s28 =	simm.s32 $0x11800  }
0x55: {  	[tilespmem:s28], [sflag:$0x2] =	stream.indirect_vreg.gather [hbm4b:s2+s3], $0x80, v0, vm0, $0xb8;
	[tilespmem:$0x16300] =	vst v63  }
0x56: {  	s29 =	simm.s32 $0x12000  }
0x57: {  	[tilespmem:s29], [sflag:$0x2] =	stream.indirect_vreg.gather [hbm4b:s8+s3], $0x80, v0, vm0, $0xb8;
	[tilespmem:$0x16300] =	vst v63  }
0x58: {  	s30 =	simm.s32 $0x12800  }
0x59: {  	[tilespmem:s30], [sflag:$0x2] =	stream.indirect_vreg.gather [hbm4b:s9+s3], $0x80, v0, vm0, $0xb8;
	[tilespmem:$0x16300] =	vst v63  }
0x5a: {  	v0 =	vld [tilespmem:$0x90];
	_ =	sdelay $0x4  }
0x5b: {  	v63 =	vshrl.u32 v0, $0x3  }
0x5c: {  	v1 =	vmul.u32 $0x30, v63  }
0x5d: {  	v0 =	vand.u32 $0x7, v0  }
0x5e: {  	v0 =	vor.u32 v0, v1  }
0x5f: {  	v1 =	vperm.xlane v0, v2;
	_ =	sdelay $0x1  }
0x60: {  	v1 =	vadd.s32 v3, v1;
	_ =	sdelay $0x3  }
0x61: {  	s31 =	simm.s32 $0x13000;
	v0 =	vperm.xlane v0, v4  }
0x62: {  	[tilespmem:s31], [sflag:$0x2] =	stream.indirect_vreg.gather [hbm4b:s2+s3], $0x80, v1, vm0, $0xb8;
	[tilespmem:$0x16300] =	vst v63  }
0x63: {  	v0 =	vadd.s32 v3, v0  }
0x64: {  	[tilespmem:s1], [sflag:$0x2] =	stream.indirect_vreg.gather [hbm4b:s8+s3], $0x80, v1, vm0, $0xb8;
	[tilespmem:$0x16300] =	vst v63  }
0x65: {  	_ = 	snop  }
0x66: {  	[tilespmem:s12], [sflag:$0x2] =	stream.indirect_vreg.gather [hbm4b:s9+s3], $0x80, v1, vm0, $0xb8;
	[tilespmem:$0x16300] =	vst v63  }
0x67: {  	_ = 	snop  }
0x68: {  	[tilespmem:s13], [sflag:$0x2] =	stream.indirect_vreg.gather [hbm4b:s2+s3], $0x80, v0, vm0, $0xb8;
	[tilespmem:$0x16300] =	vst v63  }
0x69: {  	_ = 	snop  }
0x6a: {  	[tilespmem:s14], [sflag:$0x2] =	stream.indirect_vreg.gather [hbm4b:s8+s3], $0x80, v0, vm0, $0xb8;
	[tilespmem:$0x16300] =	vst v63  }
0x6b: {  	s22 =	simm.s32 $0x0  }
0x6c: {  	[tilespmem:s15], [sflag:$0x2] =	stream.indirect_vreg.gather [hbm4b:s9+s3], $0x80, v0, vm0, $0xb8;
	[tilespmem:$0x16300] =	vst v63  }
.LBB2_2:
0x6d: {  	s6 =	sshll.u32 s22, $0xA  }
0x6e: {  	s6 =	sand.u32 $0x3FFFFC00, s6  }
0x6f: {  	_ =	swait.ge [sflag:s16], $0x6000;
	s10 =	simm.s32 $0x0;
	s6 =	sadd.s32 $0x2000, s6  }
0x70: {  	[sflag:s16] =	ssyncset.done $0x0;
	[dreg:$0x3] =	wrdreg s6;
	s6 =	simm.s32 $0x0  }
0x71: {  	s10 =	smul.u32 $0x6000, s10;
	s7 =	rddreg [dreg:$0x3];
	s21 =	sand.u32 $0x180, s6  }
0x72: {  	[sflag:s16] =	ssyncadd.s32 $0xFFFFA000;
	s23 =	sand.u32 $0x70, s6;
	s7 =	sadd.s32 s21, s7  }
0x73: {  	s10 =	sshra.s32 s10, $0x2;
	s31 =	sand.u32 $0x380, s6;
	s7 =	sadd.s32 s23, s7  }
0x74: {  	v4 =	vld [tilespmem:s7+$0x0];
	s7 =	sor.u32 s31, s10  }
0x75: {  	v0 =	vld [tilespmem:s7+$0xB470]  }
0x76: {  	v1 =	vld [tilespmem:s7+$0xA000]  }
0x77: {  	v2 =	vld [tilespmem:s7+$0xA010]  }
0x78: {  	v6 =	vld [tilespmem:s7+$0xA020]  }
0x79: {  	v7 =	vld [tilespmem:s7+$0xA030]  }
0x7a: {  	v8 =	vld [tilespmem:s7+$0xA040]  }
0x7b: {  	v9 =	vld [tilespmem:s7+$0xA050]  }
0x7c: {  	v10 =	vld [tilespmem:s7+$0xA060]  }
0x7d: {  	v11 =	vld [tilespmem:s7+$0xA070]  }
0x7e: {  	v12 =	vld [tilespmem:s7+$0xA400]  }
0x7f: {  	v13 =	vld [tilespmem:s7+$0xA410]  }
0x80: {  	v14 =	vld [tilespmem:s7+$0xA420]  }
0x81: {  	v15 =	vld [tilespmem:s7+$0xA430]  }
0x82: {  	v16 =	vld [tilespmem:s7+$0xA440]  }
0x83: {  	v17 =	vld [tilespmem:s7+$0xA450]  }
0x84: {  	v18 =	vld [tilespmem:s7+$0xA460]  }
0x85: {  	v5 =	vimm.f32 $0.0e+00;
	v19 =	vld [tilespmem:s7+$0xA470]  }
0x86: {  	v51 =	vimm.f32 $0.0e+00;
	v20 =	vld [tilespmem:s7+$0xA800];
	v0 =	vmul.f32 v0, v4;
	v1 =	vmul.f32 v1, v4  }
0x87: {  	v48 =	vimm.f32 $0.0e+00;
	v25 =	vimm.f32 $0.0e+00;
	v21 =	vld [tilespmem:s7+$0xA810];
	v2 =	vmul.f32 v2, v4  }
0x88: {  	v3 =	vadd.f32 v0, v5;
	v0 =	vld [tilespmem:s7+$0xA820];
	v44 =	vadd.f32 v1, v5;
	v1 =	vmul.f32 v6, v4  }
0x89: {  	v6 =	vmul.f32 v7, v4;
	v7 =	vld [tilespmem:s7+$0xA830];
	v49 =	vadd.f32 v2, v5;
	v2 =	vmul.f32 v8, v4  }
0x8a: {  	v8 =	vmul.f32 v9, v4;
	v9 =	vld [tilespmem:s7+$0xA840];
	v50 =	vadd.f32 v1, v5;
	v1 =	vmul.f32 v10, v4  }
0x8b: {  	v45 =	vadd.f32 v6, v5;
	v6 =	vld [tilespmem:s7+$0xA850];
	v46 =	vadd.f32 v2, v5;
	v2 =	vmul.f32 v11, v4  }
0x8c: {  	v38 =	vadd.f32 v8, v5;
	v8 =	vld [tilespmem:s7+$0xA860];
	v10 =	vmul.f32 v13, v4;
	v39 =	vadd.f32 v1, v5  }
0x8d: {  	v11 =	vld [tilespmem:s7+$0xA870];
	v1 =	vmul.f32 v12, v4;
	v43 =	vadd.f32 v2, v5;
	v2 =	vmul.f32 v14, v4  }
0x8e: {  	v13 =	vld [tilespmem:s7+$0xAC00];
	v12 =	vmul.f32 v15, v4;
	v40 =	vadd.f32 v10, v5;
	v14 =	vmul.f32 v19, v4  }
0x8f: {  	v10 =	vld [tilespmem:s7+$0xAC10];
	v19 =	vimm.f32 $0.0e+00;
	v47 =	vadd.f32 v1, v5;
	v1 =	vmul.f32 v16, v4  }
0x90: {  	v15 =	vld [tilespmem:s7+$0xAC30];
	v0 =	vmul.f32 v0, v4;
	v41 =	vadd.f32 v2, v5;
	v2 =	vmul.f32 v17, v4  }
0x91: {  	v32 =	vadd.f32 v12, v5;
	v12 =	vld [tilespmem:s7+$0xAC20];
	v6 =	vmul.f32 v6, v4;
	v33 =	vadd.f32 v1, v5  }
0x92: {  	v17 =	vld [tilespmem:s7+$0xAC40];
	v1 =	vmul.f32 v18, v4;
	v37 =	vadd.f32 v2, v5;
	v2 =	vmul.f32 v20, v4  }
0x93: {  	v27 =	vadd.f32 v0, v5;
	v0 =	vmul.f32 v9, v4;
	v28 =	vadd.f32 v6, v5;
	v6 =	vld [tilespmem:s7+$0xB010]  }
0x94: {  	v42 =	vadd.f32 v1, v5;
	v1 =	vld [tilespmem:s7+$0xAC50];
	v35 =	vadd.f32 v2, v5;
	v2 =	vmul.f32 v7, v4  }
0x95: {  	v16 =	vmul.f32 v21, v4;
	v36 =	vadd.f32 v0, v5;
	v0 =	vmul.f32 v13, v4;
	v7 =	vld [tilespmem:s7+$0xAC60]  }
0x96: {  	v34 =	vadd.f32 v14, v5;
	v14 =	vld [tilespmem:s7+$0xB040];
	v31 =	vadd.f32 v2, v5;
	v2 =	vmul.f32 v8, v4  }
0x97: {  	v9 =	vld [tilespmem:s7+$0xAC70];
	v26 =	vadd.f32 v16, v5;
	v23 =	vadd.f32 v0, v5;
	v0 =	vmul.f32 v12, v4  }
0x98: {  	v8 =	vmul.f32 v11, v4;
	v11 =	vld [tilespmem:s7+$0xB000];
	v29 =	vadd.f32 v2, v5;
	v2 =	vmul.f32 v10, v4  }
0x99: {  	v12 =	vld [tilespmem:s7+$0xB030];
	v30 =	vadd.f32 v0, v5;
	v10 =	vmul.f32 v15, v4;
	v6 =	vmul.f32 v6, v4  }
0x9a: {  	v22 =	vadd.f32 v8, v5;
	v8 =	vld [tilespmem:s7+$0xB020];
	v1 =	vmul.f32 v1, v4;
	v0 =	vmul.f32 v7, v4  }
0x9b: {  	v7 =	vld [tilespmem:s7+$0xB050];
	v24 =	vadd.f32 v2, v5;
	v2 =	vmul.f32 v17, v4;
	v21 =	vadd.f32 v10, v5  }
0x9c: {  	v13 =	vadd.f32 v6, v5;
	v18 =	vadd.f32 v1, v5;
	v1 =	vmul.f32 v9, v4  }
0x9d: {  	v17 =	vadd.f32 v0, v5;
	v0 =	vmul.f32 v11, v4;
	v20 =	vadd.f32 v2, v5;
	v2 =	vld [tilespmem:s7+$0xB060]  }
0x9e: {  	v58 =	vld [tilespmem:s7+$0xB070];
	v6 =	vimm.f32 $0.0e+00;
	v9 =	vimm.f32 $0.0e+00;
	v16 =	vadd.f32 v1, v5  }
0x9f: {  	v56 =	vld [tilespmem:s7+$0xB400];
	v1 =	vmul.f32 v8, v4;
	v8 =	vmul.f32 v12, v4;
	v15 =	vadd.f32 v0, v5  }
0xa0: {  	v54 =	vld [tilespmem:s7+$0xB410];
	v0 =	vmul.f32 v14, v4;
	v14 =	vimm.f32 $0.0e+00;
	v63 =	vmul.f32 v7, v4  }
0xa1: {  	s24 =	simm.s32 $0x0;
	v52 =	vld [tilespmem:s7+$0xB420];
	v7 =	vimm.f32 $0.0e+00;
	v12 =	vadd.f32 v1, v5;
	v11 =	vadd.f32 v8, v5  }
0xa2: {  	s21 =	simm.s32 $0x2;
	s23 =	rddreg [dreg:$0x3];
	s10 =	simm.s32 $0x10;
	v53 =	vld [tilespmem:s7+$0xB430];
	v10 =	vadd.f32 v0, v5;
	v8 =	vimm.f32 $0.0e+00;
	v62 =	vmul.f32 v2, v4  }
.LBB2_3:
0xa3: {  	_ =	sdelay $0x2  }
0xa4: {  	s25 =	sand.u32 $0x180, s10;
	s24 =	smul.u32 $0x6000, s24;
	v1 =	vld [tilespmem:s7+$0xB440]  }
0xa5: {  	s26 =	sand.u32 $0x70, s10;
	v55 =	vld [tilespmem:s7+$0xB450];
	s6 =	sadd.s32 $0x80, s6;
	s23 =	sadd.s32 s25, s23;
	v0 =	vmul.f32 v58, v4  }
0xa6: {  	v51 =	vadd.f32 v62, v51;
	s31 =	sand.u32 $0x380, s6;
	v62 =	vld [tilespmem:s7+$0xB460];
	s23 =	sadd.s32 s26, s23;
	s24 =	sshra.s32 s24, $0x2;
	v2 =	vmul.f32 v56, v4  }
0xa7: {  	v5 =	vadd.f32 v63, v5;
	v63 =	vld [tilespmem:s23+$0x0];
	s7 =	sor.u32 s31, s24;
	v48 =	vadd.f32 v0, v48;
	v0 =	vmul.f32 v54, v4  }
0xa8: {  	v58 =	vld [tilespmem:s7+$0xB470];
	v25 =	vadd.f32 v2, v25;
	v2 =	vmul.f32 v52, v4  }
0xa9: {  	v59 =	vld [tilespmem:s7+$0xA000];
	v19 =	vadd.f32 v0, v19;
	v0 =	vmul.f32 v53, v4  }
0xaa: {  	v1 =	vmul.f32 v1, v4;
	v14 =	vadd.f32 v2, v14;
	v2 =	vld [tilespmem:s7+$0xA010]  }
0xab: {  	v60 =	vld [tilespmem:s7+$0xA020];
	v9 =	vadd.f32 v0, v9;
	v0 =	vmul.f32 v55, v4  }
0xac: {  	v61 =	vld [tilespmem:s7+$0xA030];
	v8 =	vadd.f32 v1, v8;
	v1 =	vmul.f32 v62, v4  }
0xad: {  	v4 =	vmov v63;
	v7 =	vadd.f32 v0, v7;
	v0 =	vld [tilespmem:s7+$0xA040]  }
0xae: {  	v62 =	vld [tilespmem:s7+$0xA050];
	v6 =	vadd.f32 v1, v6;
	v1 =	vmul.f32 v59, v4  }
0xaf: {  	v63 =	vld [tilespmem:s7+$0xA060];
	v2 =	vmul.f32 v2, v4  }
0xb0: {  	v44 =	vadd.f32 v1, v44;
	v1 =	vmul.f32 v60, v4;
	v60 =	vld [tilespmem:s7+$0xA070]  }
0xb1: {  	v49 =	vadd.f32 v2, v49;
	v2 =	vmul.f32 v61, v4;
	v61 =	vld [tilespmem:s7+$0xA400]  }
0xb2: {  	v50 =	vadd.f32 v1, v50;
	v1 =	vld [tilespmem:s7+$0xA410];
	v0 =	vmul.f32 v0, v4  }
0xb3: {  	v45 =	vadd.f32 v2, v45;
	v2 =	vmul.f32 v62, v4;
	v62 =	vld [tilespmem:s7+$0xA420]  }
0xb4: {  	v46 =	vadd.f32 v0, v46;
	v0 =	vmul.f32 v63, v4;
	v63 =	vld [tilespmem:s7+$0xA430]  }
0xb5: {  	v57 =	vld [tilespmem:s7+$0xA440];
	v38 =	vadd.f32 v2, v38;
	v2 =	vmul.f32 v60, v4  }
0xb6: {  	v52 =	vmul.f32 v58, v4;
	v58 =	vld [tilespmem:s7+$0xA450];
	v39 =	vadd.f32 v0, v39;
	v0 =	vmul.f32 v61, v4  }
0xb7: {  	v1 =	vmul.f32 v1, v4;
	v43 =	vadd.f32 v2, v43;
	v2 =	vld [tilespmem:s7+$0xA460]  }
0xb8: {  	v59 =	vld [tilespmem:s7+$0xA470];
	v47 =	vadd.f32 v0, v47;
	v0 =	vmul.f32 v62, v4  }
0xb9: {  	v60 =	vld [tilespmem:s7+$0xA800];
	v40 =	vadd.f32 v1, v40;
	v1 =	vmul.f32 v63, v4  }
0xba: {  	v61 =	vld [tilespmem:s7+$0xA810];
	v41 =	vadd.f32 v0, v41;
	v0 =	vmul.f32 v57, v4  }
0xbb: {  	v62 =	vld [tilespmem:s7+$0xA820];
	v32 =	vadd.f32 v1, v32;
	v1 =	vmul.f32 v58, v4  }
0xbc: {  	v33 =	vadd.f32 v0, v33;
	v0 =	vmul.f32 v2, v4;
	v2 =	vld [tilespmem:s7+$0xA830]  }
0xbd: {  	v63 =	vld [tilespmem:s7+$0xA840];
	v37 =	vadd.f32 v1, v37;
	v1 =	vmul.f32 v59, v4  }
0xbe: {  	v57 =	vld [tilespmem:s7+$0xA850];
	v42 =	vadd.f32 v0, v42;
	v0 =	vmul.f32 v60, v4  }
0xbf: {  	v58 =	vld [tilespmem:s7+$0xA860];
	v34 =	vadd.f32 v1, v34;
	v1 =	vmul.f32 v61, v4  }
0xc0: {  	v59 =	vld [tilespmem:s7+$0xA870];
	v35 =	vadd.f32 v0, v35;
	v0 =	vmul.f32 v62, v4  }
0xc1: {  	v26 =	vadd.f32 v1, v26;
	v1 =	vmul.f32 v2, v4;
	v2 =	vld [tilespmem:s7+$0xAC00]  }
0xc2: {  	v60 =	vld [tilespmem:s7+$0xAC10];
	v27 =	vadd.f32 v0, v27;
	v0 =	vmul.f32 v63, v4  }
0xc3: {  	v61 =	vld [tilespmem:s7+$0xAC20];
	v31 =	vadd.f32 v1, v31;
	v1 =	vmul.f32 v57, v4  }
0xc4: {  	v62 =	vld [tilespmem:s7+$0xAC30];
	v36 =	vadd.f32 v0, v36;
	v0 =	vmul.f32 v58, v4  }
0xc5: {  	v63 =	vld [tilespmem:s7+$0xAC40];
	v28 =	vadd.f32 v1, v28;
	v1 =	vmul.f32 v59, v4  }
0xc6: {  	v29 =	vadd.f32 v0, v29;
	v0 =	vmul.f32 v2, v4;
	v2 =	vld [tilespmem:s7+$0xAC50]  }
0xc7: {  	v57 =	vld [tilespmem:s7+$0xAC60];
	v22 =	vadd.f32 v1, v22;
	v1 =	vmul.f32 v60, v4  }
0xc8: {  	v58 =	vld [tilespmem:s7+$0xAC70];
	v23 =	vadd.f32 v0, v23;
	v0 =	vmul.f32 v61, v4  }
0xc9: {  	v59 =	vld [tilespmem:s7+$0xB000];
	v24 =	vadd.f32 v1, v24;
	v1 =	vmul.f32 v62, v4  }
0xca: {  	v60 =	vld [tilespmem:s7+$0xB010];
	v30 =	vadd.f32 v0, v30;
	v0 =	vmul.f32 v63, v4  }
0xcb: {  	v21 =	vadd.f32 v1, v21;
	v1 =	vmul.f32 v2, v4;
	v2 =	vld [tilespmem:s7+$0xB020]  }
0xcc: {  	v61 =	vld [tilespmem:s7+$0xB030];
	v20 =	vadd.f32 v0, v20;
	v0 =	vmul.f32 v57, v4  }
0xcd: {  	v62 =	vld [tilespmem:s7+$0xB040];
	v18 =	vadd.f32 v1, v18;
	v1 =	vmul.f32 v58, v4  }
0xce: {  	v63 =	vld [tilespmem:s7+$0xB050];
	v17 =	vadd.f32 v0, v17;
	v0 =	vmul.f32 v59, v4  }
0xcf: {  	p0 =	sne.s32 s21, $0x1F;
	v57 =	vld [tilespmem:s7+$0xB060];
	v16 =	vadd.f32 v1, v16;
	v1 =	vmul.f32 v60, v4  }
.Ltmp2:
0xd0: {  	v56 =	vld [tilespmem:s7+$0xB400];
	v15 =	vadd.f32 v0, v15;
	v0 =	vmul.f32 v2, v4;
	(pc) =	sbr.rel @p0 .LBB2_3-.Ltmp2, $4  }
0xd1: {  	v54 =	vld [tilespmem:s7+$0xB410];
	v13 =	vadd.f32 v1, v13  }
0xd2: {  	v53 =	vld [tilespmem:s7+$0xB430];
	v1 =	vmul.f32 v61, v4;
	v12 =	vadd.f32 v0, v12;
	v0 =	vmul.f32 v62, v4  }
0xd3: {  	s10 =	sadd.s32 $0x10, s10;
	v3 =	vadd.f32 v52, v3;
	v52 =	vld [tilespmem:s7+$0xB420];
	v63 =	vmul.f32 v63, v4  }
0xd4: {  	s23 =	rddreg [dreg:$0x3];
	s24 =	sshrl.u32 s21, $0x3;
	s21 =	sadd.s32 $0x1, s21;
	v58 =	vld [tilespmem:s7+$0xB070];
	v62 =	vmul.f32 v57, v4;
	v11 =	vadd.f32 v1, v11;
	v10 =	vadd.f32 v0, v10  }
0xd5: {  	v0 =	vld [tilespmem:s7+$0xB440];
	_ =	sdelay $0x4  }
0xd6: {  	[tilespmem:$0x1FF60] =	vst v0;
	v0 =	vld [tilespmem:s7+$0xB450];
	_ =	sdelay $0x4  }
0xd7: {  	[tilespmem:$0x1FF90] =	vst v0;
	v0 =	vld [tilespmem:s7+$0xB460]  }
0xd8: {  	s24 =	smul.u32 $0x6000, s24  }
0xd9: {  	s6 =	sadd.s32 $0x80, s6  }
0xda: {  	s6 =	sand.u32 $0x380, s6;
	s31 =	sshra.s32 s24, $0x2  }
0xdb: {  	s6 =	sor.u32 s6, s31  }
0xdc: {  	[tilespmem:$0x1FFB0] =	vst v0;
	v0 =	vld [tilespmem:s6+$0xB470];
	_ =	sdelay $0x4  }
0xdd: {  	[tilespmem:$0x1FFC0] =	vst v0;
	v0 =	vld [tilespmem:s6+$0xA050];
	_ =	sdelay $0x4  }
0xde: {  	[tilespmem:$0x1FD30] =	vst v0;
	v0 =	vld [tilespmem:s6+$0xA060];
	_ =	sdelay $0x4  }
0xdf: {  	[tilespmem:$0x1FD40] =	vst v0;
	v0 =	vld [tilespmem:s6+$0xA070];
	_ =	sdelay $0x4  }
0xe0: {  	[tilespmem:$0x1FD50] =	vst v0;
	v0 =	vld [tilespmem:s6+$0xA400];
	_ =	sdelay $0x4  }
0xe1: {  	[tilespmem:$0x1FD60] =	vst v0;
	v0 =	vld [tilespmem:s6+$0xA410];
	_ =	sdelay $0x4  }
0xe2: {  	[tilespmem:$0x1FD70] =	vst v0;
	v0 =	vld [tilespmem:s6+$0xA420];
	_ =	sdelay $0x4  }
0xe3: {  	[tilespmem:$0x1FD80] =	vst v0;
	v0 =	vld [tilespmem:s6+$0xA430];
	_ =	sdelay $0x4  }
0xe4: {  	[tilespmem:$0x1FD90] =	vst v0;
	v0 =	vld [tilespmem:s6+$0xA440];
	_ =	sdelay $0x4  }
0xe5: {  	[tilespmem:$0x1FDA0] =	vst v0;
	v0 =	vld [tilespmem:s6+$0xA450];
	_ =	sdelay $0x4  }
0xe6: {  	[tilespmem:$0x1FDB0] =	vst v0;
	v0 =	vld [tilespmem:s6+$0xA460];
	_ =	sdelay $0x4  }
0xe7: {  	[tilespmem:$0x1FDC0] =	vst v0;
	v0 =	vld [tilespmem:s6+$0xA470];
	_ =	sdelay $0x4  }
0xe8: {  	[tilespmem:$0x1FDD0] =	vst v0;
	v0 =	vld [tilespmem:s6+$0xA800];
	_ =	sdelay $0x4  }
0xe9: {  	[tilespmem:$0x1FDE0] =	vst v0;
	v0 =	vld [tilespmem:s6+$0xA810];
	_ =	sdelay $0x4  }
0xea: {  	[tilespmem:$0x1FDF0] =	vst v0;
	v0 =	vld [tilespmem:s6+$0xA820];
	_ =	sdelay $0x4  }
0xeb: {  	[tilespmem:$0x1FE00] =	vst v0;
	v0 =	vld [tilespmem:s6+$0xA830];
	_ =	sdelay $0x4  }
0xec: {  	[tilespmem:$0x1FE10] =	vst v0;
	v0 =	vld [tilespmem:s6+$0xA840];
	_ =	sdelay $0x4  }
0xed: {  	[tilespmem:$0x1FE20] =	vst v0;
	v0 =	vld [tilespmem:s6+$0xA850];
	_ =	sdelay $0x4  }
0xee: {  	[tilespmem:$0x1FE30] =	vst v0;
	v0 =	vld [tilespmem:s6+$0xA860];
	_ =	sdelay $0x4  }
0xef: {  	[tilespmem:$0x1FE40] =	vst v0;
	v0 =	vld [tilespmem:s6+$0xA870];
	_ =	sdelay $0x4  }
0xf0: {  	[tilespmem:$0x1FE50] =	vst v0;
	v0 =	vld [tilespmem:s6+$0xAC00];
	_ =	sdelay $0x4  }
0xf1: {  	[tilespmem:$0x1FE60] =	vst v0;
	v0 =	vld [tilespmem:s6+$0xAC10];
	_ =	sdelay $0x4  }
0xf2: {  	[tilespmem:$0x1FE70] =	vst v0;
	v0 =	vld [tilespmem:s6+$0xAC20];
	_ =	sdelay $0x4  }
0xf3: {  	[tilespmem:$0x1FE80] =	vst v0;
	v0 =	vld [tilespmem:s6+$0xAC30];
	_ =	sdelay $0x4  }
0xf4: {  	[tilespmem:$0x1FE90] =	vst v0;
	v0 =	vld [tilespmem:s6+$0xAC40];
	_ =	sdelay $0x4  }
0xf5: {  	[tilespmem:$0x1FEA0] =	vst v0;
	v0 =	vld [tilespmem:s6+$0xAC50];
	_ =	sdelay $0x4  }
0xf6: {  	[tilespmem:$0x1FEB0] =	vst v0;
	v0 =	vld [tilespmem:s6+$0xAC60];
	_ =	sdelay $0x4  }
0xf7: {  	[tilespmem:$0x1FEC0] =	vst v0;
	v0 =	vld [tilespmem:s6+$0xAC70];
	_ =	sdelay $0x4  }
0xf8: {  	[tilespmem:$0x1FED0] =	vst v0;
	v0 =	vld [tilespmem:s6+$0xB000];
	_ =	sdelay $0x4  }
0xf9: {  	[tilespmem:$0x1FEE0] =	vst v0;
	v0 =	vld [tilespmem:s6+$0xB010];
	_ =	sdelay $0x4  }
0xfa: {  	[tilespmem:$0x1FEF0] =	vst v0;
	v0 =	vld [tilespmem:s6+$0xB020];
	_ =	sdelay $0x4  }
0xfb: {  	[tilespmem:$0x1FF00] =	vst v0;
	v0 =	vld [tilespmem:s6+$0xB030];
	_ =	sdelay $0x4  }
0xfc: {  	[tilespmem:$0x1FF10] =	vst v0;
	v0 =	vld [tilespmem:s6+$0xB040];
	_ =	sdelay $0x4  }
0xfd: {  	[tilespmem:$0x1FF20] =	vst v0;
	v0 =	vld [tilespmem:s6+$0xB050];
	_ =	sdelay $0x4  }
0xfe: {  	[tilespmem:$0x1FF30] =	vst v0;
	v0 =	vld [tilespmem:s6+$0xB060];
	_ =	sdelay $0x4  }
0xff: {  	[tilespmem:$0x1FF40] =	vst v0;
	v0 =	vld [tilespmem:s6+$0xB070];
	_ =	sdelay $0x4  }
0x100: {  	[tilespmem:$0x1FF50] =	vst v0;
	v0 =	vld [tilespmem:s6+$0xB400];
	_ =	sdelay $0x3  }
0x101: {  	s21 =	sand.u32 $0x180, s10  }
0x102: {  	s30 =	sand.u32 $0x70, s10;
	s21 =	sadd.s32 s21, s23;
	[tilespmem:$0x1FF70] =	vst v0;
	v0 =	vld [tilespmem:s6+$0xB410]  }
0x103: {  	s10 =	sadd.s32 s30, s21  }
0x104: {  	v55 =	vld [tilespmem:s10+$0x0]  }
0x105: {  	v60 =	vld [tilespmem:s6+$0xA010]  }
0x106: {  	v59 =	vld [tilespmem:s6+$0xA000]  }
0x107: {  	[tilespmem:$0x1FF80] =	vst v0;
	v0 =	vld [tilespmem:s6+$0xB420]  }
0x108: {  	v2 =	vld [tilespmem:s6+$0xA020]  }
0x109: {  	v57 =	vld [tilespmem:s6+$0xA030]  }
0x10a: {  	v61 =	vld [tilespmem:s6+$0xA040];
	v1 =	vmul.f32 v60, v55  }
0x10b: {  	v60 =	vld [tilespmem:s6+$0xB440]  }
0x10c: {  	v1 =	vadd.f32 v1, v49;
	v49 =	vld [tilespmem:s6+$0xB460];
	[tilespmem:$0x1FFA0] =	vst v0;
	v0 =	vmul.f32 v59, v55  }
0x10d: {  	v59 =	vld [tilespmem:s6+$0xB430]  }
0x10e: {  	v0 =	vadd.f32 v0, v44;
	v44 =	vld [tilespmem:s6+$0xB450]  }
0x10f: {  	[tilespmem:$0x16010] =	vst v1;
	v1 =	vld [tilespmem:$0x1FD30];
	_ =	sdelay $0x4  }
0x110: {  	v1 =	vmul.f32 v1, v55;
	_ =	sdelay $0x1  }
0x111: {  	v1 =	vadd.f32 v1, v38;
	_ =	sdelay $0x1  }
0x112: {  	[tilespmem:$0x16050] =	vst v1;
	v1 =	vld [tilespmem:$0x1FD70]  }
0x113: {  	[tilespmem:$0x16000] =	vst v0;
	v0 =	vmul.f32 v61, v55;
	_ =	sdelay $0x1  }
0x114: {  	v0 =	vadd.f32 v0, v46;
	_ =	sdelay $0x1  }
0x115: {  	[tilespmem:$0x16040] =	vst v0;
	v0 =	vld [tilespmem:$0x1FD60];
	v1 =	vmul.f32 v1, v55;
	_ =	sdelay $0x1  }
0x116: {  	v1 =	vadd.f32 v1, v40;
	_ =	sdelay $0x1  }
0x117: {  	[tilespmem:$0x16090] =	vst v1;
	v1 =	vld [tilespmem:$0x1FDB0]  }
0x118: {  	v0 =	vmul.f32 v0, v55;
	_ =	sdelay $0x1  }
0x119: {  	v0 =	vadd.f32 v0, v47;
	_ =	sdelay $0x1  }
0x11a: {  	[tilespmem:$0x16080] =	vst v0;
	v0 =	vld [tilespmem:$0x1FDA0];
	v1 =	vmul.f32 v1, v55;
	_ =	sdelay $0x1  }
0x11b: {  	v1 =	vadd.f32 v1, v37;
	_ =	sdelay $0x1  }
0x11c: {  	[tilespmem:$0x160D0] =	vst v1;
	v1 =	vld [tilespmem:$0x1FDF0]  }
0x11d: {  	v0 =	vmul.f32 v0, v55;
	_ =	sdelay $0x1  }
0x11e: {  	v0 =	vadd.f32 v0, v33;
	_ =	sdelay $0x1  }
0x11f: {  	v2 =	vmul.f32 v2, v55;
	[tilespmem:$0x160C0] =	vst v0;
	v0 =	vld [tilespmem:$0x1FDE0];
	v1 =	vmul.f32 v1, v55;
	_ =	sdelay $0x1  }
0x120: {  	v2 =	vadd.f32 v2, v50;
	v1 =	vadd.f32 v1, v26;
	v26 =	vld [tilespmem:$0x1FE10];
	_ =	sdelay $0x1  }
0x121: {  	[tilespmem:$0x16020] =	vst v2;
	v2 =	vld [tilespmem:$0x1FD40]  }
0x122: {  	v0 =	vmul.f32 v0, v55;
	_ =	sdelay $0x1  }
0x123: {  	v0 =	vadd.f32 v0, v35;
	v26 =	vmul.f32 v26, v55;
	_ =	sdelay $0x1  }
0x124: {  	v2 =	vmul.f32 v2, v55;
	[tilespmem:$0x16100] =	vst v0;
	v0 =	vld [tilespmem:$0x1FE20];
	v26 =	vadd.f32 v26, v31;
	_ =	sdelay $0x1  }
0x125: {  	v2 =	vadd.f32 v2, v39;
	[tilespmem:$0x16130] =	vst v26;
	v26 =	vld [tilespmem:$0x1FE50];
	_ =	sdelay $0x1  }
0x126: {  	[tilespmem:$0x16060] =	vst v2;
	v2 =	vld [tilespmem:$0x1FD80]  }
0x127: {  	v0 =	vmul.f32 v0, v55;
	_ =	sdelay $0x1  }
0x128: {  	v0 =	vadd.f32 v0, v36;
	v26 =	vmul.f32 v26, v55;
	_ =	sdelay $0x1  }
0x129: {  	v2 =	vmul.f32 v2, v55;
	[tilespmem:$0x16140] =	vst v0;
	v0 =	vld [tilespmem:$0x1FE60];
	v22 =	vadd.f32 v26, v22;
	_ =	sdelay $0x1  }
0x12a: {  	v2 =	vadd.f32 v2, v41;
	[tilespmem:$0x16170] =	vst v22;
	v22 =	vld [tilespmem:$0x1FE90];
	_ =	sdelay $0x1  }
0x12b: {  	[tilespmem:$0x160A0] =	vst v2;
	v2 =	vld [tilespmem:$0x1FDC0]  }
0x12c: {  	v0 =	vmul.f32 v0, v55;
	_ =	sdelay $0x1  }
0x12d: {  	v0 =	vadd.f32 v0, v23;
	v22 =	vmul.f32 v22, v55;
	_ =	sdelay $0x1  }
0x12e: {  	v2 =	vmul.f32 v2, v55;
	[tilespmem:$0x16180] =	vst v0;
	v0 =	vadd.f32 v63, v5;
	v5 =	vadd.f32 v22, v21;
	v21 =	vld [tilespmem:$0x1FEB0];
	_ =	sdelay $0x1  }
0x12f: {  	v2 =	vadd.f32 v2, v42;
	_ =	sdelay $0x1  }
0x130: {  	[tilespmem:$0x160E0] =	vst v2;
	v2 =	vld [tilespmem:$0x1FE00]  }
0x131: {  	[tilespmem:$0x16110] =	vst v1;
	v1 =	vld [tilespmem:$0x1FE30];
	v21 =	vmul.f32 v21, v55  }
0x132: {  	v22 =	vld [tilespmem:$0x1FEC0]  }
0x133: {  	v18 =	vadd.f32 v21, v18;
	v21 =	vld [tilespmem:$0x1FED0]  }
0x134: {  	v23 =	vld [tilespmem:$0x1FEA0]  }
0x135: {  	v2 =	vmul.f32 v2, v55;
	_ =	sdelay $0x1  }
0x136: {  	v2 =	vadd.f32 v2, v27;
	v22 =	vmul.f32 v22, v55  }
0x137: {  	v1 =	vmul.f32 v1, v55;
	v21 =	vmul.f32 v21, v55  }
0x138: {  	[tilespmem:$0x16120] =	vst v2;
	v2 =	vld [tilespmem:$0x1FE40];
	v23 =	vmul.f32 v23, v55;
	v17 =	vadd.f32 v22, v17  }
0x139: {  	v1 =	vadd.f32 v1, v28;
	v16 =	vadd.f32 v21, v16;
	v21 =	vld [tilespmem:$0x1FF00]  }
0x13a: {  	v20 =	vadd.f32 v23, v20;
	[tilespmem:$0x161E0] =	vst v17;
	v17 =	vld [tilespmem:$0x1FF10]  }
0x13b: {  	[tilespmem:$0x16150] =	vst v1;
	v1 =	vld [tilespmem:$0x1FE70]  }
0x13c: {  	[tilespmem:$0x161C0] =	vst v20;
	v20 =	vld [tilespmem:$0x1FEF0];
	_ =	sdelay $0x1  }
0x13d: {  	v50 =	vld [tilespmem:$0x1FD50];
	v21 =	vmul.f32 v21, v55  }
0x13e: {  	v2 =	vmul.f32 v2, v55;
	v22 =	vld [tilespmem:$0x1FEE0];
	v17 =	vmul.f32 v17, v55  }
0x13f: {  	v1 =	vmul.f32 v1, v55;
	[tilespmem:$0x161F0] =	vst v16;
	v16 =	vmul.f32 v52, v4;
	v12 =	vadd.f32 v21, v12  }
0x140: {  	v2 =	vadd.f32 v2, v29;
	v20 =	vmul.f32 v20, v55;
	v11 =	vadd.f32 v17, v11;
	v17 =	vld [tilespmem:$0x1FF30]  }
0x141: {  	v57 =	vmul.f32 v57, v55;
	v1 =	vadd.f32 v1, v24;
	[tilespmem:$0x16220] =	vst v12;
	v12 =	vadd.f32 v16, v14;
	v14 =	vld [tilespmem:$0x1FF50]  }
0x142: {  	v38 =	vmul.f32 v50, v55;
	[tilespmem:$0x16160] =	vst v2;
	v13 =	vadd.f32 v20, v13;
	v20 =	vld [tilespmem:$0x1FF20]  }
0x143: {  	v45 =	vadd.f32 v57, v45;
	v57 =	vld [tilespmem:$0x1FD90];
	[tilespmem:$0x16190] =	vst v1;
	v22 =	vmul.f32 v22, v55  }
0x144: {  	v61 =	vld [tilespmem:$0x1FDD0];
	v38 =	vadd.f32 v38, v43;
	v1 =	vmul.f32 v58, v4;
	[tilespmem:$0x16210] =	vst v13;
	v13 =	vmul.f32 v53, v4  }
0x145: {  	v2 =	vld [tilespmem:$0x1FE80];
	[tilespmem:$0x161D0] =	vst v18;
	v18 =	vmul.f32 v54, v4;
	v15 =	vadd.f32 v22, v15;
	v17 =	vmul.f32 v17, v55  }
0x146: {  	[tilespmem:$0x16070] =	vst v38;
	v1 =	vadd.f32 v1, v48;
	v9 =	vadd.f32 v13, v9;
	v13 =	vld [tilespmem:$0x1FFA0];
	v14 =	vmul.f32 v14, v55  }
0x147: {  	v20 =	vmul.f32 v20, v55;
	[tilespmem:$0x16200] =	vst v15;
	v15 =	vadd.f32 v18, v19;
	v18 =	vld [tilespmem:$0x1FF40];
	v0 =	vadd.f32 v17, v0  }
0x148: {  	v38 =	vmul.f32 v57, v55;
	[tilespmem:$0x16230] =	vst v11;
	v11 =	vld [tilespmem:$0x1FF60];
	v1 =	vadd.f32 v14, v1  }
0x149: {  	v10 =	vadd.f32 v20, v10;
	[tilespmem:$0x16250] =	vst v0;
	v0 =	vld [tilespmem:$0x1FF90]  }
0x14a: {  	v32 =	vadd.f32 v38, v32;
	v2 =	vmul.f32 v2, v55;
	[tilespmem:$0x16270] =	vst v1;
	v1 =	vld [tilespmem:$0x1FFB0]  }
0x14b: {  	[tilespmem:$0x16240] =	vst v10;
	v10 =	vld [tilespmem:$0x1FF80]  }
0x14c: {  	[tilespmem:$0x160B0] =	vst v32;
	v32 =	vmul.f32 v61, v55;
	v2 =	vadd.f32 v2, v30;
	v16 =	vld [tilespmem:$0x1FF70]  }
0x14d: {  	[tilespmem:$0x161B0] =	vst v5;
	v5 =	vmul.f32 v56, v4;
	v13 =	vmul.f32 v13, v55  }
0x14e: {  	[tilespmem:$0x161A0] =	vst v2;
	v2 =	vadd.f32 v62, v51;
	v18 =	vmul.f32 v18, v55;
	v11 =	vmul.f32 v11, v4  }
0x14f: {  	v0 =	vmul.f32 v0, v4;
	v1 =	vmul.f32 v1, v4;
	v4 =	vadd.f32 v13, v12  }
0x150: {  	[tilespmem:$0x16030] =	vst v45;
	v10 =	vmul.f32 v10, v55;
	v2 =	vadd.f32 v18, v2  }
0x151: {  	v32 =	vadd.f32 v32, v34;
	v5 =	vadd.f32 v5, v25;
	v16 =	vmul.f32 v16, v55;
	[tilespmem:$0x162A0] =	vst v4;
	v4 =	vld [tilespmem:$0x1FFC0]  }
0x152: {  	[tilespmem:$0x16260] =	vst v2;
	v2 =	vadd.f32 v11, v8;
	v8 =	vadd.f32 v10, v15;
	v11 =	vmul.f32 v60, v55  }
0x153: {  	s0 =	sshll.u32 s22, $0x1;
	[tilespmem:$0x160F0] =	vst v32;
	v10 =	vmul.f32 v59, v55;
	v5 =	vadd.f32 v16, v5  }
0x154: {  	s25 =	sadd.s32 s5, s0;
	[tilespmem:$0x16290] =	vst v8;
	v2 =	vadd.f32 v11, v2;
	v0 =	vadd.f32 v0, v7;
	v7 =	vmul.f32 v44, v55  }
0x155: {  	s7 =	sshrl.u32 s25, $0x3;
	[tilespmem:$0x16280] =	vst v5;
	v5 =	vadd.f32 v10, v9;
	v1 =	vadd.f32 v1, v6;
	v6 =	vmul.f32 v49, v55  }
0x156: {  	s23 =	sshll.u32 s22, $0x8;
	s24 =	smul.u32 $0x1800, s7;
	[tilespmem:$0x162C0] =	vst v2;
	v0 =	vadd.f32 v7, v0;
	v4 =	vmul.f32 v4, v55  }
0x157: {  	s26 =	sand.u32 $0x300, s23;
	[tilespmem:$0x162B0] =	vst v5;
	v1 =	vadd.f32 v6, v1  }
0x158: {  	s7 =	sor.u32 s26, s24;
	[tilespmem:$0x162D0] =	vst v0;
	v2 =	vadd.f32 v4, v3  }
0x159: {  	s7 =	sshrl.u32 s7, $0x3;
	[tilespmem:$0x162E0] =	vst v1  }
0x15a: {  	s7 =	sadd.s32 s4, s7;
	[tilespmem:$0x162F0] =	vst v2  }
0x15b: {  	[hbm4b:s7+s17] =	stream.strided.scatter [tilespmem:s19], [sflag:$0x3], $0x300, s18, s17, $0x38;
	[tilespmem:$0x16300] =	vst v63  }
0x15c: {  	p0 =	seq.s32 s22, $0x1F;
	_ =	swait.ge [sflag:s11], $0x300  }
0x15d: {  	s7 =	sshll.u32 @!p0 s22, $0x8;
	[sflag:s11] =	ssyncset.done $0x0  }
0x15e: {  	s7 =	sand.u32 @!p0 $0x3FFFFF00, s7;
	[sflag:s11] =	ssyncadd.s32 $0xFFFFFD00  }
0x15f: {  	v0 =	vld @!p0 [tilespmem:s7+$0x100];
	_ =	sdelay $0x4  }
0x160: {  	v1 =	vshrl.u32 @!p0 v0, $0x3  }
0x161: {  	v1 =	vmul.u32 @!p0 $0x30, v1  }
0x162: {  	v2 =	vlaneseq.u32 @!p0;
	v0 =	vand.u32 @!p0 $0x7, v0  }
0x163: {  	v3 =	vshrl.u32 @!p0 v2, $0x3;
	v0 =	vor.u32 @!p0 v0, v1;
	v1 =	vand.u32 @!p0 $0x7, v2  }
0x164: {  	v3 =	vmul.u32 @!p0 $0x8, v3;
	v4 =	vperm.xlane @!p0 v0, v1;
	_ =	sdelay $0x1  }
0x165: {  	v4 =	vadd.s32 @!p0 v3, v4;
	_ =	sdelay $0x2  }
0x166: {  	v2 =	vor.u32 @!p0 $0x8, v2  }
0x167: {  	vm1 =	vmmov @!p0 $0xffff;
	s21 =	simm.s32 @!p0 $0xA000;
	s10 =	simm.s32 @!p0 $0x0;
	v0 =	vperm.xlane @!p0 v0, v2  }
0x168: {  	[tilespmem:s21], [sflag:$0x1] =	stream.indirect_vreg.gather @!p0 [hbm4b:s2+s10], $0x80, v4, vm1, $0xb8;
	[tilespmem:$0x16300] =	vst v63  }
0x169: {  	v0 =	vadd.s32 @!p0 v3, v0;
	s21 =	simm.s32 @!p0 $0xA800  }
0x16a: {  	[tilespmem:s21], [sflag:$0x1] =	stream.indirect_vreg.gather @!p0 [hbm4b:s8+s10], $0x80, v4, vm1, $0xb8;
	[tilespmem:$0x16300] =	vst v63  }
0x16b: {  	s21 =	simm.s32 @!p0 $0xB000  }
0x16c: {  	[tilespmem:s21], [sflag:$0x1] =	stream.indirect_vreg.gather @!p0 [hbm4b:s9+s10], $0x80, v4, vm1, $0xb8;
	[tilespmem:$0x16300] =	vst v63  }
0x16d: {  	s21 =	simm.s32 @!p0 $0xB800  }
0x16e: {  	[tilespmem:s21], [sflag:$0x1] =	stream.indirect_vreg.gather @!p0 [hbm4b:s2+s10], $0x80, v0, vm1, $0xb8;
	[tilespmem:$0x16300] =	vst v63  }
0x16f: {  	s21 =	simm.s32 @!p0 $0xC000  }
0x170: {  	[tilespmem:s21], [sflag:$0x1] =	stream.indirect_vreg.gather @!p0 [hbm4b:s8+s10], $0x80, v0, vm1, $0xb8;
	[tilespmem:$0x16300] =	vst v63  }
0x171: {  	s21 =	simm.s32 @!p0 $0xC800  }
0x172: {  	[tilespmem:s21], [sflag:$0x1] =	stream.indirect_vreg.gather @!p0 [hbm4b:s9+s10], $0x80, v0, vm1, $0xb8;
	[tilespmem:$0x16300] =	vst v63  }
0x173: {  	v0 =	vld @!p0 [tilespmem:s7+$0x110];
	_ =	sdelay $0x4  }
0x174: {  	v4 =	vshrl.u32 @!p0 v0, $0x3  }
0x175: {  	v4 =	vmul.u32 @!p0 $0x30, v4  }
0x176: {  	v0 =	vand.u32 @!p0 $0x7, v0  }
0x177: {  	v0 =	vor.u32 @!p0 v0, v4  }
0x178: {  	v1 =	vperm.xlane @!p0 v0, v1;
	_ =	sdelay $0x1  }
0x179: {  	v1 =	vadd.s32 @!p0 v3, v1;
	_ =	sdelay $0x3  }
0x17a: {  	s7 =	simm.s32 @!p0 $0xD000;
	v0 =	vperm.xlane @!p0 v0, v2  }
0x17b: {  	[tilespmem:s7], [sflag:$0x1] =	stream.indirect_vreg.gather @!p0 [hbm4b:s2+s10], $0x80, v1, vm1, $0xb8;
	[tilespmem:$0x16300] =	vst v63  }
0x17c: {  	v0 =	vadd.s32 @!p0 v3, v0;
	s7 =	simm.s32 @!p0 $0xD800  }
0x17d: {  	[tilespmem:s7], [sflag:$0x1] =	stream.indirect_vreg.gather @!p0 [hbm4b:s8+s10], $0x80, v1, vm1, $0xb8;
	[tilespmem:$0x16300] =	vst v63  }
0x17e: {  	s7 =	simm.s32 @!p0 $0xE000  }
0x17f: {  	[tilespmem:s7], [sflag:$0x1] =	stream.indirect_vreg.gather @!p0 [hbm4b:s9+s10], $0x80, v1, vm1, $0xb8;
	[tilespmem:$0x16300] =	vst v63  }
0x180: {  	s7 =	simm.s32 @!p0 $0xE800  }
0x181: {  	[tilespmem:s7], [sflag:$0x1] =	stream.indirect_vreg.gather @!p0 [hbm4b:s2+s10], $0x80, v0, vm1, $0xb8;
	[tilespmem:$0x16300] =	vst v63  }
0x182: {  	s30 =	simm.s32 $0x0;
	s6 =	sor.u32 $0x1, s0;
	s7 =	simm.s32 @!p0 $0xF000  }
0x183: {  	[tilespmem:s7], [sflag:$0x1] =	stream.indirect_vreg.gather @!p0 [hbm4b:s8+s10], $0x80, v0, vm1, $0xb8;
	[tilespmem:$0x16300] =	vst v63  }
0x184: {  	s29 =	sshll.u32 s6, $0x9;
	s21 =	smul.u32 $0x6000, s30;
	s7 =	simm.s32 @!p0 $0xF800  }
0x185: {  	[tilespmem:s7], [sflag:$0x1] =	stream.indirect_vreg.gather @!p0 [hbm4b:s9+s10], $0x80, v0, vm1, $0xb8;
	[tilespmem:$0x16300] =	vst v63  }
0x186: {  	s7 =	sand.u32 $0x3FFFFE00, s29  }
0x187: {  	s21 =	sshra.s32 s21, $0x2;
	s7 =	sadd.s32 $0x2000, s7  }
0x188: {  	s10 =	simm.s32 $0x0;
	_ =	swait.ge [sflag:s20], $0x6000;
	[dreg:$0x4] =	wrdreg s7  }
0x189: {  	s25 =	sand.u32 $0x180, s10;
	s26 =	sand.u32 $0x70, s10;
	s7 =	rddreg [dreg:$0x4]  }
0x18a: {  	s31 =	sand.u32 $0x380, s10;
	[sflag:s20] =	ssyncset.done $0x0;
	s7 =	sadd.s32 s25, s7  }
0x18b: {  	[sflag:s20] =	ssyncadd.s32 $0xFFFFA000;
	s26 =	sadd.s32 s26, s7;
	s7 =	sor.u32 s31, s21  }
0x18c: {  	v3 =	vld [tilespmem:s26+$0x0];
	s21 =	sadd.s32 $0x11400, s7  }
0x18d: {  	s25 =	sadd.s32 $0x10000, s7;
	v0 =	vld [tilespmem:s21+$0x70]  }
0x18e: {  	v1 =	vld [tilespmem:s25+$0x10]  }
0x18f: {  	v2 =	vld [tilespmem:s25+$0x20]  }
0x190: {  	v6 =	vld [tilespmem:s25+$0x30]  }
0x191: {  	v7 =	vld [tilespmem:s25+$0x40]  }
0x192: {  	v8 =	vld [tilespmem:s25+$0x50]  }
0x193: {  	v9 =	vld [tilespmem:s25+$0x60]  }
0x194: {  	s0 =	sadd.s32 $0x10400, s7;
	v10 =	vld [tilespmem:s25+$0x70]  }
0x195: {  	v11 =	vld [tilespmem:s0+$0x10]  }
0x196: {  	v12 =	vld [tilespmem:s0+$0x20]  }
0x197: {  	v13 =	vld [tilespmem:s0+$0x30]  }
0x198: {  	v14 =	vld [tilespmem:s0+$0x40]  }
0x199: {  	v15 =	vld [tilespmem:s0+$0x50]  }
0x19a: {  	v16 =	vld [tilespmem:s0+$0x60]  }
0x19b: {  	v17 =	vld [tilespmem:s0+$0x70]  }
0x19c: {  	s29 =	sadd.s32 $0x10800, s7;
	v63 =	vld [tilespmem:s21+$0x30]  }
0x19d: {  	v50 =	vimm.f32 $0.0e+00;
	v47 =	vimm.f32 $0.0e+00;
	v32 =	vimm.f32 $0.0e+00;
	v18 =	vld [tilespmem:s29+$0x10]  }
0x19e: {  	v51 =	vimm.f32 $0.0e+00;
	v48 =	vimm.f32 $0.0e+00;
	v19 =	vld [tilespmem:s29+$0x20];
	v0 =	vmul.f32 v0, v3  }
0x19f: {  	v5 =	vimm.f32 $0.0e+00;
	v49 =	vimm.f32 $0.0e+00;
	v20 =	vld [tilespmem:s29+$0x30];
	v1 =	vmul.f32 v1, v3  }
0x1a0: {  	v21 =	vld [tilespmem:s29+$0x40];
	v2 =	vmul.f32 v2, v3;
	v4 =	vadd.f32 v0, v5;
	v0 =	vmul.f32 v6, v3  }
0x1a1: {  	v55 =	vmul.f32 v63, v3;
	v6 =	vld [tilespmem:s29+$0x50];
	v43 =	vadd.f32 v1, v5;
	v1 =	vmul.f32 v7, v3  }
0x1a2: {  	v7 =	vmul.f32 v8, v3;
	v8 =	vld [tilespmem:s29+$0x60];
	v44 =	vadd.f32 v0, v5;
	v0 =	vmul.f32 v9, v3  }
0x1a3: {  	s30 =	sadd.s32 $0x10C00, s7;
	v46 =	vadd.f32 v2, v5;
	v2 =	vld [tilespmem:s29+$0x70];
	v45 =	vadd.f32 v1, v5;
	v1 =	vmul.f32 v10, v3  }
0x1a4: {  	v41 =	vadd.f32 v7, v5;
	v7 =	vld [tilespmem:s30+$0x10];
	v40 =	vadd.f32 v0, v5;
	v0 =	vmul.f32 v11, v3  }
0x1a5: {  	v9 =	vmul.f32 v12, v3;
	v10 =	vld [tilespmem:s30+$0x20];
	v42 =	vadd.f32 v1, v5;
	v1 =	vmul.f32 v13, v3  }
0x1a6: {  	v12 =	vld [tilespmem:s30+$0x30];
	v11 =	vmul.f32 v14, v3;
	v39 =	vadd.f32 v0, v5;
	v0 =	vmul.f32 v15, v3  }
0x1a7: {  	v37 =	vadd.f32 v9, v5;
	v9 =	vld [tilespmem:s30+$0x40];
	v38 =	vadd.f32 v1, v5;
	v1 =	vmul.f32 v16, v3  }
0x1a8: {  	v13 =	vmul.f32 v18, v3;
	v14 =	vld [tilespmem:s30+$0x60];
	v33 =	vadd.f32 v0, v5;
	v0 =	vmul.f32 v17, v3  }
0x1a9: {  	v34 =	vadd.f32 v11, v5;
	v11 =	vld [tilespmem:s30+$0x50];
	v35 =	vadd.f32 v1, v5;
	v1 =	vmul.f32 v19, v3  }
0x1aa: {  	s31 =	sadd.s32 $0x11000, s7;
	v2 =	vmul.f32 v2, v3;
	v16 =	vld [tilespmem:s30+$0x70];
	v36 =	vadd.f32 v0, v5;
	v0 =	vmul.f32 v21, v3  }
0x1ab: {  	v30 =	vadd.f32 v13, v5;
	v13 =	vld [tilespmem:s31+$0x10];
	v31 =	vadd.f32 v1, v5;
	v1 =	vmul.f32 v6, v3  }
0x1ac: {  	v25 =	vadd.f32 v2, v5;
	v2 =	vld [tilespmem:s31+$0x50];
	v27 =	vadd.f32 v0, v5;
	v0 =	vmul.f32 v8, v3  }
0x1ad: {  	v15 =	vmul.f32 v20, v3;
	v6 =	vld [tilespmem:s31+$0x20];
	v28 =	vadd.f32 v1, v5;
	v1 =	vmul.f32 v7, v3  }
0x1ae: {  	v8 =	vld [tilespmem:s31+$0x30];
	v7 =	vmul.f32 v10, v3;
	v29 =	vadd.f32 v0, v5;
	v0 =	vmul.f32 v12, v3  }
0x1af: {  	v26 =	vadd.f32 v15, v5;
	v10 =	vld [tilespmem:s31+$0x40];
	v24 =	vadd.f32 v1, v5;
	v1 =	vmul.f32 v9, v3  }
0x1b0: {  	v20 =	vadd.f32 v7, v5;
	v7 =	vld [tilespmem:s31+$0x60];
	v21 =	vadd.f32 v0, v5;
	v0 =	vmul.f32 v11, v3  }
0x1b1: {  	v9 =	vmul.f32 v14, v3;
	v11 =	vld [tilespmem:s31+$0x70];
	v22 =	vadd.f32 v1, v5;
	v1 =	vmul.f32 v16, v3  }
0x1b2: {  	v12 =	vmul.f32 v13, v3;
	v13 =	vld [tilespmem:s21+$0x10];
	v23 =	vadd.f32 v0, v5;
	v0 =	vmul.f32 v6, v3  }
0x1b3: {  	v19 =	vadd.f32 v9, v5;
	v6 =	vld [tilespmem:s21+$0x20];
	v18 =	vadd.f32 v1, v5;
	v1 =	vmul.f32 v8, v3  }
0x1b4: {  	v2 =	vmul.f32 v2, v3;
	v16 =	vadd.f32 v12, v5;
	v17 =	vadd.f32 v0, v5  }
0x1b5: {  	v62 =	vld [tilespmem:s7+$0x10400];
	v0 =	vmul.f32 v10, v3;
	v15 =	vadd.f32 v1, v5;
	v1 =	vmul.f32 v7, v3  }
0x1b6: {  	v54 =	vld [tilespmem:s21+$0x40];
	v12 =	vadd.f32 v2, v5;
	v10 =	vimm.f32 $0.0e+00;
	v7 =	vmul.f32 v11, v3  }
0x1b7: {  	v53 =	vld [tilespmem:s21+$0x50];
	v14 =	vadd.f32 v0, v5;
	v0 =	vmul.f32 v13, v3;
	v11 =	vadd.f32 v1, v5  }
0x1b8: {  	s28 =	simm.s32 $0x0;
	v52 =	vld [tilespmem:s21+$0x60];
	v13 =	vimm.f32 $0.0e+00;
	v9 =	vadd.f32 v7, v5;
	v56 =	vmul.f32 v6, v3  }
0x1b9: {  	s26 =	rddreg [dreg:$0x4];
	s25 =	simm.s32 $0x2;
	v63 =	vld [tilespmem:s7+$0x10000];
	s21 =	simm.s32 $0x0;
	v7 =	vimm.f32 $0.0e+00;
	v6 =	vimm.f32 $0.0e+00;
	v8 =	vadd.f32 v0, v5  }
.LBB2_5:
0x1ba: {  	s28 =	smul.u32 $0x6000, s28;
	v0 =	vld [tilespmem:s7+$0x10800];
	s10 =	sadd.s32 $0x10, s10  }
0x1bb: {  	v2 =	vld [tilespmem:s7+$0x10C00];
	s21 =	sadd.s32 $0x80, s21;
	s29 =	sand.u32 $0x180, s10;
	s30 =	sand.u32 $0x70, s10  }
0x1bc: {  	v13 =	vadd.f32 v55, v13;
	s31 =	sand.u32 $0x380, s21;
	v55 =	vld [tilespmem:s7+$0x11400];
	s26 =	sadd.s32 s29, s26;
	s28 =	sshra.s32 s28, $0x2;
	v1 =	vmul.f32 v54, v3;
	v53 =	vmul.f32 v53, v3  }
0x1bd: {  	s26 =	sadd.s32 s30, s26;
	v54 =	vld [tilespmem:s7+$0x11000];
	s7 =	sor.u32 s31, s28  }
0x1be: {  	s0 =	sadd.s32 $0x10000, s7;
	v10 =	vadd.f32 v1, v10;
	v1 =	vmul.f32 v52, v3;
	v7 =	vadd.f32 v53, v7;
	v53 =	vld [tilespmem:s26+$0x0]  }
0x1bf: {  	v61 =	vmul.f32 v63, v3;
	s26 =	sadd.s32 $0x11400, s7;
	v60 =	vld [tilespmem:s0+$0x10]  }
0x1c0: {  	v0 =	vmul.f32 v0, v3;
	v6 =	vadd.f32 v1, v6;
	v1 =	vld [tilespmem:s26+$0x70]  }
0x1c1: {  	v63 =	vmul.f32 v62, v3;
	v2 =	vmul.f32 v2, v3;
	v51 =	vadd.f32 v61, v51;
	v61 =	vld [tilespmem:s0+$0x20]  }
0x1c2: {  	v62 =	vld [tilespmem:s0+$0x30];
	v49 =	vadd.f32 v0, v49;
	v0 =	vmul.f32 v54, v3  }
0x1c3: {  	v50 =	vadd.f32 v63, v50;
	v63 =	vld [tilespmem:s0+$0x40];
	v48 =	vadd.f32 v2, v48;
	v2 =	vmul.f32 v55, v3  }
0x1c4: {  	v47 =	vadd.f32 v0, v47;
	v3 =	vmov v53;
	v0 =	vld [tilespmem:s0+$0x50]  }
0x1c5: {  	v32 =	vadd.f32 v2, v32;
	v2 =	vmul.f32 v60, v3;
	v60 =	vld [tilespmem:s0+$0x60];
	v1 =	vmul.f32 v1, v3  }
0x1c6: {  	s31 =	sadd.s32 $0x10400, s7;
	v53 =	vmul.f32 v61, v3;
	v61 =	vld [tilespmem:s0+$0x70]  }
0x1c7: {  	v43 =	vadd.f32 v2, v43;
	v2 =	vld [tilespmem:s31+$0x10];
	v4 =	vadd.f32 v1, v4;
	v1 =	vmul.f32 v62, v3  }
0x1c8: {  	v62 =	vmul.f32 v63, v3;
	v63 =	vld [tilespmem:s31+$0x20]  }
0x1c9: {  	v0 =	vmul.f32 v0, v3;
	v44 =	vadd.f32 v1, v44;
	v1 =	vld [tilespmem:s31+$0x30]  }
0x1ca: {  	v57 =	vld [tilespmem:s31+$0x40]  }
0x1cb: {  	v58 =	vld [tilespmem:s31+$0x50];
	v41 =	vadd.f32 v0, v41;
	v0 =	vmul.f32 v61, v3  }
0x1cc: {  	v59 =	vld [tilespmem:s31+$0x60];
	v2 =	vmul.f32 v2, v3  }
0x1cd: {  	s30 =	sadd.s32 $0x10800, s7;
	v52 =	vmul.f32 v60, v3;
	v60 =	vld [tilespmem:s31+$0x70];
	v42 =	vadd.f32 v0, v42;
	v0 =	vmul.f32 v63, v3  }
0x1ce: {  	v39 =	vadd.f32 v2, v39;
	v2 =	vld [tilespmem:s30+$0x10];
	v1 =	vmul.f32 v1, v3  }
0x1cf: {  	v61 =	vld [tilespmem:s30+$0x20];
	v37 =	vadd.f32 v0, v37;
	v0 =	vmul.f32 v57, v3  }
0x1d0: {  	v45 =	vadd.f32 v62, v45;
	v62 =	vld [tilespmem:s30+$0x30];
	v38 =	vadd.f32 v1, v38;
	v1 =	vmul.f32 v58, v3  }
0x1d1: {  	v63 =	vld [tilespmem:s30+$0x40];
	v34 =	vadd.f32 v0, v34;
	v0 =	vmul.f32 v59, v3  }
0x1d2: {  	v57 =	vld [tilespmem:s30+$0x50];
	v33 =	vadd.f32 v1, v33;
	v1 =	vmul.f32 v60, v3  }
0x1d3: {  	v35 =	vadd.f32 v0, v35;
	v0 =	vmul.f32 v2, v3;
	v2 =	vld [tilespmem:s30+$0x60]  }
0x1d4: {  	s29 =	sadd.s32 $0x10C00, s7;
	v58 =	vld [tilespmem:s30+$0x70];
	v36 =	vadd.f32 v1, v36;
	v1 =	vmul.f32 v61, v3  }
0x1d5: {  	v59 =	vld [tilespmem:s29+$0x10];
	v30 =	vadd.f32 v0, v30;
	v0 =	vmul.f32 v62, v3  }
0x1d6: {  	v60 =	vld [tilespmem:s29+$0x20];
	v31 =	vadd.f32 v1, v31;
	v1 =	vmul.f32 v63, v3  }
0x1d7: {  	v61 =	vld [tilespmem:s29+$0x30];
	v26 =	vadd.f32 v0, v26;
	v0 =	vmul.f32 v57, v3  }
0x1d8: {  	v27 =	vadd.f32 v1, v27;
	v1 =	vmul.f32 v2, v3;
	v2 =	vld [tilespmem:s29+$0x40]  }
0x1d9: {  	v62 =	vld [tilespmem:s29+$0x50];
	v28 =	vadd.f32 v0, v28;
	v0 =	vmul.f32 v58, v3  }
0x1da: {  	v63 =	vld [tilespmem:s29+$0x60];
	v29 =	vadd.f32 v1, v29;
	v1 =	vmul.f32 v59, v3  }
0x1db: {  	s28 =	sadd.s32 $0x11000, s7;
	v57 =	vld [tilespmem:s29+$0x70];
	v25 =	vadd.f32 v0, v25;
	v0 =	vmul.f32 v60, v3  }
0x1dc: {  	v58 =	vld [tilespmem:s28+$0x10];
	v24 =	vadd.f32 v1, v24;
	v1 =	vmul.f32 v61, v3  }
0x1dd: {  	v20 =	vadd.f32 v0, v20;
	v0 =	vmul.f32 v2, v3;
	v2 =	vld [tilespmem:s28+$0x20]  }
0x1de: {  	v59 =	vld [tilespmem:s28+$0x30];
	v21 =	vadd.f32 v1, v21;
	v1 =	vmul.f32 v62, v3  }
0x1df: {  	v60 =	vld [tilespmem:s28+$0x40];
	v22 =	vadd.f32 v0, v22;
	v0 =	vmul.f32 v63, v3  }
0x1e0: {  	v61 =	vld [tilespmem:s28+$0x50];
	v23 =	vadd.f32 v1, v23;
	v1 =	vmul.f32 v57, v3  }
0x1e1: {  	v62 =	vld [tilespmem:s28+$0x60];
	v19 =	vadd.f32 v0, v19;
	v0 =	vmul.f32 v58, v3  }
0x1e2: {  	v63 =	vld [tilespmem:s26+$0x10];
	v18 =	vadd.f32 v1, v18;
	v1 =	vmul.f32 v2, v3  }
0x1e3: {  	v2 =	vld [tilespmem:s28+$0x70];
	v16 =	vadd.f32 v0, v16;
	v0 =	vmul.f32 v59, v3  }
0x1e4: {  	v55 =	vld [tilespmem:s26+$0x20];
	v17 =	vadd.f32 v1, v17;
	v1 =	vmul.f32 v60, v3  }
0x1e5: {  	p1 =	sne.s32 s25, $0x1F;
	v57 =	vld [tilespmem:s26+$0x30];
	v15 =	vadd.f32 v0, v15;
	v0 =	vmul.f32 v61, v3  }
.Ltmp3:
0x1e6: {  	v54 =	vld [tilespmem:s26+$0x40];
	v46 =	vadd.f32 v53, v46;
	v14 =	vadd.f32 v1, v14;
	v1 =	vmul.f32 v62, v3;
	(pc) =	sbr.rel @p1 .LBB2_5-.Ltmp3, $4  }
0x1e7: {  	v53 =	vld [tilespmem:s26+$0x50];
	v40 =	vadd.f32 v52, v40;
	v12 =	vadd.f32 v0, v12  }
0x1e8: {  	v52 =	vld [tilespmem:s26+$0x60];
	v0 =	vmul.f32 v2, v3;
	v11 =	vadd.f32 v1, v11;
	v1 =	vmul.f32 v63, v3  }
0x1e9: {  	v5 =	vadd.f32 v56, v5;
	v56 =	vmul.f32 v55, v3;
	v62 =	vld [tilespmem:s7+$0x10400]  }
0x1ea: {  	s26 =	rddreg [dreg:$0x4];
	s28 =	sshrl.u32 s25, $0x3;
	s25 =	sadd.s32 $0x1, s25;
	v55 =	vmul.f32 v57, v3;
	v63 =	vld [tilespmem:s7+$0x10000];
	v9 =	vadd.f32 v0, v9;
	v8 =	vadd.f32 v1, v8  }
0x1eb: {  	s0 =	smul.u32 $0x6000, s28  }
0x1ec: {  	s21 =	sadd.s32 $0x80, s21  }
0x1ed: {  	s10 =	sadd.s32 $0x10, s10;
	s21 =	sand.u32 $0x380, s21;
	s0 =	sshra.s32 s0, $0x2  }
0x1ee: {  	s25 =	sand.u32 $0x180, s10;
	s31 =	sor.u32 s21, s0  }
0x1ef: {  	s25 =	sadd.s32 s25, s26;
	s26 =	sadd.s32 $0x10000, s31  }
0x1f0: {  	v61 =	vld [tilespmem:s26+$0x50];
	_ =	sdelay $0x4  }
0x1f1: {  	[tilespmem:$0x1FA80] =	vst v61;
	v61 =	vld [tilespmem:s26+$0x60];
	_ =	sdelay $0x4  }
0x1f2: {  	[tilespmem:$0x1FA90] =	vst v61;
	v61 =	vld [tilespmem:s26+$0x70];
	_ =	sdelay $0x3  }
0x1f3: {  	s21 =	sadd.s32 $0x10400, s31  }
0x1f4: {  	[tilespmem:$0x1FAA0] =	vst v61;
	v61 =	vld [tilespmem:s21+$0x10];
	_ =	sdelay $0x4  }
0x1f5: {  	[tilespmem:$0x1FAB0] =	vst v61;
	v61 =	vld [tilespmem:s21+$0x20];
	_ =	sdelay $0x4  }
0x1f6: {  	[tilespmem:$0x1FAC0] =	vst v61;
	v61 =	vld [tilespmem:s21+$0x30];
	_ =	sdelay $0x4  }
0x1f7: {  	[tilespmem:$0x1FAD0] =	vst v61;
	v61 =	vld [tilespmem:s21+$0x40];
	_ =	sdelay $0x4  }
0x1f8: {  	[tilespmem:$0x1FAE0] =	vst v61;
	v61 =	vld [tilespmem:s21+$0x50];
	_ =	sdelay $0x4  }
0x1f9: {  	[tilespmem:$0x1FAF0] =	vst v61;
	v61 =	vld [tilespmem:s21+$0x60];
	_ =	sdelay $0x4  }
0x1fa: {  	[tilespmem:$0x1FB10] =	vst v61;
	v61 =	vld [tilespmem:s21+$0x70];
	_ =	sdelay $0x3  }
0x1fb: {  	s28 =	sadd.s32 $0x10800, s31  }
0x1fc: {  	[tilespmem:$0x1FB20] =	vst v61;
	v61 =	vld [tilespmem:s28+$0x10];
	_ =	sdelay $0x4  }
0x1fd: {  	[tilespmem:$0x1FB30] =	vst v61;
	v61 =	vld [tilespmem:s28+$0x20];
	_ =	sdelay $0x4  }
0x1fe: {  	[tilespmem:$0x1FB40] =	vst v61;
	v61 =	vld [tilespmem:s28+$0x30];
	_ =	sdelay $0x4  }
0x1ff: {  	[tilespmem:$0x1FB50] =	vst v61;
	v61 =	vld [tilespmem:s28+$0x40];
	_ =	sdelay $0x4  }
0x200: {  	[tilespmem:$0x1FB60] =	vst v61;
	v61 =	vld [tilespmem:s28+$0x50];
	_ =	sdelay $0x4  }
0x201: {  	[tilespmem:$0x1FB70] =	vst v61;
	v61 =	vld [tilespmem:s28+$0x60];
	_ =	sdelay $0x4  }
0x202: {  	[tilespmem:$0x1FB90] =	vst v61;
	v61 =	vld [tilespmem:s28+$0x70];
	_ =	sdelay $0x3  }
0x203: {  	s29 =	sadd.s32 $0x10C00, s31  }
0x204: {  	[tilespmem:$0x1FBA0] =	vst v61;
	v61 =	vld [tilespmem:s29+$0x10];
	_ =	sdelay $0x4  }
0x205: {  	[tilespmem:$0x1FBC0] =	vst v61;
	v61 =	vld [tilespmem:s29+$0x20];
	_ =	sdelay $0x4  }
0x206: {  	[tilespmem:$0x1FBD0] =	vst v61;
	v61 =	vld [tilespmem:s29+$0x30];
	_ =	sdelay $0x4  }
0x207: {  	[tilespmem:$0x1FBE0] =	vst v61;
	v61 =	vld [tilespmem:s29+$0x40];
	_ =	sdelay $0x4  }
0x208: {  	[tilespmem:$0x1FBF0] =	vst v61;
	v61 =	vld [tilespmem:s29+$0x50];
	_ =	sdelay $0x4  }
0x209: {  	[tilespmem:$0x1FC00] =	vst v61;
	v61 =	vld [tilespmem:s29+$0x60];
	_ =	sdelay $0x4  }
0x20a: {  	[tilespmem:$0x1FC20] =	vst v61;
	v61 =	vld [tilespmem:s29+$0x70];
	_ =	sdelay $0x3  }
0x20b: {  	s30 =	sadd.s32 $0x11000, s31  }
0x20c: {  	[tilespmem:$0x1FC30] =	vst v61;
	v61 =	vld [tilespmem:s30+$0x10];
	_ =	sdelay $0x4  }
0x20d: {  	[tilespmem:$0x1FC40] =	vst v61;
	v61 =	vld [tilespmem:s30+$0x20];
	_ =	sdelay $0x4  }
0x20e: {  	[tilespmem:$0x1FC50] =	vst v61;
	v61 =	vld [tilespmem:s30+$0x30];
	_ =	sdelay $0x4  }
0x20f: {  	[tilespmem:$0x1FC60] =	vst v61;
	v61 =	vld [tilespmem:s30+$0x40];
	_ =	sdelay $0x4  }
0x210: {  	[tilespmem:$0x1FC70] =	vst v61;
	v61 =	vld [tilespmem:s30+$0x50];
	_ =	sdelay $0x4  }
0x211: {  	[tilespmem:$0x1FC80] =	vst v61;
	v61 =	vld [tilespmem:s30+$0x60];
	_ =	sdelay $0x4  }
0x212: {  	[tilespmem:$0x1FCA0] =	vst v61;
	v61 =	vld [tilespmem:s30+$0x70];
	_ =	sdelay $0x3  }
0x213: {  	s0 =	sadd.s32 $0x11400, s31  }
0x214: {  	[tilespmem:$0x1FCB0] =	vst v61;
	v61 =	vld [tilespmem:s0+$0x10];
	_ =	sdelay $0x4  }
0x215: {  	[tilespmem:$0x1FCC0] =	vst v61;
	v61 =	vld [tilespmem:s0+$0x20];
	_ =	sdelay $0x4  }
0x216: {  	[tilespmem:$0x1FCD0] =	vst v61;
	v61 =	vld [tilespmem:s0+$0x30]  }
0x217: {  	v57 =	vld [tilespmem:s7+$0x10C00]  }
0x218: {  	v0 =	vld [tilespmem:s7+$0x10800]  }
0x219: {  	v58 =	vld [tilespmem:s7+$0x11000]  }
0x21a: {  	v59 =	vld [tilespmem:s7+$0x11400];
	s10 =	sand.u32 $0x70, s10  }
0x21b: {  	s25 =	sadd.s32 s10, s25;
	[tilespmem:$0x1FCE0] =	vst v61;
	v61 =	vld [tilespmem:s0+$0x50]  }
0x21c: {  	[tilespmem:$0x1FB80] =	vst v57;
	v57 =	vld [tilespmem:s25+$0x0]  }
0x21d: {  	v60 =	vld [tilespmem:s0+$0x70]  }
0x21e: {  	v2 =	vld [tilespmem:s26+$0x10]  }
0x21f: {  	[tilespmem:$0x1FB00] =	vst v0;
	v0 =	vld [tilespmem:s31+$0x10000]  }
0x220: {  	[tilespmem:$0x1FD00] =	vst v61;
	v61 =	vld [tilespmem:s0+$0x60]  }
0x221: {  	[tilespmem:$0x1FC10] =	vst v58;
	v58 =	vld [tilespmem:s26+$0x20]  }
0x222: {  	v1 =	vld [tilespmem:s0+$0x40]  }
0x223: {  	v63 =	vmul.f32 v63, v3;
	[tilespmem:$0x1FC90] =	vst v59;
	v59 =	vld [tilespmem:s26+$0x30]  }
0x224: {  	[tilespmem:$0x1FD20] =	vst v60;
	v60 =	vld [tilespmem:s26+$0x40]  }
0x225: {  	v51 =	vadd.f32 v63, v51;
	v0 =	vmul.f32 v0, v57;
	[tilespmem:$0x1FD10] =	vst v61;
	v61 =	vld [tilespmem:s31+$0x10C00]  }
0x226: {  	v63 =	vld [tilespmem:s31+$0x10800]  }
0x227: {  	[tilespmem:$0x1FCF0] =	vst v1;
	v1 =	vld [tilespmem:s31+$0x10400];
	v0 =	vadd.f32 v0, v51;
	v51 =	vmul.f32 v58, v57  }
0x228: {  	v58 =	vld [tilespmem:s31+$0x11000]  }
0x229: {  	v46 =	vadd.f32 v51, v46;
	v51 =	vmul.f32 v60, v57;
	v60 =	vld [tilespmem:$0x1FA80]  }
0x22a: {  	v2 =	vmul.f32 v2, v57;
	[tilespmem:$0x1FBB0] =	vst v61;
	v61 =	vmul.f32 v59, v57;
	v59 =	vld [tilespmem:s31+$0x11400]  }
0x22b: {  	[tilespmem:$0x16000] =	vst v0;
	v0 =	vadd.f32 v51, v45;
	v51 =	vld [tilespmem:$0x1FAA0]  }
0x22c: {  	v2 =	vadd.f32 v2, v43;
	v43 =	vadd.f32 v61, v44;
	v61 =	vmul.f32 v62, v3;
	v62 =	vld [tilespmem:$0x1FA90];
	_ =	sdelay $0x1  }
0x22d: {  	[tilespmem:$0x16010] =	vst v2;
	v2 =	vmul.f32 v60, v57  }
0x22e: {  	[tilespmem:$0x16020] =	vst v46;
	v46 =	vld [tilespmem:$0x1FAE0]  }
0x22f: {  	v2 =	vadd.f32 v2, v41;
	v44 =	vld [tilespmem:$0x1FAC0];
	v41 =	vmul.f32 v51, v57  }
0x230: {  	v60 =	vadd.f32 v61, v50;
	v61 =	vmul.f32 v1, v57;
	v51 =	vld [tilespmem:$0x1FB00];
	v45 =	vmul.f32 v62, v57  }
0x231: {  	v62 =	vadd.f32 v41, v42;
	v42 =	vld [tilespmem:$0x1FAB0]  }
0x232: {  	[tilespmem:$0x16040] =	vst v0;
	v0 =	vadd.f32 v61, v60;
	v40 =	vadd.f32 v45, v40;
	v45 =	vld [tilespmem:$0x1FAD0]  }
0x233: {  	v50 =	vld [tilespmem:$0x1FAF0]  }
0x234: {  	v60 =	vld [tilespmem:$0x1FB10];
	[tilespmem:$0x16080] =	vst v0;
	v0 =	vmul.f32 v46, v57  }
0x235: {  	v61 =	vld [tilespmem:$0x1FB20]  }
0x236: {  	[tilespmem:$0x16050] =	vst v2;
	v41 =	vld [tilespmem:$0x1FB40];
	v0 =	vadd.f32 v0, v34;
	v34 =	vmul.f32 v51, v3;
	v2 =	vmul.f32 v42, v57  }
0x237: {  	v46 =	vld [tilespmem:$0x1FB80];
	[tilespmem:$0x16060] =	vst v40;
	v40 =	vmul.f32 v44, v57;
	v1 =	vmul.f32 v45, v57  }
0x238: {  	[tilespmem:$0x16070] =	vst v62;
	v44 =	vld [tilespmem:$0x1FB60];
	v62 =	vadd.f32 v34, v49;
	v2 =	vadd.f32 v2, v39  }
0x239: {  	[tilespmem:$0x160C0] =	vst v0;
	v37 =	vadd.f32 v40, v37;
	v40 =	vld [tilespmem:$0x1FB30];
	v39 =	vmul.f32 v63, v57;
	v1 =	vadd.f32 v1, v38  }
0x23a: {  	v42 =	vld [tilespmem:$0x1FB50];
	[tilespmem:$0x16090] =	vst v2;
	v2 =	vmul.f32 v50, v57  }
0x23b: {  	v51 =	vld [tilespmem:$0x1FBB0];
	v0 =	vadd.f32 v39, v62;
	[tilespmem:$0x160B0] =	vst v1;
	v1 =	vmul.f32 v61, v57  }
0x23c: {  	v49 =	vld [tilespmem:$0x1FB90];
	[tilespmem:$0x160A0] =	vst v37;
	v2 =	vadd.f32 v2, v33  }
0x23d: {  	v45 =	vld [tilespmem:$0x1FB70];
	v37 =	vmul.f32 v60, v57;
	[tilespmem:$0x16100] =	vst v0;
	v1 =	vadd.f32 v1, v36  }
0x23e: {  	v50 =	vld [tilespmem:$0x1FBA0];
	[tilespmem:$0x160D0] =	vst v2;
	v2 =	vmul.f32 v40, v57  }
0x23f: {  	v60 =	vld [tilespmem:$0x1FBC0];
	v38 =	vadd.f32 v37, v35;
	v0 =	vmul.f32 v44, v57;
	[tilespmem:$0x160F0] =	vst v1;
	v1 =	vmul.f32 v42, v57  }
0x240: {  	[tilespmem:$0x16030] =	vst v43;
	v61 =	vld [tilespmem:$0x1FBD0];
	v2 =	vadd.f32 v2, v30  }
0x241: {  	v62 =	vld [tilespmem:$0x1FBE0];
	[tilespmem:$0x160E0] =	vst v38;
	v0 =	vadd.f32 v0, v27;
	v27 =	vmul.f32 v49, v57;
	v1 =	vadd.f32 v1, v26  }
0x242: {  	v37 =	vld [tilespmem:$0x1FC50];
	v33 =	vmul.f32 v41, v57;
	[tilespmem:$0x16110] =	vst v2;
	v2 =	vmul.f32 v45, v57  }
0x243: {  	v44 =	vld [tilespmem:$0x1FC90];
	v27 =	vadd.f32 v27, v29;
	v26 =	vmul.f32 v46, v3;
	[tilespmem:$0x16130] =	vst v1;
	v1 =	vmul.f32 v50, v57  }
0x244: {  	v43 =	vadd.f32 v33, v31;
	v40 =	vld [tilespmem:$0x1FC70];
	[tilespmem:$0x16140] =	vst v0;
	v0 =	vmul.f32 v51, v57;
	v2 =	vadd.f32 v2, v28  }
0x245: {  	[tilespmem:$0x16160] =	vst v27;
	v27 =	vld [tilespmem:$0x1FC00];
	v26 =	vadd.f32 v26, v48;
	v1 =	vadd.f32 v1, v25;
	v25 =	vmul.f32 v61, v57  }
0x246: {  	v13 =	vadd.f32 v55, v13;
	v28 =	vld [tilespmem:$0x1FC10];
	[tilespmem:$0x16150] =	vst v2;
	v2 =	vmul.f32 v60, v57  }
0x247: {  	[tilespmem:$0x16120] =	vst v43;
	v0 =	vadd.f32 v0, v26;
	v63 =	vadd.f32 v25, v20;
	v25 =	vld [tilespmem:$0x1FBF0]  }
0x248: {  	v35 =	vmul.f32 v58, v57;
	v31 =	vld [tilespmem:$0x1FC30];
	v2 =	vadd.f32 v2, v24;
	v24 =	vmul.f32 v62, v57;
	[tilespmem:$0x16170] =	vst v1  }
0x249: {  	v41 =	vadd.f32 v56, v5;
	v56 =	vmul.f32 v52, v3;
	v36 =	vld [tilespmem:$0x1FC40];
	[tilespmem:$0x16180] =	vst v0;
	v1 =	vmul.f32 v37, v57  }
0x24a: {  	v49 =	vmul.f32 v59, v57;
	v62 =	vld [tilespmem:$0x1FD10];
	v26 =	vadd.f32 v24, v21;
	v21 =	vmul.f32 v27, v57;
	[tilespmem:$0x16190] =	vst v2  }
0x24b: {  	v29 =	vld [tilespmem:$0x1FC20];
	v51 =	vmul.f32 v53, v3;
	[tilespmem:$0x161A0] =	vst v63;
	v1 =	vadd.f32 v1, v17;
	v17 =	vmul.f32 v40, v57  }
0x24c: {  	v50 =	vld [tilespmem:$0x1FCC0];
	v2 =	vmul.f32 v28, v3;
	v30 =	vadd.f32 v21, v23;
	[tilespmem:$0x161B0] =	vst v26;
	v20 =	vmul.f32 v25, v57  }
0x24d: {  	v39 =	vld [tilespmem:$0x1FC60];
	v46 =	vmul.f32 v54, v3;
	v21 =	vmul.f32 v31, v57;
	v14 =	vadd.f32 v17, v14;
	[tilespmem:$0x16220] =	vst v1  }
0x24e: {  	v55 =	vld [tilespmem:$0x1FCE0];
	v33 =	vadd.f32 v2, v47;
	v2 =	vmul.f32 v44, v3;
	[tilespmem:$0x161D0] =	vst v30;
	v20 =	vadd.f32 v20, v22  }
0x24f: {  	v43 =	vld [tilespmem:$0x1FC80];
	v3 =	vadd.f32 v56, v6;
	v5 =	vmul.f32 v62, v57;
	v18 =	vadd.f32 v21, v18;
	[tilespmem:$0x16240] =	vst v14  }
0x250: {  	v61 =	vld [tilespmem:$0x1FD00];
	v0 =	vadd.f32 v35, v33;
	v2 =	vadd.f32 v2, v32;
	[tilespmem:$0x161C0] =	vst v20;
	v20 =	vmul.f32 v36, v57  }
0x251: {  	v47 =	vld [tilespmem:$0x1FCB0];
	v14 =	vmul.f32 v50, v57;
	v22 =	vmul.f32 v29, v57;
	v3 =	vadd.f32 v5, v3;
	[tilespmem:$0x161F0] =	vst v18  }
0x252: {  	[tilespmem:$0x16200] =	vst v0;
	v2 =	vadd.f32 v49, v2;
	v38 =	vadd.f32 v20, v16;
	v16 =	vmul.f32 v39, v57  }
0x253: {  	v53 =	vld [tilespmem:$0x1FCD0];
	v54 =	vadd.f32 v14, v8;
	v8 =	vmul.f32 v55, v57;
	[tilespmem:$0x162E0] =	vst v3  }
0x254: {  	v34 =	vadd.f32 v22, v19;
	[tilespmem:$0x16280] =	vst v2;
	v42 =	vadd.f32 v16, v15;
	v15 =	vmul.f32 v43, v57  }
0x255: {  	v45 =	vld [tilespmem:$0x1FCA0];
	v59 =	vadd.f32 v51, v7;
	v60 =	vadd.f32 v8, v13;
	v8 =	vmul.f32 v61, v57;
	[tilespmem:$0x16290] =	vst v54  }
0x256: {  	v58 =	vld [tilespmem:$0x1FCF0];
	[tilespmem:$0x161E0] =	vst v34;
	v12 =	vadd.f32 v15, v12;
	v15 =	vmul.f32 v47, v57  }
0x257: {  	v63 =	vld [tilespmem:$0x1FD20];
	v2 =	vadd.f32 v8, v59;
	[tilespmem:$0x162B0] =	vst v60  }
0x258: {  	[tilespmem:$0x16210] =	vst v38;
	v9 =	vadd.f32 v15, v9;
	v15 =	vmul.f32 v53, v57  }
0x259: {  	[tilespmem:$0x162D0] =	vst v2  }
0x25a: {  	v16 =	vmul.f32 v45, v57;
	[tilespmem:$0x16230] =	vst v42;
	v0 =	vadd.f32 v15, v41  }
0x25b: {  	v1 =	vadd.f32 v46, v10;
	[tilespmem:$0x16270] =	vst v9;
	v9 =	vmul.f32 v58, v57  }
0x25c: {  	s31 =	sshll.u32 s6, $0x7;
	v48 =	vadd.f32 v16, v11;
	[tilespmem:$0x162A0] =	vst v0;
	v0 =	vmul.f32 v63, v57  }
0x25d: {  	s0 =	sand.u32 $0x380, s31;
	[tilespmem:$0x16250] =	vst v12;
	v1 =	vadd.f32 v9, v1  }
0x25e: {  	s0 =	sor.u32 s0, s24;
	[tilespmem:$0x16260] =	vst v48;
	v0 =	vadd.f32 v0, v4  }
0x25f: {  	s0 =	sshrl.u32 s0, $0x3;
	[tilespmem:$0x162C0] =	vst v1  }
.Ltmp4:
0x260: {  	s0 =	sadd.s32 s4, s0;
	[tilespmem:$0x162F0] =	vst v0;
	(pc) =	sbr.rel @p0 .LBB2_8-.Ltmp4, $4  }
0x261: {  	[hbm4b:s0+s17] =	stream.strided.scatter [tilespmem:s19], [sflag:$0x3], $0x300, s18, s17, $0x38;
	[tilespmem:$0x16300] =	vst v63  }
0x262: {  	_ =	swait.ge [sflag:s11], $0x300  }
0x263: {  	[sflag:s11] =	ssyncset.done $0x0  }
0x264: {  	[sflag:s11] =	ssyncadd.s32 $0xFFFFFD00  }
0x265: {  	s0 =	sand.u32 $0x3FFFFF00, s23  }
0x266: {  	v0 =	vld [tilespmem:s0+$0x180];
	_ =	sdelay $0x3  }
0x267: {  	v2 =	vld [tilespmem:$0x1FFD0]  }
0x268: {  	v1 =	vshrl.u32 v0, $0x3  }
0x269: {  	v3 =	vld [tilespmem:$0x1FFE0];
	v1 =	vmul.u32 $0x30, v1  }
0x26a: {  	v0 =	vand.u32 $0x7, v0  }
0x26b: {  	v0 =	vor.u32 v0, v1  }
0x26c: {  	v1 =	vperm.xlane v0, v2  }
0x26d: {  	v4 =	vld [tilespmem:$0x1FFF0]  }
0x26e: {  	v1 =	vadd.s32 v3, v1;
	_ =	sdelay $0x3  }
0x26f: {  	s6 =	simm.s32 $0x10000;
	v0 =	vperm.xlane v0, v4  }
0x270: {  	[tilespmem:s6], [sflag:$0x2] =	stream.indirect_vreg.gather [hbm4b:s2+s3], $0x80, v1, vm0, $0xb8;
	[tilespmem:$0x16300] =	vst v63  }
0x271: {  	s25 =	simm.s32 $0x10800;
	v0 =	vadd.s32 v3, v0  }
0x272: {  	[tilespmem:s25], [sflag:$0x2] =	stream.indirect_vreg.gather [hbm4b:s8+s3], $0x80, v1, vm0, $0xb8;
	[tilespmem:$0x16300] =	vst v63  }
0x273: {  	s26 =	simm.s32 $0x11000  }
0x274: {  	[tilespmem:s26], [sflag:$0x2] =	stream.indirect_vreg.gather [hbm4b:s9+s3], $0x80, v1, vm0, $0xb8;
	[tilespmem:$0x16300] =	vst v63  }
0x275: {  	s28 =	simm.s32 $0x11800  }
0x276: {  	[tilespmem:s28], [sflag:$0x2] =	stream.indirect_vreg.gather [hbm4b:s2+s3], $0x80, v0, vm0, $0xb8;
	[tilespmem:$0x16300] =	vst v63  }
0x277: {  	s29 =	simm.s32 $0x12000  }
0x278: {  	[tilespmem:s29], [sflag:$0x2] =	stream.indirect_vreg.gather [hbm4b:s8+s3], $0x80, v0, vm0, $0xb8;
	[tilespmem:$0x16300] =	vst v63  }
0x279: {  	s30 =	simm.s32 $0x12800  }
0x27a: {  	[tilespmem:s30], [sflag:$0x2] =	stream.indirect_vreg.gather [hbm4b:s9+s3], $0x80, v0, vm0, $0xb8;
	[tilespmem:$0x16300] =	vst v63  }
0x27b: {  	v0 =	vld [tilespmem:s0+$0x190];
	_ =	sdelay $0x4  }
0x27c: {  	v63 =	vshrl.u32 v0, $0x3  }
0x27d: {  	v1 =	vmul.u32 $0x30, v63  }
0x27e: {  	v0 =	vand.u32 $0x7, v0  }
0x27f: {  	v0 =	vor.u32 v0, v1  }
0x280: {  	v1 =	vperm.xlane v0, v2;
	_ =	sdelay $0x1  }
0x281: {  	v1 =	vadd.s32 v3, v1;
	_ =	sdelay $0x3  }
0x282: {  	s31 =	simm.s32 $0x13000;
	v0 =	vperm.xlane v0, v4  }
0x283: {  	[tilespmem:s31], [sflag:$0x2] =	stream.indirect_vreg.gather [hbm4b:s2+s3], $0x80, v1, vm0, $0xb8;
	[tilespmem:$0x16300] =	vst v63  }
0x284: {  	v0 =	vadd.s32 v3, v0  }
0x285: {  	[tilespmem:s1], [sflag:$0x2] =	stream.indirect_vreg.gather [hbm4b:s8+s3], $0x80, v1, vm0, $0xb8;
	[tilespmem:$0x16300] =	vst v63  }
0x286: {  	_ = 	snop  }
0x287: {  	[tilespmem:s12], [sflag:$0x2] =	stream.indirect_vreg.gather [hbm4b:s9+s3], $0x80, v1, vm0, $0xb8;
	[tilespmem:$0x16300] =	vst v63  }
0x288: {  	_ = 	snop  }
0x289: {  	[tilespmem:s13], [sflag:$0x2] =	stream.indirect_vreg.gather [hbm4b:s2+s3], $0x80, v0, vm0, $0xb8;
	[tilespmem:$0x16300] =	vst v63  }
.Ltmp5:
0x28a: {  	_ = 	snop;
	(pc) =	sbr.rel .LBB2_2-.Ltmp5, $4  }
0x28b: {  	_ = 	snop  }
0x28c: {  	[tilespmem:s14], [sflag:$0x2] =	stream.indirect_vreg.gather [hbm4b:s8+s3], $0x80, v0, vm0, $0xb8;
	[tilespmem:$0x16300] =	vst v63  }
0x28d: {  	s22 =	sadd.s32 $0x1, s22  }
0x28e: {  	[tilespmem:s15], [sflag:$0x2] =	stream.indirect_vreg.gather [hbm4b:s9+s3], $0x80, v0, vm0, $0xb8;
	[tilespmem:$0x16300] =	vst v63  }
.LBB2_9:
0x28f: {  	_ =	sfence.sel $0x180000  }
0x290: {  	[bflag:$0x0] =	sbarrier.arrive $0xFFFF  }
0x291: {  	_ =	strace $0x90000047  }
0x292: {  	s0 =	stileid.u32;
	[bflag:$0x2] =	sbarrier.arrive $0xFFFF  }
0x293: {  	p0 =	sne.s32 s0, $0x0;
	s0 =	rddreg [dreg:$0x2]  }
0x294: {  	s0 =	sadd.s32 @!p0 $0x100000, s0  }
0x295: {  	[sflag:s0] =	ssyncadd.tile.s32 @!p0 $0x1;
	_ =	shalt  }
.Lfunc_end2:
_tile_overlayer_lowered:
.L_overlay_start_2:
0x296: {  	(tag) =	ssettag $0x2  }
0x297: {  	s0 =	rddreg [dreg:$0x0];
	s2 =	stileid.u32  }
0x298: {  	s1 =	rddreg [dreg:$0x1];
	p0 =	sne.s32 s2, $0x0  }
0x299: {  	s3 =	rddreg [dreg:$0x2];
	[bflag:$0x3] =	sbarrier.arrive $0xFFFF;
	s2 =	simm.s32 @!p0 $0x1C03  }
0x29a: {  	[timem:s3], [sflag:s2] =	dma.local @!p0 [hbm:s0], s1  }
0x29b: {  	s0 =	simm.s32 @!p0 $0x3  }
0x29c: {  	_ =	swait.ge @!p0 [sflag:s0], s1  }
0x29d: {  	s1 =	ssub.s32 @!p0 $0x0, s1;
	[sflag:s0] =	ssyncset.done @!p0 $0x0  }
0x29e: {  	[sflag:s0] =	ssyncadd.s32 @!p0 s1  }
0x29f: {  	[bflag:$0x3] =	sbarrier.arrive $0xFFFF  }
0x2a0: {  	_ =	shalt  }

</sc_bundles>
